<compile_context>
chip_gen: v7x
topology: tpu7x:2x2x1
jax: 0.10.2.dev20260603
libtpu: 0.0.44.dev20260713+nightly
codegen_flags: <defaults>
</compile_context>

<pallas_src>
import functools

import jax
import jax.numpy as jnp
from jax import lax
from jax.experimental import pallas as pl
from jax.experimental.pallas import tpu as pltpu
from jax.experimental.pallas import tpu_sc as plsc

KF = 4
VC = 40


def kernel(logits, noise, x, mask, unmask_idx):
    B, F, V = logits.shape
    L = unmask_idx.shape[1]

    logits_t = jnp.transpose(logits, (1, 2, 0))
    noise_t = jnp.transpose(noise, (1, 2, 0))
    x_t = x.T
    mask_t = mask.T.astype(jnp.int32)
    umi_t = unmask_idx.T

    info = plsc.get_sparse_core_info()
    NC, NS, LN = info.num_cores, info.num_subcores, info.num_lanes
    NW = NC * NS
    assert NW % KF == 0
    WPF = NW // KF
    BW = B // WPF
    NG = BW // LN
    NCH = V // VC
    assert V % VC == 0 and VC % 8 == 0 and BW % 128 == 0

    @functools.partial(
        pl.kernel,
        mesh=plsc.VectorSubcoreMesh(core_axis_name="c", subcore_axis_name="s"),
        compiler_params=pltpu.CompilerParams(
            needs_layout_passes=False, use_tc_tiling_on_sc=True),
        out_type=jax.ShapeDtypeStruct((KF * B,), jnp.int32),
        scratch_types=[
            pltpu.VMEM((VC, BW), jnp.float32),
            pltpu.VMEM((VC, BW), jnp.float32),
            pltpu.VMEM((VC, BW), jnp.float32),
            pltpu.VMEM((VC, BW), jnp.float32),
            pltpu.VMEM((BW,), jnp.int32),
            pltpu.SemaphoreType.DMA,
            pltpu.SemaphoreType.DMA,
        ],
    )
    def sc_sample(logits_hbm, noise_hbm, samples_hbm,
                  lb0, nb0, lb1, nb1, sv, sem_l, sem_n):
        wid = lax.axis_index("s") * NC + lax.axis_index("c")
        f_id = wid // WPF
        bs = (wid % WPF) * BW

        lbufs, nbufs = (lb0, lb1), (nb0, nb1)

        def issue(c):
            buf = c % 2
            return (pltpu.async_copy(
                        logits_hbm.at[f_id, pl.ds(c * VC, VC), pl.ds(bs, BW)],
                        lbufs[buf], sem_l),
                    pltpu.async_copy(
                        noise_hbm.at[f_id, pl.ds(c * VC, VC), pl.ds(bs, BW)],
                        nbufs[buf], sem_n))

        ninf = jnp.full((LN,), -jnp.inf, jnp.float32)
        zero = jnp.zeros((LN,), jnp.int32)
        best = [(ninf, zero)] * NG

        pending = issue(0)
        for c in range(NCH):
            pending[0].wait()
            pending[1].wait()
            buf = c % 2
            if c + 1 < NCH:
                pending = issue(c + 1)
            lbuf, nbuf = lbufs[buf], nbufs[buf]

            def body(vi, carry):
                vglob = c * VC + vi
                out = []
                for g in range(NG):
                    bestv, besti = carry[g]
                    sl = pl.ds(g * LN, LN)
                    v = lbuf[vi, sl] + nbuf[vi, sl]
                    better = v > bestv
                    out.append((jnp.where(better, v, bestv),
                                jnp.where(better, vglob, besti)))
                return tuple(out)

            best = lax.fori_loop(0, VC, body, tuple(best))

        for g in range(NG):
            sv[pl.ds(g * LN, LN)] = best[g][1]
        pltpu.sync_copy(sv, samples_hbm.at[pl.ds(f_id * B + bs, BW)])

    samples_sc = sc_sample(logits_t, noise_t).reshape(KF, B)

    def tc_body(lg_ref, ns_ref, xt_ref, mt_ref, umi_ref,
                newx_ref, newm_ref, fm_ref):
        f = pl.program_id(0) + KF
        val = lg_ref[0] + ns_ref[0]
        maxv = jnp.max(val, axis=0)
        iota_v = lax.broadcasted_iota(jnp.int32, (V, B), 0)
        amax = jnp.min(jnp.where(val == maxv[None, :], iota_v, V), axis=0)
        m = mt_ref[pl.ds(f, 1), :]
        hit = (umi_ref[pl.ds(0, 1), :] == f)
        for l in range(1, L):
            hit = hit | (umi_ref[pl.ds(l, 1), :] == f)
        diff = hit & (m == 0)
        fo = pl.ds(f - KF, 1)
        newx_ref[fo, :] = jnp.where(diff, amax[None, :], xt_ref[pl.ds(f, 1), :])
        newm_ref[fo, :] = jnp.where(hit, 1, m)
        fm_ref[fo, :] = jnp.where(m != 0, 0.0, -jnp.inf)

    FT = F - KF
    new_x_hi, new_mask_hi, fm_hi = pl.pallas_call(
        tc_body,
        grid=(FT,),
        in_specs=[
            pl.BlockSpec((1, V, B), lambda f: (f + KF, 0, 0)),
            pl.BlockSpec((1, V, B), lambda f: (f + KF, 0, 0)),
            pl.BlockSpec((F, B), lambda f: (0, 0)),
            pl.BlockSpec((F, B), lambda f: (0, 0)),
            pl.BlockSpec((L, B), lambda f: (0, 0)),
        ],
        out_specs=[
            pl.BlockSpec((FT, B), lambda f: (0, 0)),
            pl.BlockSpec((FT, B), lambda f: (0, 0)),
            pl.BlockSpec((FT, B), lambda f: (0, 0)),
        ],
        out_shape=[
            jax.ShapeDtypeStruct((FT, B), jnp.int32),
            jax.ShapeDtypeStruct((FT, B), jnp.int32),
            jax.ShapeDtypeStruct((FT, B), jnp.float32),
        ],
        compiler_params=pltpu.CompilerParams(
            dimension_semantics=("arbitrary",)),
    )(logits_t, noise_t, x_t, mask_t, umi_t)

    f_lo = jnp.arange(KF, dtype=jnp.int32)
    hit_lo = (umi_t[None, :, :] == f_lo[:, None, None]).any(axis=1)
    m_lo = mask_t[:KF]
    diff_lo = hit_lo & (m_lo == 0)
    new_x_lo = jnp.where(diff_lo, samples_sc, x_t[:KF])
    new_mask_lo = jnp.where(hit_lo, 1, m_lo)
    fm_lo = jnp.where(m_lo != 0, 0.0, -jnp.inf).astype(jnp.float32)

    new_x_t = jnp.concatenate([new_x_lo, new_x_hi], axis=0)
    new_mask_t = jnp.concatenate([new_mask_lo, new_mask_hi], axis=0)
    fm_t = jnp.concatenate([fm_lo, fm_hi], axis=0)
    return new_x_t.T, new_mask_t.T.astype(bool), fm_t.T

# --- scband reference (transcript-rebuilt; emitter-appended) ---
"""Pipeline reference for scband-hybrid-diffusion-59940563583636 (READ-ONLY COPY).

The authoritative reference and input builder live on the scoring server;
editing this copy changes nothing except your own understanding.
"""

import jax, jax.numpy as jnp
import numpy as np

B, F, V, L = 1024, 26, 1000, 4

def setup_inputs(seed: int = 0) -> dict:
    key = jax.random.key(seed)
    k1, k2, k3, k4, k5 = jax.random.split(key, 5)
    logits = jax.random.normal(k1, (B, F, V), dtype=jnp.float32)
    noise = jax.random.normal(k2, (B, F, V), dtype=jnp.float32)
    x = jax.random.randint(k3, (B, F), 0, V).astype(jnp.int32)
    mask = jax.random.randint(k4, (B, F), 0, 2).astype(bool)
    unmask_idx = jax.random.randint(k5, (B, L), 0, F).astype(jnp.int32)
    return {"logits": logits, "noise": noise, "x": x, "mask": mask, "unmask_idx": unmask_idx}

def reference(logits, noise, x, mask, unmask_idx):
    temperature = 1.0
    # _bool_mask_to_float: True (visible) -> 0.0, False (masked) -> -inf
    float_mask = jnp.where(mask, 0.0, -jnp.inf)
    # model.sample stand-in: temperature-scaled gumbel-max categorical sample per field
    samples = jnp.argmax(logits / temperature + noise, axis=-1).astype(x.dtype)
    # new_mask = mask.scatter(1, unmask_idx, True)
    rows = jnp.arange(mask.shape[0])[:, None]
    new_mask = mask.at[rows, unmask_idx].set(True)
    # diff_mask = new_mask ^ mask : fields newly revealed this step
    diff_mask = jnp.logical_xor(new_mask, mask)
    # replace x on diff_mask with new samples (per-field update loop vectorized)
    new_x = jnp.where(diff_mask, samples, x)
    return new_x, new_mask, float_mask

if __name__ == "__main__":
    import jax
    _d = setup_inputs()
    print(jax.jit(kernel)(*tuple(_d.values())))

</pallas_src>

<mosaic_0001>
#map = affine_map<(d0, d1) -> (0, 0, 0)>
#map1 = affine_map<(d0, d1) -> (0)>
module attributes {stable_mosaic.version = 14 : i64} {
  func.func @sc_sample(%arg0: i32, %arg1: i32, %arg2: memref<26x1000x1024xf32, #tpu.memory_space<hbm>>, %arg3: memref<26x1000x1024xf32, #tpu.memory_space<hbm>>, %arg4: memref<4096xi32, #tpu.memory_space<hbm>>, %arg5: memref<40x128xf32, #tpu.memory_space<vmem>>, %arg6: memref<40x128xf32, #tpu.memory_space<vmem>>, %arg7: memref<40x128xf32, #tpu.memory_space<vmem>>, %arg8: memref<40x128xf32, #tpu.memory_space<vmem>>, %arg9: memref<128xi32, #tpu.memory_space<vmem>>, %arg10: memref<!tpu.dma_semaphore, #tpu.memory_space<semaphore_mem>>, %arg11: memref<!tpu.dma_semaphore, #tpu.memory_space<semaphore_mem>>) attributes {dimension_semantics = [#tpu.dimension_semantics<core_parallel>, #tpu.dimension_semantics<subcore_parallel>], iteration_bounds = array<i64: 2, 16>, scalar_prefetch = 0 : i64, scratch_operands = 7 : i64, tpu.core_type = #tpu.core_type<sc_vector_subcore>, window_params = [{transform_indices = #map}, {transform_indices = #map}, {transform_indices = #map1}]} {
    %mul3A = arith.constant 2 : i32
    %mul3A_0 = arith.muli %arg1, %mul3A : i32
    %add3A = arith.addi %mul3A_0, %arg0 : i32
    %jit3A = arith.constant 8 : i32
    %div3A = arith.divsi %add3A, %jit3A : i32
    %sign3A = arith.constant 0 : i32
    %sign3A_1 = arith.cmpi sgt, %add3A, %sign3A : i32
    %sign3A_2 = arith.extui %sign3A_1 : i1 to i32
    %sign3A_3 = arith.constant 0 : i32
    %sign3A_4 = arith.cmpi slt, %add3A, %sign3A_3 : i32
    %sign3A_5 = arith.extui %sign3A_4 : i1 to i32
    %sign3A_6 = arith.subi %sign3A_2, %sign3A_5 : i32
    %sign3A_7 = arith.constant 0 : i32
    %sign3A_8 = arith.cmpi sgt, %jit3A, %sign3A_7 : i32
    %sign3A_9 = arith.extui %sign3A_8 : i1 to i32
    %sign3A_10 = arith.constant 0 : i32
    %sign3A_11 = arith.cmpi slt, %jit3A, %sign3A_10 : i32
    %sign3A_12 = arith.extui %sign3A_11 : i1 to i32
    %sign3A_13 = arith.subi %sign3A_9, %sign3A_12 : i32
    %ne3A = arith.cmpi ne, %sign3A_6, %sign3A_13 : i32
    %rem3A = arith.remsi %add3A, %jit3A : i32
    %ne3A_14 = arith.constant 0 : i32
    %ne3A_15 = arith.cmpi ne, %rem3A, %ne3A_14 : i32
    %and3A = arith.andi %ne3A, %ne3A_15 : i1
    %sub3A = arith.constant 1 : i32
    %sub3A_16 = arith.subi %div3A, %sub3A : i32
    %select_n3A = arith.select %and3A, %sub3A_16, %div3A : i32
    %jit3A_17 = arith.constant 8 : i32
    %eq3A = arith.constant 0 : i32
    %eq3A_18 = arith.cmpi eq, %jit3A_17, %eq3A : i32
    %jit3A_19 = arith.constant 1 : i32
    %select_n3A_20 = arith.select %eq3A_18, %jit3A_19, %jit3A_17 : i32
    %rem3A_21 = arith.remsi %add3A, %select_n3A_20 : i32
    %ne3A_22 = arith.constant 0 : i32
    %ne3A_23 = arith.cmpi ne, %rem3A_21, %ne3A_22 : i32
    %lt3A = arith.constant 0 : i32
    %lt3A_24 = arith.cmpi slt, %rem3A_21, %lt3A : i32
    %lt3A_25 = arith.constant 0 : i32
    %lt3A_26 = arith.cmpi slt, %select_n3A_20, %lt3A_25 : i32
    %ne3A_27 = arith.xori %lt3A_24, %lt3A_26 : i1
    %and3A_28 = arith.andi %ne3A_27, %ne3A_23 : i1
    %add3A_29 = arith.addi %rem3A_21, %select_n3A_20 : i32
    %select_n3A_30 = arith.select %and3A_28, %add3A_29, %rem3A_21 : i32
    %mul3A_31 = arith.constant 128 : i32
    %mul3A_32 = arith.muli %select_n3A_30, %mul3A_31 : i32
    %broadcast_in_dim3A = arith.constant 0xFF800000 : f32
    %broadcast_in_dim3A_33 = vector.broadcast %broadcast_in_dim3A : f32 to vector<16xf32>
    %broadcast_in_dim3A_34 = arith.constant 0 : i32
    %broadcast_in_dim3A_35 = vector.broadcast %broadcast_in_dim3A_34 : i32 to vector<16xi32>
    %dma_start3A = arith.constant 0 : i32
    %dma_start3A_36 = tpu.memref_slice %arg2[%select_n3A, %dma_start3A, %mul3A_32] : memref<26x1000x1024xf32, #tpu.memory_space<hbm>> -> memref<1x40x128xf32, #tpu.memory_space<hbm>>
    %dma_start3A_37 = tpu.memref_squeeze %dma_start3A_36 : memref<1x40x128xf32, #tpu.memory_space<hbm>> -> memref<40x128xf32, #tpu.memory_space<hbm>>
    %dma_start3A_38 = arith.constant 0 : i32
    %dma_start3A_39 = tpu.memref_slice %arg2[%select_n3A, %dma_start3A_38, %mul3A_32] : memref<26x1000x1024xf32, #tpu.memory_space<hbm>> -> memref<1x40x128xf32, #tpu.memory_space<hbm>>
    %dma_start3A_40 = tpu.memref_squeeze %dma_start3A_39 : memref<1x40x128xf32, #tpu.memory_space<hbm>> -> memref<40x128xf32, #tpu.memory_space<hbm>>
    tpu.enqueue_dma source(%dma_start3A_40 : memref<40x128xf32, #tpu.memory_space<hbm>>) target(%arg5 : memref<40x128xf32, #tpu.memory_space<vmem>>) target_semaphore(%arg10 : memref<!tpu.dma_semaphore, #tpu.memory_space<semaphore_mem>>)
    %dma_start3A_41 = arith.constant 0 : i32
    %dma_start3A_42 = tpu.memref_slice %arg3[%select_n3A, %dma_start3A_41, %mul3A_32] : memref<26x1000x1024xf32, #tpu.memory_space<hbm>> -> memref<1x40x128xf32, #tpu.memory_space<hbm>>
    %dma_start3A_43 = tpu.memref_squeeze %dma_start3A_42 : memref<1x40x128xf32, #tpu.memory_space<hbm>> -> memref<40x128xf32, #tpu.memory_space<hbm>>
    %dma_start3A_44 = arith.constant 0 : i32
    %dma_start3A_45 = tpu.memref_slice %arg3[%select_n3A, %dma_start3A_44, %mul3A_32] : memref<26x1000x1024xf32, #tpu.memory_space<hbm>> -> memref<1x40x128xf32, #tpu.memory_space<hbm>>
    %dma_start3A_46 = tpu.memref_squeeze %dma_start3A_45 : memref<1x40x128xf32, #tpu.memory_space<hbm>> -> memref<40x128xf32, #tpu.memory_space<hbm>>
    tpu.enqueue_dma source(%dma_start3A_46 : memref<40x128xf32, #tpu.memory_space<hbm>>) target(%arg6 : memref<40x128xf32, #tpu.memory_space<vmem>>) target_semaphore(%arg11 : memref<!tpu.dma_semaphore, #tpu.memory_space<semaphore_mem>>)
    %dma_wait3A = arith.constant 0 : i32
    %dma_wait3A_47 = tpu.memref_slice %arg2[%select_n3A, %dma_wait3A, %mul3A_32] : memref<26x1000x1024xf32, #tpu.memory_space<hbm>> -> memref<1x40x128xf32, #tpu.memory_space<hbm>>
    %dma_wait3A_48 = tpu.memref_squeeze %dma_wait3A_47 : memref<1x40x128xf32, #tpu.memory_space<hbm>> -> memref<40x128xf32, #tpu.memory_space<hbm>>
    %dma_wait3A_49 = arith.constant 0 : i32
    %dma_wait3A_50 = tpu.memref_slice %arg2[%select_n3A, %dma_wait3A_49, %mul3A_32] : memref<26x1000x1024xf32, #tpu.memory_space<hbm>> -> memref<1x40x128xf32, #tpu.memory_space<hbm>>
    %dma_wait3A_51 = tpu.memref_squeeze %dma_wait3A_50 : memref<1x40x128xf32, #tpu.memory_space<hbm>> -> memref<40x128xf32, #tpu.memory_space<hbm>>
    tpu.wait_dma2 semaphore(%arg10 : memref<!tpu.dma_semaphore, #tpu.memory_space<semaphore_mem>>) src(%dma_wait3A_51 : memref<40x128xf32, #tpu.memory_space<hbm>>) dst(%arg5 : memref<40x128xf32, #tpu.memory_space<vmem>>)
    %dma_wait3A_52 = arith.constant 0 : i32
    %dma_wait3A_53 = tpu.memref_slice %arg3[%select_n3A, %dma_wait3A_52, %mul3A_32] : memref<26x1000x1024xf32, #tpu.memory_space<hbm>> -> memref<1x40x128xf32, #tpu.memory_space<hbm>>
    %dma_wait3A_54 = tpu.memref_squeeze %dma_wait3A_53 : memref<1x40x128xf32, #tpu.memory_space<hbm>> -> memref<40x128xf32, #tpu.memory_space<hbm>>
    %dma_wait3A_55 = arith.constant 0 : i32
    %dma_wait3A_56 = tpu.memref_slice %arg3[%select_n3A, %dma_wait3A_55, %mul3A_32] : memref<26x1000x1024xf32, #tpu.memory_space<hbm>> -> memref<1x40x128xf32, #tpu.memory_space<hbm>>
    %dma_wait3A_57 = tpu.memref_squeeze %dma_wait3A_56 : memref<1x40x128xf32, #tpu.memory_space<hbm>> -> memref<40x128xf32, #tpu.memory_space<hbm>>
    tpu.wait_dma2 semaphore(%arg11 : memref<!tpu.dma_semaphore, #tpu.memory_space<semaphore_mem>>) src(%dma_wait3A_57 : memref<40x128xf32, #tpu.memory_space<hbm>>) dst(%arg6 : memref<40x128xf32, #tpu.memory_space<vmem>>)
    %dma_start3A_58 = arith.constant 40 : i32
    %dma_start3A_59 = tpu.memref_slice %arg2[%select_n3A, %dma_start3A_58, %mul3A_32] : memref<26x1000x1024xf32, #tpu.memory_space<hbm>> -> memref<1x40x128xf32, #tpu.memory_space<hbm>>
    %dma_start3A_60 = tpu.memref_squeeze %dma_start3A_59 : memref<1x40x128xf32, #tpu.memory_space<hbm>> -> memref<40x128xf32, #tpu.memory_space<hbm>>
    %dma_start3A_61 = arith.constant 40 : i32
    %dma_start3A_62 = tpu.memref_slice %arg2[%select_n3A, %dma_start3A_61, %mul3A_32] : memref<26x1000x1024xf32, #tpu.memory_space<hbm>> -> memref<1x40x128xf32, #tpu.memory_space<hbm>>
    %dma_start3A_63 = tpu.memref_squeeze %dma_start3A_62 : memref<1x40x128xf32, #tpu.memory_space<hbm>> -> memref<40x128xf32, #tpu.memory_space<hbm>>
    tpu.enqueue_dma source(%dma_start3A_63 : memref<40x128xf32, #tpu.memory_space<hbm>>) target(%arg7 : memref<40x128xf32, #tpu.memory_space<vmem>>) target_semaphore(%arg10 : memref<!tpu.dma_semaphore, #tpu.memory_space<semaphore_mem>>)
    %dma_start3A_64 = arith.constant 40 : i32
    %dma_start3A_65 = tpu.memref_slice %arg3[%select_n3A, %dma_start3A_64, %mul3A_32] : memref<26x1000x1024xf32, #tpu.memory_space<hbm>> -> memref<1x40x128xf32, #tpu.memory_space<hbm>>
    %dma_start3A_66 = tpu.memref_squeeze %dma_start3A_65 : memref<1x40x128xf32, #tpu.memory_space<hbm>> -> memref<40x128xf32, #tpu.memory_space<hbm>>
    %dma_start3A_67 = arith.constant 40 : i32
    %dma_start3A_68 = tpu.memref_slice %arg3[%select_n3A, %dma_start3A_67, %mul3A_32] : memref<26x1000x1024xf32, #tpu.memory_space<hbm>> -> memref<1x40x128xf32, #tpu.memory_space<hbm>>
    %dma_start3A_69 = tpu.memref_squeeze %dma_start3A_68 : memref<1x40x128xf32, #tpu.memory_space<hbm>> -> memref<40x128xf32, #tpu.memory_space<hbm>>
    tpu.enqueue_dma source(%dma_start3A_69 : memref<40x128xf32, #tpu.memory_space<hbm>>) target(%arg8 : memref<40x128xf32, #tpu.memory_space<vmem>>) target_semaphore(%arg11 : memref<!tpu.dma_semaphore, #tpu.memory_space<semaphore_mem>>)
    %scan3A = arith.constant 0 : i32
    %scan3A_70 = arith.constant 40 : i32
    %scan3A_71 = arith.addi %scan3A, %scan3A_70 : i32
    %scan3A_72 = arith.constant 1 : i32
    %scan3A_73:16 = scf.for %scan3A_801 = %scan3A to %scan3A_71 step %scan3A_72 iter_args(%scan3A_802 = %broadcast_in_dim3A_33, %scan3A_803 = %broadcast_in_dim3A_35, %scan3A_804 = %broadcast_in_dim3A_33, %scan3A_805 = %broadcast_in_dim3A_35, %scan3A_806 = %broadcast_in_dim3A_33, %scan3A_807 = %broadcast_in_dim3A_35, %scan3A_808 = %broadcast_in_dim3A_33, %scan3A_809 = %broadcast_in_dim3A_35, %scan3A_810 = %broadcast_in_dim3A_33, %scan3A_811 = %broadcast_in_dim3A_35, %scan3A_812 = %broadcast_in_dim3A_33, %scan3A_813 = %broadcast_in_dim3A_35, %scan3A_814 = %broadcast_in_dim3A_33, %scan3A_815 = %broadcast_in_dim3A_35, %scan3A_816 = %broadcast_in_dim3A_33, %scan3A_817 = %broadcast_in_dim3A_35) -> (vector<16xf32>, vector<16xi32>, vector<16xf32>, vector<16xi32>, vector<16xf32>, vector<16xi32>, vector<16xf32>, vector<16xi32>, vector<16xf32>, vector<16xi32>, vector<16xf32>, vector<16xi32>, vector<16xf32>, vector<16xi32>, vector<16xf32>, vector<16xi32>)  : i32 {
      %add3A_818 = arith.constant 0 : i32
      %add3A_819 = arith.addi %add3A_818, %scan3A_801 : i32
      %get3A = arith.index_cast %scan3A_801 : i32 to index
      %get3A_820 = arith.constant 0 : index
      %get3A_821 = tpu.vector_load %arg5[%get3A, %get3A_820] {strides = array<i32>} : memref<40x128xf32, #tpu.memory_space<vmem>>, vector<16xf32>,
      %get3A_822 = arith.index_cast %scan3A_801 : i32 to index
      %get3A_823 = arith.constant 0 : index
      %get3A_824 = tpu.vector_load %arg6[%get3A_822, %get3A_823] {strides = array<i32>} : memref<40x128xf32, #tpu.memory_space<vmem>>, vector<16xf32>,
      %add3A_825 = arith.addf %get3A_821, %get3A_824 : vector<16xf32>
      %gt3A = arith.cmpf ogt, %add3A_825, %scan3A_802 : vector<16xf32>
      %select_n3A_826 = arith.select %gt3A, %add3A_825, %scan3A_802 : vector<16xi1>, vector<16xf32>
      %broadcast_in_dim3A_827 = vector.broadcast %add3A_819 : i32 to vector<16xi32>
      %select_n3A_828 = arith.select %gt3A, %broadcast_in_dim3A_827, %scan3A_803 : vector<16xi1>, vector<16xi32>
      %get3A_829 = arith.index_cast %scan3A_801 : i32 to index
      %get3A_830 = arith.constant 16 : index
      %get3A_831 = tpu.vector_load %arg5[%get3A_829, %get3A_830] {strides = array<i32>} : memref<40x128xf32, #tpu.memory_space<vmem>>, vector<16xf32>,
      %get3A_832 = arith.index_cast %scan3A_801 : i32 to index
      %get3A_833 = arith.constant 16 : index
      %get3A_834 = tpu.vector_load %arg6[%get3A_832, %get3A_833] {strides = array<i32>} : memref<40x128xf32, #tpu.memory_space<vmem>>, vector<16xf32>,
      %add3A_835 = arith.addf %get3A_831, %get3A_834 : vector<16xf32>
      %gt3A_836 = arith.cmpf ogt, %add3A_835, %scan3A_804 : vector<16xf32>
      %select_n3A_837 = arith.select %gt3A_836, %add3A_835, %scan3A_804 : vector<16xi1>, vector<16xf32>
      %broadcast_in_dim3A_838 = vector.broadcast %add3A_819 : i32 to vector<16xi32>
      %select_n3A_839 = arith.select %gt3A_836, %broadcast_in_dim3A_838, %scan3A_805 : vector<16xi1>, vector<16xi32>
      %get3A_840 = arith.index_cast %scan3A_801 : i32 to index
      %get3A_841 = arith.constant 32 : index
      %get3A_842 = tpu.vector_load %arg5[%get3A_840, %get3A_841] {strides = array<i32>} : memref<40x128xf32, #tpu.memory_space<vmem>>, vector<16xf32>,
      %get3A_843 = arith.index_cast %scan3A_801 : i32 to index
      %get3A_844 = arith.constant 32 : index
      %get3A_845 = tpu.vector_load %arg6[%get3A_843, %get3A_844] {strides = array<i32>} : memref<40x128xf32, #tpu.memory_space<vmem>>, vector<16xf32>,
      %add3A_846 = arith.addf %get3A_842, %get3A_845 : vector<16xf32>
      %gt3A_847 = arith.cmpf ogt, %add3A_846, %scan3A_806 : vector<16xf32>
      %select_n3A_848 = arith.select %gt3A_847, %add3A_846, %scan3A_806 : vector<16xi1>, vector<16xf32>
      %broadcast_in_dim3A_849 = vector.broadcast %add3A_819 : i32 to vector<16xi32>
      %select_n3A_850 = arith.select %gt3A_847, %broadcast_in_dim3A_849, %scan3A_807 : vector<16xi1>, vector<16xi32>
      %get3A_851 = arith.index_cast %scan3A_801 : i32 to index
      %get3A_852 = arith.constant 48 : index
      %get3A_853 = tpu.vector_load %arg5[%get3A_851, %get3A_852] {strides = array<i32>} : memref<40x128xf32, #tpu.memory_space<vmem>>, vector<16xf32>,
      %get3A_854 = arith.index_cast %scan3A_801 : i32 to index
      %get3A_855 = arith.constant 48 : index
      %get3A_856 = tpu.vector_load %arg6[%get3A_854, %get3A_855] {strides = array<i32>} : memref<40x128xf32, #tpu.memory_space<vmem>>, vector<16xf32>,
      %add3A_857 = arith.addf %get3A_853, %get3A_856 : vector<16xf32>
      %gt3A_858 = arith.cmpf ogt, %add3A_857, %scan3A_808 : vector<16xf32>
      %select_n3A_859 = arith.select %gt3A_858, %add3A_857, %scan3A_808 : vector<16xi1>, vector<16xf32>
      %broadcast_in_dim3A_860 = vector.broadcast %add3A_819 : i32 to vector<16xi32>
      %select_n3A_861 = arith.select %gt3A_858, %broadcast_in_dim3A_860, %scan3A_809 : vector<16xi1>, vector<16xi32>
      %get3A_862 = arith.index_cast %scan3A_801 : i32 to index
      %get3A_863 = arith.constant 64 : index
      %get3A_864 = tpu.vector_load %arg5[%get3A_862, %get3A_863] {strides = array<i32>} : memref<40x128xf32, #tpu.memory_space<vmem>>, vector<16xf32>,
      %get3A_865 = arith.index_cast %scan3A_801 : i32 to index
      %get3A_866 = arith.constant 64 : index
      %get3A_867 = tpu.vector_load %arg6[%get3A_865, %get3A_866] {strides = array<i32>} : memref<40x128xf32, #tpu.memory_space<vmem>>, vector<16xf32>,
      %add3A_868 = arith.addf %get3A_864, %get3A_867 : vector<16xf32>
      %gt3A_869 = arith.cmpf ogt, %add3A_868, %scan3A_810 : vector<16xf32>
      %select_n3A_870 = arith.select %gt3A_869, %add3A_868, %scan3A_810 : vector<16xi1>, vector<16xf32>
      %broadcast_in_dim3A_871 = vector.broadcast %add3A_819 : i32 to vector<16xi32>
      %select_n3A_872 = arith.select %gt3A_869, %broadcast_in_dim3A_871, %scan3A_811 : vector<16xi1>, vector<16xi32>
      %get3A_873 = arith.index_cast %scan3A_801 : i32 to index
      %get3A_874 = arith.constant 80 : index
      %get3A_875 = tpu.vector_load %arg5[%get3A_873, %get3A_874] {strides = array<i32>} : memref<40x128xf32, #tpu.memory_space<vmem>>, vector<16xf32>,
      %get3A_876 = arith.index_cast %scan3A_801 : i32 to index
      %get3A_877 = arith.constant 80 : index
      %get3A_878 = tpu.vector_load %arg6[%get3A_876, %get3A_877] {strides = array<i32>} : memref<40x128xf32, #tpu.memory_space<vmem>>, vector<16xf32>,
      %add3A_879 = arith.addf %get3A_875, %get3A_878 : vector<16xf32>
      %gt3A_880 = arith.cmpf ogt, %add3A_879, %scan3A_812 : vector<16xf32>
      %select_n3A_881 = arith.select %gt3A_880, %add3A_879, %scan3A_812 : vector<16xi1>, vector<16xf32>
      %broadcast_in_dim3A_882 = vector.broadcast %add3A_819 : i32 to vector<16xi32>
      %select_n3A_883 = arith.select %gt3A_880, %broadcast_in_dim3A_882, %scan3A_813 : vector<16xi1>, vector<16xi32>
      %get3A_884 = arith.index_cast %scan3A_801 : i32 to index
      %get3A_885 = arith.constant 96 : index
      %get3A_886 = tpu.vector_load %arg5[%get3A_884, %get3A_885] {strides = array<i32>} : memref<40x128xf32, #tpu.memory_space<vmem>>, vector<16xf32>,
      %get3A_887 = arith.index_cast %scan3A_801 : i32 to index
      %get3A_888 = arith.constant 96 : index
      %get3A_889 = tpu.vector_load %arg6[%get3A_887, %get3A_888] {strides = array<i32>} : memref<40x128xf32, #tpu.memory_space<vmem>>, vector<16xf32>,
      %add3A_890 = arith.addf %get3A_886, %get3A_889 : vector<16xf32>
      %gt3A_891 = arith.cmpf ogt, %add3A_890, %scan3A_814 : vector<16xf32>
      %select_n3A_892 = arith.select %gt3A_891, %add3A_890, %scan3A_814 : vector<16xi1>, vector<16xf32>
      %broadcast_in_dim3A_893 = vector.broadcast %add3A_819 : i32 to vector<16xi32>
      %select_n3A_894 = arith.select %gt3A_891, %broadcast_in_dim3A_893, %scan3A_815 : vector<16xi1>, vector<16xi32>
      %get3A_895 = arith.index_cast %scan3A_801 : i32 to index
      %get3A_896 = arith.constant 112 : index
      %get3A_897 = tpu.vector_load %arg5[%get3A_895, %get3A_896] {strides = array<i32>} : memref<40x128xf32, #tpu.memory_space<vmem>>, vector<16xf32>,
      %get3A_898 = arith.index_cast %scan3A_801 : i32 to index
      %get3A_899 = arith.constant 112 : index
      %get3A_900 = tpu.vector_load %arg6[%get3A_898, %get3A_899] {strides = array<i32>} : memref<40x128xf32, #tpu.memory_space<vmem>>, vector<16xf32>,
      %add3A_901 = arith.addf %get3A_897, %get3A_900 : vector<16xf32>
      %gt3A_902 = arith.cmpf ogt, %add3A_901, %scan3A_816 : vector<16xf32>
      %select_n3A_903 = arith.select %gt3A_902, %add3A_901, %scan3A_816 : vector<16xi1>, vector<16xf32>
      %broadcast_in_dim3A_904 = vector.broadcast %add3A_819 : i32 to vector<16xi32>
      %select_n3A_905 = arith.select %gt3A_902, %broadcast_in_dim3A_904, %scan3A_817 : vector<16xi1>, vector<16xi32>
      scf.yield %select_n3A_826, %select_n3A_828, %select_n3A_837, %select_n3A_839, %select_n3A_848, %select_n3A_850, %select_n3A_859, %select_n3A_861, %select_n3A_870, %select_n3A_872, %select_n3A_881, %select_n3A_883, %select_n3A_892, %select_n3A_894, %select_n3A_903, %select_n3A_905 : vector<16xf32>, vector<16xi32>, vector<16xf32>, vector<16xi32>, vector<16xf32>, vector<16xi32>, vector<16xf32>, vector<16xi32>, vector<16xf32>, vector<16xi32>, vector<16xf32>, vector<16xi32>, vector<16xf32>, vector<16xi32>, vector<16xf32>, vector<16xi32>
    }
    %scan3A_74 = arith.constant 40 : i32
    %dma_wait3A_75 = arith.constant 40 : i32
    %dma_wait3A_76 = tpu.memref_slice %arg2[%select_n3A, %dma_wait3A_75, %mul3A_32] : memref<26x1000x1024xf32, #tpu.memory_space<hbm>> -> memref<1x40x128xf32, #tpu.memory_space<hbm>>
    %dma_wait3A_77 = tpu.memref_squeeze %dma_wait3A_76 : memref<1x40x128xf32, #tpu.memory_space<hbm>> -> memref<40x128xf32, #tpu.memory_space<hbm>>
    %dma_wait3A_78 = arith.constant 40 : i32
    %dma_wait3A_79 = tpu.memref_slice %arg2[%select_n3A, %dma_wait3A_78, %mul3A_32] : memref<26x1000x1024xf32, #tpu.memory_space<hbm>> -> memref<1x40x128xf32, #tpu.memory_space<hbm>>
    %dma_wait3A_80 = tpu.memref_squeeze %dma_wait3A_79 : memref<1x40x128xf32, #tpu.memory_space<hbm>> -> memref<40x128xf32, #tpu.memory_space<hbm>>
    tpu.wait_dma2 semaphore(%arg10 : memref<!tpu.dma_semaphore, #tpu.memory_space<semaphore_mem>>) src(%dma_wait3A_80 : memref<40x128xf32, #tpu.memory_space<hbm>>) dst(%arg7 : memref<40x128xf32, #tpu.memory_space<vmem>>)
    %dma_wait3A_81 = arith.constant 40 : i32
    %dma_wait3A_82 = tpu.memref_slice %arg3[%select_n3A, %dma_wait3A_81, %mul3A_32] : memref<26x1000x1024xf32, #tpu.memory_space<hbm>> -> memref<1x40x128xf32, #tpu.memory_space<hbm>>
    %dma_wait3A_83 = tpu.memref_squeeze %dma_wait3A_82 : memref<1x40x128xf32, #tpu.memory_space<hbm>> -> memref<40x128xf32, #tpu.memory_space<hbm>>
    %dma_wait3A_84 = arith.constant 40 : i32
    %dma_wait3A_85 = tpu.memref_slice %arg3[%select_n3A, %dma_wait3A_84, %mul3A_32] : memref<26x1000x1024xf32, #tpu.memory_space<hbm>> -> memref<1x40x128xf32, #tpu.memory_space<hbm>>
    %dma_wait3A_86 = tpu.memref_squeeze %dma_wait3A_85 : memref<1x40x128xf32, #tpu.memory_space<hbm>> -> memref<40x128xf32, #tpu.memory_space<hbm>>
    tpu.wait_dma2 semaphore(%arg11 : memref<!tpu.dma_semaphore, #tpu.memory_space<semaphore_mem>>) src(%dma_wait3A_86 : memref<40x128xf32, #tpu.memory_space<hbm>>) dst(%arg8 : memref<40x128xf32, #tpu.memory_space<vmem>>)
    %dma_start3A_87 = arith.constant 80 : i32
    %dma_start3A_88 = tpu.memref_slice %arg2[%select_n3A, %dma_start3A_87, %mul3A_32] : memref<26x1000x1024xf32, #tpu.memory_space<hbm>> -> memref<1x40x128xf32, #tpu.memory_space<hbm>>
    %dma_start3A_89 = tpu.memref_squeeze %dma_start3A_88 : memref<1x40x128xf32, #tpu.memory_space<hbm>> -> memref<40x128xf32, #tpu.memory_space<hbm>>
    %dma_start3A_90 = arith.constant 80 : i32
    %dma_start3A_91 = tpu.memref_slice %arg2[%select_n3A, %dma_start3A_90, %mul3A_32] : memref<26x1000x1024xf32, #tpu.memory_space<hbm>> -> memref<1x40x128xf32, #tpu.memory_space<hbm>>
    %dma_start3A_92 = tpu.memref_squeeze %dma_start3A_91 : memref<1x40x128xf32, #tpu.memory_space<hbm>> -> memref<40x128xf32, #tpu.memory_space<hbm>>
    tpu.enqueue_dma source(%dma_start3A_92 : memref<40x128xf32, #tpu.memory_space<hbm>>) target(%arg5 : memref<40x128xf32, #tpu.memory_space<vmem>>) target_semaphore(%arg10 : memref<!tpu.dma_semaphore, #tpu.memory_space<semaphore_mem>>)
    %dma_start3A_93 = arith.constant 80 : i32
    %dma_start3A_94 = tpu.memref_slice %arg3[%select_n3A, %dma_start3A_93, %mul3A_32] : memref<26x1000x1024xf32, #tpu.memory_space<hbm>> -> memref<1x40x128xf32, #tpu.memory_space<hbm>>
    %dma_start3A_95 = tpu.memref_squeeze %dma_start3A_94 : memref<1x40x128xf32, #tpu.memory_space<hbm>> -> memref<40x128xf32, #tpu.memory_space<hbm>>
    %dma_start3A_96 = arith.constant 80 : i32
    %dma_start3A_97 = tpu.memref_slice %arg3[%select_n3A, %dma_start3A_96, %mul3A_32] : memref<26x1000x1024xf32, #tpu.memory_space<hbm>> -> memref<1x40x128xf32, #tpu.memory_space<hbm>>
    %dma_start3A_98 = tpu.memref_squeeze %dma_start3A_97 : memref<1x40x128xf32, #tpu.memory_space<hbm>> -> memref<40x128xf32, #tpu.memory_space<hbm>>
    tpu.enqueue_dma source(%dma_start3A_98 : memref<40x128xf32, #tpu.memory_space<hbm>>) target(%arg6 : memref<40x128xf32, #tpu.memory_space<vmem>>) target_semaphore(%arg11 : memref<!tpu.dma_semaphore, #tpu.memory_space<semaphore_mem>>)
    %scan3A_99 = arith.constant 0 : i32
    %scan3A_100 = arith.constant 40 : i32
    %scan3A_101 = arith.addi %scan3A_99, %scan3A_100 : i32
    %scan3A_102 = arith.constant 1 : i32
    %scan3A_103:16 = scf.for %scan3A_801 = %scan3A_99 to %scan3A_101 step %scan3A_102 iter_args(%scan3A_802 = %scan3A_73#0, %scan3A_803 = %scan3A_73#1, %scan3A_804 = %scan3A_73#2, %scan3A_805 = %scan3A_73#3, %scan3A_806 = %scan3A_73#4, %scan3A_807 = %scan3A_73#5, %scan3A_808 = %scan3A_73#6, %scan3A_809 = %scan3A_73#7, %scan3A_810 = %scan3A_73#8, %scan3A_811 = %scan3A_73#9, %scan3A_812 = %scan3A_73#10, %scan3A_813 = %scan3A_73#11, %scan3A_814 = %scan3A_73#12, %scan3A_815 = %scan3A_73#13, %scan3A_816 = %scan3A_73#14, %scan3A_817 = %scan3A_73#15) -> (vector<16xf32>, vector<16xi32>, vector<16xf32>, vector<16xi32>, vector<16xf32>, vector<16xi32>, vector<16xf32>, vector<16xi32>, vector<16xf32>, vector<16xi32>, vector<16xf32>, vector<16xi32>, vector<16xf32>, vector<16xi32>, vector<16xf32>, vector<16xi32>)  : i32 {
      %add3A_818 = arith.constant 40 : i32
      %add3A_819 = arith.addi %add3A_818, %scan3A_801 : i32
      %get3A = arith.index_cast %scan3A_801 : i32 to index
      %get3A_820 = arith.constant 0 : index
      %get3A_821 = tpu.vector_load %arg7[%get3A, %get3A_820] {strides = array<i32>} : memref<40x128xf32, #tpu.memory_space<vmem>>, vector<16xf32>,
      %get3A_822 = arith.index_cast %scan3A_801 : i32 to index
      %get3A_823 = arith.constant 0 : index
      %get3A_824 = tpu.vector_load %arg8[%get3A_822, %get3A_823] {strides = array<i32>} : memref<40x128xf32, #tpu.memory_space<vmem>>, vector<16xf32>,
      %add3A_825 = arith.addf %get3A_821, %get3A_824 : vector<16xf32>
      %gt3A = arith.cmpf ogt, %add3A_825, %scan3A_802 : vector<16xf32>
      %select_n3A_826 = arith.select %gt3A, %add3A_825, %scan3A_802 : vector<16xi1>, vector<16xf32>
      %broadcast_in_dim3A_827 = vector.broadcast %add3A_819 : i32 to vector<16xi32>
      %select_n3A_828 = arith.select %gt3A, %broadcast_in_dim3A_827, %scan3A_803 : vector<16xi1>, vector<16xi32>
      %get3A_829 = arith.index_cast %scan3A_801 : i32 to index
      %get3A_830 = arith.constant 16 : index
      %get3A_831 = tpu.vector_load %arg7[%get3A_829, %get3A_830] {strides = array<i32>} : memref<40x128xf32, #tpu.memory_space<vmem>>, vector<16xf32>,
      %get3A_832 = arith.index_cast %scan3A_801 : i32 to index
      %get3A_833 = arith.constant 16 : index
      %get3A_834 = tpu.vector_load %arg8[%get3A_832, %get3A_833] {strides = array<i32>} : memref<40x128xf32, #tpu.memory_space<vmem>>, vector<16xf32>,
      %add3A_835 = arith.addf %get3A_831, %get3A_834 : vector<16xf32>
      %gt3A_836 = arith.cmpf ogt, %add3A_835, %scan3A_804 : vector<16xf32>
      %select_n3A_837 = arith.select %gt3A_836, %add3A_835, %scan3A_804 : vector<16xi1>, vector<16xf32>
      %broadcast_in_dim3A_838 = vector.broadcast %add3A_819 : i32 to vector<16xi32>
      %select_n3A_839 = arith.select %gt3A_836, %broadcast_in_dim3A_838, %scan3A_805 : vector<16xi1>, vector<16xi32>
      %get3A_840 = arith.index_cast %scan3A_801 : i32 to index
      %get3A_841 = arith.constant 32 : index
      %get3A_842 = tpu.vector_load %arg7[%get3A_840, %get3A_841] {strides = array<i32>} : memref<40x128xf32, #tpu.memory_space<vmem>>, vector<16xf32>,
      %get3A_843 = arith.index_cast %scan3A_801 : i32 to index
      %get3A_844 = arith.constant 32 : index
      %get3A_845 = tpu.vector_load %arg8[%get3A_843, %get3A_844] {strides = array<i32>} : memref<40x128xf32, #tpu.memory_space<vmem>>, vector<16xf32>,
      %add3A_846 = arith.addf %get3A_842, %get3A_845 : vector<16xf32>
      %gt3A_847 = arith.cmpf ogt, %add3A_846, %scan3A_806 : vector<16xf32>
      %select_n3A_848 = arith.select %gt3A_847, %add3A_846, %scan3A_806 : vector<16xi1>, vector<16xf32>
      %broadcast_in_dim3A_849 = vector.broadcast %add3A_819 : i32 to vector<16xi32>
      %select_n3A_850 = arith.select %gt3A_847, %broadcast_in_dim3A_849, %scan3A_807 : vector<16xi1>, vector<16xi32>
      %get3A_851 = arith.index_cast %scan3A_801 : i32 to index
      %get3A_852 = arith.constant 48 : index
      %get3A_853 = tpu.vector_load %arg7[%get3A_851, %get3A_852] {strides = array<i32>} : memref<40x128xf32, #tpu.memory_space<vmem>>, vector<16xf32>,
      %get3A_854 = arith.index_cast %scan3A_801 : i32 to index
      %get3A_855 = arith.constant 48 : index
      %get3A_856 = tpu.vector_load %arg8[%get3A_854, %get3A_855] {strides = array<i32>} : memref<40x128xf32, #tpu.memory_space<vmem>>, vector<16xf32>,
      %add3A_857 = arith.addf %get3A_853, %get3A_856 : vector<16xf32>
      %gt3A_858 = arith.cmpf ogt, %add3A_857, %scan3A_808 : vector<16xf32>
      %select_n3A_859 = arith.select %gt3A_858, %add3A_857, %scan3A_808 : vector<16xi1>, vector<16xf32>
      %broadcast_in_dim3A_860 = vector.broadcast %add3A_819 : i32 to vector<16xi32>
      %select_n3A_861 = arith.select %gt3A_858, %broadcast_in_dim3A_860, %scan3A_809 : vector<16xi1>, vector<16xi32>
      %get3A_862 = arith.index_cast %scan3A_801 : i32 to index
      %get3A_863 = arith.constant 64 : index
      %get3A_864 = tpu.vector_load %arg7[%get3A_862, %get3A_863] {strides = array<i32>} : memref<40x128xf32, #tpu.memory_space<vmem>>, vector<16xf32>,
      %get3A_865 = arith.index_cast %scan3A_801 : i32 to index
      %get3A_866 = arith.constant 64 : index
      %get3A_867 = tpu.vector_load %arg8[%get3A_865, %get3A_866] {strides = array<i32>} : memref<40x128xf32, #tpu.memory_space<vmem>>, vector<16xf32>,
      %add3A_868 = arith.addf %get3A_864, %get3A_867 : vector<16xf32>
      %gt3A_869 = arith.cmpf ogt, %add3A_868, %scan3A_810 : vector<16xf32>
      %select_n3A_870 = arith.select %gt3A_869, %add3A_868, %scan3A_810 : vector<16xi1>, vector<16xf32>
      %broadcast_in_dim3A_871 = vector.broadcast %add3A_819 : i32 to vector<16xi32>
      %select_n3A_872 = arith.select %gt3A_869, %broadcast_in_dim3A_871, %scan3A_811 : vector<16xi1>, vector<16xi32>
      %get3A_873 = arith.index_cast %scan3A_801 : i32 to index
      %get3A_874 = arith.constant 80 : index
      %get3A_875 = tpu.vector_load %arg7[%get3A_873, %get3A_874] {strides = array<i32>} : memref<40x128xf32, #tpu.memory_space<vmem>>, vector<16xf32>,
      %get3A_876 = arith.index_cast %scan3A_801 : i32 to index
      %get3A_877 = arith.constant 80 : index
      %get3A_878 = tpu.vector_load %arg8[%get3A_876, %get3A_877] {strides = array<i32>} : memref<40x128xf32, #tpu.memory_space<vmem>>, vector<16xf32>,
      %add3A_879 = arith.addf %get3A_875, %get3A_878 : vector<16xf32>
      %gt3A_880 = arith.cmpf ogt, %add3A_879, %scan3A_812 : vector<16xf32>
      %select_n3A_881 = arith.select %gt3A_880, %add3A_879, %scan3A_812 : vector<16xi1>, vector<16xf32>
      %broadcast_in_dim3A_882 = vector.broadcast %add3A_819 : i32 to vector<16xi32>
      %select_n3A_883 = arith.select %gt3A_880, %broadcast_in_dim3A_882, %scan3A_813 : vector<16xi1>, vector<16xi32>
      %get3A_884 = arith.index_cast %scan3A_801 : i32 to index
      %get3A_885 = arith.constant 96 : index
      %get3A_886 = tpu.vector_load %arg7[%get3A_884, %get3A_885] {strides = array<i32>} : memref<40x128xf32, #tpu.memory_space<vmem>>, vector<16xf32>,
      %get3A_887 = arith.index_cast %scan3A_801 : i32 to index
      %get3A_888 = arith.constant 96 : index
      %get3A_889 = tpu.vector_load %arg8[%get3A_887, %get3A_888] {strides = array<i32>} : memref<40x128xf32, #tpu.memory_space<vmem>>, vector<16xf32>,
      %add3A_890 = arith.addf %get3A_886, %get3A_889 : vector<16xf32>
      %gt3A_891 = arith.cmpf ogt, %add3A_890, %scan3A_814 : vector<16xf32>
      %select_n3A_892 = arith.select %gt3A_891, %add3A_890, %scan3A_814 : vector<16xi1>, vector<16xf32>
      %broadcast_in_dim3A_893 = vector.broadcast %add3A_819 : i32 to vector<16xi32>
      %select_n3A_894 = arith.select %gt3A_891, %broadcast_in_dim3A_893, %scan3A_815 : vector<16xi1>, vector<16xi32>
      %get3A_895 = arith.index_cast %scan3A_801 : i32 to index
      %get3A_896 = arith.constant 112 : index
      %get3A_897 = tpu.vector_load %arg7[%get3A_895, %get3A_896] {strides = array<i32>} : memref<40x128xf32, #tpu.memory_space<vmem>>, vector<16xf32>,
      %get3A_898 = arith.index_cast %scan3A_801 : i32 to index
      %get3A_899 = arith.constant 112 : index
      %get3A_900 = tpu.vector_load %arg8[%get3A_898, %get3A_899] {strides = array<i32>} : memref<40x128xf32, #tpu.memory_space<vmem>>, vector<16xf32>,
      %add3A_901 = arith.addf %get3A_897, %get3A_900 : vector<16xf32>
      %gt3A_902 = arith.cmpf ogt, %add3A_901, %scan3A_816 : vector<16xf32>
      %select_n3A_903 = arith.select %gt3A_902, %add3A_901, %scan3A_816 : vector<16xi1>, vector<16xf32>
      %broadcast_in_dim3A_904 = vector.broadcast %add3A_819 : i32 to vector<16xi32>
      %select_n3A_905 = arith.select %gt3A_902, %broadcast_in_dim3A_904, %scan3A_817 : vector<16xi1>, vector<16xi32>
      scf.yield %select_n3A_826, %select_n3A_828, %select_n3A_837, %select_n3A_839, %select_n3A_848, %select_n3A_850, %select_n3A_859, %select_n3A_861, %select_n3A_870, %select_n3A_872, %select_n3A_881, %select_n3A_883, %select_n3A_892, %select_n3A_894, %select_n3A_903, %select_n3A_905 : vector<16xf32>, vector<16xi32>, vector<16xf32>, vector<16xi32>, vector<16xf32>, vector<16xi32>, vector<16xf32>, vector<16xi32>, vector<16xf32>, vector<16xi32>, vector<16xf32>, vector<16xi32>, vector<16xf32>, vector<16xi32>, vector<16xf32>, vector<16xi32>
    }
    %scan3A_104 = arith.constant 40 : i32
    %dma_wait3A_105 = arith.constant 80 : i32
    %dma_wait3A_106 = tpu.memref_slice %arg2[%select_n3A, %dma_wait3A_105, %mul3A_32] : memref<26x1000x1024xf32, #tpu.memory_space<hbm>> -> memref<1x40x128xf32, #tpu.memory_space<hbm>>
    %dma_wait3A_107 = tpu.memref_squeeze %dma_wait3A_106 : memref<1x40x128xf32, #tpu.memory_space<hbm>> -> memref<40x128xf32, #tpu.memory_space<hbm>>
    %dma_wait3A_108 = arith.constant 80 : i32
    %dma_wait3A_109 = tpu.memref_slice %arg2[%select_n3A, %dma_wait3A_108, %mul3A_32] : memref<26x1000x1024xf32, #tpu.memory_space<hbm>> -> memref<1x40x128xf32, #tpu.memory_space<hbm>>
    %dma_wait3A_110 = tpu.memref_squeeze %dma_wait3A_109 : memref<1x40x128xf32, #tpu.memory_space<hbm>> -> memref<40x128xf32, #tpu.memory_space<hbm>>
    tpu.wait_dma2 semaphore(%arg10 : memref<!tpu.dma_semaphore, #tpu.memory_space<semaphore_mem>>) src(%dma_wait3A_110 : memref<40x128xf32, #tpu.memory_space<hbm>>) dst(%arg5 : memref<40x128xf32, #tpu.memory_space<vmem>>)
    %dma_wait3A_111 = arith.constant 80 : i32
    %dma_wait3A_112 = tpu.memref_slice %arg3[%select_n3A, %dma_wait3A_111, %mul3A_32] : memref<26x1000x1024xf32, #tpu.memory_space<hbm>> -> memref<1x40x128xf32, #tpu.memory_space<hbm>>
    %dma_wait3A_113 = tpu.memref_squeeze %dma_wait3A_112 : memref<1x40x128xf32, #tpu.memory_space<hbm>> -> memref<40x128xf32, #tpu.memory_space<hbm>>
    %dma_wait3A_114 = arith.constant 80 : i32
    %dma_wait3A_115 = tpu.memref_slice %arg3[%select_n3A, %dma_wait3A_114, %mul3A_32] : memref<26x1000x1024xf32, #tpu.memory_space<hbm>> -> memref<1x40x128xf32, #tpu.memory_space<hbm>>
    %dma_wait3A_116 = tpu.memref_squeeze %dma_wait3A_115 : memref<1x40x128xf32, #tpu.memory_space<hbm>> -> memref<40x128xf32, #tpu.memory_space<hbm>>
    tpu.wait_dma2 semaphore(%arg11 : memref<!tpu.dma_semaphore, #tpu.memory_space<semaphore_mem>>) src(%dma_wait3A_116 : memref<40x128xf32, #tpu.memory_space<hbm>>) dst(%arg6 : memref<40x128xf32, #tpu.memory_space<vmem>>)
    %dma_start3A_117 = arith.constant 120 : i32
    %dma_start3A_118 = tpu.memref_slice %arg2[%select_n3A, %dma_start3A_117, %mul3A_32] : memref<26x1000x1024xf32, #tpu.memory_space<hbm>> -> memref<1x40x128xf32, #tpu.memory_space<hbm>>
    %dma_start3A_119 = tpu.memref_squeeze %dma_start3A_118 : memref<1x40x128xf32, #tpu.memory_space<hbm>> -> memref<40x128xf32, #tpu.memory_space<hbm>>
    %dma_start3A_120 = arith.constant 120 : i32
    %dma_start3A_121 = tpu.memref_slice %arg2[%select_n3A, %dma_start3A_120, %mul3A_32] : memref<26x1000x1024xf32, #tpu.memory_space<hbm>> -> memref<1x40x128xf32, #tpu.memory_space<hbm>>
    %dma_start3A_122 = tpu.memref_squeeze %dma_start3A_121 : memref<1x40x128xf32, #tpu.memory_space<hbm>> -> memref<40x128xf32, #tpu.memory_space<hbm>>
    tpu.enqueue_dma source(%dma_start3A_122 : memref<40x128xf32, #tpu.memory_space<hbm>>) target(%arg7 : memref<40x128xf32, #tpu.memory_space<vmem>>) target_semaphore(%arg10 : memref<!tpu.dma_semaphore, #tpu.memory_space<semaphore_mem>>)
    %dma_start3A_123 = arith.constant 120 : i32
    %dma_start3A_124 = tpu.memref_slice %arg3[%select_n3A, %dma_start3A_123, %mul3A_32] : memref<26x1000x1024xf32, #tpu.memory_space<hbm>> -> memref<1x40x128xf32, #tpu.memory_space<hbm>>
    %dma_start3A_125 = tpu.memref_squeeze %dma_start3A_124 : memref<1x40x128xf32, #tpu.memory_space<hbm>> -> memref<40x128xf32, #tpu.memory_space<hbm>>
    %dma_start3A_126 = arith.constant 120 : i32
    %dma_start3A_127 = tpu.memref_slice %arg3[%select_n3A, %dma_start3A_126, %mul3A_32] : memref<26x1000x1024xf32, #tpu.memory_space<hbm>> -> memref<1x40x128xf32, #tpu.memory_space<hbm>>
    %dma_start3A_128 = tpu.memref_squeeze %dma_start3A_127 : memref<1x40x128xf32, #tpu.memory_space<hbm>> -> memref<40x128xf32, #tpu.memory_space<hbm>>
    tpu.enqueue_dma source(%dma_start3A_128 : memref<40x128xf32, #tpu.memory_space<hbm>>) target(%arg8 : memref<40x128xf32, #tpu.memory_space<vmem>>) target_semaphore(%arg11 : memref<!tpu.dma_semaphore, #tpu.memory_space<semaphore_mem>>)
    %scan3A_129 = arith.constant 0 : i32
    %scan3A_130 = arith.constant 40 : i32
    %scan3A_131 = arith.addi %scan3A_129, %scan3A_130 : i32
    %scan3A_132 = arith.constant 1 : i32
    %scan3A_133:16 = scf.for %scan3A_801 = %scan3A_129 to %scan3A_131 step %scan3A_132 iter_args(%scan3A_802 = %scan3A_103#0, %scan3A_803 = %scan3A_103#1, %scan3A_804 = %scan3A_103#2, %scan3A_805 = %scan3A_103#3, %scan3A_806 = %scan3A_103#4, %scan3A_807 = %scan3A_103#5, %scan3A_808 = %scan3A_103#6, %scan3A_809 = %scan3A_103#7, %scan3A_810 = %scan3A_103#8, %scan3A_811 = %scan3A_103#9, %scan3A_812 = %scan3A_103#10, %scan3A_813 = %scan3A_103#11, %scan3A_814 = %scan3A_103#12, %scan3A_815 = %scan3A_103#13, %scan3A_816 = %scan3A_103#14, %scan3A_817 = %scan3A_103#15) -> (vector<16xf32>, vector<16xi32>, vector<16xf32>, vector<16xi32>, vector<16xf32>, vector<16xi32>, vector<16xf32>, vector<16xi32>, vector<16xf32>, vector<16xi32>, vector<16xf32>, vector<16xi32>, vector<16xf32>, vector<16xi32>, vector<16xf32>, vector<16xi32>)  : i32 {
      %add3A_818 = arith.constant 80 : i32
      %add3A_819 = arith.addi %add3A_818, %scan3A_801 : i32
      %get3A = arith.index_cast %scan3A_801 : i32 to index
      %get3A_820 = arith.constant 0 : index
      %get3A_821 = tpu.vector_load %arg5[%get3A, %get3A_820] {strides = array<i32>} : memref<40x128xf32, #tpu.memory_space<vmem>>, vector<16xf32>,
      %get3A_822 = arith.index_cast %scan3A_801 : i32 to index
      %get3A_823 = arith.constant 0 : index
      %get3A_824 = tpu.vector_load %arg6[%get3A_822, %get3A_823] {strides = array<i32>} : memref<40x128xf32, #tpu.memory_space<vmem>>, vector<16xf32>,
      %add3A_825 = arith.addf %get3A_821, %get3A_824 : vector<16xf32>
      %gt3A = arith.cmpf ogt, %add3A_825, %scan3A_802 : vector<16xf32>
      %select_n3A_826 = arith.select %gt3A, %add3A_825, %scan3A_802 : vector<16xi1>, vector<16xf32>
      %broadcast_in_dim3A_827 = vector.broadcast %add3A_819 : i32 to vector<16xi32>
      %select_n3A_828 = arith.select %gt3A, %broadcast_in_dim3A_827, %scan3A_803 : vector<16xi1>, vector<16xi32>
      %get3A_829 = arith.index_cast %scan3A_801 : i32 to index
      %get3A_830 = arith.constant 16 : index
      %get3A_831 = tpu.vector_load %arg5[%get3A_829, %get3A_830] {strides = array<i32>} : memref<40x128xf32, #tpu.memory_space<vmem>>, vector<16xf32>,
      %get3A_832 = arith.index_cast %scan3A_801 : i32 to index
      %get3A_833 = arith.constant 16 : index
      %get3A_834 = tpu.vector_load %arg6[%get3A_832, %get3A_833] {strides = array<i32>} : memref<40x128xf32, #tpu.memory_space<vmem>>, vector<16xf32>,
      %add3A_835 = arith.addf %get3A_831, %get3A_834 : vector<16xf32>
      %gt3A_836 = arith.cmpf ogt, %add3A_835, %scan3A_804 : vector<16xf32>
      %select_n3A_837 = arith.select %gt3A_836, %add3A_835, %scan3A_804 : vector<16xi1>, vector<16xf32>
      %broadcast_in_dim3A_838 = vector.broadcast %add3A_819 : i32 to vector<16xi32>
      %select_n3A_839 = arith.select %gt3A_836, %broadcast_in_dim3A_838, %scan3A_805 : vector<16xi1>, vector<16xi32>
      %get3A_840 = arith.index_cast %scan3A_801 : i32 to index
      %get3A_841 = arith.constant 32 : index
      %get3A_842 = tpu.vector_load %arg5[%get3A_840, %get3A_841] {strides = array<i32>} : memref<40x128xf32, #tpu.memory_space<vmem>>, vector<16xf32>,
      %get3A_843 = arith.index_cast %scan3A_801 : i32 to index
      %get3A_844 = arith.constant 32 : index
      %get3A_845 = tpu.vector_load %arg6[%get3A_843, %get3A_844] {strides = array<i32>} : memref<40x128xf32, #tpu.memory_space<vmem>>, vector<16xf32>,
      %add3A_846 = arith.addf %get3A_842, %get3A_845 : vector<16xf32>
      %gt3A_847 = arith.cmpf ogt, %add3A_846, %scan3A_806 : vector<16xf32>
      %select_n3A_848 = arith.select %gt3A_847, %add3A_846, %scan3A_806 : vector<16xi1>, vector<16xf32>
      %broadcast_in_dim3A_849 = vector.broadcast %add3A_819 : i32 to vector<16xi32>
      %select_n3A_850 = arith.select %gt3A_847, %broadcast_in_dim3A_849, %scan3A_807 : vector<16xi1>, vector<16xi32>
      %get3A_851 = arith.index_cast %scan3A_801 : i32 to index
      %get3A_852 = arith.constant 48 : index
      %get3A_853 = tpu.vector_load %arg5[%get3A_851, %get3A_852] {strides = array<i32>} : memref<40x128xf32, #tpu.memory_space<vmem>>, vector<16xf32>,
      %get3A_854 = arith.index_cast %scan3A_801 : i32 to index
      %get3A_855 = arith.constant 48 : index
      %get3A_856 = tpu.vector_load %arg6[%get3A_854, %get3A_855] {strides = array<i32>} : memref<40x128xf32, #tpu.memory_space<vmem>>, vector<16xf32>,
      %add3A_857 = arith.addf %get3A_853, %get3A_856 : vector<16xf32>
      %gt3A_858 = arith.cmpf ogt, %add3A_857, %scan3A_808 : vector<16xf32>
      %select_n3A_859 = arith.select %gt3A_858, %add3A_857, %scan3A_808 : vector<16xi1>, vector<16xf32>
      %broadcast_in_dim3A_860 = vector.broadcast %add3A_819 : i32 to vector<16xi32>
      %select_n3A_861 = arith.select %gt3A_858, %broadcast_in_dim3A_860, %scan3A_809 : vector<16xi1>, vector<16xi32>
      %get3A_862 = arith.index_cast %scan3A_801 : i32 to index
      %get3A_863 = arith.constant 64 : index
      %get3A_864 = tpu.vector_load %arg5[%get3A_862, %get3A_863] {strides = array<i32>} : memref<40x128xf32, #tpu.memory_space<vmem>>, vector<16xf32>,
      %get3A_865 = arith.index_cast %scan3A_801 : i32 to index
      %get3A_866 = arith.constant 64 : index
      %get3A_867 = tpu.vector_load %arg6[%get3A_865, %get3A_866] {strides = array<i32>} : memref<40x128xf32, #tpu.memory_space<vmem>>, vector<16xf32>,
      %add3A_868 = arith.addf %get3A_864, %get3A_867 : vector<16xf32>
      %gt3A_869 = arith.cmpf ogt, %add3A_868, %scan3A_810 : vector<16xf32>
      %select_n3A_870 = arith.select %gt3A_869, %add3A_868, %scan3A_810 : vector<16xi1>, vector<16xf32>
      %broadcast_in_dim3A_871 = vector.broadcast %add3A_819 : i32 to vector<16xi32>
      %select_n3A_872 = arith.select %gt3A_869, %broadcast_in_dim3A_871, %scan3A_811 : vector<16xi1>, vector<16xi32>
      %get3A_873 = arith.index_cast %scan3A_801 : i32 to index
      %get3A_874 = arith.constant 80 : index
      %get3A_875 = tpu.vector_load %arg5[%get3A_873, %get3A_874] {strides = array<i32>} : memref<40x128xf32, #tpu.memory_space<vmem>>, vector<16xf32>,
      %get3A_876 = arith.index_cast %scan3A_801 : i32 to index
      %get3A_877 = arith.constant 80 : index
      %get3A_878 = tpu.vector_load %arg6[%get3A_876, %get3A_877] {strides = array<i32>} : memref<40x128xf32, #tpu.memory_space<vmem>>, vector<16xf32>,
      %add3A_879 = arith.addf %get3A_875, %get3A_878 : vector<16xf32>
      %gt3A_880 = arith.cmpf ogt, %add3A_879, %scan3A_812 : vector<16xf32>
      %select_n3A_881 = arith.select %gt3A_880, %add3A_879, %scan3A_812 : vector<16xi1>, vector<16xf32>
      %broadcast_in_dim3A_882 = vector.broadcast %add3A_819 : i32 to vector<16xi32>
      %select_n3A_883 = arith.select %gt3A_880, %broadcast_in_dim3A_882, %scan3A_813 : vector<16xi1>, vector<16xi32>
      %get3A_884 = arith.index_cast %scan3A_801 : i32 to index
      %get3A_885 = arith.constant 96 : index
      %get3A_886 = tpu.vector_load %arg5[%get3A_884, %get3A_885] {strides = array<i32>} : memref<40x128xf32, #tpu.memory_space<vmem>>, vector<16xf32>,
      %get3A_887 = arith.index_cast %scan3A_801 : i32 to index
      %get3A_888 = arith.constant 96 : index
      %get3A_889 = tpu.vector_load %arg6[%get3A_887, %get3A_888] {strides = array<i32>} : memref<40x128xf32, #tpu.memory_space<vmem>>, vector<16xf32>,
      %add3A_890 = arith.addf %get3A_886, %get3A_889 : vector<16xf32>
      %gt3A_891 = arith.cmpf ogt, %add3A_890, %scan3A_814 : vector<16xf32>
      %select_n3A_892 = arith.select %gt3A_891, %add3A_890, %scan3A_814 : vector<16xi1>, vector<16xf32>
      %broadcast_in_dim3A_893 = vector.broadcast %add3A_819 : i32 to vector<16xi32>
      %select_n3A_894 = arith.select %gt3A_891, %broadcast_in_dim3A_893, %scan3A_815 : vector<16xi1>, vector<16xi32>
      %get3A_895 = arith.index_cast %scan3A_801 : i32 to index
      %get3A_896 = arith.constant 112 : index
      %get3A_897 = tpu.vector_load %arg5[%get3A_895, %get3A_896] {strides = array<i32>} : memref<40x128xf32, #tpu.memory_space<vmem>>, vector<16xf32>,
      %get3A_898 = arith.index_cast %scan3A_801 : i32 to index
      %get3A_899 = arith.constant 112 : index
      %get3A_900 = tpu.vector_load %arg6[%get3A_898, %get3A_899] {strides = array<i32>} : memref<40x128xf32, #tpu.memory_space<vmem>>, vector<16xf32>,
      %add3A_901 = arith.addf %get3A_897, %get3A_900 : vector<16xf32>
      %gt3A_902 = arith.cmpf ogt, %add3A_901, %scan3A_816 : vector<16xf32>
      %select_n3A_903 = arith.select %gt3A_902, %add3A_901, %scan3A_816 : vector<16xi1>, vector<16xf32>
      %broadcast_in_dim3A_904 = vector.broadcast %add3A_819 : i32 to vector<16xi32>
      %select_n3A_905 = arith.select %gt3A_902, %broadcast_in_dim3A_904, %scan3A_817 : vector<16xi1>, vector<16xi32>
      scf.yield %select_n3A_826, %select_n3A_828, %select_n3A_837, %select_n3A_839, %select_n3A_848, %select_n3A_850, %select_n3A_859, %select_n3A_861, %select_n3A_870, %select_n3A_872, %select_n3A_881, %select_n3A_883, %select_n3A_892, %select_n3A_894, %select_n3A_903, %select_n3A_905 : vector<16xf32>, vector<16xi32>, vector<16xf32>, vector<16xi32>, vector<16xf32>, vector<16xi32>, vector<16xf32>, vector<16xi32>, vector<16xf32>, vector<16xi32>, vector<16xf32>, vector<16xi32>, vector<16xf32>, vector<16xi32>, vector<16xf32>, vector<16xi32>
    }
    %scan3A_134 = arith.constant 40 : i32
    %dma_wait3A_135 = arith.constant 120 : i32
    %dma_wait3A_136 = tpu.memref_slice %arg2[%select_n3A, %dma_wait3A_135, %mul3A_32] : memref<26x1000x1024xf32, #tpu.memory_space<hbm>> -> memref<1x40x128xf32, #tpu.memory_space<hbm>>
    %dma_wait3A_137 = tpu.memref_squeeze %dma_wait3A_136 : memref<1x40x128xf32, #tpu.memory_space<hbm>> -> memref<40x128xf32, #tpu.memory_space<hbm>>
    %dma_wait3A_138 = arith.constant 120 : i32
    %dma_wait3A_139 = tpu.memref_slice %arg2[%select_n3A, %dma_wait3A_138, %mul3A_32] : memref<26x1000x1024xf32, #tpu.memory_space<hbm>> -> memref<1x40x128xf32, #tpu.memory_space<hbm>>
    %dma_wait3A_140 = tpu.memref_squeeze %dma_wait3A_139 : memref<1x40x128xf32, #tpu.memory_space<hbm>> -> memref<40x128xf32, #tpu.memory_space<hbm>>
    tpu.wait_dma2 semaphore(%arg10 : memref<!tpu.dma_semaphore, #tpu.memory_space<semaphore_mem>>) src(%dma_wait3A_140 : memref<40x128xf32, #tpu.memory_space<hbm>>) dst(%arg7 : memref<40x128xf32, #tpu.memory_space<vmem>>)
    %dma_wait3A_141 = arith.constant 120 : i32
    %dma_wait3A_142 = tpu.memref_slice %arg3[%select_n3A, %dma_wait3A_141, %mul3A_32] : memref<26x1000x1024xf32, #tpu.memory_space<hbm>> -> memref<1x40x128xf32, #tpu.memory_space<hbm>>
    %dma_wait3A_143 = tpu.memref_squeeze %dma_wait3A_142 : memref<1x40x128xf32, #tpu.memory_space<hbm>> -> memref<40x128xf32, #tpu.memory_space<hbm>>
    %dma_wait3A_144 = arith.constant 120 : i32
    %dma_wait3A_145 = tpu.memref_slice %arg3[%select_n3A, %dma_wait3A_144, %mul3A_32] : memref<26x1000x1024xf32, #tpu.memory_space<hbm>> -> memref<1x40x128xf32, #tpu.memory_space<hbm>>
    %dma_wait3A_146 = tpu.memref_squeeze %dma_wait3A_145 : memref<1x40x128xf32, #tpu.memory_space<hbm>> -> memref<40x128xf32, #tpu.memory_space<hbm>>
    tpu.wait_dma2 semaphore(%arg11 : memref<!tpu.dma_semaphore, #tpu.memory_space<semaphore_mem>>) src(%dma_wait3A_146 : memref<40x128xf32, #tpu.memory_space<hbm>>) dst(%arg8 : memref<40x128xf32, #tpu.memory_space<vmem>>)
    %dma_start3A_147 = arith.constant 160 : i32
    %dma_start3A_148 = tpu.memref_slice %arg2[%select_n3A, %dma_start3A_147, %mul3A_32] : memref<26x1000x1024xf32, #tpu.memory_space<hbm>> -> memref<1x40x128xf32, #tpu.memory_space<hbm>>
    %dma_start3A_149 = tpu.memref_squeeze %dma_start3A_148 : memref<1x40x128xf32, #tpu.memory_space<hbm>> -> memref<40x128xf32, #tpu.memory_space<hbm>>
    %dma_start3A_150 = arith.constant 160 : i32
    %dma_start3A_151 = tpu.memref_slice %arg2[%select_n3A, %dma_start3A_150, %mul3A_32] : memref<26x1000x1024xf32, #tpu.memory_space<hbm>> -> memref<1x40x128xf32, #tpu.memory_space<hbm>>
    %dma_start3A_152 = tpu.memref_squeeze %dma_start3A_151 : memref<1x40x128xf32, #tpu.memory_space<hbm>> -> memref<40x128xf32, #tpu.memory_space<hbm>>
    tpu.enqueue_dma source(%dma_start3A_152 : memref<40x128xf32, #tpu.memory_space<hbm>>) target(%arg5 : memref<40x128xf32, #tpu.memory_space<vmem>>) target_semaphore(%arg10 : memref<!tpu.dma_semaphore, #tpu.memory_space<semaphore_mem>>)
    %dma_start3A_153 = arith.constant 160 : i32
    %dma_start3A_154 = tpu.memref_slice %arg3[%select_n3A, %dma_start3A_153, %mul3A_32] : memref<26x1000x1024xf32, #tpu.memory_space<hbm>> -> memref<1x40x128xf32, #tpu.memory_space<hbm>>
    %dma_start3A_155 = tpu.memref_squeeze %dma_start3A_154 : memref<1x40x128xf32, #tpu.memory_space<hbm>> -> memref<40x128xf32, #tpu.memory_space<hbm>>
    %dma_start3A_156 = arith.constant 160 : i32
    %dma_start3A_157 = tpu.memref_slice %arg3[%select_n3A, %dma_start3A_156, %mul3A_32] : memref<26x1000x1024xf32, #tpu.memory_space<hbm>> -> memref<1x40x128xf32, #tpu.memory_space<hbm>>
    %dma_start3A_158 = tpu.memref_squeeze %dma_start3A_157 : memref<1x40x128xf32, #tpu.memory_space<hbm>> -> memref<40x128xf32, #tpu.memory_space<hbm>>
    tpu.enqueue_dma source(%dma_start3A_158 : memref<40x128xf32, #tpu.memory_space<hbm>>) target(%arg6 : memref<40x128xf32, #tpu.memory_space<vmem>>) target_semaphore(%arg11 : memref<!tpu.dma_semaphore, #tpu.memory_space<semaphore_mem>>)
    %scan3A_159 = arith.constant 0 : i32
    %scan3A_160 = arith.constant 40 : i32
    %scan3A_161 = arith.addi %scan3A_159, %scan3A_160 : i32
    %scan3A_162 = arith.constant 1 : i32
    %scan3A_163:16 = scf.for %scan3A_801 = %scan3A_159 to %scan3A_161 step %scan3A_162 iter_args(%scan3A_802 = %scan3A_133#0, %scan3A_803 = %scan3A_133#1, %scan3A_804 = %scan3A_133#2, %scan3A_805 = %scan3A_133#3, %scan3A_806 = %scan3A_133#4, %scan3A_807 = %scan3A_133#5, %scan3A_808 = %scan3A_133#6, %scan3A_809 = %scan3A_133#7, %scan3A_810 = %scan3A_133#8, %scan3A_811 = %scan3A_133#9, %scan3A_812 = %scan3A_133#10, %scan3A_813 = %scan3A_133#11, %scan3A_814 = %scan3A_133#12, %scan3A_815 = %scan3A_133#13, %scan3A_816 = %scan3A_133#14, %scan3A_817 = %scan3A_133#15) -> (vector<16xf32>, vector<16xi32>, vector<16xf32>, vector<16xi32>, vector<16xf32>, vector<16xi32>, vector<16xf32>, vector<16xi32>, vector<16xf32>, vector<16xi32>, vector<16xf32>, vector<16xi32>, vector<16xf32>, vector<16xi32>, vector<16xf32>, vector<16xi32>)  : i32 {
      %add3A_818 = arith.constant 120 : i32
      %add3A_819 = arith.addi %add3A_818, %scan3A_801 : i32
      %get3A = arith.index_cast %scan3A_801 : i32 to index
      %get3A_820 = arith.constant 0 : index
      %get3A_821 = tpu.vector_load %arg7[%get3A, %get3A_820] {strides = array<i32>} : memref<40x128xf32, #tpu.memory_space<vmem>>, vector<16xf32>,
      %get3A_822 = arith.index_cast %scan3A_801 : i32 to index
      %get3A_823 = arith.constant 0 : index
      %get3A_824 = tpu.vector_load %arg8[%get3A_822, %get3A_823] {strides = array<i32>} : memref<40x128xf32, #tpu.memory_space<vmem>>, vector<16xf32>,
      %add3A_825 = arith.addf %get3A_821, %get3A_824 : vector<16xf32>
      %gt3A = arith.cmpf ogt, %add3A_825, %scan3A_802 : vector<16xf32>
      %select_n3A_826 = arith.select %gt3A, %add3A_825, %scan3A_802 : vector<16xi1>, vector<16xf32>
      %broadcast_in_dim3A_827 = vector.broadcast %add3A_819 : i32 to vector<16xi32>
      %select_n3A_828 = arith.select %gt3A, %broadcast_in_dim3A_827, %scan3A_803 : vector<16xi1>, vector<16xi32>
      %get3A_829 = arith.index_cast %scan3A_801 : i32 to index
      %get3A_830 = arith.constant 16 : index
      %get3A_831 = tpu.vector_load %arg7[%get3A_829, %get3A_830] {strides = array<i32>} : memref<40x128xf32, #tpu.memory_space<vmem>>, vector<16xf32>,
      %get3A_832 = arith.index_cast %scan3A_801 : i32 to index
      %get3A_833 = arith.constant 16 : index
      %get3A_834 = tpu.vector_load %arg8[%get3A_832, %get3A_833] {strides = array<i32>} : memref<40x128xf32, #tpu.memory_space<vmem>>, vector<16xf32>,
      %add3A_835 = arith.addf %get3A_831, %get3A_834 : vector<16xf32>
      %gt3A_836 = arith.cmpf ogt, %add3A_835, %scan3A_804 : vector<16xf32>
      %select_n3A_837 = arith.select %gt3A_836, %add3A_835, %scan3A_804 : vector<16xi1>, vector<16xf32>
      %broadcast_in_dim3A_838 = vector.broadcast %add3A_819 : i32 to vector<16xi32>
      %select_n3A_839 = arith.select %gt3A_836, %broadcast_in_dim3A_838, %scan3A_805 : vector<16xi1>, vector<16xi32>
      %get3A_840 = arith.index_cast %scan3A_801 : i32 to index
      %get3A_841 = arith.constant 32 : index
      %get3A_842 = tpu.vector_load %arg7[%get3A_840, %get3A_841] {strides = array<i32>} : memref<40x128xf32, #tpu.memory_space<vmem>>, vector<16xf32>,
      %get3A_843 = arith.index_cast %scan3A_801 : i32 to index
      %get3A_844 = arith.constant 32 : index
      %get3A_845 = tpu.vector_load %arg8[%get3A_843, %get3A_844] {strides = array<i32>} : memref<40x128xf32, #tpu.memory_space<vmem>>, vector<16xf32>,
      %add3A_846 = arith.addf %get3A_842, %get3A_845 : vector<16xf32>
      %gt3A_847 = arith.cmpf ogt, %add3A_846, %scan3A_806 : vector<16xf32>
      %select_n3A_848 = arith.select %gt3A_847, %add3A_846, %scan3A_806 : vector<16xi1>, vector<16xf32>
      %broadcast_in_dim3A_849 = vector.broadcast %add3A_819 : i32 to vector<16xi32>
      %select_n3A_850 = arith.select %gt3A_847, %broadcast_in_dim3A_849, %scan3A_807 : vector<16xi1>, vector<16xi32>
      %get3A_851 = arith.index_cast %scan3A_801 : i32 to index
      %get3A_852 = arith.constant 48 : index
      %get3A_853 = tpu.vector_load %arg7[%get3A_851, %get3A_852] {strides = array<i32>} : memref<40x128xf32, #tpu.memory_space<vmem>>, vector<16xf32>,
      %get3A_854 = arith.index_cast %scan3A_801 : i32 to index
      %get3A_855 = arith.constant 48 : index
      %get3A_856 = tpu.vector_load %arg8[%get3A_854, %get3A_855] {strides = array<i32>} : memref<40x128xf32, #tpu.memory_space<vmem>>, vector<16xf32>,
      %add3A_857 = arith.addf %get3A_853, %get3A_856 : vector<16xf32>
      %gt3A_858 = arith.cmpf ogt, %add3A_857, %scan3A_808 : vector<16xf32>
      %select_n3A_859 = arith.select %gt3A_858, %add3A_857, %scan3A_808 : vector<16xi1>, vector<16xf32>
      %broadcast_in_dim3A_860 = vector.broadcast %add3A_819 : i32 to vector<16xi32>
      %select_n3A_861 = arith.select %gt3A_858, %broadcast_in_dim3A_860, %scan3A_809 : vector<16xi1>, vector<16xi32>
      %get3A_862 = arith.index_cast %scan3A_801 : i32 to index
      %get3A_863 = arith.constant 64 : index
      %get3A_864 = tpu.vector_load %arg7[%get3A_862, %get3A_863] {strides = array<i32>} : memref<40x128xf32, #tpu.memory_space<vmem>>, vector<16xf32>,
      %get3A_865 = arith.index_cast %scan3A_801 : i32 to index
      %get3A_866 = arith.constant 64 : index
      %get3A_867 = tpu.vector_load %arg8[%get3A_865, %get3A_866] {strides = array<i32>} : memref<40x128xf32, #tpu.memory_space<vmem>>, vector<16xf32>,
      %add3A_868 = arith.addf %get3A_864, %get3A_867 : vector<16xf32>
      %gt3A_869 = arith.cmpf ogt, %add3A_868, %scan3A_810 : vector<16xf32>
      %select_n3A_870 = arith.select %gt3A_869, %add3A_868, %scan3A_810 : vector<16xi1>, vector<16xf32>
      %broadcast_in_dim3A_871 = vector.broadcast %add3A_819 : i32 to vector<16xi32>
      %select_n3A_872 = arith.select %gt3A_869, %broadcast_in_dim3A_871, %scan3A_811 : vector<16xi1>, vector<16xi32>
      %get3A_873 = arith.index_cast %scan3A_801 : i32 to index
      %get3A_874 = arith.constant 80 : index
      %get3A_875 = tpu.vector_load %arg7[%get3A_873, %get3A_874] {strides = array<i32>} : memref<40x128xf32, #tpu.memory_space<vmem>>, vector<16xf32>,
      %get3A_876 = arith.index_cast %scan3A_801 : i32 to index
      %get3A_877 = arith.constant 80 : index
      %get3A_878 = tpu.vector_load %arg8[%get3A_876, %get3A_877] {strides = array<i32>} : memref<40x128xf32, #tpu.memory_space<vmem>>, vector<16xf32>,
      %add3A_879 = arith.addf %get3A_875, %get3A_878 : vector<16xf32>
      %gt3A_880 = arith.cmpf ogt, %add3A_879, %scan3A_812 : vector<16xf32>
      %select_n3A_881 = arith.select %gt3A_880, %add3A_879, %scan3A_812 : vector<16xi1>, vector<16xf32>
      %broadcast_in_dim3A_882 = vector.broadcast %add3A_819 : i32 to vector<16xi32>
      %select_n3A_883 = arith.select %gt3A_880, %broadcast_in_dim3A_882, %scan3A_813 : vector<16xi1>, vector<16xi32>
      %get3A_884 = arith.index_cast %scan3A_801 : i32 to index
      %get3A_885 = arith.constant 96 : index
      %get3A_886 = tpu.vector_load %arg7[%get3A_884, %get3A_885] {strides = array<i32>} : memref<40x128xf32, #tpu.memory_space<vmem>>, vector<16xf32>,
      %get3A_887 = arith.index_cast %scan3A_801 : i32 to index
      %get3A_888 = arith.constant 96 : index
      %get3A_889 = tpu.vector_load %arg8[%get3A_887, %get3A_888] {strides = array<i32>} : memref<40x128xf32, #tpu.memory_space<vmem>>, vector<16xf32>,
      %add3A_890 = arith.addf %get3A_886, %get3A_889 : vector<16xf32>
      %gt3A_891 = arith.cmpf ogt, %add3A_890, %scan3A_814 : vector<16xf32>
      %select_n3A_892 = arith.select %gt3A_891, %add3A_890, %scan3A_814 : vector<16xi1>, vector<16xf32>
      %broadcast_in_dim3A_893 = vector.broadcast %add3A_819 : i32 to vector<16xi32>
      %select_n3A_894 = arith.select %gt3A_891, %broadcast_in_dim3A_893, %scan3A_815 : vector<16xi1>, vector<16xi32>
      %get3A_895 = arith.index_cast %scan3A_801 : i32 to index
      %get3A_896 = arith.constant 112 : index
      %get3A_897 = tpu.vector_load %arg7[%get3A_895, %get3A_896] {strides = array<i32>} : memref<40x128xf32, #tpu.memory_space<vmem>>, vector<16xf32>,
      %get3A_898 = arith.index_cast %scan3A_801 : i32 to index
      %get3A_899 = arith.constant 112 : index
      %get3A_900 = tpu.vector_load %arg8[%get3A_898, %get3A_899] {strides = array<i32>} : memref<40x128xf32, #tpu.memory_space<vmem>>, vector<16xf32>,
      %add3A_901 = arith.addf %get3A_897, %get3A_900 : vector<16xf32>
      %gt3A_902 = arith.cmpf ogt, %add3A_901, %scan3A_816 : vector<16xf32>
      %select_n3A_903 = arith.select %gt3A_902, %add3A_901, %scan3A_816 : vector<16xi1>, vector<16xf32>
      %broadcast_in_dim3A_904 = vector.broadcast %add3A_819 : i32 to vector<16xi32>
      %select_n3A_905 = arith.select %gt3A_902, %broadcast_in_dim3A_904, %scan3A_817 : vector<16xi1>, vector<16xi32>
      scf.yield %select_n3A_826, %select_n3A_828, %select_n3A_837, %select_n3A_839, %select_n3A_848, %select_n3A_850, %select_n3A_859, %select_n3A_861, %select_n3A_870, %select_n3A_872, %select_n3A_881, %select_n3A_883, %select_n3A_892, %select_n3A_894, %select_n3A_903, %select_n3A_905 : vector<16xf32>, vector<16xi32>, vector<16xf32>, vector<16xi32>, vector<16xf32>, vector<16xi32>, vector<16xf32>, vector<16xi32>, vector<16xf32>, vector<16xi32>, vector<16xf32>, vector<16xi32>, vector<16xf32>, vector<16xi32>, vector<16xf32>, vector<16xi32>
    }
    %scan3A_164 = arith.constant 40 : i32
    %dma_wait3A_165 = arith.constant 160 : i32
    %dma_wait3A_166 = tpu.memref_slice %arg2[%select_n3A, %dma_wait3A_165, %mul3A_32] : memref<26x1000x1024xf32, #tpu.memory_space<hbm>> -> memref<1x40x128xf32, #tpu.memory_space<hbm>>
    %dma_wait3A_167 = tpu.memref_squeeze %dma_wait3A_166 : memref<1x40x128xf32, #tpu.memory_space<hbm>> -> memref<40x128xf32, #tpu.memory_space<hbm>>
    %dma_wait3A_168 = arith.constant 160 : i32
    %dma_wait3A_169 = tpu.memref_slice %arg2[%select_n3A, %dma_wait3A_168, %mul3A_32] : memref<26x1000x1024xf32, #tpu.memory_space<hbm>> -> memref<1x40x128xf32, #tpu.memory_space<hbm>>
    %dma_wait3A_170 = tpu.memref_squeeze %dma_wait3A_169 : memref<1x40x128xf32, #tpu.memory_space<hbm>> -> memref<40x128xf32, #tpu.memory_space<hbm>>
    tpu.wait_dma2 semaphore(%arg10 : memref<!tpu.dma_semaphore, #tpu.memory_space<semaphore_mem>>) src(%dma_wait3A_170 : memref<40x128xf32, #tpu.memory_space<hbm>>) dst(%arg5 : memref<40x128xf32, #tpu.memory_space<vmem>>)
    %dma_wait3A_171 = arith.constant 160 : i32
    %dma_wait3A_172 = tpu.memref_slice %arg3[%select_n3A, %dma_wait3A_171, %mul3A_32] : memref<26x1000x1024xf32, #tpu.memory_space<hbm>> -> memref<1x40x128xf32, #tpu.memory_space<hbm>>
    %dma_wait3A_173 = tpu.memref_squeeze %dma_wait3A_172 : memref<1x40x128xf32, #tpu.memory_space<hbm>> -> memref<40x128xf32, #tpu.memory_space<hbm>>
    %dma_wait3A_174 = arith.constant 160 : i32
    %dma_wait3A_175 = tpu.memref_slice %arg3[%select_n3A, %dma_wait3A_174, %mul3A_32] : memref<26x1000x1024xf32, #tpu.memory_space<hbm>> -> memref<1x40x128xf32, #tpu.memory_space<hbm>>
    %dma_wait3A_176 = tpu.memref_squeeze %dma_wait3A_175 : memref<1x40x128xf32, #tpu.memory_space<hbm>> -> memref<40x128xf32, #tpu.memory_space<hbm>>
    tpu.wait_dma2 semaphore(%arg11 : memref<!tpu.dma_semaphore, #tpu.memory_space<semaphore_mem>>) src(%dma_wait3A_176 : memref<40x128xf32, #tpu.memory_space<hbm>>) dst(%arg6 : memref<40x128xf32, #tpu.memory_space<vmem>>)
    %dma_start3A_177 = arith.constant 200 : i32
    %dma_start3A_178 = tpu.memref_slice %arg2[%select_n3A, %dma_start3A_177, %mul3A_32] : memref<26x1000x1024xf32, #tpu.memory_space<hbm>> -> memref<1x40x128xf32, #tpu.memory_space<hbm>>
    %dma_start3A_179 = tpu.memref_squeeze %dma_start3A_178 : memref<1x40x128xf32, #tpu.memory_space<hbm>> -> memref<40x128xf32, #tpu.memory_space<hbm>>
    %dma_start3A_180 = arith.constant 200 : i32
    %dma_start3A_181 = tpu.memref_slice %arg2[%select_n3A, %dma_start3A_180, %mul3A_32] : memref<26x1000x1024xf32, #tpu.memory_space<hbm>> -> memref<1x40x128xf32, #tpu.memory_space<hbm>>
    %dma_start3A_182 = tpu.memref_squeeze %dma_start3A_181 : memref<1x40x128xf32, #tpu.memory_space<hbm>> -> memref<40x128xf32, #tpu.memory_space<hbm>>
    tpu.enqueue_dma source(%dma_start3A_182 : memref<40x128xf32, #tpu.memory_space<hbm>>) target(%arg7 : memref<40x128xf32, #tpu.memory_space<vmem>>) target_semaphore(%arg10 : memref<!tpu.dma_semaphore, #tpu.memory_space<semaphore_mem>>)
    %dma_start3A_183 = arith.constant 200 : i32
    %dma_start3A_184 = tpu.memref_slice %arg3[%select_n3A, %dma_start3A_183, %mul3A_32] : memref<26x1000x1024xf32, #tpu.memory_space<hbm>> -> memref<1x40x128xf32, #tpu.memory_space<hbm>>
    %dma_start3A_185 = tpu.memref_squeeze %dma_start3A_184 : memref<1x40x128xf32, #tpu.memory_space<hbm>> -> memref<40x128xf32, #tpu.memory_space<hbm>>
    %dma_start3A_186 = arith.constant 200 : i32
    %dma_start3A_187 = tpu.memref_slice %arg3[%select_n3A, %dma_start3A_186, %mul3A_32] : memref<26x1000x1024xf32, #tpu.memory_space<hbm>> -> memref<1x40x128xf32, #tpu.memory_space<hbm>>
    %dma_start3A_188 = tpu.memref_squeeze %dma_start3A_187 : memref<1x40x128xf32, #tpu.memory_space<hbm>> -> memref<40x128xf32, #tpu.memory_space<hbm>>
    tpu.enqueue_dma source(%dma_start3A_188 : memref<40x128xf32, #tpu.memory_space<hbm>>) target(%arg8 : memref<40x128xf32, #tpu.memory_space<vmem>>) target_semaphore(%arg11 : memref<!tpu.dma_semaphore, #tpu.memory_space<semaphore_mem>>)
    %scan3A_189 = arith.constant 0 : i32
    %scan3A_190 = arith.constant 40 : i32
    %scan3A_191 = arith.addi %scan3A_189, %scan3A_190 : i32
    %scan3A_192 = arith.constant 1 : i32
    %scan3A_193:16 = scf.for %scan3A_801 = %scan3A_189 to %scan3A_191 step %scan3A_192 iter_args(%scan3A_802 = %scan3A_163#0, %scan3A_803 = %scan3A_163#1, %scan3A_804 = %scan3A_163#2, %scan3A_805 = %scan3A_163#3, %scan3A_806 = %scan3A_163#4, %scan3A_807 = %scan3A_163#5, %scan3A_808 = %scan3A_163#6, %scan3A_809 = %scan3A_163#7, %scan3A_810 = %scan3A_163#8, %scan3A_811 = %scan3A_163#9, %scan3A_812 = %scan3A_163#10, %scan3A_813 = %scan3A_163#11, %scan3A_814 = %scan3A_163#12, %scan3A_815 = %scan3A_163#13, %scan3A_816 = %scan3A_163#14, %scan3A_817 = %scan3A_163#15) -> (vector<16xf32>, vector<16xi32>, vector<16xf32>, vector<16xi32>, vector<16xf32>, vector<16xi32>, vector<16xf32>, vector<16xi32>, vector<16xf32>, vector<16xi32>, vector<16xf32>, vector<16xi32>, vector<16xf32>, vector<16xi32>, vector<16xf32>, vector<16xi32>)  : i32 {
      %add3A_818 = arith.constant 160 : i32
      %add3A_819 = arith.addi %add3A_818, %scan3A_801 : i32
      %get3A = arith.index_cast %scan3A_801 : i32 to index
      %get3A_820 = arith.constant 0 : index
      %get3A_821 = tpu.vector_load %arg5[%get3A, %get3A_820] {strides = array<i32>} : memref<40x128xf32, #tpu.memory_space<vmem>>, vector<16xf32>,
      %get3A_822 = arith.index_cast %scan3A_801 : i32 to index
      %get3A_823 = arith.constant 0 : index
      %get3A_824 = tpu.vector_load %arg6[%get3A_822, %get3A_823] {strides = array<i32>} : memref<40x128xf32, #tpu.memory_space<vmem>>, vector<16xf32>,
      %add3A_825 = arith.addf %get3A_821, %get3A_824 : vector<16xf32>
      %gt3A = arith.cmpf ogt, %add3A_825, %scan3A_802 : vector<16xf32>
      %select_n3A_826 = arith.select %gt3A, %add3A_825, %scan3A_802 : vector<16xi1>, vector<16xf32>
      %broadcast_in_dim3A_827 = vector.broadcast %add3A_819 : i32 to vector<16xi32>
      %select_n3A_828 = arith.select %gt3A, %broadcast_in_dim3A_827, %scan3A_803 : vector<16xi1>, vector<16xi32>
      %get3A_829 = arith.index_cast %scan3A_801 : i32 to index
      %get3A_830 = arith.constant 16 : index
      %get3A_831 = tpu.vector_load %arg5[%get3A_829, %get3A_830] {strides = array<i32>} : memref<40x128xf32, #tpu.memory_space<vmem>>, vector<16xf32>,
      %get3A_832 = arith.index_cast %scan3A_801 : i32 to index
      %get3A_833 = arith.constant 16 : index
      %get3A_834 = tpu.vector_load %arg6[%get3A_832, %get3A_833] {strides = array<i32>} : memref<40x128xf32, #tpu.memory_space<vmem>>, vector<16xf32>,
      %add3A_835 = arith.addf %get3A_831, %get3A_834 : vector<16xf32>
      %gt3A_836 = arith.cmpf ogt, %add3A_835, %scan3A_804 : vector<16xf32>
      %select_n3A_837 = arith.select %gt3A_836, %add3A_835, %scan3A_804 : vector<16xi1>, vector<16xf32>
      %broadcast_in_dim3A_838 = vector.broadcast %add3A_819 : i32 to vector<16xi32>
      %select_n3A_839 = arith.select %gt3A_836, %broadcast_in_dim3A_838, %scan3A_805 : vector<16xi1>, vector<16xi32>
      %get3A_840 = arith.index_cast %scan3A_801 : i32 to index
      %get3A_841 = arith.constant 32 : index
      %get3A_842 = tpu.vector_load %arg5[%get3A_840, %get3A_841] {strides = array<i32>} : memref<40x128xf32, #tpu.memory_space<vmem>>, vector<16xf32>,
      %get3A_843 = arith.index_cast %scan3A_801 : i32 to index
      %get3A_844 = arith.constant 32 : index
      %get3A_845 = tpu.vector_load %arg6[%get3A_843, %get3A_844] {strides = array<i32>} : memref<40x128xf32, #tpu.memory_space<vmem>>, vector<16xf32>,
      %add3A_846 = arith.addf %get3A_842, %get3A_845 : vector<16xf32>
      %gt3A_847 = arith.cmpf ogt, %add3A_846, %scan3A_806 : vector<16xf32>
      %select_n3A_848 = arith.select %gt3A_847, %add3A_846, %scan3A_806 : vector<16xi1>, vector<16xf32>
      %broadcast_in_dim3A_849 = vector.broadcast %add3A_819 : i32 to vector<16xi32>
      %select_n3A_850 = arith.select %gt3A_847, %broadcast_in_dim3A_849, %scan3A_807 : vector<16xi1>, vector<16xi32>
      %get3A_851 = arith.index_cast %scan3A_801 : i32 to index
      %get3A_852 = arith.constant 48 : index
      %get3A_853 = tpu.vector_load %arg5[%get3A_851, %get3A_852] {strides = array<i32>} : memref<40x128xf32, #tpu.memory_space<vmem>>, vector<16xf32>,
      %get3A_854 = arith.index_cast %scan3A_801 : i32 to index
      %get3A_855 = arith.constant 48 : index
      %get3A_856 = tpu.vector_load %arg6[%get3A_854, %get3A_855] {strides = array<i32>} : memref<40x128xf32, #tpu.memory_space<vmem>>, vector<16xf32>,
      %add3A_857 = arith.addf %get3A_853, %get3A_856 : vector<16xf32>
      %gt3A_858 = arith.cmpf ogt, %add3A_857, %scan3A_808 : vector<16xf32>
      %select_n3A_859 = arith.select %gt3A_858, %add3A_857, %scan3A_808 : vector<16xi1>, vector<16xf32>
      %broadcast_in_dim3A_860 = vector.broadcast %add3A_819 : i32 to vector<16xi32>
      %select_n3A_861 = arith.select %gt3A_858, %broadcast_in_dim3A_860, %scan3A_809 : vector<16xi1>, vector<16xi32>
      %get3A_862 = arith.index_cast %scan3A_801 : i32 to index
      %get3A_863 = arith.constant 64 : index
      %get3A_864 = tpu.vector_load %arg5[%get3A_862, %get3A_863] {strides = array<i32>} : memref<40x128xf32, #tpu.memory_space<vmem>>, vector<16xf32>,
      %get3A_865 = arith.index_cast %scan3A_801 : i32 to index
      %get3A_866 = arith.constant 64 : index
      %get3A_867 = tpu.vector_load %arg6[%get3A_865, %get3A_866] {strides = array<i32>} : memref<40x128xf32, #tpu.memory_space<vmem>>, vector<16xf32>,
      %add3A_868 = arith.addf %get3A_864, %get3A_867 : vector<16xf32>
      %gt3A_869 = arith.cmpf ogt, %add3A_868, %scan3A_810 : vector<16xf32>
      %select_n3A_870 = arith.select %gt3A_869, %add3A_868, %scan3A_810 : vector<16xi1>, vector<16xf32>
      %broadcast_in_dim3A_871 = vector.broadcast %add3A_819 : i32 to vector<16xi32>
      %select_n3A_872 = arith.select %gt3A_869, %broadcast_in_dim3A_871, %scan3A_811 : vector<16xi1>, vector<16xi32>
      %get3A_873 = arith.index_cast %scan3A_801 : i32 to index
      %get3A_874 = arith.constant 80 : index
      %get3A_875 = tpu.vector_load %arg5[%get3A_873, %get3A_874] {strides = array<i32>} : memref<40x128xf32, #tpu.memory_space<vmem>>, vector<16xf32>,
      %get3A_876 = arith.index_cast %scan3A_801 : i32 to index
      %get3A_877 = arith.constant 80 : index
      %get3A_878 = tpu.vector_load %arg6[%get3A_876, %get3A_877] {strides = array<i32>} : memref<40x128xf32, #tpu.memory_space<vmem>>, vector<16xf32>,
      %add3A_879 = arith.addf %get3A_875, %get3A_878 : vector<16xf32>
      %gt3A_880 = arith.cmpf ogt, %add3A_879, %scan3A_812 : vector<16xf32>
      %select_n3A_881 = arith.select %gt3A_880, %add3A_879, %scan3A_812 : vector<16xi1>, vector<16xf32>
      %broadcast_in_dim3A_882 = vector.broadcast %add3A_819 : i32 to vector<16xi32>
      %select_n3A_883 = arith.select %gt3A_880, %broadcast_in_dim3A_882, %scan3A_813 : vector<16xi1>, vector<16xi32>
      %get3A_884 = arith.index_cast %scan3A_801 : i32 to index
      %get3A_885 = arith.constant 96 : index
      %get3A_886 = tpu.vector_load %arg5[%get3A_884, %get3A_885] {strides = array<i32>} : memref<40x128xf32, #tpu.memory_space<vmem>>, vector<16xf32>,
      %get3A_887 = arith.index_cast %scan3A_801 : i32 to index
      %get3A_888 = arith.constant 96 : index
      %get3A_889 = tpu.vector_load %arg6[%get3A_887, %get3A_888] {strides = array<i32>} : memref<40x128xf32, #tpu.memory_space<vmem>>, vector<16xf32>,
      %add3A_890 = arith.addf %get3A_886, %get3A_889 : vector<16xf32>
      %gt3A_891 = arith.cmpf ogt, %add3A_890, %scan3A_814 : vector<16xf32>
      %select_n3A_892 = arith.select %gt3A_891, %add3A_890, %scan3A_814 : vector<16xi1>, vector<16xf32>
      %broadcast_in_dim3A_893 = vector.broadcast %add3A_819 : i32 to vector<16xi32>
      %select_n3A_894 = arith.select %gt3A_891, %broadcast_in_dim3A_893, %scan3A_815 : vector<16xi1>, vector<16xi32>
      %get3A_895 = arith.index_cast %scan3A_801 : i32 to index
      %get3A_896 = arith.constant 112 : index
      %get3A_897 = tpu.vector_load %arg5[%get3A_895, %get3A_896] {strides = array<i32>} : memref<40x128xf32, #tpu.memory_space<vmem>>, vector<16xf32>,
      %get3A_898 = arith.index_cast %scan3A_801 : i32 to index
      %get3A_899 = arith.constant 112 : index
      %get3A_900 = tpu.vector_load %arg6[%get3A_898, %get3A_899] {strides = array<i32>} : memref<40x128xf32, #tpu.memory_space<vmem>>, vector<16xf32>,
      %add3A_901 = arith.addf %get3A_897, %get3A_900 : vector<16xf32>
      %gt3A_902 = arith.cmpf ogt, %add3A_901, %scan3A_816 : vector<16xf32>
      %select_n3A_903 = arith.select %gt3A_902, %add3A_901, %scan3A_816 : vector<16xi1>, vector<16xf32>
      %broadcast_in_dim3A_904 = vector.broadcast %add3A_819 : i32 to vector<16xi32>
      %select_n3A_905 = arith.select %gt3A_902, %broadcast_in_dim3A_904, %scan3A_817 : vector<16xi1>, vector<16xi32>
      scf.yield %select_n3A_826, %select_n3A_828, %select_n3A_837, %select_n3A_839, %select_n3A_848, %select_n3A_850, %select_n3A_859, %select_n3A_861, %select_n3A_870, %select_n3A_872, %select_n3A_881, %select_n3A_883, %select_n3A_892, %select_n3A_894, %select_n3A_903, %select_n3A_905 : vector<16xf32>, vector<16xi32>, vector<16xf32>, vector<16xi32>, vector<16xf32>, vector<16xi32>, vector<16xf32>, vector<16xi32>, vector<16xf32>, vector<16xi32>, vector<16xf32>, vector<16xi32>, vector<16xf32>, vector<16xi32>, vector<16xf32>, vector<16xi32>
    }
    %scan3A_194 = arith.constant 40 : i32
    %dma_wait3A_195 = arith.constant 200 : i32
    %dma_wait3A_196 = tpu.memref_slice %arg2[%select_n3A, %dma_wait3A_195, %mul3A_32] : memref<26x1000x1024xf32, #tpu.memory_space<hbm>> -> memref<1x40x128xf32, #tpu.memory_space<hbm>>
    %dma_wait3A_197 = tpu.memref_squeeze %dma_wait3A_196 : memref<1x40x128xf32, #tpu.memory_space<hbm>> -> memref<40x128xf32, #tpu.memory_space<hbm>>
    %dma_wait3A_198 = arith.constant 200 : i32
    %dma_wait3A_199 = tpu.memref_slice %arg2[%select_n3A, %dma_wait3A_198, %mul3A_32] : memref<26x1000x1024xf32, #tpu.memory_space<hbm>> -> memref<1x40x128xf32, #tpu.memory_space<hbm>>
    %dma_wait3A_200 = tpu.memref_squeeze %dma_wait3A_199 : memref<1x40x128xf32, #tpu.memory_space<hbm>> -> memref<40x128xf32, #tpu.memory_space<hbm>>
    tpu.wait_dma2 semaphore(%arg10 : memref<!tpu.dma_semaphore, #tpu.memory_space<semaphore_mem>>) src(%dma_wait3A_200 : memref<40x128xf32, #tpu.memory_space<hbm>>) dst(%arg7 : memref<40x128xf32, #tpu.memory_space<vmem>>)
    %dma_wait3A_201 = arith.constant 200 : i32
    %dma_wait3A_202 = tpu.memref_slice %arg3[%select_n3A, %dma_wait3A_201, %mul3A_32] : memref<26x1000x1024xf32, #tpu.memory_space<hbm>> -> memref<1x40x128xf32, #tpu.memory_space<hbm>>
    %dma_wait3A_203 = tpu.memref_squeeze %dma_wait3A_202 : memref<1x40x128xf32, #tpu.memory_space<hbm>> -> memref<40x128xf32, #tpu.memory_space<hbm>>
    %dma_wait3A_204 = arith.constant 200 : i32
    %dma_wait3A_205 = tpu.memref_slice %arg3[%select_n3A, %dma_wait3A_204, %mul3A_32] : memref<26x1000x1024xf32, #tpu.memory_space<hbm>> -> memref<1x40x128xf32, #tpu.memory_space<hbm>>
    %dma_wait3A_206 = tpu.memref_squeeze %dma_wait3A_205 : memref<1x40x128xf32, #tpu.memory_space<hbm>> -> memref<40x128xf32, #tpu.memory_space<hbm>>
    tpu.wait_dma2 semaphore(%arg11 : memref<!tpu.dma_semaphore, #tpu.memory_space<semaphore_mem>>) src(%dma_wait3A_206 : memref<40x128xf32, #tpu.memory_space<hbm>>) dst(%arg8 : memref<40x128xf32, #tpu.memory_space<vmem>>)
    %dma_start3A_207 = arith.constant 240 : i32
    %dma_start3A_208 = tpu.memref_slice %arg2[%select_n3A, %dma_start3A_207, %mul3A_32] : memref<26x1000x1024xf32, #tpu.memory_space<hbm>> -> memref<1x40x128xf32, #tpu.memory_space<hbm>>
    %dma_start3A_209 = tpu.memref_squeeze %dma_start3A_208 : memref<1x40x128xf32, #tpu.memory_space<hbm>> -> memref<40x128xf32, #tpu.memory_space<hbm>>
    %dma_start3A_210 = arith.constant 240 : i32
    %dma_start3A_211 = tpu.memref_slice %arg2[%select_n3A, %dma_start3A_210, %mul3A_32] : memref<26x1000x1024xf32, #tpu.memory_space<hbm>> -> memref<1x40x128xf32, #tpu.memory_space<hbm>>
    %dma_start3A_212 = tpu.memref_squeeze %dma_start3A_211 : memref<1x40x128xf32, #tpu.memory_space<hbm>> -> memref<40x128xf32, #tpu.memory_space<hbm>>
    tpu.enqueue_dma source(%dma_start3A_212 : memref<40x128xf32, #tpu.memory_space<hbm>>) target(%arg5 : memref<40x128xf32, #tpu.memory_space<vmem>>) target_semaphore(%arg10 : memref<!tpu.dma_semaphore, #tpu.memory_space<semaphore_mem>>)
    %dma_start3A_213 = arith.constant 240 : i32
    %dma_start3A_214 = tpu.memref_slice %arg3[%select_n3A, %dma_start3A_213, %mul3A_32] : memref<26x1000x1024xf32, #tpu.memory_space<hbm>> -> memref<1x40x128xf32, #tpu.memory_space<hbm>>
    %dma_start3A_215 = tpu.memref_squeeze %dma_start3A_214 : memref<1x40x128xf32, #tpu.memory_space<hbm>> -> memref<40x128xf32, #tpu.memory_space<hbm>>
    %dma_start3A_216 = arith.constant 240 : i32
    %dma_start3A_217 = tpu.memref_slice %arg3[%select_n3A, %dma_start3A_216, %mul3A_32] : memref<26x1000x1024xf32, #tpu.memory_space<hbm>> -> memref<1x40x128xf32, #tpu.memory_space<hbm>>
    %dma_start3A_218 = tpu.memref_squeeze %dma_start3A_217 : memref<1x40x128xf32, #tpu.memory_space<hbm>> -> memref<40x128xf32, #tpu.memory_space<hbm>>
    tpu.enqueue_dma source(%dma_start3A_218 : memref<40x128xf32, #tpu.memory_space<hbm>>) target(%arg6 : memref<40x128xf32, #tpu.memory_space<vmem>>) target_semaphore(%arg11 : memref<!tpu.dma_semaphore, #tpu.memory_space<semaphore_mem>>)
    %scan3A_219 = arith.constant 0 : i32
    %scan3A_220 = arith.constant 40 : i32
    %scan3A_221 = arith.addi %scan3A_219, %scan3A_220 : i32
    %scan3A_222 = arith.constant 1 : i32
    %scan3A_223:16 = scf.for %scan3A_801 = %scan3A_219 to %scan3A_221 step %scan3A_222 iter_args(%scan3A_802 = %scan3A_193#0, %scan3A_803 = %scan3A_193#1, %scan3A_804 = %scan3A_193#2, %scan3A_805 = %scan3A_193#3, %scan3A_806 = %scan3A_193#4, %scan3A_807 = %scan3A_193#5, %scan3A_808 = %scan3A_193#6, %scan3A_809 = %scan3A_193#7, %scan3A_810 = %scan3A_193#8, %scan3A_811 = %scan3A_193#9, %scan3A_812 = %scan3A_193#10, %scan3A_813 = %scan3A_193#11, %scan3A_814 = %scan3A_193#12, %scan3A_815 = %scan3A_193#13, %scan3A_816 = %scan3A_193#14, %scan3A_817 = %scan3A_193#15) -> (vector<16xf32>, vector<16xi32>, vector<16xf32>, vector<16xi32>, vector<16xf32>, vector<16xi32>, vector<16xf32>, vector<16xi32>, vector<16xf32>, vector<16xi32>, vector<16xf32>, vector<16xi32>, vector<16xf32>, vector<16xi32>, vector<16xf32>, vector<16xi32>)  : i32 {
      %add3A_818 = arith.constant 200 : i32
      %add3A_819 = arith.addi %add3A_818, %scan3A_801 : i32
      %get3A = arith.index_cast %scan3A_801 : i32 to index
      %get3A_820 = arith.constant 0 : index
      %get3A_821 = tpu.vector_load %arg7[%get3A, %get3A_820] {strides = array<i32>} : memref<40x128xf32, #tpu.memory_space<vmem>>, vector<16xf32>,
      %get3A_822 = arith.index_cast %scan3A_801 : i32 to index
      %get3A_823 = arith.constant 0 : index
      %get3A_824 = tpu.vector_load %arg8[%get3A_822, %get3A_823] {strides = array<i32>} : memref<40x128xf32, #tpu.memory_space<vmem>>, vector<16xf32>,
      %add3A_825 = arith.addf %get3A_821, %get3A_824 : vector<16xf32>
      %gt3A = arith.cmpf ogt, %add3A_825, %scan3A_802 : vector<16xf32>
      %select_n3A_826 = arith.select %gt3A, %add3A_825, %scan3A_802 : vector<16xi1>, vector<16xf32>
      %broadcast_in_dim3A_827 = vector.broadcast %add3A_819 : i32 to vector<16xi32>
      %select_n3A_828 = arith.select %gt3A, %broadcast_in_dim3A_827, %scan3A_803 : vector<16xi1>, vector<16xi32>
      %get3A_829 = arith.index_cast %scan3A_801 : i32 to index
      %get3A_830 = arith.constant 16 : index
      %get3A_831 = tpu.vector_load %arg7[%get3A_829, %get3A_830] {strides = array<i32>} : memref<40x128xf32, #tpu.memory_space<vmem>>, vector<16xf32>,
      %get3A_832 = arith.index_cast %scan3A_801 : i32 to index
      %get3A_833 = arith.constant 16 : index
      %get3A_834 = tpu.vector_load %arg8[%get3A_832, %get3A_833] {strides = array<i32>} : memref<40x128xf32, #tpu.memory_space<vmem>>, vector<16xf32>,
      %add3A_835 = arith.addf %get3A_831, %get3A_834 : vector<16xf32>
      %gt3A_836 = arith.cmpf ogt, %add3A_835, %scan3A_804 : vector<16xf32>
      %select_n3A_837 = arith.select %gt3A_836, %add3A_835, %scan3A_804 : vector<16xi1>, vector<16xf32>
      %broadcast_in_dim3A_838 = vector.broadcast %add3A_819 : i32 to vector<16xi32>
      %select_n3A_839 = arith.select %gt3A_836, %broadcast_in_dim3A_838, %scan3A_805 : vector<16xi1>, vector<16xi32>
      %get3A_840 = arith.index_cast %scan3A_801 : i32 to index
      %get3A_841 = arith.constant 32 : index
      %get3A_842 = tpu.vector_load %arg7[%get3A_840, %get3A_841] {strides = array<i32>} : memref<40x128xf32, #tpu.memory_space<vmem>>, vector<16xf32>,
      %get3A_843 = arith.index_cast %scan3A_801 : i32 to index
      %get3A_844 = arith.constant 32 : index
      %get3A_845 = tpu.vector_load %arg8[%get3A_843, %get3A_844] {strides = array<i32>} : memref<40x128xf32, #tpu.memory_space<vmem>>, vector<16xf32>,
      %add3A_846 = arith.addf %get3A_842, %get3A_845 : vector<16xf32>
      %gt3A_847 = arith.cmpf ogt, %add3A_846, %scan3A_806 : vector<16xf32>
      %select_n3A_848 = arith.select %gt3A_847, %add3A_846, %scan3A_806 : vector<16xi1>, vector<16xf32>
      %broadcast_in_dim3A_849 = vector.broadcast %add3A_819 : i32 to vector<16xi32>
      %select_n3A_850 = arith.select %gt3A_847, %broadcast_in_dim3A_849, %scan3A_807 : vector<16xi1>, vector<16xi32>
      %get3A_851 = arith.index_cast %scan3A_801 : i32 to index
      %get3A_852 = arith.constant 48 : index
      %get3A_853 = tpu.vector_load %arg7[%get3A_851, %get3A_852] {strides = array<i32>} : memref<40x128xf32, #tpu.memory_space<vmem>>, vector<16xf32>,
      %get3A_854 = arith.index_cast %scan3A_801 : i32 to index
      %get3A_855 = arith.constant 48 : index
      %get3A_856 = tpu.vector_load %arg8[%get3A_854, %get3A_855] {strides = array<i32>} : memref<40x128xf32, #tpu.memory_space<vmem>>, vector<16xf32>,
      %add3A_857 = arith.addf %get3A_853, %get3A_856 : vector<16xf32>
      %gt3A_858 = arith.cmpf ogt, %add3A_857, %scan3A_808 : vector<16xf32>
      %select_n3A_859 = arith.select %gt3A_858, %add3A_857, %scan3A_808 : vector<16xi1>, vector<16xf32>
      %broadcast_in_dim3A_860 = vector.broadcast %add3A_819 : i32 to vector<16xi32>
      %select_n3A_861 = arith.select %gt3A_858, %broadcast_in_dim3A_860, %scan3A_809 : vector<16xi1>, vector<16xi32>
      %get3A_862 = arith.index_cast %scan3A_801 : i32 to index
      %get3A_863 = arith.constant 64 : index
      %get3A_864 = tpu.vector_load %arg7[%get3A_862, %get3A_863] {strides = array<i32>} : memref<40x128xf32, #tpu.memory_space<vmem>>, vector<16xf32>,
      %get3A_865 = arith.index_cast %scan3A_801 : i32 to index
      %get3A_866 = arith.constant 64 : index
      %get3A_867 = tpu.vector_load %arg8[%get3A_865, %get3A_866] {strides = array<i32>} : memref<40x128xf32, #tpu.memory_space<vmem>>, vector<16xf32>,
      %add3A_868 = arith.addf %get3A_864, %get3A_867 : vector<16xf32>
      %gt3A_869 = arith.cmpf ogt, %add3A_868, %scan3A_810 : vector<16xf32>
      %select_n3A_870 = arith.select %gt3A_869, %add3A_868, %scan3A_810 : vector<16xi1>, vector<16xf32>
      %broadcast_in_dim3A_871 = vector.broadcast %add3A_819 : i32 to vector<16xi32>
      %select_n3A_872 = arith.select %gt3A_869, %broadcast_in_dim3A_871, %scan3A_811 : vector<16xi1>, vector<16xi32>
      %get3A_873 = arith.index_cast %scan3A_801 : i32 to index
      %get3A_874 = arith.constant 80 : index
      %get3A_875 = tpu.vector_load %arg7[%get3A_873, %get3A_874] {strides = array<i32>} : memref<40x128xf32, #tpu.memory_space<vmem>>, vector<16xf32>,
      %get3A_876 = arith.index_cast %scan3A_801 : i32 to index
      %get3A_877 = arith.constant 80 : index
      %get3A_878 = tpu.vector_load %arg8[%get3A_876, %get3A_877] {strides = array<i32>} : memref<40x128xf32, #tpu.memory_space<vmem>>, vector<16xf32>,
      %add3A_879 = arith.addf %get3A_875, %get3A_878 : vector<16xf32>
      %gt3A_880 = arith.cmpf ogt, %add3A_879, %scan3A_812 : vector<16xf32>
      %select_n3A_881 = arith.select %gt3A_880, %add3A_879, %scan3A_812 : vector<16xi1>, vector<16xf32>
      %broadcast_in_dim3A_882 = vector.broadcast %add3A_819 : i32 to vector<16xi32>
      %select_n3A_883 = arith.select %gt3A_880, %broadcast_in_dim3A_882, %scan3A_813 : vector<16xi1>, vector<16xi32>
      %get3A_884 = arith.index_cast %scan3A_801 : i32 to index
      %get3A_885 = arith.constant 96 : index
      %get3A_886 = tpu.vector_load %arg7[%get3A_884, %get3A_885] {strides = array<i32>} : memref<40x128xf32, #tpu.memory_space<vmem>>, vector<16xf32>,
      %get3A_887 = arith.index_cast %scan3A_801 : i32 to index
      %get3A_888 = arith.constant 96 : index
      %get3A_889 = tpu.vector_load %arg8[%get3A_887, %get3A_888] {strides = array<i32>} : memref<40x128xf32, #tpu.memory_space<vmem>>, vector<16xf32>,
      %add3A_890 = arith.addf %get3A_886, %get3A_889 : vector<16xf32>
      %gt3A_891 = arith.cmpf ogt, %add3A_890, %scan3A_814 : vector<16xf32>
      %select_n3A_892 = arith.select %gt3A_891, %add3A_890, %scan3A_814 : vector<16xi1>, vector<16xf32>
      %broadcast_in_dim3A_893 = vector.broadcast %add3A_819 : i32 to vector<16xi32>
      %select_n3A_894 = arith.select %gt3A_891, %broadcast_in_dim3A_893, %scan3A_815 : vector<16xi1>, vector<16xi32>
      %get3A_895 = arith.index_cast %scan3A_801 : i32 to index
      %get3A_896 = arith.constant 112 : index
      %get3A_897 = tpu.vector_load %arg7[%get3A_895, %get3A_896] {strides = array<i32>} : memref<40x128xf32, #tpu.memory_space<vmem>>, vector<16xf32>,
      %get3A_898 = arith.index_cast %scan3A_801 : i32 to index
      %get3A_899 = arith.constant 112 : index
      %get3A_900 = tpu.vector_load %arg8[%get3A_898, %get3A_899] {strides = array<i32>} : memref<40x128xf32, #tpu.memory_space<vmem>>, vector<16xf32>,
      %add3A_901 = arith.addf %get3A_897, %get3A_900 : vector<16xf32>
      %gt3A_902 = arith.cmpf ogt, %add3A_901, %scan3A_816 : vector<16xf32>
      %select_n3A_903 = arith.select %gt3A_902, %add3A_901, %scan3A_816 : vector<16xi1>, vector<16xf32>
      %broadcast_in_dim3A_904 = vector.broadcast %add3A_819 : i32 to vector<16xi32>
      %select_n3A_905 = arith.select %gt3A_902, %broadcast_in_dim3A_904, %scan3A_817 : vector<16xi1>, vector<16xi32>
      scf.yield %select_n3A_826, %select_n3A_828, %select_n3A_837, %select_n3A_839, %select_n3A_848, %select_n3A_850, %select_n3A_859, %select_n3A_861, %select_n3A_870, %select_n3A_872, %select_n3A_881, %select_n3A_883, %select_n3A_892, %select_n3A_894, %select_n3A_903, %select_n3A_905 : vector<16xf32>, vector<16xi32>, vector<16xf32>, vector<16xi32>, vector<16xf32>, vector<16xi32>, vector<16xf32>, vector<16xi32>, vector<16xf32>, vector<16xi32>, vector<16xf32>, vector<16xi32>, vector<16xf32>, vector<16xi32>, vector<16xf32>, vector<16xi32>
    }
    %scan3A_224 = arith.constant 40 : i32
    %dma_wait3A_225 = arith.constant 240 : i32
    %dma_wait3A_226 = tpu.memref_slice %arg2[%select_n3A, %dma_wait3A_225, %mul3A_32] : memref<26x1000x1024xf32, #tpu.memory_space<hbm>> -> memref<1x40x128xf32, #tpu.memory_space<hbm>>
    %dma_wait3A_227 = tpu.memref_squeeze %dma_wait3A_226 : memref<1x40x128xf32, #tpu.memory_space<hbm>> -> memref<40x128xf32, #tpu.memory_space<hbm>>
    %dma_wait3A_228 = arith.constant 240 : i32
    %dma_wait3A_229 = tpu.memref_slice %arg2[%select_n3A, %dma_wait3A_228, %mul3A_32] : memref<26x1000x1024xf32, #tpu.memory_space<hbm>> -> memref<1x40x128xf32, #tpu.memory_space<hbm>>
    %dma_wait3A_230 = tpu.memref_squeeze %dma_wait3A_229 : memref<1x40x128xf32, #tpu.memory_space<hbm>> -> memref<40x128xf32, #tpu.memory_space<hbm>>
    tpu.wait_dma2 semaphore(%arg10 : memref<!tpu.dma_semaphore, #tpu.memory_space<semaphore_mem>>) src(%dma_wait3A_230 : memref<40x128xf32, #tpu.memory_space<hbm>>) dst(%arg5 : memref<40x128xf32, #tpu.memory_space<vmem>>)
    %dma_wait3A_231 = arith.constant 240 : i32
    %dma_wait3A_232 = tpu.memref_slice %arg3[%select_n3A, %dma_wait3A_231, %mul3A_32] : memref<26x1000x1024xf32, #tpu.memory_space<hbm>> -> memref<1x40x128xf32, #tpu.memory_space<hbm>>
    %dma_wait3A_233 = tpu.memref_squeeze %dma_wait3A_232 : memref<1x40x128xf32, #tpu.memory_space<hbm>> -> memref<40x128xf32, #tpu.memory_space<hbm>>
    %dma_wait3A_234 = arith.constant 240 : i32
    %dma_wait3A_235 = tpu.memref_slice %arg3[%select_n3A, %dma_wait3A_234, %mul3A_32] : memref<26x1000x1024xf32, #tpu.memory_space<hbm>> -> memref<1x40x128xf32, #tpu.memory_space<hbm>>
    %dma_wait3A_236 = tpu.memref_squeeze %dma_wait3A_235 : memref<1x40x128xf32, #tpu.memory_space<hbm>> -> memref<40x128xf32, #tpu.memory_space<hbm>>
    tpu.wait_dma2 semaphore(%arg11 : memref<!tpu.dma_semaphore, #tpu.memory_space<semaphore_mem>>) src(%dma_wait3A_236 : memref<40x128xf32, #tpu.memory_space<hbm>>) dst(%arg6 : memref<40x128xf32, #tpu.memory_space<vmem>>)
    %dma_start3A_237 = arith.constant 280 : i32
    %dma_start3A_238 = tpu.memref_slice %arg2[%select_n3A, %dma_start3A_237, %mul3A_32] : memref<26x1000x1024xf32, #tpu.memory_space<hbm>> -> memref<1x40x128xf32, #tpu.memory_space<hbm>>
    %dma_start3A_239 = tpu.memref_squeeze %dma_start3A_238 : memref<1x40x128xf32, #tpu.memory_space<hbm>> -> memref<40x128xf32, #tpu.memory_space<hbm>>
    %dma_start3A_240 = arith.constant 280 : i32
    %dma_start3A_241 = tpu.memref_slice %arg2[%select_n3A, %dma_start3A_240, %mul3A_32] : memref<26x1000x1024xf32, #tpu.memory_space<hbm>> -> memref<1x40x128xf32, #tpu.memory_space<hbm>>
    %dma_start3A_242 = tpu.memref_squeeze %dma_start3A_241 : memref<1x40x128xf32, #tpu.memory_space<hbm>> -> memref<40x128xf32, #tpu.memory_space<hbm>>
    tpu.enqueue_dma source(%dma_start3A_242 : memref<40x128xf32, #tpu.memory_space<hbm>>) target(%arg7 : memref<40x128xf32, #tpu.memory_space<vmem>>) target_semaphore(%arg10 : memref<!tpu.dma_semaphore, #tpu.memory_space<semaphore_mem>>)
    %dma_start3A_243 = arith.constant 280 : i32
    %dma_start3A_244 = tpu.memref_slice %arg3[%select_n3A, %dma_start3A_243, %mul3A_32] : memref<26x1000x1024xf32, #tpu.memory_space<hbm>> -> memref<1x40x128xf32, #tpu.memory_space<hbm>>
    %dma_start3A_245 = tpu.memref_squeeze %dma_start3A_244 : memref<1x40x128xf32, #tpu.memory_space<hbm>> -> memref<40x128xf32, #tpu.memory_space<hbm>>
    %dma_start3A_246 = arith.constant 280 : i32
    %dma_start3A_247 = tpu.memref_slice %arg3[%select_n3A, %dma_start3A_246, %mul3A_32] : memref<26x1000x1024xf32, #tpu.memory_space<hbm>> -> memref<1x40x128xf32, #tpu.memory_space<hbm>>
    %dma_start3A_248 = tpu.memref_squeeze %dma_start3A_247 : memref<1x40x128xf32, #tpu.memory_space<hbm>> -> memref<40x128xf32, #tpu.memory_space<hbm>>
    tpu.enqueue_dma source(%dma_start3A_248 : memref<40x128xf32, #tpu.memory_space<hbm>>) target(%arg8 : memref<40x128xf32, #tpu.memory_space<vmem>>) target_semaphore(%arg11 : memref<!tpu.dma_semaphore, #tpu.memory_space<semaphore_mem>>)
    %scan3A_249 = arith.constant 0 : i32
    %scan3A_250 = arith.constant 40 : i32
    %scan3A_251 = arith.addi %scan3A_249, %scan3A_250 : i32
    %scan3A_252 = arith.constant 1 : i32
    %scan3A_253:16 = scf.for %scan3A_801 = %scan3A_249 to %scan3A_251 step %scan3A_252 iter_args(%scan3A_802 = %scan3A_223#0, %scan3A_803 = %scan3A_223#1, %scan3A_804 = %scan3A_223#2, %scan3A_805 = %scan3A_223#3, %scan3A_806 = %scan3A_223#4, %scan3A_807 = %scan3A_223#5, %scan3A_808 = %scan3A_223#6, %scan3A_809 = %scan3A_223#7, %scan3A_810 = %scan3A_223#8, %scan3A_811 = %scan3A_223#9, %scan3A_812 = %scan3A_223#10, %scan3A_813 = %scan3A_223#11, %scan3A_814 = %scan3A_223#12, %scan3A_815 = %scan3A_223#13, %scan3A_816 = %scan3A_223#14, %scan3A_817 = %scan3A_223#15) -> (vector<16xf32>, vector<16xi32>, vector<16xf32>, vector<16xi32>, vector<16xf32>, vector<16xi32>, vector<16xf32>, vector<16xi32>, vector<16xf32>, vector<16xi32>, vector<16xf32>, vector<16xi32>, vector<16xf32>, vector<16xi32>, vector<16xf32>, vector<16xi32>)  : i32 {
      %add3A_818 = arith.constant 240 : i32
      %add3A_819 = arith.addi %add3A_818, %scan3A_801 : i32
      %get3A = arith.index_cast %scan3A_801 : i32 to index
      %get3A_820 = arith.constant 0 : index
      %get3A_821 = tpu.vector_load %arg5[%get3A, %get3A_820] {strides = array<i32>} : memref<40x128xf32, #tpu.memory_space<vmem>>, vector<16xf32>,
      %get3A_822 = arith.index_cast %scan3A_801 : i32 to index
      %get3A_823 = arith.constant 0 : index
      %get3A_824 = tpu.vector_load %arg6[%get3A_822, %get3A_823] {strides = array<i32>} : memref<40x128xf32, #tpu.memory_space<vmem>>, vector<16xf32>,
      %add3A_825 = arith.addf %get3A_821, %get3A_824 : vector<16xf32>
      %gt3A = arith.cmpf ogt, %add3A_825, %scan3A_802 : vector<16xf32>
      %select_n3A_826 = arith.select %gt3A, %add3A_825, %scan3A_802 : vector<16xi1>, vector<16xf32>
      %broadcast_in_dim3A_827 = vector.broadcast %add3A_819 : i32 to vector<16xi32>
      %select_n3A_828 = arith.select %gt3A, %broadcast_in_dim3A_827, %scan3A_803 : vector<16xi1>, vector<16xi32>
      %get3A_829 = arith.index_cast %scan3A_801 : i32 to index
      %get3A_830 = arith.constant 16 : index
      %get3A_831 = tpu.vector_load %arg5[%get3A_829, %get3A_830] {strides = array<i32>} : memref<40x128xf32, #tpu.memory_space<vmem>>, vector<16xf32>,
      %get3A_832 = arith.index_cast %scan3A_801 : i32 to index
      %get3A_833 = arith.constant 16 : index
      %get3A_834 = tpu.vector_load %arg6[%get3A_832, %get3A_833] {strides = array<i32>} : memref<40x128xf32, #tpu.memory_space<vmem>>, vector<16xf32>,
      %add3A_835 = arith.addf %get3A_831, %get3A_834 : vector<16xf32>
      %gt3A_836 = arith.cmpf ogt, %add3A_835, %scan3A_804 : vector<16xf32>
      %select_n3A_837 = arith.select %gt3A_836, %add3A_835, %scan3A_804 : vector<16xi1>, vector<16xf32>
      %broadcast_in_dim3A_838 = vector.broadcast %add3A_819 : i32 to vector<16xi32>
      %select_n3A_839 = arith.select %gt3A_836, %broadcast_in_dim3A_838, %scan3A_805 : vector<16xi1>, vector<16xi32>
      %get3A_840 = arith.index_cast %scan3A_801 : i32 to index
      %get3A_841 = arith.constant 32 : index
      %get3A_842 = tpu.vector_load %arg5[%get3A_840, %get3A_841] {strides = array<i32>} : memref<40x128xf32, #tpu.memory_space<vmem>>, vector<16xf32>,
      %get3A_843 = arith.index_cast %scan3A_801 : i32 to index
      %get3A_844 = arith.constant 32 : index
      %get3A_845 = tpu.vector_load %arg6[%get3A_843, %get3A_844] {strides = array<i32>} : memref<40x128xf32, #tpu.memory_space<vmem>>, vector<16xf32>,
      %add3A_846 = arith.addf %get3A_842, %get3A_845 : vector<16xf32>
      %gt3A_847 = arith.cmpf ogt, %add3A_846, %scan3A_806 : vector<16xf32>
      %select_n3A_848 = arith.select %gt3A_847, %add3A_846, %scan3A_806 : vector<16xi1>, vector<16xf32>
      %broadcast_in_dim3A_849 = vector.broadcast %add3A_819 : i32 to vector<16xi32>
      %select_n3A_850 = arith.select %gt3A_847, %broadcast_in_dim3A_849, %scan3A_807 : vector<16xi1>, vector<16xi32>
      %get3A_851 = arith.index_cast %scan3A_801 : i32 to index
      %get3A_852 = arith.constant 48 : index
      %get3A_853 = tpu.vector_load %arg5[%get3A_851, %get3A_852] {strides = array<i32>} : memref<40x128xf32, #tpu.memory_space<vmem>>, vector<16xf32>,
      %get3A_854 = arith.index_cast %scan3A_801 : i32 to index
      %get3A_855 = arith.constant 48 : index
      %get3A_856 = tpu.vector_load %arg6[%get3A_854, %get3A_855] {strides = array<i32>} : memref<40x128xf32, #tpu.memory_space<vmem>>, vector<16xf32>,
      %add3A_857 = arith.addf %get3A_853, %get3A_856 : vector<16xf32>
      %gt3A_858 = arith.cmpf ogt, %add3A_857, %scan3A_808 : vector<16xf32>
      %select_n3A_859 = arith.select %gt3A_858, %add3A_857, %scan3A_808 : vector<16xi1>, vector<16xf32>
      %broadcast_in_dim3A_860 = vector.broadcast %add3A_819 : i32 to vector<16xi32>
      %select_n3A_861 = arith.select %gt3A_858, %broadcast_in_dim3A_860, %scan3A_809 : vector<16xi1>, vector<16xi32>
      %get3A_862 = arith.index_cast %scan3A_801 : i32 to index
      %get3A_863 = arith.constant 64 : index
      %get3A_864 = tpu.vector_load %arg5[%get3A_862, %get3A_863] {strides = array<i32>} : memref<40x128xf32, #tpu.memory_space<vmem>>, vector<16xf32>,
      %get3A_865 = arith.index_cast %scan3A_801 : i32 to index
      %get3A_866 = arith.constant 64 : index
      %get3A_867 = tpu.vector_load %arg6[%get3A_865, %get3A_866] {strides = array<i32>} : memref<40x128xf32, #tpu.memory_space<vmem>>, vector<16xf32>,
      %add3A_868 = arith.addf %get3A_864, %get3A_867 : vector<16xf32>
      %gt3A_869 = arith.cmpf ogt, %add3A_868, %scan3A_810 : vector<16xf32>
      %select_n3A_870 = arith.select %gt3A_869, %add3A_868, %scan3A_810 : vector<16xi1>, vector<16xf32>
      %broadcast_in_dim3A_871 = vector.broadcast %add3A_819 : i32 to vector<16xi32>
      %select_n3A_872 = arith.select %gt3A_869, %broadcast_in_dim3A_871, %scan3A_811 : vector<16xi1>, vector<16xi32>
      %get3A_873 = arith.index_cast %scan3A_801 : i32 to index
      %get3A_874 = arith.constant 80 : index
      %get3A_875 = tpu.vector_load %arg5[%get3A_873, %get3A_874] {strides = array<i32>} : memref<40x128xf32, #tpu.memory_space<vmem>>, vector<16xf32>,
      %get3A_876 = arith.index_cast %scan3A_801 : i32 to index
      %get3A_877 = arith.constant 80 : index
      %get3A_878 = tpu.vector_load %arg6[%get3A_876, %get3A_877] {strides = array<i32>} : memref<40x128xf32, #tpu.memory_space<vmem>>, vector<16xf32>,
      %add3A_879 = arith.addf %get3A_875, %get3A_878 : vector<16xf32>
      %gt3A_880 = arith.cmpf ogt, %add3A_879, %scan3A_812 : vector<16xf32>
      %select_n3A_881 = arith.select %gt3A_880, %add3A_879, %scan3A_812 : vector<16xi1>, vector<16xf32>
      %broadcast_in_dim3A_882 = vector.broadcast %add3A_819 : i32 to vector<16xi32>
      %select_n3A_883 = arith.select %gt3A_880, %broadcast_in_dim3A_882, %scan3A_813 : vector<16xi1>, vector<16xi32>
      %get3A_884 = arith.index_cast %scan3A_801 : i32 to index
      %get3A_885 = arith.constant 96 : index
      %get3A_886 = tpu.vector_load %arg5[%get3A_884, %get3A_885] {strides = array<i32>} : memref<40x128xf32, #tpu.memory_space<vmem>>, vector<16xf32>,
      %get3A_887 = arith.index_cast %scan3A_801 : i32 to index
      %get3A_888 = arith.constant 96 : index
      %get3A_889 = tpu.vector_load %arg6[%get3A_887, %get3A_888] {strides = array<i32>} : memref<40x128xf32, #tpu.memory_space<vmem>>, vector<16xf32>,
      %add3A_890 = arith.addf %get3A_886, %get3A_889 : vector<16xf32>
      %gt3A_891 = arith.cmpf ogt, %add3A_890, %scan3A_814 : vector<16xf32>
      %select_n3A_892 = arith.select %gt3A_891, %add3A_890, %scan3A_814 : vector<16xi1>, vector<16xf32>
      %broadcast_in_dim3A_893 = vector.broadcast %add3A_819 : i32 to vector<16xi32>
      %select_n3A_894 = arith.select %gt3A_891, %broadcast_in_dim3A_893, %scan3A_815 : vector<16xi1>, vector<16xi32>
      %get3A_895 = arith.index_cast %scan3A_801 : i32 to index
      %get3A_896 = arith.constant 112 : index
      %get3A_897 = tpu.vector_load %arg5[%get3A_895, %get3A_896] {strides = array<i32>} : memref<40x128xf32, #tpu.memory_space<vmem>>, vector<16xf32>,
      %get3A_898 = arith.index_cast %scan3A_801 : i32 to index
      %get3A_899 = arith.constant 112 : index
      %get3A_900 = tpu.vector_load %arg6[%get3A_898, %get3A_899] {strides = array<i32>} : memref<40x128xf32, #tpu.memory_space<vmem>>, vector<16xf32>,
      %add3A_901 = arith.addf %get3A_897, %get3A_900 : vector<16xf32>
      %gt3A_902 = arith.cmpf ogt, %add3A_901, %scan3A_816 : vector<16xf32>
      %select_n3A_903 = arith.select %gt3A_902, %add3A_901, %scan3A_816 : vector<16xi1>, vector<16xf32>
      %broadcast_in_dim3A_904 = vector.broadcast %add3A_819 : i32 to vector<16xi32>
      %select_n3A_905 = arith.select %gt3A_902, %broadcast_in_dim3A_904, %scan3A_817 : vector<16xi1>, vector<16xi32>
      scf.yield %select_n3A_826, %select_n3A_828, %select_n3A_837, %select_n3A_839, %select_n3A_848, %select_n3A_850, %select_n3A_859, %select_n3A_861, %select_n3A_870, %select_n3A_872, %select_n3A_881, %select_n3A_883, %select_n3A_892, %select_n3A_894, %select_n3A_903, %select_n3A_905 : vector<16xf32>, vector<16xi32>, vector<16xf32>, vector<16xi32>, vector<16xf32>, vector<16xi32>, vector<16xf32>, vector<16xi32>, vector<16xf32>, vector<16xi32>, vector<16xf32>, vector<16xi32>, vector<16xf32>, vector<16xi32>, vector<16xf32>, vector<16xi32>
    }
    %scan3A_254 = arith.constant 40 : i32
    %dma_wait3A_255 = arith.constant 280 : i32
    %dma_wait3A_256 = tpu.memref_slice %arg2[%select_n3A, %dma_wait3A_255, %mul3A_32] : memref<26x1000x1024xf32, #tpu.memory_space<hbm>> -> memref<1x40x128xf32, #tpu.memory_space<hbm>>
    %dma_wait3A_257 = tpu.memref_squeeze %dma_wait3A_256 : memref<1x40x128xf32, #tpu.memory_space<hbm>> -> memref<40x128xf32, #tpu.memory_space<hbm>>
    %dma_wait3A_258 = arith.constant 280 : i32
    %dma_wait3A_259 = tpu.memref_slice %arg2[%select_n3A, %dma_wait3A_258, %mul3A_32] : memref<26x1000x1024xf32, #tpu.memory_space<hbm>> -> memref<1x40x128xf32, #tpu.memory_space<hbm>>
    %dma_wait3A_260 = tpu.memref_squeeze %dma_wait3A_259 : memref<1x40x128xf32, #tpu.memory_space<hbm>> -> memref<40x128xf32, #tpu.memory_space<hbm>>
    tpu.wait_dma2 semaphore(%arg10 : memref<!tpu.dma_semaphore, #tpu.memory_space<semaphore_mem>>) src(%dma_wait3A_260 : memref<40x128xf32, #tpu.memory_space<hbm>>) dst(%arg7 : memref<40x128xf32, #tpu.memory_space<vmem>>)
    %dma_wait3A_261 = arith.constant 280 : i32
    %dma_wait3A_262 = tpu.memref_slice %arg3[%select_n3A, %dma_wait3A_261, %mul3A_32] : memref<26x1000x1024xf32, #tpu.memory_space<hbm>> -> memref<1x40x128xf32, #tpu.memory_space<hbm>>
    %dma_wait3A_263 = tpu.memref_squeeze %dma_wait3A_262 : memref<1x40x128xf32, #tpu.memory_space<hbm>> -> memref<40x128xf32, #tpu.memory_space<hbm>>
    %dma_wait3A_264 = arith.constant 280 : i32
    %dma_wait3A_265 = tpu.memref_slice %arg3[%select_n3A, %dma_wait3A_264, %mul3A_32] : memref<26x1000x1024xf32, #tpu.memory_space<hbm>> -> memref<1x40x128xf32, #tpu.memory_space<hbm>>
    %dma_wait3A_266 = tpu.memref_squeeze %dma_wait3A_265 : memref<1x40x128xf32, #tpu.memory_space<hbm>> -> memref<40x128xf32, #tpu.memory_space<hbm>>
    tpu.wait_dma2 semaphore(%arg11 : memref<!tpu.dma_semaphore, #tpu.memory_space<semaphore_mem>>) src(%dma_wait3A_266 : memref<40x128xf32, #tpu.memory_space<hbm>>) dst(%arg8 : memref<40x128xf32, #tpu.memory_space<vmem>>)
    %dma_start3A_267 = arith.constant 320 : i32
    %dma_start3A_268 = tpu.memref_slice %arg2[%select_n3A, %dma_start3A_267, %mul3A_32] : memref<26x1000x1024xf32, #tpu.memory_space<hbm>> -> memref<1x40x128xf32, #tpu.memory_space<hbm>>
    %dma_start3A_269 = tpu.memref_squeeze %dma_start3A_268 : memref<1x40x128xf32, #tpu.memory_space<hbm>> -> memref<40x128xf32, #tpu.memory_space<hbm>>
    %dma_start3A_270 = arith.constant 320 : i32
    %dma_start3A_271 = tpu.memref_slice %arg2[%select_n3A, %dma_start3A_270, %mul3A_32] : memref<26x1000x1024xf32, #tpu.memory_space<hbm>> -> memref<1x40x128xf32, #tpu.memory_space<hbm>>
    %dma_start3A_272 = tpu.memref_squeeze %dma_start3A_271 : memref<1x40x128xf32, #tpu.memory_space<hbm>> -> memref<40x128xf32, #tpu.memory_space<hbm>>
    tpu.enqueue_dma source(%dma_start3A_272 : memref<40x128xf32, #tpu.memory_space<hbm>>) target(%arg5 : memref<40x128xf32, #tpu.memory_space<vmem>>) target_semaphore(%arg10 : memref<!tpu.dma_semaphore, #tpu.memory_space<semaphore_mem>>)
    %dma_start3A_273 = arith.constant 320 : i32
    %dma_start3A_274 = tpu.memref_slice %arg3[%select_n3A, %dma_start3A_273, %mul3A_32] : memref<26x1000x1024xf32, #tpu.memory_space<hbm>> -> memref<1x40x128xf32, #tpu.memory_space<hbm>>
    %dma_start3A_275 = tpu.memref_squeeze %dma_start3A_274 : memref<1x40x128xf32, #tpu.memory_space<hbm>> -> memref<40x128xf32, #tpu.memory_space<hbm>>
    %dma_start3A_276 = arith.constant 320 : i32
    %dma_start3A_277 = tpu.memref_slice %arg3[%select_n3A, %dma_start3A_276, %mul3A_32] : memref<26x1000x1024xf32, #tpu.memory_space<hbm>> -> memref<1x40x128xf32, #tpu.memory_space<hbm>>
    %dma_start3A_278 = tpu.memref_squeeze %dma_start3A_277 : memref<1x40x128xf32, #tpu.memory_space<hbm>> -> memref<40x128xf32, #tpu.memory_space<hbm>>
    tpu.enqueue_dma source(%dma_start3A_278 : memref<40x128xf32, #tpu.memory_space<hbm>>) target(%arg6 : memref<40x128xf32, #tpu.memory_space<vmem>>) target_semaphore(%arg11 : memref<!tpu.dma_semaphore, #tpu.memory_space<semaphore_mem>>)
    %scan3A_279 = arith.constant 0 : i32
    %scan3A_280 = arith.constant 40 : i32
    %scan3A_281 = arith.addi %scan3A_279, %scan3A_280 : i32
    %scan3A_282 = arith.constant 1 : i32
    %scan3A_283:16 = scf.for %scan3A_801 = %scan3A_279 to %scan3A_281 step %scan3A_282 iter_args(%scan3A_802 = %scan3A_253#0, %scan3A_803 = %scan3A_253#1, %scan3A_804 = %scan3A_253#2, %scan3A_805 = %scan3A_253#3, %scan3A_806 = %scan3A_253#4, %scan3A_807 = %scan3A_253#5, %scan3A_808 = %scan3A_253#6, %scan3A_809 = %scan3A_253#7, %scan3A_810 = %scan3A_253#8, %scan3A_811 = %scan3A_253#9, %scan3A_812 = %scan3A_253#10, %scan3A_813 = %scan3A_253#11, %scan3A_814 = %scan3A_253#12, %scan3A_815 = %scan3A_253#13, %scan3A_816 = %scan3A_253#14, %scan3A_817 = %scan3A_253#15) -> (vector<16xf32>, vector<16xi32>, vector<16xf32>, vector<16xi32>, vector<16xf32>, vector<16xi32>, vector<16xf32>, vector<16xi32>, vector<16xf32>, vector<16xi32>, vector<16xf32>, vector<16xi32>, vector<16xf32>, vector<16xi32>, vector<16xf32>, vector<16xi32>)  : i32 {
      %add3A_818 = arith.constant 280 : i32
      %add3A_819 = arith.addi %add3A_818, %scan3A_801 : i32
      %get3A = arith.index_cast %scan3A_801 : i32 to index
      %get3A_820 = arith.constant 0 : index
      %get3A_821 = tpu.vector_load %arg7[%get3A, %get3A_820] {strides = array<i32>} : memref<40x128xf32, #tpu.memory_space<vmem>>, vector<16xf32>,
      %get3A_822 = arith.index_cast %scan3A_801 : i32 to index
      %get3A_823 = arith.constant 0 : index
      %get3A_824 = tpu.vector_load %arg8[%get3A_822, %get3A_823] {strides = array<i32>} : memref<40x128xf32, #tpu.memory_space<vmem>>, vector<16xf32>,
      %add3A_825 = arith.addf %get3A_821, %get3A_824 : vector<16xf32>
      %gt3A = arith.cmpf ogt, %add3A_825, %scan3A_802 : vector<16xf32>
      %select_n3A_826 = arith.select %gt3A, %add3A_825, %scan3A_802 : vector<16xi1>, vector<16xf32>
      %broadcast_in_dim3A_827 = vector.broadcast %add3A_819 : i32 to vector<16xi32>
      %select_n3A_828 = arith.select %gt3A, %broadcast_in_dim3A_827, %scan3A_803 : vector<16xi1>, vector<16xi32>
      %get3A_829 = arith.index_cast %scan3A_801 : i32 to index
      %get3A_830 = arith.constant 16 : index
      %get3A_831 = tpu.vector_load %arg7[%get3A_829, %get3A_830] {strides = array<i32>} : memref<40x128xf32, #tpu.memory_space<vmem>>, vector<16xf32>,
      %get3A_832 = arith.index_cast %scan3A_801 : i32 to index
      %get3A_833 = arith.constant 16 : index
      %get3A_834 = tpu.vector_load %arg8[%get3A_832, %get3A_833] {strides = array<i32>} : memref<40x128xf32, #tpu.memory_space<vmem>>, vector<16xf32>,
      %add3A_835 = arith.addf %get3A_831, %get3A_834 : vector<16xf32>
      %gt3A_836 = arith.cmpf ogt, %add3A_835, %scan3A_804 : vector<16xf32>
      %select_n3A_837 = arith.select %gt3A_836, %add3A_835, %scan3A_804 : vector<16xi1>, vector<16xf32>
      %broadcast_in_dim3A_838 = vector.broadcast %add3A_819 : i32 to vector<16xi32>
      %select_n3A_839 = arith.select %gt3A_836, %broadcast_in_dim3A_838, %scan3A_805 : vector<16xi1>, vector<16xi32>
      %get3A_840 = arith.index_cast %scan3A_801 : i32 to index
      %get3A_841 = arith.constant 32 : index
      %get3A_842 = tpu.vector_load %arg7[%get3A_840, %get3A_841] {strides = array<i32>} : memref<40x128xf32, #tpu.memory_space<vmem>>, vector<16xf32>,
      %get3A_843 = arith.index_cast %scan3A_801 : i32 to index
      %get3A_844 = arith.constant 32 : index
      %get3A_845 = tpu.vector_load %arg8[%get3A_843, %get3A_844] {strides = array<i32>} : memref<40x128xf32, #tpu.memory_space<vmem>>, vector<16xf32>,
      %add3A_846 = arith.addf %get3A_842, %get3A_845 : vector<16xf32>
      %gt3A_847 = arith.cmpf ogt, %add3A_846, %scan3A_806 : vector<16xf32>
      %select_n3A_848 = arith.select %gt3A_847, %add3A_846, %scan3A_806 : vector<16xi1>, vector<16xf32>
      %broadcast_in_dim3A_849 = vector.broadcast %add3A_819 : i32 to vector<16xi32>
      %select_n3A_850 = arith.select %gt3A_847, %broadcast_in_dim3A_849, %scan3A_807 : vector<16xi1>, vector<16xi32>
      %get3A_851 = arith.index_cast %scan3A_801 : i32 to index
      %get3A_852 = arith.constant 48 : index
      %get3A_853 = tpu.vector_load %arg7[%get3A_851, %get3A_852] {strides = array<i32>} : memref<40x128xf32, #tpu.memory_space<vmem>>, vector<16xf32>,
      %get3A_854 = arith.index_cast %scan3A_801 : i32 to index
      %get3A_855 = arith.constant 48 : index
      %get3A_856 = tpu.vector_load %arg8[%get3A_854, %get3A_855] {strides = array<i32>} : memref<40x128xf32, #tpu.memory_space<vmem>>, vector<16xf32>,
      %add3A_857 = arith.addf %get3A_853, %get3A_856 : vector<16xf32>
      %gt3A_858 = arith.cmpf ogt, %add3A_857, %scan3A_808 : vector<16xf32>
      %select_n3A_859 = arith.select %gt3A_858, %add3A_857, %scan3A_808 : vector<16xi1>, vector<16xf32>
      %broadcast_in_dim3A_860 = vector.broadcast %add3A_819 : i32 to vector<16xi32>
      %select_n3A_861 = arith.select %gt3A_858, %broadcast_in_dim3A_860, %scan3A_809 : vector<16xi1>, vector<16xi32>
      %get3A_862 = arith.index_cast %scan3A_801 : i32 to index
      %get3A_863 = arith.constant 64 : index
      %get3A_864 = tpu.vector_load %arg7[%get3A_862, %get3A_863] {strides = array<i32>} : memref<40x128xf32, #tpu.memory_space<vmem>>, vector<16xf32>,
      %get3A_865 = arith.index_cast %scan3A_801 : i32 to index
      %get3A_866 = arith.constant 64 : index
      %get3A_867 = tpu.vector_load %arg8[%get3A_865, %get3A_866] {strides = array<i32>} : memref<40x128xf32, #tpu.memory_space<vmem>>, vector<16xf32>,
      %add3A_868 = arith.addf %get3A_864, %get3A_867 : vector<16xf32>
      %gt3A_869 = arith.cmpf ogt, %add3A_868, %scan3A_810 : vector<16xf32>
      %select_n3A_870 = arith.select %gt3A_869, %add3A_868, %scan3A_810 : vector<16xi1>, vector<16xf32>
      %broadcast_in_dim3A_871 = vector.broadcast %add3A_819 : i32 to vector<16xi32>
      %select_n3A_872 = arith.select %gt3A_869, %broadcast_in_dim3A_871, %scan3A_811 : vector<16xi1>, vector<16xi32>
      %get3A_873 = arith.index_cast %scan3A_801 : i32 to index
      %get3A_874 = arith.constant 80 : index
      %get3A_875 = tpu.vector_load %arg7[%get3A_873, %get3A_874] {strides = array<i32>} : memref<40x128xf32, #tpu.memory_space<vmem>>, vector<16xf32>,
      %get3A_876 = arith.index_cast %scan3A_801 : i32 to index
      %get3A_877 = arith.constant 80 : index
      %get3A_878 = tpu.vector_load %arg8[%get3A_876, %get3A_877] {strides = array<i32>} : memref<40x128xf32, #tpu.memory_space<vmem>>, vector<16xf32>,
      %add3A_879 = arith.addf %get3A_875, %get3A_878 : vector<16xf32>
      %gt3A_880 = arith.cmpf ogt, %add3A_879, %scan3A_812 : vector<16xf32>
      %select_n3A_881 = arith.select %gt3A_880, %add3A_879, %scan3A_812 : vector<16xi1>, vector<16xf32>
      %broadcast_in_dim3A_882 = vector.broadcast %add3A_819 : i32 to vector<16xi32>
      %select_n3A_883 = arith.select %gt3A_880, %broadcast_in_dim3A_882, %scan3A_813 : vector<16xi1>, vector<16xi32>
      %get3A_884 = arith.index_cast %scan3A_801 : i32 to index
      %get3A_885 = arith.constant 96 : index
      %get3A_886 = tpu.vector_load %arg7[%get3A_884, %get3A_885] {strides = array<i32>} : memref<40x128xf32, #tpu.memory_space<vmem>>, vector<16xf32>,
      %get3A_887 = arith.index_cast %scan3A_801 : i32 to index
      %get3A_888 = arith.constant 96 : index
      %get3A_889 = tpu.vector_load %arg8[%get3A_887, %get3A_888] {strides = array<i32>} : memref<40x128xf32, #tpu.memory_space<vmem>>, vector<16xf32>,
      %add3A_890 = arith.addf %get3A_886, %get3A_889 : vector<16xf32>
      %gt3A_891 = arith.cmpf ogt, %add3A_890, %scan3A_814 : vector<16xf32>
      %select_n3A_892 = arith.select %gt3A_891, %add3A_890, %scan3A_814 : vector<16xi1>, vector<16xf32>
      %broadcast_in_dim3A_893 = vector.broadcast %add3A_819 : i32 to vector<16xi32>
      %select_n3A_894 = arith.select %gt3A_891, %broadcast_in_dim3A_893, %scan3A_815 : vector<16xi1>, vector<16xi32>
      %get3A_895 = arith.index_cast %scan3A_801 : i32 to index
      %get3A_896 = arith.constant 112 : index
      %get3A_897 = tpu.vector_load %arg7[%get3A_895, %get3A_896] {strides = array<i32>} : memref<40x128xf32, #tpu.memory_space<vmem>>, vector<16xf32>,
      %get3A_898 = arith.index_cast %scan3A_801 : i32 to index
      %get3A_899 = arith.constant 112 : index
      %get3A_900 = tpu.vector_load %arg8[%get3A_898, %get3A_899] {strides = array<i32>} : memref<40x128xf32, #tpu.memory_space<vmem>>, vector<16xf32>,
      %add3A_901 = arith.addf %get3A_897, %get3A_900 : vector<16xf32>
      %gt3A_902 = arith.cmpf ogt, %add3A_901, %scan3A_816 : vector<16xf32>
      %select_n3A_903 = arith.select %gt3A_902, %add3A_901, %scan3A_816 : vector<16xi1>, vector<16xf32>
      %broadcast_in_dim3A_904 = vector.broadcast %add3A_819 : i32 to vector<16xi32>
      %select_n3A_905 = arith.select %gt3A_902, %broadcast_in_dim3A_904, %scan3A_817 : vector<16xi1>, vector<16xi32>
      scf.yield %select_n3A_826, %select_n3A_828, %select_n3A_837, %select_n3A_839, %select_n3A_848, %select_n3A_850, %select_n3A_859, %select_n3A_861, %select_n3A_870, %select_n3A_872, %select_n3A_881, %select_n3A_883, %select_n3A_892, %select_n3A_894, %select_n3A_903, %select_n3A_905 : vector<16xf32>, vector<16xi32>, vector<16xf32>, vector<16xi32>, vector<16xf32>, vector<16xi32>, vector<16xf32>, vector<16xi32>, vector<16xf32>, vector<16xi32>, vector<16xf32>, vector<16xi32>, vector<16xf32>, vector<16xi32>, vector<16xf32>, vector<16xi32>
    }
    %scan3A_284 = arith.constant 40 : i32
    %dma_wait3A_285 = arith.constant 320 : i32
    %dma_wait3A_286 = tpu.memref_slice %arg2[%select_n3A, %dma_wait3A_285, %mul3A_32] : memref<26x1000x1024xf32, #tpu.memory_space<hbm>> -> memref<1x40x128xf32, #tpu.memory_space<hbm>>
    %dma_wait3A_287 = tpu.memref_squeeze %dma_wait3A_286 : memref<1x40x128xf32, #tpu.memory_space<hbm>> -> memref<40x128xf32, #tpu.memory_space<hbm>>
    %dma_wait3A_288 = arith.constant 320 : i32
    %dma_wait3A_289 = tpu.memref_slice %arg2[%select_n3A, %dma_wait3A_288, %mul3A_32] : memref<26x1000x1024xf32, #tpu.memory_space<hbm>> -> memref<1x40x128xf32, #tpu.memory_space<hbm>>
    %dma_wait3A_290 = tpu.memref_squeeze %dma_wait3A_289 : memref<1x40x128xf32, #tpu.memory_space<hbm>> -> memref<40x128xf32, #tpu.memory_space<hbm>>
    tpu.wait_dma2 semaphore(%arg10 : memref<!tpu.dma_semaphore, #tpu.memory_space<semaphore_mem>>) src(%dma_wait3A_290 : memref<40x128xf32, #tpu.memory_space<hbm>>) dst(%arg5 : memref<40x128xf32, #tpu.memory_space<vmem>>)
    %dma_wait3A_291 = arith.constant 320 : i32
    %dma_wait3A_292 = tpu.memref_slice %arg3[%select_n3A, %dma_wait3A_291, %mul3A_32] : memref<26x1000x1024xf32, #tpu.memory_space<hbm>> -> memref<1x40x128xf32, #tpu.memory_space<hbm>>
    %dma_wait3A_293 = tpu.memref_squeeze %dma_wait3A_292 : memref<1x40x128xf32, #tpu.memory_space<hbm>> -> memref<40x128xf32, #tpu.memory_space<hbm>>
    %dma_wait3A_294 = arith.constant 320 : i32
    %dma_wait3A_295 = tpu.memref_slice %arg3[%select_n3A, %dma_wait3A_294, %mul3A_32] : memref<26x1000x1024xf32, #tpu.memory_space<hbm>> -> memref<1x40x128xf32, #tpu.memory_space<hbm>>
    %dma_wait3A_296 = tpu.memref_squeeze %dma_wait3A_295 : memref<1x40x128xf32, #tpu.memory_space<hbm>> -> memref<40x128xf32, #tpu.memory_space<hbm>>
    tpu.wait_dma2 semaphore(%arg11 : memref<!tpu.dma_semaphore, #tpu.memory_space<semaphore_mem>>) src(%dma_wait3A_296 : memref<40x128xf32, #tpu.memory_space<hbm>>) dst(%arg6 : memref<40x128xf32, #tpu.memory_space<vmem>>)
    %dma_start3A_297 = arith.constant 360 : i32
    %dma_start3A_298 = tpu.memref_slice %arg2[%select_n3A, %dma_start3A_297, %mul3A_32] : memref<26x1000x1024xf32, #tpu.memory_space<hbm>> -> memref<1x40x128xf32, #tpu.memory_space<hbm>>
    %dma_start3A_299 = tpu.memref_squeeze %dma_start3A_298 : memref<1x40x128xf32, #tpu.memory_space<hbm>> -> memref<40x128xf32, #tpu.memory_space<hbm>>
    %dma_start3A_300 = arith.constant 360 : i32
    %dma_start3A_301 = tpu.memref_slice %arg2[%select_n3A, %dma_start3A_300, %mul3A_32] : memref<26x1000x1024xf32, #tpu.memory_space<hbm>> -> memref<1x40x128xf32, #tpu.memory_space<hbm>>
    %dma_start3A_302 = tpu.memref_squeeze %dma_start3A_301 : memref<1x40x128xf32, #tpu.memory_space<hbm>> -> memref<40x128xf32, #tpu.memory_space<hbm>>
    tpu.enqueue_dma source(%dma_start3A_302 : memref<40x128xf32, #tpu.memory_space<hbm>>) target(%arg7 : memref<40x128xf32, #tpu.memory_space<vmem>>) target_semaphore(%arg10 : memref<!tpu.dma_semaphore, #tpu.memory_space<semaphore_mem>>)
    %dma_start3A_303 = arith.constant 360 : i32
    %dma_start3A_304 = tpu.memref_slice %arg3[%select_n3A, %dma_start3A_303, %mul3A_32] : memref<26x1000x1024xf32, #tpu.memory_space<hbm>> -> memref<1x40x128xf32, #tpu.memory_space<hbm>>
    %dma_start3A_305 = tpu.memref_squeeze %dma_start3A_304 : memref<1x40x128xf32, #tpu.memory_space<hbm>> -> memref<40x128xf32, #tpu.memory_space<hbm>>
    %dma_start3A_306 = arith.constant 360 : i32
    %dma_start3A_307 = tpu.memref_slice %arg3[%select_n3A, %dma_start3A_306, %mul3A_32] : memref<26x1000x1024xf32, #tpu.memory_space<hbm>> -> memref<1x40x128xf32, #tpu.memory_space<hbm>>
    %dma_start3A_308 = tpu.memref_squeeze %dma_start3A_307 : memref<1x40x128xf32, #tpu.memory_space<hbm>> -> memref<40x128xf32, #tpu.memory_space<hbm>>
    tpu.enqueue_dma source(%dma_start3A_308 : memref<40x128xf32, #tpu.memory_space<hbm>>) target(%arg8 : memref<40x128xf32, #tpu.memory_space<vmem>>) target_semaphore(%arg11 : memref<!tpu.dma_semaphore, #tpu.memory_space<semaphore_mem>>)
    %scan3A_309 = arith.constant 0 : i32
    %scan3A_310 = arith.constant 40 : i32
    %scan3A_311 = arith.addi %scan3A_309, %scan3A_310 : i32
    %scan3A_312 = arith.constant 1 : i32
    %scan3A_313:16 = scf.for %scan3A_801 = %scan3A_309 to %scan3A_311 step %scan3A_312 iter_args(%scan3A_802 = %scan3A_283#0, %scan3A_803 = %scan3A_283#1, %scan3A_804 = %scan3A_283#2, %scan3A_805 = %scan3A_283#3, %scan3A_806 = %scan3A_283#4, %scan3A_807 = %scan3A_283#5, %scan3A_808 = %scan3A_283#6, %scan3A_809 = %scan3A_283#7, %scan3A_810 = %scan3A_283#8, %scan3A_811 = %scan3A_283#9, %scan3A_812 = %scan3A_283#10, %scan3A_813 = %scan3A_283#11, %scan3A_814 = %scan3A_283#12, %scan3A_815 = %scan3A_283#13, %scan3A_816 = %scan3A_283#14, %scan3A_817 = %scan3A_283#15) -> (vector<16xf32>, vector<16xi32>, vector<16xf32>, vector<16xi32>, vector<16xf32>, vector<16xi32>, vector<16xf32>, vector<16xi32>, vector<16xf32>, vector<16xi32>, vector<16xf32>, vector<16xi32>, vector<16xf32>, vector<16xi32>, vector<16xf32>, vector<16xi32>)  : i32 {
      %add3A_818 = arith.constant 320 : i32
      %add3A_819 = arith.addi %add3A_818, %scan3A_801 : i32
      %get3A = arith.index_cast %scan3A_801 : i32 to index
      %get3A_820 = arith.constant 0 : index
      %get3A_821 = tpu.vector_load %arg5[%get3A, %get3A_820] {strides = array<i32>} : memref<40x128xf32, #tpu.memory_space<vmem>>, vector<16xf32>,
      %get3A_822 = arith.index_cast %scan3A_801 : i32 to index
      %get3A_823 = arith.constant 0 : index
      %get3A_824 = tpu.vector_load %arg6[%get3A_822, %get3A_823] {strides = array<i32>} : memref<40x128xf32, #tpu.memory_space<vmem>>, vector<16xf32>,
      %add3A_825 = arith.addf %get3A_821, %get3A_824 : vector<16xf32>
      %gt3A = arith.cmpf ogt, %add3A_825, %scan3A_802 : vector<16xf32>
      %select_n3A_826 = arith.select %gt3A, %add3A_825, %scan3A_802 : vector<16xi1>, vector<16xf32>
      %broadcast_in_dim3A_827 = vector.broadcast %add3A_819 : i32 to vector<16xi32>
      %select_n3A_828 = arith.select %gt3A, %broadcast_in_dim3A_827, %scan3A_803 : vector<16xi1>, vector<16xi32>
      %get3A_829 = arith.index_cast %scan3A_801 : i32 to index
      %get3A_830 = arith.constant 16 : index
      %get3A_831 = tpu.vector_load %arg5[%get3A_829, %get3A_830] {strides = array<i32>} : memref<40x128xf32, #tpu.memory_space<vmem>>, vector<16xf32>,
      %get3A_832 = arith.index_cast %scan3A_801 : i32 to index
      %get3A_833 = arith.constant 16 : index
      %get3A_834 = tpu.vector_load %arg6[%get3A_832, %get3A_833] {strides = array<i32>} : memref<40x128xf32, #tpu.memory_space<vmem>>, vector<16xf32>,
      %add3A_835 = arith.addf %get3A_831, %get3A_834 : vector<16xf32>
      %gt3A_836 = arith.cmpf ogt, %add3A_835, %scan3A_804 : vector<16xf32>
      %select_n3A_837 = arith.select %gt3A_836, %add3A_835, %scan3A_804 : vector<16xi1>, vector<16xf32>
      %broadcast_in_dim3A_838 = vector.broadcast %add3A_819 : i32 to vector<16xi32>
      %select_n3A_839 = arith.select %gt3A_836, %broadcast_in_dim3A_838, %scan3A_805 : vector<16xi1>, vector<16xi32>
      %get3A_840 = arith.index_cast %scan3A_801 : i32 to index
      %get3A_841 = arith.constant 32 : index
      %get3A_842 = tpu.vector_load %arg5[%get3A_840, %get3A_841] {strides = array<i32>} : memref<40x128xf32, #tpu.memory_space<vmem>>, vector<16xf32>,
      %get3A_843 = arith.index_cast %scan3A_801 : i32 to index
      %get3A_844 = arith.constant 32 : index
      %get3A_845 = tpu.vector_load %arg6[%get3A_843, %get3A_844] {strides = array<i32>} : memref<40x128xf32, #tpu.memory_space<vmem>>, vector<16xf32>,
      %add3A_846 = arith.addf %get3A_842, %get3A_845 : vector<16xf32>
      %gt3A_847 = arith.cmpf ogt, %add3A_846, %scan3A_806 : vector<16xf32>
      %select_n3A_848 = arith.select %gt3A_847, %add3A_846, %scan3A_806 : vector<16xi1>, vector<16xf32>
      %broadcast_in_dim3A_849 = vector.broadcast %add3A_819 : i32 to vector<16xi32>
      %select_n3A_850 = arith.select %gt3A_847, %broadcast_in_dim3A_849, %scan3A_807 : vector<16xi1>, vector<16xi32>
      %get3A_851 = arith.index_cast %scan3A_801 : i32 to index
      %get3A_852 = arith.constant 48 : index
      %get3A_853 = tpu.vector_load %arg5[%get3A_851, %get3A_852] {strides = array<i32>} : memref<40x128xf32, #tpu.memory_space<vmem>>, vector<16xf32>,
      %get3A_854 = arith.index_cast %scan3A_801 : i32 to index
      %get3A_855 = arith.constant 48 : index
      %get3A_856 = tpu.vector_load %arg6[%get3A_854, %get3A_855] {strides = array<i32>} : memref<40x128xf32, #tpu.memory_space<vmem>>, vector<16xf32>,
      %add3A_857 = arith.addf %get3A_853, %get3A_856 : vector<16xf32>
      %gt3A_858 = arith.cmpf ogt, %add3A_857, %scan3A_808 : vector<16xf32>
      %select_n3A_859 = arith.select %gt3A_858, %add3A_857, %scan3A_808 : vector<16xi1>, vector<16xf32>
      %broadcast_in_dim3A_860 = vector.broadcast %add3A_819 : i32 to vector<16xi32>
      %select_n3A_861 = arith.select %gt3A_858, %broadcast_in_dim3A_860, %scan3A_809 : vector<16xi1>, vector<16xi32>
      %get3A_862 = arith.index_cast %scan3A_801 : i32 to index
      %get3A_863 = arith.constant 64 : index
      %get3A_864 = tpu.vector_load %arg5[%get3A_862, %get3A_863] {strides = array<i32>} : memref<40x128xf32, #tpu.memory_space<vmem>>, vector<16xf32>,
      %get3A_865 = arith.index_cast %scan3A_801 : i32 to index
      %get3A_866 = arith.constant 64 : index
      %get3A_867 = tpu.vector_load %arg6[%get3A_865, %get3A_866] {strides = array<i32>} : memref<40x128xf32, #tpu.memory_space<vmem>>, vector<16xf32>,
      %add3A_868 = arith.addf %get3A_864, %get3A_867 : vector<16xf32>
      %gt3A_869 = arith.cmpf ogt, %add3A_868, %scan3A_810 : vector<16xf32>
      %select_n3A_870 = arith.select %gt3A_869, %add3A_868, %scan3A_810 : vector<16xi1>, vector<16xf32>
      %broadcast_in_dim3A_871 = vector.broadcast %add3A_819 : i32 to vector<16xi32>
      %select_n3A_872 = arith.select %gt3A_869, %broadcast_in_dim3A_871, %scan3A_811 : vector<16xi1>, vector<16xi32>
      %get3A_873 = arith.index_cast %scan3A_801 : i32 to index
      %get3A_874 = arith.constant 80 : index
      %get3A_875 = tpu.vector_load %arg5[%get3A_873, %get3A_874] {strides = array<i32>} : memref<40x128xf32, #tpu.memory_space<vmem>>, vector<16xf32>,
      %get3A_876 = arith.index_cast %scan3A_801 : i32 to index
      %get3A_877 = arith.constant 80 : index
      %get3A_878 = tpu.vector_load %arg6[%get3A_876, %get3A_877] {strides = array<i32>} : memref<40x128xf32, #tpu.memory_space<vmem>>, vector<16xf32>,
      %add3A_879 = arith.addf %get3A_875, %get3A_878 : vector<16xf32>
      %gt3A_880 = arith.cmpf ogt, %add3A_879, %scan3A_812 : vector<16xf32>
      %select_n3A_881 = arith.select %gt3A_880, %add3A_879, %scan3A_812 : vector<16xi1>, vector<16xf32>
      %broadcast_in_dim3A_882 = vector.broadcast %add3A_819 : i32 to vector<16xi32>
      %select_n3A_883 = arith.select %gt3A_880, %broadcast_in_dim3A_882, %scan3A_813 : vector<16xi1>, vector<16xi32>
      %get3A_884 = arith.index_cast %scan3A_801 : i32 to index
      %get3A_885 = arith.constant 96 : index
      %get3A_886 = tpu.vector_load %arg5[%get3A_884, %get3A_885] {strides = array<i32>} : memref<40x128xf32, #tpu.memory_space<vmem>>, vector<16xf32>,
      %get3A_887 = arith.index_cast %scan3A_801 : i32 to index
      %get3A_888 = arith.constant 96 : index
      %get3A_889 = tpu.vector_load %arg6[%get3A_887, %get3A_888] {strides = array<i32>} : memref<40x128xf32, #tpu.memory_space<vmem>>, vector<16xf32>,
      %add3A_890 = arith.addf %get3A_886, %get3A_889 : vector<16xf32>
      %gt3A_891 = arith.cmpf ogt, %add3A_890, %scan3A_814 : vector<16xf32>
      %select_n3A_892 = arith.select %gt3A_891, %add3A_890, %scan3A_814 : vector<16xi1>, vector<16xf32>
      %broadcast_in_dim3A_893 = vector.broadcast %add3A_819 : i32 to vector<16xi32>
      %select_n3A_894 = arith.select %gt3A_891, %broadcast_in_dim3A_893, %scan3A_815 : vector<16xi1>, vector<16xi32>
      %get3A_895 = arith.index_cast %scan3A_801 : i32 to index
      %get3A_896 = arith.constant 112 : index
      %get3A_897 = tpu.vector_load %arg5[%get3A_895, %get3A_896] {strides = array<i32>} : memref<40x128xf32, #tpu.memory_space<vmem>>, vector<16xf32>,
      %get3A_898 = arith.index_cast %scan3A_801 : i32 to index
      %get3A_899 = arith.constant 112 : index
      %get3A_900 = tpu.vector_load %arg6[%get3A_898, %get3A_899] {strides = array<i32>} : memref<40x128xf32, #tpu.memory_space<vmem>>, vector<16xf32>,
      %add3A_901 = arith.addf %get3A_897, %get3A_900 : vector<16xf32>
      %gt3A_902 = arith.cmpf ogt, %add3A_901, %scan3A_816 : vector<16xf32>
      %select_n3A_903 = arith.select %gt3A_902, %add3A_901, %scan3A_816 : vector<16xi1>, vector<16xf32>
      %broadcast_in_dim3A_904 = vector.broadcast %add3A_819 : i32 to vector<16xi32>
      %select_n3A_905 = arith.select %gt3A_902, %broadcast_in_dim3A_904, %scan3A_817 : vector<16xi1>, vector<16xi32>
      scf.yield %select_n3A_826, %select_n3A_828, %select_n3A_837, %select_n3A_839, %select_n3A_848, %select_n3A_850, %select_n3A_859, %select_n3A_861, %select_n3A_870, %select_n3A_872, %select_n3A_881, %select_n3A_883, %select_n3A_892, %select_n3A_894, %select_n3A_903, %select_n3A_905 : vector<16xf32>, vector<16xi32>, vector<16xf32>, vector<16xi32>, vector<16xf32>, vector<16xi32>, vector<16xf32>, vector<16xi32>, vector<16xf32>, vector<16xi32>, vector<16xf32>, vector<16xi32>, vector<16xf32>, vector<16xi32>, vector<16xf32>, vector<16xi32>
    }
    %scan3A_314 = arith.constant 40 : i32
    %dma_wait3A_315 = arith.constant 360 : i32
    %dma_wait3A_316 = tpu.memref_slice %arg2[%select_n3A, %dma_wait3A_315, %mul3A_32] : memref<26x1000x1024xf32, #tpu.memory_space<hbm>> -> memref<1x40x128xf32, #tpu.memory_space<hbm>>
    %dma_wait3A_317 = tpu.memref_squeeze %dma_wait3A_316 : memref<1x40x128xf32, #tpu.memory_space<hbm>> -> memref<40x128xf32, #tpu.memory_space<hbm>>
    %dma_wait3A_318 = arith.constant 360 : i32
    %dma_wait3A_319 = tpu.memref_slice %arg2[%select_n3A, %dma_wait3A_318, %mul3A_32] : memref<26x1000x1024xf32, #tpu.memory_space<hbm>> -> memref<1x40x128xf32, #tpu.memory_space<hbm>>
    %dma_wait3A_320 = tpu.memref_squeeze %dma_wait3A_319 : memref<1x40x128xf32, #tpu.memory_space<hbm>> -> memref<40x128xf32, #tpu.memory_space<hbm>>
    tpu.wait_dma2 semaphore(%arg10 : memref<!tpu.dma_semaphore, #tpu.memory_space<semaphore_mem>>) src(%dma_wait3A_320 : memref<40x128xf32, #tpu.memory_space<hbm>>) dst(%arg7 : memref<40x128xf32, #tpu.memory_space<vmem>>)
    %dma_wait3A_321 = arith.constant 360 : i32
    %dma_wait3A_322 = tpu.memref_slice %arg3[%select_n3A, %dma_wait3A_321, %mul3A_32] : memref<26x1000x1024xf32, #tpu.memory_space<hbm>> -> memref<1x40x128xf32, #tpu.memory_space<hbm>>
    %dma_wait3A_323 = tpu.memref_squeeze %dma_wait3A_322 : memref<1x40x128xf32, #tpu.memory_space<hbm>> -> memref<40x128xf32, #tpu.memory_space<hbm>>
    %dma_wait3A_324 = arith.constant 360 : i32
    %dma_wait3A_325 = tpu.memref_slice %arg3[%select_n3A, %dma_wait3A_324, %mul3A_32] : memref<26x1000x1024xf32, #tpu.memory_space<hbm>> -> memref<1x40x128xf32, #tpu.memory_space<hbm>>
    %dma_wait3A_326 = tpu.memref_squeeze %dma_wait3A_325 : memref<1x40x128xf32, #tpu.memory_space<hbm>> -> memref<40x128xf32, #tpu.memory_space<hbm>>
    tpu.wait_dma2 semaphore(%arg11 : memref<!tpu.dma_semaphore, #tpu.memory_space<semaphore_mem>>) src(%dma_wait3A_326 : memref<40x128xf32, #tpu.memory_space<hbm>>) dst(%arg8 : memref<40x128xf32, #tpu.memory_space<vmem>>)
    %dma_start3A_327 = arith.constant 400 : i32
    %dma_start3A_328 = tpu.memref_slice %arg2[%select_n3A, %dma_start3A_327, %mul3A_32] : memref<26x1000x1024xf32, #tpu.memory_space<hbm>> -> memref<1x40x128xf32, #tpu.memory_space<hbm>>
    %dma_start3A_329 = tpu.memref_squeeze %dma_start3A_328 : memref<1x40x128xf32, #tpu.memory_space<hbm>> -> memref<40x128xf32, #tpu.memory_space<hbm>>
    %dma_start3A_330 = arith.constant 400 : i32
    %dma_start3A_331 = tpu.memref_slice %arg2[%select_n3A, %dma_start3A_330, %mul3A_32] : memref<26x1000x1024xf32, #tpu.memory_space<hbm>> -> memref<1x40x128xf32, #tpu.memory_space<hbm>>
    %dma_start3A_332 = tpu.memref_squeeze %dma_start3A_331 : memref<1x40x128xf32, #tpu.memory_space<hbm>> -> memref<40x128xf32, #tpu.memory_space<hbm>>
    tpu.enqueue_dma source(%dma_start3A_332 : memref<40x128xf32, #tpu.memory_space<hbm>>) target(%arg5 : memref<40x128xf32, #tpu.memory_space<vmem>>) target_semaphore(%arg10 : memref<!tpu.dma_semaphore, #tpu.memory_space<semaphore_mem>>)
    %dma_start3A_333 = arith.constant 400 : i32
    %dma_start3A_334 = tpu.memref_slice %arg3[%select_n3A, %dma_start3A_333, %mul3A_32] : memref<26x1000x1024xf32, #tpu.memory_space<hbm>> -> memref<1x40x128xf32, #tpu.memory_space<hbm>>
    %dma_start3A_335 = tpu.memref_squeeze %dma_start3A_334 : memref<1x40x128xf32, #tpu.memory_space<hbm>> -> memref<40x128xf32, #tpu.memory_space<hbm>>
    %dma_start3A_336 = arith.constant 400 : i32
    %dma_start3A_337 = tpu.memref_slice %arg3[%select_n3A, %dma_start3A_336, %mul3A_32] : memref<26x1000x1024xf32, #tpu.memory_space<hbm>> -> memref<1x40x128xf32, #tpu.memory_space<hbm>>
    %dma_start3A_338 = tpu.memref_squeeze %dma_start3A_337 : memref<1x40x128xf32, #tpu.memory_space<hbm>> -> memref<40x128xf32, #tpu.memory_space<hbm>>
    tpu.enqueue_dma source(%dma_start3A_338 : memref<40x128xf32, #tpu.memory_space<hbm>>) target(%arg6 : memref<40x128xf32, #tpu.memory_space<vmem>>) target_semaphore(%arg11 : memref<!tpu.dma_semaphore, #tpu.memory_space<semaphore_mem>>)
    %scan3A_339 = arith.constant 0 : i32
    %scan3A_340 = arith.constant 40 : i32
    %scan3A_341 = arith.addi %scan3A_339, %scan3A_340 : i32
    %scan3A_342 = arith.constant 1 : i32
    %scan3A_343:16 = scf.for %scan3A_801 = %scan3A_339 to %scan3A_341 step %scan3A_342 iter_args(%scan3A_802 = %scan3A_313#0, %scan3A_803 = %scan3A_313#1, %scan3A_804 = %scan3A_313#2, %scan3A_805 = %scan3A_313#3, %scan3A_806 = %scan3A_313#4, %scan3A_807 = %scan3A_313#5, %scan3A_808 = %scan3A_313#6, %scan3A_809 = %scan3A_313#7, %scan3A_810 = %scan3A_313#8, %scan3A_811 = %scan3A_313#9, %scan3A_812 = %scan3A_313#10, %scan3A_813 = %scan3A_313#11, %scan3A_814 = %scan3A_313#12, %scan3A_815 = %scan3A_313#13, %scan3A_816 = %scan3A_313#14, %scan3A_817 = %scan3A_313#15) -> (vector<16xf32>, vector<16xi32>, vector<16xf32>, vector<16xi32>, vector<16xf32>, vector<16xi32>, vector<16xf32>, vector<16xi32>, vector<16xf32>, vector<16xi32>, vector<16xf32>, vector<16xi32>, vector<16xf32>, vector<16xi32>, vector<16xf32>, vector<16xi32>)  : i32 {
      %add3A_818 = arith.constant 360 : i32
      %add3A_819 = arith.addi %add3A_818, %scan3A_801 : i32
      %get3A = arith.index_cast %scan3A_801 : i32 to index
      %get3A_820 = arith.constant 0 : index
      %get3A_821 = tpu.vector_load %arg7[%get3A, %get3A_820] {strides = array<i32>} : memref<40x128xf32, #tpu.memory_space<vmem>>, vector<16xf32>,
      %get3A_822 = arith.index_cast %scan3A_801 : i32 to index
      %get3A_823 = arith.constant 0 : index
      %get3A_824 = tpu.vector_load %arg8[%get3A_822, %get3A_823] {strides = array<i32>} : memref<40x128xf32, #tpu.memory_space<vmem>>, vector<16xf32>,
      %add3A_825 = arith.addf %get3A_821, %get3A_824 : vector<16xf32>
      %gt3A = arith.cmpf ogt, %add3A_825, %scan3A_802 : vector<16xf32>
      %select_n3A_826 = arith.select %gt3A, %add3A_825, %scan3A_802 : vector<16xi1>, vector<16xf32>
      %broadcast_in_dim3A_827 = vector.broadcast %add3A_819 : i32 to vector<16xi32>
      %select_n3A_828 = arith.select %gt3A, %broadcast_in_dim3A_827, %scan3A_803 : vector<16xi1>, vector<16xi32>
      %get3A_829 = arith.index_cast %scan3A_801 : i32 to index
      %get3A_830 = arith.constant 16 : index
      %get3A_831 = tpu.vector_load %arg7[%get3A_829, %get3A_830] {strides = array<i32>} : memref<40x128xf32, #tpu.memory_space<vmem>>, vector<16xf32>,
      %get3A_832 = arith.index_cast %scan3A_801 : i32 to index
      %get3A_833 = arith.constant 16 : index
      %get3A_834 = tpu.vector_load %arg8[%get3A_832, %get3A_833] {strides = array<i32>} : memref<40x128xf32, #tpu.memory_space<vmem>>, vector<16xf32>,
      %add3A_835 = arith.addf %get3A_831, %get3A_834 : vector<16xf32>
      %gt3A_836 = arith.cmpf ogt, %add3A_835, %scan3A_804 : vector<16xf32>
      %select_n3A_837 = arith.select %gt3A_836, %add3A_835, %scan3A_804 : vector<16xi1>, vector<16xf32>
      %broadcast_in_dim3A_838 = vector.broadcast %add3A_819 : i32 to vector<16xi32>
      %select_n3A_839 = arith.select %gt3A_836, %broadcast_in_dim3A_838, %scan3A_805 : vector<16xi1>, vector<16xi32>
      %get3A_840 = arith.index_cast %scan3A_801 : i32 to index
      %get3A_841 = arith.constant 32 : index
      %get3A_842 = tpu.vector_load %arg7[%get3A_840, %get3A_841] {strides = array<i32>} : memref<40x128xf32, #tpu.memory_space<vmem>>, vector<16xf32>,
      %get3A_843 = arith.index_cast %scan3A_801 : i32 to index
      %get3A_844 = arith.constant 32 : index
      %get3A_845 = tpu.vector_load %arg8[%get3A_843, %get3A_844] {strides = array<i32>} : memref<40x128xf32, #tpu.memory_space<vmem>>, vector<16xf32>,
      %add3A_846 = arith.addf %get3A_842, %get3A_845 : vector<16xf32>
      %gt3A_847 = arith.cmpf ogt, %add3A_846, %scan3A_806 : vector<16xf32>
      %select_n3A_848 = arith.select %gt3A_847, %add3A_846, %scan3A_806 : vector<16xi1>, vector<16xf32>
      %broadcast_in_dim3A_849 = vector.broadcast %add3A_819 : i32 to vector<16xi32>
      %select_n3A_850 = arith.select %gt3A_847, %broadcast_in_dim3A_849, %scan3A_807 : vector<16xi1>, vector<16xi32>
      %get3A_851 = arith.index_cast %scan3A_801 : i32 to index
      %get3A_852 = arith.constant 48 : index
      %get3A_853 = tpu.vector_load %arg7[%get3A_851, %get3A_852] {strides = array<i32>} : memref<40x128xf32, #tpu.memory_space<vmem>>, vector<16xf32>,
      %get3A_854 = arith.index_cast %scan3A_801 : i32 to index
      %get3A_855 = arith.constant 48 : index
      %get3A_856 = tpu.vector_load %arg8[%get3A_854, %get3A_855] {strides = array<i32>} : memref<40x128xf32, #tpu.memory_space<vmem>>, vector<16xf32>,
      %add3A_857 = arith.addf %get3A_853, %get3A_856 : vector<16xf32>
      %gt3A_858 = arith.cmpf ogt, %add3A_857, %scan3A_808 : vector<16xf32>
      %select_n3A_859 = arith.select %gt3A_858, %add3A_857, %scan3A_808 : vector<16xi1>, vector<16xf32>
      %broadcast_in_dim3A_860 = vector.broadcast %add3A_819 : i32 to vector<16xi32>
      %select_n3A_861 = arith.select %gt3A_858, %broadcast_in_dim3A_860, %scan3A_809 : vector<16xi1>, vector<16xi32>
      %get3A_862 = arith.index_cast %scan3A_801 : i32 to index
      %get3A_863 = arith.constant 64 : index
      %get3A_864 = tpu.vector_load %arg7[%get3A_862, %get3A_863] {strides = array<i32>} : memref<40x128xf32, #tpu.memory_space<vmem>>, vector<16xf32>,
      %get3A_865 = arith.index_cast %scan3A_801 : i32 to index
      %get3A_866 = arith.constant 64 : index
      %get3A_867 = tpu.vector_load %arg8[%get3A_865, %get3A_866] {strides = array<i32>} : memref<40x128xf32, #tpu.memory_space<vmem>>, vector<16xf32>,
      %add3A_868 = arith.addf %get3A_864, %get3A_867 : vector<16xf32>
      %gt3A_869 = arith.cmpf ogt, %add3A_868, %scan3A_810 : vector<16xf32>
      %select_n3A_870 = arith.select %gt3A_869, %add3A_868, %scan3A_810 : vector<16xi1>, vector<16xf32>
      %broadcast_in_dim3A_871 = vector.broadcast %add3A_819 : i32 to vector<16xi32>
      %select_n3A_872 = arith.select %gt3A_869, %broadcast_in_dim3A_871, %scan3A_811 : vector<16xi1>, vector<16xi32>
      %get3A_873 = arith.index_cast %scan3A_801 : i32 to index
      %get3A_874 = arith.constant 80 : index
      %get3A_875 = tpu.vector_load %arg7[%get3A_873, %get3A_874] {strides = array<i32>} : memref<40x128xf32, #tpu.memory_space<vmem>>, vector<16xf32>,
      %get3A_876 = arith.index_cast %scan3A_801 : i32 to index
      %get3A_877 = arith.constant 80 : index
      %get3A_878 = tpu.vector_load %arg8[%get3A_876, %get3A_877] {strides = array<i32>} : memref<40x128xf32, #tpu.memory_space<vmem>>, vector<16xf32>,
      %add3A_879 = arith.addf %get3A_875, %get3A_878 : vector<16xf32>
      %gt3A_880 = arith.cmpf ogt, %add3A_879, %scan3A_812 : vector<16xf32>
      %select_n3A_881 = arith.select %gt3A_880, %add3A_879, %scan3A_812 : vector<16xi1>, vector<16xf32>
      %broadcast_in_dim3A_882 = vector.broadcast %add3A_819 : i32 to vector<16xi32>
      %select_n3A_883 = arith.select %gt3A_880, %broadcast_in_dim3A_882, %scan3A_813 : vector<16xi1>, vector<16xi32>
      %get3A_884 = arith.index_cast %scan3A_801 : i32 to index
      %get3A_885 = arith.constant 96 : index
      %get3A_886 = tpu.vector_load %arg7[%get3A_884, %get3A_885] {strides = array<i32>} : memref<40x128xf32, #tpu.memory_space<vmem>>, vector<16xf32>,
      %get3A_887 = arith.index_cast %scan3A_801 : i32 to index
      %get3A_888 = arith.constant 96 : index
      %get3A_889 = tpu.vector_load %arg8[%get3A_887, %get3A_888] {strides = array<i32>} : memref<40x128xf32, #tpu.memory_space<vmem>>, vector<16xf32>,
      %add3A_890 = arith.addf %get3A_886, %get3A_889 : vector<16xf32>
      %gt3A_891 = arith.cmpf ogt, %add3A_890, %scan3A_814 : vector<16xf32>
      %select_n3A_892 = arith.select %gt3A_891, %add3A_890, %scan3A_814 : vector<16xi1>, vector<16xf32>
      %broadcast_in_dim3A_893 = vector.broadcast %add3A_819 : i32 to vector<16xi32>
      %select_n3A_894 = arith.select %gt3A_891, %broadcast_in_dim3A_893, %scan3A_815 : vector<16xi1>, vector<16xi32>
      %get3A_895 = arith.index_cast %scan3A_801 : i32 to index
      %get3A_896 = arith.constant 112 : index
      %get3A_897 = tpu.vector_load %arg7[%get3A_895, %get3A_896] {strides = array<i32>} : memref<40x128xf32, #tpu.memory_space<vmem>>, vector<16xf32>,
      %get3A_898 = arith.index_cast %scan3A_801 : i32 to index
      %get3A_899 = arith.constant 112 : index
      %get3A_900 = tpu.vector_load %arg8[%get3A_898, %get3A_899] {strides = array<i32>} : memref<40x128xf32, #tpu.memory_space<vmem>>, vector<16xf32>,
      %add3A_901 = arith.addf %get3A_897, %get3A_900 : vector<16xf32>
      %gt3A_902 = arith.cmpf ogt, %add3A_901, %scan3A_816 : vector<16xf32>
      %select_n3A_903 = arith.select %gt3A_902, %add3A_901, %scan3A_816 : vector<16xi1>, vector<16xf32>
      %broadcast_in_dim3A_904 = vector.broadcast %add3A_819 : i32 to vector<16xi32>
      %select_n3A_905 = arith.select %gt3A_902, %broadcast_in_dim3A_904, %scan3A_817 : vector<16xi1>, vector<16xi32>
      scf.yield %select_n3A_826, %select_n3A_828, %select_n3A_837, %select_n3A_839, %select_n3A_848, %select_n3A_850, %select_n3A_859, %select_n3A_861, %select_n3A_870, %select_n3A_872, %select_n3A_881, %select_n3A_883, %select_n3A_892, %select_n3A_894, %select_n3A_903, %select_n3A_905 : vector<16xf32>, vector<16xi32>, vector<16xf32>, vector<16xi32>, vector<16xf32>, vector<16xi32>, vector<16xf32>, vector<16xi32>, vector<16xf32>, vector<16xi32>, vector<16xf32>, vector<16xi32>, vector<16xf32>, vector<16xi32>, vector<16xf32>, vector<16xi32>
    }
    %scan3A_344 = arith.constant 40 : i32
    %dma_wait3A_345 = arith.constant 400 : i32
    %dma_wait3A_346 = tpu.memref_slice %arg2[%select_n3A, %dma_wait3A_345, %mul3A_32] : memref<26x1000x1024xf32, #tpu.memory_space<hbm>> -> memref<1x40x128xf32, #tpu.memory_space<hbm>>
    %dma_wait3A_347 = tpu.memref_squeeze %dma_wait3A_346 : memref<1x40x128xf32, #tpu.memory_space<hbm>> -> memref<40x128xf32, #tpu.memory_space<hbm>>
    %dma_wait3A_348 = arith.constant 400 : i32
    %dma_wait3A_349 = tpu.memref_slice %arg2[%select_n3A, %dma_wait3A_348, %mul3A_32] : memref<26x1000x1024xf32, #tpu.memory_space<hbm>> -> memref<1x40x128xf32, #tpu.memory_space<hbm>>
    %dma_wait3A_350 = tpu.memref_squeeze %dma_wait3A_349 : memref<1x40x128xf32, #tpu.memory_space<hbm>> -> memref<40x128xf32, #tpu.memory_space<hbm>>
    tpu.wait_dma2 semaphore(%arg10 : memref<!tpu.dma_semaphore, #tpu.memory_space<semaphore_mem>>) src(%dma_wait3A_350 : memref<40x128xf32, #tpu.memory_space<hbm>>) dst(%arg5 : memref<40x128xf32, #tpu.memory_space<vmem>>)
    %dma_wait3A_351 = arith.constant 400 : i32
    %dma_wait3A_352 = tpu.memref_slice %arg3[%select_n3A, %dma_wait3A_351, %mul3A_32] : memref<26x1000x1024xf32, #tpu.memory_space<hbm>> -> memref<1x40x128xf32, #tpu.memory_space<hbm>>
    %dma_wait3A_353 = tpu.memref_squeeze %dma_wait3A_352 : memref<1x40x128xf32, #tpu.memory_space<hbm>> -> memref<40x128xf32, #tpu.memory_space<hbm>>
    %dma_wait3A_354 = arith.constant 400 : i32
    %dma_wait3A_355 = tpu.memref_slice %arg3[%select_n3A, %dma_wait3A_354, %mul3A_32] : memref<26x1000x1024xf32, #tpu.memory_space<hbm>> -> memref<1x40x128xf32, #tpu.memory_space<hbm>>
    %dma_wait3A_356 = tpu.memref_squeeze %dma_wait3A_355 : memref<1x40x128xf32, #tpu.memory_space<hbm>> -> memref<40x128xf32, #tpu.memory_space<hbm>>
    tpu.wait_dma2 semaphore(%arg11 : memref<!tpu.dma_semaphore, #tpu.memory_space<semaphore_mem>>) src(%dma_wait3A_356 : memref<40x128xf32, #tpu.memory_space<hbm>>) dst(%arg6 : memref<40x128xf32, #tpu.memory_space<vmem>>)
    %dma_start3A_357 = arith.constant 440 : i32
    %dma_start3A_358 = tpu.memref_slice %arg2[%select_n3A, %dma_start3A_357, %mul3A_32] : memref<26x1000x1024xf32, #tpu.memory_space<hbm>> -> memref<1x40x128xf32, #tpu.memory_space<hbm>>
    %dma_start3A_359 = tpu.memref_squeeze %dma_start3A_358 : memref<1x40x128xf32, #tpu.memory_space<hbm>> -> memref<40x128xf32, #tpu.memory_space<hbm>>
    %dma_start3A_360 = arith.constant 440 : i32
    %dma_start3A_361 = tpu.memref_slice %arg2[%select_n3A, %dma_start3A_360, %mul3A_32] : memref<26x1000x1024xf32, #tpu.memory_space<hbm>> -> memref<1x40x128xf32, #tpu.memory_space<hbm>>
    %dma_start3A_362 = tpu.memref_squeeze %dma_start3A_361 : memref<1x40x128xf32, #tpu.memory_space<hbm>> -> memref<40x128xf32, #tpu.memory_space<hbm>>
    tpu.enqueue_dma source(%dma_start3A_362 : memref<40x128xf32, #tpu.memory_space<hbm>>) target(%arg7 : memref<40x128xf32, #tpu.memory_space<vmem>>) target_semaphore(%arg10 : memref<!tpu.dma_semaphore, #tpu.memory_space<semaphore_mem>>)
    %dma_start3A_363 = arith.constant 440 : i32
    %dma_start3A_364 = tpu.memref_slice %arg3[%select_n3A, %dma_start3A_363, %mul3A_32] : memref<26x1000x1024xf32, #tpu.memory_space<hbm>> -> memref<1x40x128xf32, #tpu.memory_space<hbm>>
    %dma_start3A_365 = tpu.memref_squeeze %dma_start3A_364 : memref<1x40x128xf32, #tpu.memory_space<hbm>> -> memref<40x128xf32, #tpu.memory_space<hbm>>
    %dma_start3A_366 = arith.constant 440 : i32
    %dma_start3A_367 = tpu.memref_slice %arg3[%select_n3A, %dma_start3A_366, %mul3A_32] : memref<26x1000x1024xf32, #tpu.memory_space<hbm>> -> memref<1x40x128xf32, #tpu.memory_space<hbm>>
    %dma_start3A_368 = tpu.memref_squeeze %dma_start3A_367 : memref<1x40x128xf32, #tpu.memory_space<hbm>> -> memref<40x128xf32, #tpu.memory_space<hbm>>
    tpu.enqueue_dma source(%dma_start3A_368 : memref<40x128xf32, #tpu.memory_space<hbm>>) target(%arg8 : memref<40x128xf32, #tpu.memory_space<vmem>>) target_semaphore(%arg11 : memref<!tpu.dma_semaphore, #tpu.memory_space<semaphore_mem>>)
    %scan3A_369 = arith.constant 0 : i32
    %scan3A_370 = arith.constant 40 : i32
    %scan3A_371 = arith.addi %scan3A_369, %scan3A_370 : i32
    %scan3A_372 = arith.constant 1 : i32
    %scan3A_373:16 = scf.for %scan3A_801 = %scan3A_369 to %scan3A_371 step %scan3A_372 iter_args(%scan3A_802 = %scan3A_343#0, %scan3A_803 = %scan3A_343#1, %scan3A_804 = %scan3A_343#2, %scan3A_805 = %scan3A_343#3, %scan3A_806 = %scan3A_343#4, %scan3A_807 = %scan3A_343#5, %scan3A_808 = %scan3A_343#6, %scan3A_809 = %scan3A_343#7, %scan3A_810 = %scan3A_343#8, %scan3A_811 = %scan3A_343#9, %scan3A_812 = %scan3A_343#10, %scan3A_813 = %scan3A_343#11, %scan3A_814 = %scan3A_343#12, %scan3A_815 = %scan3A_343#13, %scan3A_816 = %scan3A_343#14, %scan3A_817 = %scan3A_343#15) -> (vector<16xf32>, vector<16xi32>, vector<16xf32>, vector<16xi32>, vector<16xf32>, vector<16xi32>, vector<16xf32>, vector<16xi32>, vector<16xf32>, vector<16xi32>, vector<16xf32>, vector<16xi32>, vector<16xf32>, vector<16xi32>, vector<16xf32>, vector<16xi32>)  : i32 {
      %add3A_818 = arith.constant 400 : i32
      %add3A_819 = arith.addi %add3A_818, %scan3A_801 : i32
      %get3A = arith.index_cast %scan3A_801 : i32 to index
      %get3A_820 = arith.constant 0 : index
      %get3A_821 = tpu.vector_load %arg5[%get3A, %get3A_820] {strides = array<i32>} : memref<40x128xf32, #tpu.memory_space<vmem>>, vector<16xf32>,
      %get3A_822 = arith.index_cast %scan3A_801 : i32 to index
      %get3A_823 = arith.constant 0 : index
      %get3A_824 = tpu.vector_load %arg6[%get3A_822, %get3A_823] {strides = array<i32>} : memref<40x128xf32, #tpu.memory_space<vmem>>, vector<16xf32>,
      %add3A_825 = arith.addf %get3A_821, %get3A_824 : vector<16xf32>
      %gt3A = arith.cmpf ogt, %add3A_825, %scan3A_802 : vector<16xf32>
      %select_n3A_826 = arith.select %gt3A, %add3A_825, %scan3A_802 : vector<16xi1>, vector<16xf32>
      %broadcast_in_dim3A_827 = vector.broadcast %add3A_819 : i32 to vector<16xi32>
      %select_n3A_828 = arith.select %gt3A, %broadcast_in_dim3A_827, %scan3A_803 : vector<16xi1>, vector<16xi32>
      %get3A_829 = arith.index_cast %scan3A_801 : i32 to index
      %get3A_830 = arith.constant 16 : index
      %get3A_831 = tpu.vector_load %arg5[%get3A_829, %get3A_830] {strides = array<i32>} : memref<40x128xf32, #tpu.memory_space<vmem>>, vector<16xf32>,
      %get3A_832 = arith.index_cast %scan3A_801 : i32 to index
      %get3A_833 = arith.constant 16 : index
      %get3A_834 = tpu.vector_load %arg6[%get3A_832, %get3A_833] {strides = array<i32>} : memref<40x128xf32, #tpu.memory_space<vmem>>, vector<16xf32>,
      %add3A_835 = arith.addf %get3A_831, %get3A_834 : vector<16xf32>
      %gt3A_836 = arith.cmpf ogt, %add3A_835, %scan3A_804 : vector<16xf32>
      %select_n3A_837 = arith.select %gt3A_836, %add3A_835, %scan3A_804 : vector<16xi1>, vector<16xf32>
      %broadcast_in_dim3A_838 = vector.broadcast %add3A_819 : i32 to vector<16xi32>
      %select_n3A_839 = arith.select %gt3A_836, %broadcast_in_dim3A_838, %scan3A_805 : vector<16xi1>, vector<16xi32>
      %get3A_840 = arith.index_cast %scan3A_801 : i32 to index
      %get3A_841 = arith.constant 32 : index
      %get3A_842 = tpu.vector_load %arg5[%get3A_840, %get3A_841] {strides = array<i32>} : memref<40x128xf32, #tpu.memory_space<vmem>>, vector<16xf32>,
      %get3A_843 = arith.index_cast %scan3A_801 : i32 to index
      %get3A_844 = arith.constant 32 : index
      %get3A_845 = tpu.vector_load %arg6[%get3A_843, %get3A_844] {strides = array<i32>} : memref<40x128xf32, #tpu.memory_space<vmem>>, vector<16xf32>,
      %add3A_846 = arith.addf %get3A_842, %get3A_845 : vector<16xf32>
      %gt3A_847 = arith.cmpf ogt, %add3A_846, %scan3A_806 : vector<16xf32>
      %select_n3A_848 = arith.select %gt3A_847, %add3A_846, %scan3A_806 : vector<16xi1>, vector<16xf32>
      %broadcast_in_dim3A_849 = vector.broadcast %add3A_819 : i32 to vector<16xi32>
      %select_n3A_850 = arith.select %gt3A_847, %broadcast_in_dim3A_849, %scan3A_807 : vector<16xi1>, vector<16xi32>
      %get3A_851 = arith.index_cast %scan3A_801 : i32 to index
      %get3A_852 = arith.constant 48 : index
      %get3A_853 = tpu.vector_load %arg5[%get3A_851, %get3A_852] {strides = array<i32>} : memref<40x128xf32, #tpu.memory_space<vmem>>, vector<16xf32>,
      %get3A_854 = arith.index_cast %scan3A_801 : i32 to index
      %get3A_855 = arith.constant 48 : index
      %get3A_856 = tpu.vector_load %arg6[%get3A_854, %get3A_855] {strides = array<i32>} : memref<40x128xf32, #tpu.memory_space<vmem>>, vector<16xf32>,
      %add3A_857 = arith.addf %get3A_853, %get3A_856 : vector<16xf32>
      %gt3A_858 = arith.cmpf ogt, %add3A_857, %scan3A_808 : vector<16xf32>
      %select_n3A_859 = arith.select %gt3A_858, %add3A_857, %scan3A_808 : vector<16xi1>, vector<16xf32>
      %broadcast_in_dim3A_860 = vector.broadcast %add3A_819 : i32 to vector<16xi32>
      %select_n3A_861 = arith.select %gt3A_858, %broadcast_in_dim3A_860, %scan3A_809 : vector<16xi1>, vector<16xi32>
      %get3A_862 = arith.index_cast %scan3A_801 : i32 to index
      %get3A_863 = arith.constant 64 : index
      %get3A_864 = tpu.vector_load %arg5[%get3A_862, %get3A_863] {strides = array<i32>} : memref<40x128xf32, #tpu.memory_space<vmem>>, vector<16xf32>,
      %get3A_865 = arith.index_cast %scan3A_801 : i32 to index
      %get3A_866 = arith.constant 64 : index
      %get3A_867 = tpu.vector_load %arg6[%get3A_865, %get3A_866] {strides = array<i32>} : memref<40x128xf32, #tpu.memory_space<vmem>>, vector<16xf32>,
      %add3A_868 = arith.addf %get3A_864, %get3A_867 : vector<16xf32>
      %gt3A_869 = arith.cmpf ogt, %add3A_868, %scan3A_810 : vector<16xf32>
      %select_n3A_870 = arith.select %gt3A_869, %add3A_868, %scan3A_810 : vector<16xi1>, vector<16xf32>
      %broadcast_in_dim3A_871 = vector.broadcast %add3A_819 : i32 to vector<16xi32>
      %select_n3A_872 = arith.select %gt3A_869, %broadcast_in_dim3A_871, %scan3A_811 : vector<16xi1>, vector<16xi32>
      %get3A_873 = arith.index_cast %scan3A_801 : i32 to index
      %get3A_874 = arith.constant 80 : index
      %get3A_875 = tpu.vector_load %arg5[%get3A_873, %get3A_874] {strides = array<i32>} : memref<40x128xf32, #tpu.memory_space<vmem>>, vector<16xf32>,
      %get3A_876 = arith.index_cast %scan3A_801 : i32 to index
      %get3A_877 = arith.constant 80 : index
      %get3A_878 = tpu.vector_load %arg6[%get3A_876, %get3A_877] {strides = array<i32>} : memref<40x128xf32, #tpu.memory_space<vmem>>, vector<16xf32>,
      %add3A_879 = arith.addf %get3A_875, %get3A_878 : vector<16xf32>
      %gt3A_880 = arith.cmpf ogt, %add3A_879, %scan3A_812 : vector<16xf32>
      %select_n3A_881 = arith.select %gt3A_880, %add3A_879, %scan3A_812 : vector<16xi1>, vector<16xf32>
      %broadcast_in_dim3A_882 = vector.broadcast %add3A_819 : i32 to vector<16xi32>
      %select_n3A_883 = arith.select %gt3A_880, %broadcast_in_dim3A_882, %scan3A_813 : vector<16xi1>, vector<16xi32>
      %get3A_884 = arith.index_cast %scan3A_801 : i32 to index
      %get3A_885 = arith.constant 96 : index
      %get3A_886 = tpu.vector_load %arg5[%get3A_884, %get3A_885] {strides = array<i32>} : memref<40x128xf32, #tpu.memory_space<vmem>>, vector<16xf32>,
      %get3A_887 = arith.index_cast %scan3A_801 : i32 to index
      %get3A_888 = arith.constant 96 : index
      %get3A_889 = tpu.vector_load %arg6[%get3A_887, %get3A_888] {strides = array<i32>} : memref<40x128xf32, #tpu.memory_space<vmem>>, vector<16xf32>,
      %add3A_890 = arith.addf %get3A_886, %get3A_889 : vector<16xf32>
      %gt3A_891 = arith.cmpf ogt, %add3A_890, %scan3A_814 : vector<16xf32>
      %select_n3A_892 = arith.select %gt3A_891, %add3A_890, %scan3A_814 : vector<16xi1>, vector<16xf32>
      %broadcast_in_dim3A_893 = vector.broadcast %add3A_819 : i32 to vector<16xi32>
      %select_n3A_894 = arith.select %gt3A_891, %broadcast_in_dim3A_893, %scan3A_815 : vector<16xi1>, vector<16xi32>
      %get3A_895 = arith.index_cast %scan3A_801 : i32 to index
      %get3A_896 = arith.constant 112 : index
      %get3A_897 = tpu.vector_load %arg5[%get3A_895, %get3A_896] {strides = array<i32>} : memref<40x128xf32, #tpu.memory_space<vmem>>, vector<16xf32>,
      %get3A_898 = arith.index_cast %scan3A_801 : i32 to index
      %get3A_899 = arith.constant 112 : index
      %get3A_900 = tpu.vector_load %arg6[%get3A_898, %get3A_899] {strides = array<i32>} : memref<40x128xf32, #tpu.memory_space<vmem>>, vector<16xf32>,
      %add3A_901 = arith.addf %get3A_897, %get3A_900 : vector<16xf32>
      %gt3A_902 = arith.cmpf ogt, %add3A_901, %scan3A_816 : vector<16xf32>
      %select_n3A_903 = arith.select %gt3A_902, %add3A_901, %scan3A_816 : vector<16xi1>, vector<16xf32>
      %broadcast_in_dim3A_904 = vector.broadcast %add3A_819 : i32 to vector<16xi32>
      %select_n3A_905 = arith.select %gt3A_902, %broadcast_in_dim3A_904, %scan3A_817 : vector<16xi1>, vector<16xi32>
      scf.yield %select_n3A_826, %select_n3A_828, %select_n3A_837, %select_n3A_839, %select_n3A_848, %select_n3A_850, %select_n3A_859, %select_n3A_861, %select_n3A_870, %select_n3A_872, %select_n3A_881, %select_n3A_883, %select_n3A_892, %select_n3A_894, %select_n3A_903, %select_n3A_905 : vector<16xf32>, vector<16xi32>, vector<16xf32>, vector<16xi32>, vector<16xf32>, vector<16xi32>, vector<16xf32>, vector<16xi32>, vector<16xf32>, vector<16xi32>, vector<16xf32>, vector<16xi32>, vector<16xf32>, vector<16xi32>, vector<16xf32>, vector<16xi32>
    }
    %scan3A_374 = arith.constant 40 : i32
    %dma_wait3A_375 = arith.constant 440 : i32
    %dma_wait3A_376 = tpu.memref_slice %arg2[%select_n3A, %dma_wait3A_375, %mul3A_32] : memref<26x1000x1024xf32, #tpu.memory_space<hbm>> -> memref<1x40x128xf32, #tpu.memory_space<hbm>>
    %dma_wait3A_377 = tpu.memref_squeeze %dma_wait3A_376 : memref<1x40x128xf32, #tpu.memory_space<hbm>> -> memref<40x128xf32, #tpu.memory_space<hbm>>
    %dma_wait3A_378 = arith.constant 440 : i32
    %dma_wait3A_379 = tpu.memref_slice %arg2[%select_n3A, %dma_wait3A_378, %mul3A_32] : memref<26x1000x1024xf32, #tpu.memory_space<hbm>> -> memref<1x40x128xf32, #tpu.memory_space<hbm>>
    %dma_wait3A_380 = tpu.memref_squeeze %dma_wait3A_379 : memref<1x40x128xf32, #tpu.memory_space<hbm>> -> memref<40x128xf32, #tpu.memory_space<hbm>>
    tpu.wait_dma2 semaphore(%arg10 : memref<!tpu.dma_semaphore, #tpu.memory_space<semaphore_mem>>) src(%dma_wait3A_380 : memref<40x128xf32, #tpu.memory_space<hbm>>) dst(%arg7 : memref<40x128xf32, #tpu.memory_space<vmem>>)
    %dma_wait3A_381 = arith.constant 440 : i32
    %dma_wait3A_382 = tpu.memref_slice %arg3[%select_n3A, %dma_wait3A_381, %mul3A_32] : memref<26x1000x1024xf32, #tpu.memory_space<hbm>> -> memref<1x40x128xf32, #tpu.memory_space<hbm>>
    %dma_wait3A_383 = tpu.memref_squeeze %dma_wait3A_382 : memref<1x40x128xf32, #tpu.memory_space<hbm>> -> memref<40x128xf32, #tpu.memory_space<hbm>>
    %dma_wait3A_384 = arith.constant 440 : i32
    %dma_wait3A_385 = tpu.memref_slice %arg3[%select_n3A, %dma_wait3A_384, %mul3A_32] : memref<26x1000x1024xf32, #tpu.memory_space<hbm>> -> memref<1x40x128xf32, #tpu.memory_space<hbm>>
    %dma_wait3A_386 = tpu.memref_squeeze %dma_wait3A_385 : memref<1x40x128xf32, #tpu.memory_space<hbm>> -> memref<40x128xf32, #tpu.memory_space<hbm>>
    tpu.wait_dma2 semaphore(%arg11 : memref<!tpu.dma_semaphore, #tpu.memory_space<semaphore_mem>>) src(%dma_wait3A_386 : memref<40x128xf32, #tpu.memory_space<hbm>>) dst(%arg8 : memref<40x128xf32, #tpu.memory_space<vmem>>)
    %dma_start3A_387 = arith.constant 480 : i32
    %dma_start3A_388 = tpu.memref_slice %arg2[%select_n3A, %dma_start3A_387, %mul3A_32] : memref<26x1000x1024xf32, #tpu.memory_space<hbm>> -> memref<1x40x128xf32, #tpu.memory_space<hbm>>
    %dma_start3A_389 = tpu.memref_squeeze %dma_start3A_388 : memref<1x40x128xf32, #tpu.memory_space<hbm>> -> memref<40x128xf32, #tpu.memory_space<hbm>>
    %dma_start3A_390 = arith.constant 480 : i32
    %dma_start3A_391 = tpu.memref_slice %arg2[%select_n3A, %dma_start3A_390, %mul3A_32] : memref<26x1000x1024xf32, #tpu.memory_space<hbm>> -> memref<1x40x128xf32, #tpu.memory_space<hbm>>
    %dma_start3A_392 = tpu.memref_squeeze %dma_start3A_391 : memref<1x40x128xf32, #tpu.memory_space<hbm>> -> memref<40x128xf32, #tpu.memory_space<hbm>>
    tpu.enqueue_dma source(%dma_start3A_392 : memref<40x128xf32, #tpu.memory_space<hbm>>) target(%arg5 : memref<40x128xf32, #tpu.memory_space<vmem>>) target_semaphore(%arg10 : memref<!tpu.dma_semaphore, #tpu.memory_space<semaphore_mem>>)
    %dma_start3A_393 = arith.constant 480 : i32
    %dma_start3A_394 = tpu.memref_slice %arg3[%select_n3A, %dma_start3A_393, %mul3A_32] : memref<26x1000x1024xf32, #tpu.memory_space<hbm>> -> memref<1x40x128xf32, #tpu.memory_space<hbm>>
    %dma_start3A_395 = tpu.memref_squeeze %dma_start3A_394 : memref<1x40x128xf32, #tpu.memory_space<hbm>> -> memref<40x128xf32, #tpu.memory_space<hbm>>
    %dma_start3A_396 = arith.constant 480 : i32
    %dma_start3A_397 = tpu.memref_slice %arg3[%select_n3A, %dma_start3A_396, %mul3A_32] : memref<26x1000x1024xf32, #tpu.memory_space<hbm>> -> memref<1x40x128xf32, #tpu.memory_space<hbm>>
    %dma_start3A_398 = tpu.memref_squeeze %dma_start3A_397 : memref<1x40x128xf32, #tpu.memory_space<hbm>> -> memref<40x128xf32, #tpu.memory_space<hbm>>
    tpu.enqueue_dma source(%dma_start3A_398 : memref<40x128xf32, #tpu.memory_space<hbm>>) target(%arg6 : memref<40x128xf32, #tpu.memory_space<vmem>>) target_semaphore(%arg11 : memref<!tpu.dma_semaphore, #tpu.memory_space<semaphore_mem>>)
    %scan3A_399 = arith.constant 0 : i32
    %scan3A_400 = arith.constant 40 : i32
    %scan3A_401 = arith.addi %scan3A_399, %scan3A_400 : i32
    %scan3A_402 = arith.constant 1 : i32
    %scan3A_403:16 = scf.for %scan3A_801 = %scan3A_399 to %scan3A_401 step %scan3A_402 iter_args(%scan3A_802 = %scan3A_373#0, %scan3A_803 = %scan3A_373#1, %scan3A_804 = %scan3A_373#2, %scan3A_805 = %scan3A_373#3, %scan3A_806 = %scan3A_373#4, %scan3A_807 = %scan3A_373#5, %scan3A_808 = %scan3A_373#6, %scan3A_809 = %scan3A_373#7, %scan3A_810 = %scan3A_373#8, %scan3A_811 = %scan3A_373#9, %scan3A_812 = %scan3A_373#10, %scan3A_813 = %scan3A_373#11, %scan3A_814 = %scan3A_373#12, %scan3A_815 = %scan3A_373#13, %scan3A_816 = %scan3A_373#14, %scan3A_817 = %scan3A_373#15) -> (vector<16xf32>, vector<16xi32>, vector<16xf32>, vector<16xi32>, vector<16xf32>, vector<16xi32>, vector<16xf32>, vector<16xi32>, vector<16xf32>, vector<16xi32>, vector<16xf32>, vector<16xi32>, vector<16xf32>, vector<16xi32>, vector<16xf32>, vector<16xi32>)  : i32 {
      %add3A_818 = arith.constant 440 : i32
      %add3A_819 = arith.addi %add3A_818, %scan3A_801 : i32
      %get3A = arith.index_cast %scan3A_801 : i32 to index
      %get3A_820 = arith.constant 0 : index
      %get3A_821 = tpu.vector_load %arg7[%get3A, %get3A_820] {strides = array<i32>} : memref<40x128xf32, #tpu.memory_space<vmem>>, vector<16xf32>,
      %get3A_822 = arith.index_cast %scan3A_801 : i32 to index
      %get3A_823 = arith.constant 0 : index
      %get3A_824 = tpu.vector_load %arg8[%get3A_822, %get3A_823] {strides = array<i32>} : memref<40x128xf32, #tpu.memory_space<vmem>>, vector<16xf32>,
      %add3A_825 = arith.addf %get3A_821, %get3A_824 : vector<16xf32>
      %gt3A = arith.cmpf ogt, %add3A_825, %scan3A_802 : vector<16xf32>
      %select_n3A_826 = arith.select %gt3A, %add3A_825, %scan3A_802 : vector<16xi1>, vector<16xf32>
      %broadcast_in_dim3A_827 = vector.broadcast %add3A_819 : i32 to vector<16xi32>
      %select_n3A_828 = arith.select %gt3A, %broadcast_in_dim3A_827, %scan3A_803 : vector<16xi1>, vector<16xi32>
      %get3A_829 = arith.index_cast %scan3A_801 : i32 to index
      %get3A_830 = arith.constant 16 : index
      %get3A_831 = tpu.vector_load %arg7[%get3A_829, %get3A_830] {strides = array<i32>} : memref<40x128xf32, #tpu.memory_space<vmem>>, vector<16xf32>,
      %get3A_832 = arith.index_cast %scan3A_801 : i32 to index
      %get3A_833 = arith.constant 16 : index
      %get3A_834 = tpu.vector_load %arg8[%get3A_832, %get3A_833] {strides = array<i32>} : memref<40x128xf32, #tpu.memory_space<vmem>>, vector<16xf32>,
      %add3A_835 = arith.addf %get3A_831, %get3A_834 : vector<16xf32>
      %gt3A_836 = arith.cmpf ogt, %add3A_835, %scan3A_804 : vector<16xf32>
      %select_n3A_837 = arith.select %gt3A_836, %add3A_835, %scan3A_804 : vector<16xi1>, vector<16xf32>
      %broadcast_in_dim3A_838 = vector.broadcast %add3A_819 : i32 to vector<16xi32>
      %select_n3A_839 = arith.select %gt3A_836, %broadcast_in_dim3A_838, %scan3A_805 : vector<16xi1>, vector<16xi32>
      %get3A_840 = arith.index_cast %scan3A_801 : i32 to index
      %get3A_841 = arith.constant 32 : index
      %get3A_842 = tpu.vector_load %arg7[%get3A_840, %get3A_841] {strides = array<i32>} : memref<40x128xf32, #tpu.memory_space<vmem>>, vector<16xf32>,
      %get3A_843 = arith.index_cast %scan3A_801 : i32 to index
      %get3A_844 = arith.constant 32 : index
      %get3A_845 = tpu.vector_load %arg8[%get3A_843, %get3A_844] {strides = array<i32>} : memref<40x128xf32, #tpu.memory_space<vmem>>, vector<16xf32>,
      %add3A_846 = arith.addf %get3A_842, %get3A_845 : vector<16xf32>
      %gt3A_847 = arith.cmpf ogt, %add3A_846, %scan3A_806 : vector<16xf32>
      %select_n3A_848 = arith.select %gt3A_847, %add3A_846, %scan3A_806 : vector<16xi1>, vector<16xf32>
      %broadcast_in_dim3A_849 = vector.broadcast %add3A_819 : i32 to vector<16xi32>
      %select_n3A_850 = arith.select %gt3A_847, %broadcast_in_dim3A_849, %scan3A_807 : vector<16xi1>, vector<16xi32>
      %get3A_851 = arith.index_cast %scan3A_801 : i32 to index
      %get3A_852 = arith.constant 48 : index
      %get3A_853 = tpu.vector_load %arg7[%get3A_851, %get3A_852] {strides = array<i32>} : memref<40x128xf32, #tpu.memory_space<vmem>>, vector<16xf32>,
      %get3A_854 = arith.index_cast %scan3A_801 : i32 to index
      %get3A_855 = arith.constant 48 : index
      %get3A_856 = tpu.vector_load %arg8[%get3A_854, %get3A_855] {strides = array<i32>} : memref<40x128xf32, #tpu.memory_space<vmem>>, vector<16xf32>,
      %add3A_857 = arith.addf %get3A_853, %get3A_856 : vector<16xf32>
      %gt3A_858 = arith.cmpf ogt, %add3A_857, %scan3A_808 : vector<16xf32>
      %select_n3A_859 = arith.select %gt3A_858, %add3A_857, %scan3A_808 : vector<16xi1>, vector<16xf32>
      %broadcast_in_dim3A_860 = vector.broadcast %add3A_819 : i32 to vector<16xi32>
      %select_n3A_861 = arith.select %gt3A_858, %broadcast_in_dim3A_860, %scan3A_809 : vector<16xi1>, vector<16xi32>
      %get3A_862 = arith.index_cast %scan3A_801 : i32 to index
      %get3A_863 = arith.constant 64 : index
      %get3A_864 = tpu.vector_load %arg7[%get3A_862, %get3A_863] {strides = array<i32>} : memref<40x128xf32, #tpu.memory_space<vmem>>, vector<16xf32>,
      %get3A_865 = arith.index_cast %scan3A_801 : i32 to index
      %get3A_866 = arith.constant 64 : index
      %get3A_867 = tpu.vector_load %arg8[%get3A_865, %get3A_866] {strides = array<i32>} : memref<40x128xf32, #tpu.memory_space<vmem>>, vector<16xf32>,
      %add3A_868 = arith.addf %get3A_864, %get3A_867 : vector<16xf32>
      %gt3A_869 = arith.cmpf ogt, %add3A_868, %scan3A_810 : vector<16xf32>
      %select_n3A_870 = arith.select %gt3A_869, %add3A_868, %scan3A_810 : vector<16xi1>, vector<16xf32>
      %broadcast_in_dim3A_871 = vector.broadcast %add3A_819 : i32 to vector<16xi32>
      %select_n3A_872 = arith.select %gt3A_869, %broadcast_in_dim3A_871, %scan3A_811 : vector<16xi1>, vector<16xi32>
      %get3A_873 = arith.index_cast %scan3A_801 : i32 to index
      %get3A_874 = arith.constant 80 : index
      %get3A_875 = tpu.vector_load %arg7[%get3A_873, %get3A_874] {strides = array<i32>} : memref<40x128xf32, #tpu.memory_space<vmem>>, vector<16xf32>,
      %get3A_876 = arith.index_cast %scan3A_801 : i32 to index
      %get3A_877 = arith.constant 80 : index
      %get3A_878 = tpu.vector_load %arg8[%get3A_876, %get3A_877] {strides = array<i32>} : memref<40x128xf32, #tpu.memory_space<vmem>>, vector<16xf32>,
      %add3A_879 = arith.addf %get3A_875, %get3A_878 : vector<16xf32>
      %gt3A_880 = arith.cmpf ogt, %add3A_879, %scan3A_812 : vector<16xf32>
      %select_n3A_881 = arith.select %gt3A_880, %add3A_879, %scan3A_812 : vector<16xi1>, vector<16xf32>
      %broadcast_in_dim3A_882 = vector.broadcast %add3A_819 : i32 to vector<16xi32>
      %select_n3A_883 = arith.select %gt3A_880, %broadcast_in_dim3A_882, %scan3A_813 : vector<16xi1>, vector<16xi32>
      %get3A_884 = arith.index_cast %scan3A_801 : i32 to index
      %get3A_885 = arith.constant 96 : index
      %get3A_886 = tpu.vector_load %arg7[%get3A_884, %get3A_885] {strides = array<i32>} : memref<40x128xf32, #tpu.memory_space<vmem>>, vector<16xf32>,
      %get3A_887 = arith.index_cast %scan3A_801 : i32 to index
      %get3A_888 = arith.constant 96 : index
      %get3A_889 = tpu.vector_load %arg8[%get3A_887, %get3A_888] {strides = array<i32>} : memref<40x128xf32, #tpu.memory_space<vmem>>, vector<16xf32>,
      %add3A_890 = arith.addf %get3A_886, %get3A_889 : vector<16xf32>
      %gt3A_891 = arith.cmpf ogt, %add3A_890, %scan3A_814 : vector<16xf32>
      %select_n3A_892 = arith.select %gt3A_891, %add3A_890, %scan3A_814 : vector<16xi1>, vector<16xf32>
      %broadcast_in_dim3A_893 = vector.broadcast %add3A_819 : i32 to vector<16xi32>
      %select_n3A_894 = arith.select %gt3A_891, %broadcast_in_dim3A_893, %scan3A_815 : vector<16xi1>, vector<16xi32>
      %get3A_895 = arith.index_cast %scan3A_801 : i32 to index
      %get3A_896 = arith.constant 112 : index
      %get3A_897 = tpu.vector_load %arg7[%get3A_895, %get3A_896] {strides = array<i32>} : memref<40x128xf32, #tpu.memory_space<vmem>>, vector<16xf32>,
      %get3A_898 = arith.index_cast %scan3A_801 : i32 to index
      %get3A_899 = arith.constant 112 : index
      %get3A_900 = tpu.vector_load %arg8[%get3A_898, %get3A_899] {strides = array<i32>} : memref<40x128xf32, #tpu.memory_space<vmem>>, vector<16xf32>,
      %add3A_901 = arith.addf %get3A_897, %get3A_900 : vector<16xf32>
      %gt3A_902 = arith.cmpf ogt, %add3A_901, %scan3A_816 : vector<16xf32>
      %select_n3A_903 = arith.select %gt3A_902, %add3A_901, %scan3A_816 : vector<16xi1>, vector<16xf32>
      %broadcast_in_dim3A_904 = vector.broadcast %add3A_819 : i32 to vector<16xi32>
      %select_n3A_905 = arith.select %gt3A_902, %broadcast_in_dim3A_904, %scan3A_817 : vector<16xi1>, vector<16xi32>
      scf.yield %select_n3A_826, %select_n3A_828, %select_n3A_837, %select_n3A_839, %select_n3A_848, %select_n3A_850, %select_n3A_859, %select_n3A_861, %select_n3A_870, %select_n3A_872, %select_n3A_881, %select_n3A_883, %select_n3A_892, %select_n3A_894, %select_n3A_903, %select_n3A_905 : vector<16xf32>, vector<16xi32>, vector<16xf32>, vector<16xi32>, vector<16xf32>, vector<16xi32>, vector<16xf32>, vector<16xi32>, vector<16xf32>, vector<16xi32>, vector<16xf32>, vector<16xi32>, vector<16xf32>, vector<16xi32>, vector<16xf32>, vector<16xi32>
    }
    %scan3A_404 = arith.constant 40 : i32
    %dma_wait3A_405 = arith.constant 480 : i32
    %dma_wait3A_406 = tpu.memref_slice %arg2[%select_n3A, %dma_wait3A_405, %mul3A_32] : memref<26x1000x1024xf32, #tpu.memory_space<hbm>> -> memref<1x40x128xf32, #tpu.memory_space<hbm>>
    %dma_wait3A_407 = tpu.memref_squeeze %dma_wait3A_406 : memref<1x40x128xf32, #tpu.memory_space<hbm>> -> memref<40x128xf32, #tpu.memory_space<hbm>>
    %dma_wait3A_408 = arith.constant 480 : i32
    %dma_wait3A_409 = tpu.memref_slice %arg2[%select_n3A, %dma_wait3A_408, %mul3A_32] : memref<26x1000x1024xf32, #tpu.memory_space<hbm>> -> memref<1x40x128xf32, #tpu.memory_space<hbm>>
    %dma_wait3A_410 = tpu.memref_squeeze %dma_wait3A_409 : memref<1x40x128xf32, #tpu.memory_space<hbm>> -> memref<40x128xf32, #tpu.memory_space<hbm>>
    tpu.wait_dma2 semaphore(%arg10 : memref<!tpu.dma_semaphore, #tpu.memory_space<semaphore_mem>>) src(%dma_wait3A_410 : memref<40x128xf32, #tpu.memory_space<hbm>>) dst(%arg5 : memref<40x128xf32, #tpu.memory_space<vmem>>)
    %dma_wait3A_411 = arith.constant 480 : i32
    %dma_wait3A_412 = tpu.memref_slice %arg3[%select_n3A, %dma_wait3A_411, %mul3A_32] : memref<26x1000x1024xf32, #tpu.memory_space<hbm>> -> memref<1x40x128xf32, #tpu.memory_space<hbm>>
    %dma_wait3A_413 = tpu.memref_squeeze %dma_wait3A_412 : memref<1x40x128xf32, #tpu.memory_space<hbm>> -> memref<40x128xf32, #tpu.memory_space<hbm>>
    %dma_wait3A_414 = arith.constant 480 : i32
    %dma_wait3A_415 = tpu.memref_slice %arg3[%select_n3A, %dma_wait3A_414, %mul3A_32] : memref<26x1000x1024xf32, #tpu.memory_space<hbm>> -> memref<1x40x128xf32, #tpu.memory_space<hbm>>
    %dma_wait3A_416 = tpu.memref_squeeze %dma_wait3A_415 : memref<1x40x128xf32, #tpu.memory_space<hbm>> -> memref<40x128xf32, #tpu.memory_space<hbm>>
    tpu.wait_dma2 semaphore(%arg11 : memref<!tpu.dma_semaphore, #tpu.memory_space<semaphore_mem>>) src(%dma_wait3A_416 : memref<40x128xf32, #tpu.memory_space<hbm>>) dst(%arg6 : memref<40x128xf32, #tpu.memory_space<vmem>>)
    %dma_start3A_417 = arith.constant 520 : i32
    %dma_start3A_418 = tpu.memref_slice %arg2[%select_n3A, %dma_start3A_417, %mul3A_32] : memref<26x1000x1024xf32, #tpu.memory_space<hbm>> -> memref<1x40x128xf32, #tpu.memory_space<hbm>>
    %dma_start3A_419 = tpu.memref_squeeze %dma_start3A_418 : memref<1x40x128xf32, #tpu.memory_space<hbm>> -> memref<40x128xf32, #tpu.memory_space<hbm>>
    %dma_start3A_420 = arith.constant 520 : i32
    %dma_start3A_421 = tpu.memref_slice %arg2[%select_n3A, %dma_start3A_420, %mul3A_32] : memref<26x1000x1024xf32, #tpu.memory_space<hbm>> -> memref<1x40x128xf32, #tpu.memory_space<hbm>>
    %dma_start3A_422 = tpu.memref_squeeze %dma_start3A_421 : memref<1x40x128xf32, #tpu.memory_space<hbm>> -> memref<40x128xf32, #tpu.memory_space<hbm>>
    tpu.enqueue_dma source(%dma_start3A_422 : memref<40x128xf32, #tpu.memory_space<hbm>>) target(%arg7 : memref<40x128xf32, #tpu.memory_space<vmem>>) target_semaphore(%arg10 : memref<!tpu.dma_semaphore, #tpu.memory_space<semaphore_mem>>)
    %dma_start3A_423 = arith.constant 520 : i32
    %dma_start3A_424 = tpu.memref_slice %arg3[%select_n3A, %dma_start3A_423, %mul3A_32] : memref<26x1000x1024xf32, #tpu.memory_space<hbm>> -> memref<1x40x128xf32, #tpu.memory_space<hbm>>
    %dma_start3A_425 = tpu.memref_squeeze %dma_start3A_424 : memref<1x40x128xf32, #tpu.memory_space<hbm>> -> memref<40x128xf32, #tpu.memory_space<hbm>>
    %dma_start3A_426 = arith.constant 520 : i32
    %dma_start3A_427 = tpu.memref_slice %arg3[%select_n3A, %dma_start3A_426, %mul3A_32] : memref<26x1000x1024xf32, #tpu.memory_space<hbm>> -> memref<1x40x128xf32, #tpu.memory_space<hbm>>
    %dma_start3A_428 = tpu.memref_squeeze %dma_start3A_427 : memref<1x40x128xf32, #tpu.memory_space<hbm>> -> memref<40x128xf32, #tpu.memory_space<hbm>>
    tpu.enqueue_dma source(%dma_start3A_428 : memref<40x128xf32, #tpu.memory_space<hbm>>) target(%arg8 : memref<40x128xf32, #tpu.memory_space<vmem>>) target_semaphore(%arg11 : memref<!tpu.dma_semaphore, #tpu.memory_space<semaphore_mem>>)
    %scan3A_429 = arith.constant 0 : i32
    %scan3A_430 = arith.constant 40 : i32
    %scan3A_431 = arith.addi %scan3A_429, %scan3A_430 : i32
    %scan3A_432 = arith.constant 1 : i32
    %scan3A_433:16 = scf.for %scan3A_801 = %scan3A_429 to %scan3A_431 step %scan3A_432 iter_args(%scan3A_802 = %scan3A_403#0, %scan3A_803 = %scan3A_403#1, %scan3A_804 = %scan3A_403#2, %scan3A_805 = %scan3A_403#3, %scan3A_806 = %scan3A_403#4, %scan3A_807 = %scan3A_403#5, %scan3A_808 = %scan3A_403#6, %scan3A_809 = %scan3A_403#7, %scan3A_810 = %scan3A_403#8, %scan3A_811 = %scan3A_403#9, %scan3A_812 = %scan3A_403#10, %scan3A_813 = %scan3A_403#11, %scan3A_814 = %scan3A_403#12, %scan3A_815 = %scan3A_403#13, %scan3A_816 = %scan3A_403#14, %scan3A_817 = %scan3A_403#15) -> (vector<16xf32>, vector<16xi32>, vector<16xf32>, vector<16xi32>, vector<16xf32>, vector<16xi32>, vector<16xf32>, vector<16xi32>, vector<16xf32>, vector<16xi32>, vector<16xf32>, vector<16xi32>, vector<16xf32>, vector<16xi32>, vector<16xf32>, vector<16xi32>)  : i32 {
      %add3A_818 = arith.constant 480 : i32
      %add3A_819 = arith.addi %add3A_818, %scan3A_801 : i32
      %get3A = arith.index_cast %scan3A_801 : i32 to index
      %get3A_820 = arith.constant 0 : index
      %get3A_821 = tpu.vector_load %arg5[%get3A, %get3A_820] {strides = array<i32>} : memref<40x128xf32, #tpu.memory_space<vmem>>, vector<16xf32>,
      %get3A_822 = arith.index_cast %scan3A_801 : i32 to index
      %get3A_823 = arith.constant 0 : index
      %get3A_824 = tpu.vector_load %arg6[%get3A_822, %get3A_823] {strides = array<i32>} : memref<40x128xf32, #tpu.memory_space<vmem>>, vector<16xf32>,
      %add3A_825 = arith.addf %get3A_821, %get3A_824 : vector<16xf32>
      %gt3A = arith.cmpf ogt, %add3A_825, %scan3A_802 : vector<16xf32>
      %select_n3A_826 = arith.select %gt3A, %add3A_825, %scan3A_802 : vector<16xi1>, vector<16xf32>
      %broadcast_in_dim3A_827 = vector.broadcast %add3A_819 : i32 to vector<16xi32>
      %select_n3A_828 = arith.select %gt3A, %broadcast_in_dim3A_827, %scan3A_803 : vector<16xi1>, vector<16xi32>
      %get3A_829 = arith.index_cast %scan3A_801 : i32 to index
      %get3A_830 = arith.constant 16 : index
      %get3A_831 = tpu.vector_load %arg5[%get3A_829, %get3A_830] {strides = array<i32>} : memref<40x128xf32, #tpu.memory_space<vmem>>, vector<16xf32>,
      %get3A_832 = arith.index_cast %scan3A_801 : i32 to index
      %get3A_833 = arith.constant 16 : index
      %get3A_834 = tpu.vector_load %arg6[%get3A_832, %get3A_833] {strides = array<i32>} : memref<40x128xf32, #tpu.memory_space<vmem>>, vector<16xf32>,
      %add3A_835 = arith.addf %get3A_831, %get3A_834 : vector<16xf32>
      %gt3A_836 = arith.cmpf ogt, %add3A_835, %scan3A_804 : vector<16xf32>
      %select_n3A_837 = arith.select %gt3A_836, %add3A_835, %scan3A_804 : vector<16xi1>, vector<16xf32>
      %broadcast_in_dim3A_838 = vector.broadcast %add3A_819 : i32 to vector<16xi32>
      %select_n3A_839 = arith.select %gt3A_836, %broadcast_in_dim3A_838, %scan3A_805 : vector<16xi1>, vector<16xi32>
      %get3A_840 = arith.index_cast %scan3A_801 : i32 to index
      %get3A_841 = arith.constant 32 : index
      %get3A_842 = tpu.vector_load %arg5[%get3A_840, %get3A_841] {strides = array<i32>} : memref<40x128xf32, #tpu.memory_space<vmem>>, vector<16xf32>,
      %get3A_843 = arith.index_cast %scan3A_801 : i32 to index
      %get3A_844 = arith.constant 32 : index
      %get3A_845 = tpu.vector_load %arg6[%get3A_843, %get3A_844] {strides = array<i32>} : memref<40x128xf32, #tpu.memory_space<vmem>>, vector<16xf32>,
      %add3A_846 = arith.addf %get3A_842, %get3A_845 : vector<16xf32>
      %gt3A_847 = arith.cmpf ogt, %add3A_846, %scan3A_806 : vector<16xf32>
      %select_n3A_848 = arith.select %gt3A_847, %add3A_846, %scan3A_806 : vector<16xi1>, vector<16xf32>
      %broadcast_in_dim3A_849 = vector.broadcast %add3A_819 : i32 to vector<16xi32>
      %select_n3A_850 = arith.select %gt3A_847, %broadcast_in_dim3A_849, %scan3A_807 : vector<16xi1>, vector<16xi32>
      %get3A_851 = arith.index_cast %scan3A_801 : i32 to index
      %get3A_852 = arith.constant 48 : index
      %get3A_853 = tpu.vector_load %arg5[%get3A_851, %get3A_852] {strides = array<i32>} : memref<40x128xf32, #tpu.memory_space<vmem>>, vector<16xf32>,
      %get3A_854 = arith.index_cast %scan3A_801 : i32 to index
      %get3A_855 = arith.constant 48 : index
      %get3A_856 = tpu.vector_load %arg6[%get3A_854, %get3A_855] {strides = array<i32>} : memref<40x128xf32, #tpu.memory_space<vmem>>, vector<16xf32>,
      %add3A_857 = arith.addf %get3A_853, %get3A_856 : vector<16xf32>
      %gt3A_858 = arith.cmpf ogt, %add3A_857, %scan3A_808 : vector<16xf32>
      %select_n3A_859 = arith.select %gt3A_858, %add3A_857, %scan3A_808 : vector<16xi1>, vector<16xf32>
      %broadcast_in_dim3A_860 = vector.broadcast %add3A_819 : i32 to vector<16xi32>
      %select_n3A_861 = arith.select %gt3A_858, %broadcast_in_dim3A_860, %scan3A_809 : vector<16xi1>, vector<16xi32>
      %get3A_862 = arith.index_cast %scan3A_801 : i32 to index
      %get3A_863 = arith.constant 64 : index
      %get3A_864 = tpu.vector_load %arg5[%get3A_862, %get3A_863] {strides = array<i32>} : memref<40x128xf32, #tpu.memory_space<vmem>>, vector<16xf32>,
      %get3A_865 = arith.index_cast %scan3A_801 : i32 to index
      %get3A_866 = arith.constant 64 : index
      %get3A_867 = tpu.vector_load %arg6[%get3A_865, %get3A_866] {strides = array<i32>} : memref<40x128xf32, #tpu.memory_space<vmem>>, vector<16xf32>,
      %add3A_868 = arith.addf %get3A_864, %get3A_867 : vector<16xf32>
      %gt3A_869 = arith.cmpf ogt, %add3A_868, %scan3A_810 : vector<16xf32>
      %select_n3A_870 = arith.select %gt3A_869, %add3A_868, %scan3A_810 : vector<16xi1>, vector<16xf32>
      %broadcast_in_dim3A_871 = vector.broadcast %add3A_819 : i32 to vector<16xi32>
      %select_n3A_872 = arith.select %gt3A_869, %broadcast_in_dim3A_871, %scan3A_811 : vector<16xi1>, vector<16xi32>
      %get3A_873 = arith.index_cast %scan3A_801 : i32 to index
      %get3A_874 = arith.constant 80 : index
      %get3A_875 = tpu.vector_load %arg5[%get3A_873, %get3A_874] {strides = array<i32>} : memref<40x128xf32, #tpu.memory_space<vmem>>, vector<16xf32>,
      %get3A_876 = arith.index_cast %scan3A_801 : i32 to index
      %get3A_877 = arith.constant 80 : index
      %get3A_878 = tpu.vector_load %arg6[%get3A_876, %get3A_877] {strides = array<i32>} : memref<40x128xf32, #tpu.memory_space<vmem>>, vector<16xf32>,
      %add3A_879 = arith.addf %get3A_875, %get3A_878 : vector<16xf32>
      %gt3A_880 = arith.cmpf ogt, %add3A_879, %scan3A_812 : vector<16xf32>
      %select_n3A_881 = arith.select %gt3A_880, %add3A_879, %scan3A_812 : vector<16xi1>, vector<16xf32>
      %broadcast_in_dim3A_882 = vector.broadcast %add3A_819 : i32 to vector<16xi32>
      %select_n3A_883 = arith.select %gt3A_880, %broadcast_in_dim3A_882, %scan3A_813 : vector<16xi1>, vector<16xi32>
      %get3A_884 = arith.index_cast %scan3A_801 : i32 to index
      %get3A_885 = arith.constant 96 : index
      %get3A_886 = tpu.vector_load %arg5[%get3A_884, %get3A_885] {strides = array<i32>} : memref<40x128xf32, #tpu.memory_space<vmem>>, vector<16xf32>,
      %get3A_887 = arith.index_cast %scan3A_801 : i32 to index
      %get3A_888 = arith.constant 96 : index
      %get3A_889 = tpu.vector_load %arg6[%get3A_887, %get3A_888] {strides = array<i32>} : memref<40x128xf32, #tpu.memory_space<vmem>>, vector<16xf32>,
      %add3A_890 = arith.addf %get3A_886, %get3A_889 : vector<16xf32>
      %gt3A_891 = arith.cmpf ogt, %add3A_890, %scan3A_814 : vector<16xf32>
      %select_n3A_892 = arith.select %gt3A_891, %add3A_890, %scan3A_814 : vector<16xi1>, vector<16xf32>
      %broadcast_in_dim3A_893 = vector.broadcast %add3A_819 : i32 to vector<16xi32>
      %select_n3A_894 = arith.select %gt3A_891, %broadcast_in_dim3A_893, %scan3A_815 : vector<16xi1>, vector<16xi32>
      %get3A_895 = arith.index_cast %scan3A_801 : i32 to index
      %get3A_896 = arith.constant 112 : index
      %get3A_897 = tpu.vector_load %arg5[%get3A_895, %get3A_896] {strides = array<i32>} : memref<40x128xf32, #tpu.memory_space<vmem>>, vector<16xf32>,
      %get3A_898 = arith.index_cast %scan3A_801 : i32 to index
      %get3A_899 = arith.constant 112 : index
      %get3A_900 = tpu.vector_load %arg6[%get3A_898, %get3A_899] {strides = array<i32>} : memref<40x128xf32, #tpu.memory_space<vmem>>, vector<16xf32>,
      %add3A_901 = arith.addf %get3A_897, %get3A_900 : vector<16xf32>
      %gt3A_902 = arith.cmpf ogt, %add3A_901, %scan3A_816 : vector<16xf32>
      %select_n3A_903 = arith.select %gt3A_902, %add3A_901, %scan3A_816 : vector<16xi1>, vector<16xf32>
      %broadcast_in_dim3A_904 = vector.broadcast %add3A_819 : i32 to vector<16xi32>
      %select_n3A_905 = arith.select %gt3A_902, %broadcast_in_dim3A_904, %scan3A_817 : vector<16xi1>, vector<16xi32>
      scf.yield %select_n3A_826, %select_n3A_828, %select_n3A_837, %select_n3A_839, %select_n3A_848, %select_n3A_850, %select_n3A_859, %select_n3A_861, %select_n3A_870, %select_n3A_872, %select_n3A_881, %select_n3A_883, %select_n3A_892, %select_n3A_894, %select_n3A_903, %select_n3A_905 : vector<16xf32>, vector<16xi32>, vector<16xf32>, vector<16xi32>, vector<16xf32>, vector<16xi32>, vector<16xf32>, vector<16xi32>, vector<16xf32>, vector<16xi32>, vector<16xf32>, vector<16xi32>, vector<16xf32>, vector<16xi32>, vector<16xf32>, vector<16xi32>
    }
    %scan3A_434 = arith.constant 40 : i32
    %dma_wait3A_435 = arith.constant 520 : i32
    %dma_wait3A_436 = tpu.memref_slice %arg2[%select_n3A, %dma_wait3A_435, %mul3A_32] : memref<26x1000x1024xf32, #tpu.memory_space<hbm>> -> memref<1x40x128xf32, #tpu.memory_space<hbm>>
    %dma_wait3A_437 = tpu.memref_squeeze %dma_wait3A_436 : memref<1x40x128xf32, #tpu.memory_space<hbm>> -> memref<40x128xf32, #tpu.memory_space<hbm>>
    %dma_wait3A_438 = arith.constant 520 : i32
    %dma_wait3A_439 = tpu.memref_slice %arg2[%select_n3A, %dma_wait3A_438, %mul3A_32] : memref<26x1000x1024xf32, #tpu.memory_space<hbm>> -> memref<1x40x128xf32, #tpu.memory_space<hbm>>
    %dma_wait3A_440 = tpu.memref_squeeze %dma_wait3A_439 : memref<1x40x128xf32, #tpu.memory_space<hbm>> -> memref<40x128xf32, #tpu.memory_space<hbm>>
    tpu.wait_dma2 semaphore(%arg10 : memref<!tpu.dma_semaphore, #tpu.memory_space<semaphore_mem>>) src(%dma_wait3A_440 : memref<40x128xf32, #tpu.memory_space<hbm>>) dst(%arg7 : memref<40x128xf32, #tpu.memory_space<vmem>>)
    %dma_wait3A_441 = arith.constant 520 : i32
    %dma_wait3A_442 = tpu.memref_slice %arg3[%select_n3A, %dma_wait3A_441, %mul3A_32] : memref<26x1000x1024xf32, #tpu.memory_space<hbm>> -> memref<1x40x128xf32, #tpu.memory_space<hbm>>
    %dma_wait3A_443 = tpu.memref_squeeze %dma_wait3A_442 : memref<1x40x128xf32, #tpu.memory_space<hbm>> -> memref<40x128xf32, #tpu.memory_space<hbm>>
    %dma_wait3A_444 = arith.constant 520 : i32
    %dma_wait3A_445 = tpu.memref_slice %arg3[%select_n3A, %dma_wait3A_444, %mul3A_32] : memref<26x1000x1024xf32, #tpu.memory_space<hbm>> -> memref<1x40x128xf32, #tpu.memory_space<hbm>>
    %dma_wait3A_446 = tpu.memref_squeeze %dma_wait3A_445 : memref<1x40x128xf32, #tpu.memory_space<hbm>> -> memref<40x128xf32, #tpu.memory_space<hbm>>
    tpu.wait_dma2 semaphore(%arg11 : memref<!tpu.dma_semaphore, #tpu.memory_space<semaphore_mem>>) src(%dma_wait3A_446 : memref<40x128xf32, #tpu.memory_space<hbm>>) dst(%arg8 : memref<40x128xf32, #tpu.memory_space<vmem>>)
    %dma_start3A_447 = arith.constant 560 : i32
    %dma_start3A_448 = tpu.memref_slice %arg2[%select_n3A, %dma_start3A_447, %mul3A_32] : memref<26x1000x1024xf32, #tpu.memory_space<hbm>> -> memref<1x40x128xf32, #tpu.memory_space<hbm>>
    %dma_start3A_449 = tpu.memref_squeeze %dma_start3A_448 : memref<1x40x128xf32, #tpu.memory_space<hbm>> -> memref<40x128xf32, #tpu.memory_space<hbm>>
    %dma_start3A_450 = arith.constant 560 : i32
    %dma_start3A_451 = tpu.memref_slice %arg2[%select_n3A, %dma_start3A_450, %mul3A_32] : memref<26x1000x1024xf32, #tpu.memory_space<hbm>> -> memref<1x40x128xf32, #tpu.memory_space<hbm>>
    %dma_start3A_452 = tpu.memref_squeeze %dma_start3A_451 : memref<1x40x128xf32, #tpu.memory_space<hbm>> -> memref<40x128xf32, #tpu.memory_space<hbm>>
    tpu.enqueue_dma source(%dma_start3A_452 : memref<40x128xf32, #tpu.memory_space<hbm>>) target(%arg5 : memref<40x128xf32, #tpu.memory_space<vmem>>) target_semaphore(%arg10 : memref<!tpu.dma_semaphore, #tpu.memory_space<semaphore_mem>>)
    %dma_start3A_453 = arith.constant 560 : i32
    %dma_start3A_454 = tpu.memref_slice %arg3[%select_n3A, %dma_start3A_453, %mul3A_32] : memref<26x1000x1024xf32, #tpu.memory_space<hbm>> -> memref<1x40x128xf32, #tpu.memory_space<hbm>>
    %dma_start3A_455 = tpu.memref_squeeze %dma_start3A_454 : memref<1x40x128xf32, #tpu.memory_space<hbm>> -> memref<40x128xf32, #tpu.memory_space<hbm>>
    %dma_start3A_456 = arith.constant 560 : i32
    %dma_start3A_457 = tpu.memref_slice %arg3[%select_n3A, %dma_start3A_456, %mul3A_32] : memref<26x1000x1024xf32, #tpu.memory_space<hbm>> -> memref<1x40x128xf32, #tpu.memory_space<hbm>>
    %dma_start3A_458 = tpu.memref_squeeze %dma_start3A_457 : memref<1x40x128xf32, #tpu.memory_space<hbm>> -> memref<40x128xf32, #tpu.memory_space<hbm>>
    tpu.enqueue_dma source(%dma_start3A_458 : memref<40x128xf32, #tpu.memory_space<hbm>>) target(%arg6 : memref<40x128xf32, #tpu.memory_space<vmem>>) target_semaphore(%arg11 : memref<!tpu.dma_semaphore, #tpu.memory_space<semaphore_mem>>)
    %scan3A_459 = arith.constant 0 : i32
    %scan3A_460 = arith.constant 40 : i32
    %scan3A_461 = arith.addi %scan3A_459, %scan3A_460 : i32
    %scan3A_462 = arith.constant 1 : i32
    %scan3A_463:16 = scf.for %scan3A_801 = %scan3A_459 to %scan3A_461 step %scan3A_462 iter_args(%scan3A_802 = %scan3A_433#0, %scan3A_803 = %scan3A_433#1, %scan3A_804 = %scan3A_433#2, %scan3A_805 = %scan3A_433#3, %scan3A_806 = %scan3A_433#4, %scan3A_807 = %scan3A_433#5, %scan3A_808 = %scan3A_433#6, %scan3A_809 = %scan3A_433#7, %scan3A_810 = %scan3A_433#8, %scan3A_811 = %scan3A_433#9, %scan3A_812 = %scan3A_433#10, %scan3A_813 = %scan3A_433#11, %scan3A_814 = %scan3A_433#12, %scan3A_815 = %scan3A_433#13, %scan3A_816 = %scan3A_433#14, %scan3A_817 = %scan3A_433#15) -> (vector<16xf32>, vector<16xi32>, vector<16xf32>, vector<16xi32>, vector<16xf32>, vector<16xi32>, vector<16xf32>, vector<16xi32>, vector<16xf32>, vector<16xi32>, vector<16xf32>, vector<16xi32>, vector<16xf32>, vector<16xi32>, vector<16xf32>, vector<16xi32>)  : i32 {
      %add3A_818 = arith.constant 520 : i32
      %add3A_819 = arith.addi %add3A_818, %scan3A_801 : i32
      %get3A = arith.index_cast %scan3A_801 : i32 to index
      %get3A_820 = arith.constant 0 : index
      %get3A_821 = tpu.vector_load %arg7[%get3A, %get3A_820] {strides = array<i32>} : memref<40x128xf32, #tpu.memory_space<vmem>>, vector<16xf32>,
      %get3A_822 = arith.index_cast %scan3A_801 : i32 to index
      %get3A_823 = arith.constant 0 : index
      %get3A_824 = tpu.vector_load %arg8[%get3A_822, %get3A_823] {strides = array<i32>} : memref<40x128xf32, #tpu.memory_space<vmem>>, vector<16xf32>,
      %add3A_825 = arith.addf %get3A_821, %get3A_824 : vector<16xf32>
      %gt3A = arith.cmpf ogt, %add3A_825, %scan3A_802 : vector<16xf32>
      %select_n3A_826 = arith.select %gt3A, %add3A_825, %scan3A_802 : vector<16xi1>, vector<16xf32>
      %broadcast_in_dim3A_827 = vector.broadcast %add3A_819 : i32 to vector<16xi32>
      %select_n3A_828 = arith.select %gt3A, %broadcast_in_dim3A_827, %scan3A_803 : vector<16xi1>, vector<16xi32>
      %get3A_829 = arith.index_cast %scan3A_801 : i32 to index
      %get3A_830 = arith.constant 16 : index
      %get3A_831 = tpu.vector_load %arg7[%get3A_829, %get3A_830] {strides = array<i32>} : memref<40x128xf32, #tpu.memory_space<vmem>>, vector<16xf32>,
      %get3A_832 = arith.index_cast %scan3A_801 : i32 to index
      %get3A_833 = arith.constant 16 : index
      %get3A_834 = tpu.vector_load %arg8[%get3A_832, %get3A_833] {strides = array<i32>} : memref<40x128xf32, #tpu.memory_space<vmem>>, vector<16xf32>,
      %add3A_835 = arith.addf %get3A_831, %get3A_834 : vector<16xf32>
      %gt3A_836 = arith.cmpf ogt, %add3A_835, %scan3A_804 : vector<16xf32>
      %select_n3A_837 = arith.select %gt3A_836, %add3A_835, %scan3A_804 : vector<16xi1>, vector<16xf32>
      %broadcast_in_dim3A_838 = vector.broadcast %add3A_819 : i32 to vector<16xi32>
      %select_n3A_839 = arith.select %gt3A_836, %broadcast_in_dim3A_838, %scan3A_805 : vector<16xi1>, vector<16xi32>
      %get3A_840 = arith.index_cast %scan3A_801 : i32 to index
      %get3A_841 = arith.constant 32 : index
      %get3A_842 = tpu.vector_load %arg7[%get3A_840, %get3A_841] {strides = array<i32>} : memref<40x128xf32, #tpu.memory_space<vmem>>, vector<16xf32>,
      %get3A_843 = arith.index_cast %scan3A_801 : i32 to index
      %get3A_844 = arith.constant 32 : index
      %get3A_845 = tpu.vector_load %arg8[%get3A_843, %get3A_844] {strides = array<i32>} : memref<40x128xf32, #tpu.memory_space<vmem>>, vector<16xf32>,
      %add3A_846 = arith.addf %get3A_842, %get3A_845 : vector<16xf32>
      %gt3A_847 = arith.cmpf ogt, %add3A_846, %scan3A_806 : vector<16xf32>
      %select_n3A_848 = arith.select %gt3A_847, %add3A_846, %scan3A_806 : vector<16xi1>, vector<16xf32>
      %broadcast_in_dim3A_849 = vector.broadcast %add3A_819 : i32 to vector<16xi32>
      %select_n3A_850 = arith.select %gt3A_847, %broadcast_in_dim3A_849, %scan3A_807 : vector<16xi1>, vector<16xi32>
      %get3A_851 = arith.index_cast %scan3A_801 : i32 to index
      %get3A_852 = arith.constant 48 : index
      %get3A_853 = tpu.vector_load %arg7[%get3A_851, %get3A_852] {strides = array<i32>} : memref<40x128xf32, #tpu.memory_space<vmem>>, vector<16xf32>,
      %get3A_854 = arith.index_cast %scan3A_801 : i32 to index
      %get3A_855 = arith.constant 48 : index
      %get3A_856 = tpu.vector_load %arg8[%get3A_854, %get3A_855] {strides = array<i32>} : memref<40x128xf32, #tpu.memory_space<vmem>>, vector<16xf32>,
      %add3A_857 = arith.addf %get3A_853, %get3A_856 : vector<16xf32>
      %gt3A_858 = arith.cmpf ogt, %add3A_857, %scan3A_808 : vector<16xf32>
      %select_n3A_859 = arith.select %gt3A_858, %add3A_857, %scan3A_808 : vector<16xi1>, vector<16xf32>
      %broadcast_in_dim3A_860 = vector.broadcast %add3A_819 : i32 to vector<16xi32>
      %select_n3A_861 = arith.select %gt3A_858, %broadcast_in_dim3A_860, %scan3A_809 : vector<16xi1>, vector<16xi32>
      %get3A_862 = arith.index_cast %scan3A_801 : i32 to index
      %get3A_863 = arith.constant 64 : index
      %get3A_864 = tpu.vector_load %arg7[%get3A_862, %get3A_863] {strides = array<i32>} : memref<40x128xf32, #tpu.memory_space<vmem>>, vector<16xf32>,
      %get3A_865 = arith.index_cast %scan3A_801 : i32 to index
      %get3A_866 = arith.constant 64 : index
      %get3A_867 = tpu.vector_load %arg8[%get3A_865, %get3A_866] {strides = array<i32>} : memref<40x128xf32, #tpu.memory_space<vmem>>, vector<16xf32>,
      %add3A_868 = arith.addf %get3A_864, %get3A_867 : vector<16xf32>
      %gt3A_869 = arith.cmpf ogt, %add3A_868, %scan3A_810 : vector<16xf32>
      %select_n3A_870 = arith.select %gt3A_869, %add3A_868, %scan3A_810 : vector<16xi1>, vector<16xf32>
      %broadcast_in_dim3A_871 = vector.broadcast %add3A_819 : i32 to vector<16xi32>
      %select_n3A_872 = arith.select %gt3A_869, %broadcast_in_dim3A_871, %scan3A_811 : vector<16xi1>, vector<16xi32>
      %get3A_873 = arith.index_cast %scan3A_801 : i32 to index
      %get3A_874 = arith.constant 80 : index
      %get3A_875 = tpu.vector_load %arg7[%get3A_873, %get3A_874] {strides = array<i32>} : memref<40x128xf32, #tpu.memory_space<vmem>>, vector<16xf32>,
      %get3A_876 = arith.index_cast %scan3A_801 : i32 to index
      %get3A_877 = arith.constant 80 : index
      %get3A_878 = tpu.vector_load %arg8[%get3A_876, %get3A_877] {strides = array<i32>} : memref<40x128xf32, #tpu.memory_space<vmem>>, vector<16xf32>,
      %add3A_879 = arith.addf %get3A_875, %get3A_878 : vector<16xf32>
      %gt3A_880 = arith.cmpf ogt, %add3A_879, %scan3A_812 : vector<16xf32>
      %select_n3A_881 = arith.select %gt3A_880, %add3A_879, %scan3A_812 : vector<16xi1>, vector<16xf32>
      %broadcast_in_dim3A_882 = vector.broadcast %add3A_819 : i32 to vector<16xi32>
      %select_n3A_883 = arith.select %gt3A_880, %broadcast_in_dim3A_882, %scan3A_813 : vector<16xi1>, vector<16xi32>
      %get3A_884 = arith.index_cast %scan3A_801 : i32 to index
      %get3A_885 = arith.constant 96 : index
      %get3A_886 = tpu.vector_load %arg7[%get3A_884, %get3A_885] {strides = array<i32>} : memref<40x128xf32, #tpu.memory_space<vmem>>, vector<16xf32>,
      %get3A_887 = arith.index_cast %scan3A_801 : i32 to index
      %get3A_888 = arith.constant 96 : index
      %get3A_889 = tpu.vector_load %arg8[%get3A_887, %get3A_888] {strides = array<i32>} : memref<40x128xf32, #tpu.memory_space<vmem>>, vector<16xf32>,
      %add3A_890 = arith.addf %get3A_886, %get3A_889 : vector<16xf32>
      %gt3A_891 = arith.cmpf ogt, %add3A_890, %scan3A_814 : vector<16xf32>
      %select_n3A_892 = arith.select %gt3A_891, %add3A_890, %scan3A_814 : vector<16xi1>, vector<16xf32>
      %broadcast_in_dim3A_893 = vector.broadcast %add3A_819 : i32 to vector<16xi32>
      %select_n3A_894 = arith.select %gt3A_891, %broadcast_in_dim3A_893, %scan3A_815 : vector<16xi1>, vector<16xi32>
      %get3A_895 = arith.index_cast %scan3A_801 : i32 to index
      %get3A_896 = arith.constant 112 : index
      %get3A_897 = tpu.vector_load %arg7[%get3A_895, %get3A_896] {strides = array<i32>} : memref<40x128xf32, #tpu.memory_space<vmem>>, vector<16xf32>,
      %get3A_898 = arith.index_cast %scan3A_801 : i32 to index
      %get3A_899 = arith.constant 112 : index
      %get3A_900 = tpu.vector_load %arg8[%get3A_898, %get3A_899] {strides = array<i32>} : memref<40x128xf32, #tpu.memory_space<vmem>>, vector<16xf32>,
      %add3A_901 = arith.addf %get3A_897, %get3A_900 : vector<16xf32>
      %gt3A_902 = arith.cmpf ogt, %add3A_901, %scan3A_816 : vector<16xf32>
      %select_n3A_903 = arith.select %gt3A_902, %add3A_901, %scan3A_816 : vector<16xi1>, vector<16xf32>
      %broadcast_in_dim3A_904 = vector.broadcast %add3A_819 : i32 to vector<16xi32>
      %select_n3A_905 = arith.select %gt3A_902, %broadcast_in_dim3A_904, %scan3A_817 : vector<16xi1>, vector<16xi32>
      scf.yield %select_n3A_826, %select_n3A_828, %select_n3A_837, %select_n3A_839, %select_n3A_848, %select_n3A_850, %select_n3A_859, %select_n3A_861, %select_n3A_870, %select_n3A_872, %select_n3A_881, %select_n3A_883, %select_n3A_892, %select_n3A_894, %select_n3A_903, %select_n3A_905 : vector<16xf32>, vector<16xi32>, vector<16xf32>, vector<16xi32>, vector<16xf32>, vector<16xi32>, vector<16xf32>, vector<16xi32>, vector<16xf32>, vector<16xi32>, vector<16xf32>, vector<16xi32>, vector<16xf32>, vector<16xi32>, vector<16xf32>, vector<16xi32>
    }
    %scan3A_464 = arith.constant 40 : i32
    %dma_wait3A_465 = arith.constant 560 : i32
    %dma_wait3A_466 = tpu.memref_slice %arg2[%select_n3A, %dma_wait3A_465, %mul3A_32] : memref<26x1000x1024xf32, #tpu.memory_space<hbm>> -> memref<1x40x128xf32, #tpu.memory_space<hbm>>
    %dma_wait3A_467 = tpu.memref_squeeze %dma_wait3A_466 : memref<1x40x128xf32, #tpu.memory_space<hbm>> -> memref<40x128xf32, #tpu.memory_space<hbm>>
    %dma_wait3A_468 = arith.constant 560 : i32
    %dma_wait3A_469 = tpu.memref_slice %arg2[%select_n3A, %dma_wait3A_468, %mul3A_32] : memref<26x1000x1024xf32, #tpu.memory_space<hbm>> -> memref<1x40x128xf32, #tpu.memory_space<hbm>>
    %dma_wait3A_470 = tpu.memref_squeeze %dma_wait3A_469 : memref<1x40x128xf32, #tpu.memory_space<hbm>> -> memref<40x128xf32, #tpu.memory_space<hbm>>
    tpu.wait_dma2 semaphore(%arg10 : memref<!tpu.dma_semaphore, #tpu.memory_space<semaphore_mem>>) src(%dma_wait3A_470 : memref<40x128xf32, #tpu.memory_space<hbm>>) dst(%arg5 : memref<40x128xf32, #tpu.memory_space<vmem>>)
    %dma_wait3A_471 = arith.constant 560 : i32
    %dma_wait3A_472 = tpu.memref_slice %arg3[%select_n3A, %dma_wait3A_471, %mul3A_32] : memref<26x1000x1024xf32, #tpu.memory_space<hbm>> -> memref<1x40x128xf32, #tpu.memory_space<hbm>>
    %dma_wait3A_473 = tpu.memref_squeeze %dma_wait3A_472 : memref<1x40x128xf32, #tpu.memory_space<hbm>> -> memref<40x128xf32, #tpu.memory_space<hbm>>
    %dma_wait3A_474 = arith.constant 560 : i32
    %dma_wait3A_475 = tpu.memref_slice %arg3[%select_n3A, %dma_wait3A_474, %mul3A_32] : memref<26x1000x1024xf32, #tpu.memory_space<hbm>> -> memref<1x40x128xf32, #tpu.memory_space<hbm>>
    %dma_wait3A_476 = tpu.memref_squeeze %dma_wait3A_475 : memref<1x40x128xf32, #tpu.memory_space<hbm>> -> memref<40x128xf32, #tpu.memory_space<hbm>>
    tpu.wait_dma2 semaphore(%arg11 : memref<!tpu.dma_semaphore, #tpu.memory_space<semaphore_mem>>) src(%dma_wait3A_476 : memref<40x128xf32, #tpu.memory_space<hbm>>) dst(%arg6 : memref<40x128xf32, #tpu.memory_space<vmem>>)
    %dma_start3A_477 = arith.constant 600 : i32
    %dma_start3A_478 = tpu.memref_slice %arg2[%select_n3A, %dma_start3A_477, %mul3A_32] : memref<26x1000x1024xf32, #tpu.memory_space<hbm>> -> memref<1x40x128xf32, #tpu.memory_space<hbm>>
    %dma_start3A_479 = tpu.memref_squeeze %dma_start3A_478 : memref<1x40x128xf32, #tpu.memory_space<hbm>> -> memref<40x128xf32, #tpu.memory_space<hbm>>
    %dma_start3A_480 = arith.constant 600 : i32
    %dma_start3A_481 = tpu.memref_slice %arg2[%select_n3A, %dma_start3A_480, %mul3A_32] : memref<26x1000x1024xf32, #tpu.memory_space<hbm>> -> memref<1x40x128xf32, #tpu.memory_space<hbm>>
    %dma_start3A_482 = tpu.memref_squeeze %dma_start3A_481 : memref<1x40x128xf32, #tpu.memory_space<hbm>> -> memref<40x128xf32, #tpu.memory_space<hbm>>
    tpu.enqueue_dma source(%dma_start3A_482 : memref<40x128xf32, #tpu.memory_space<hbm>>) target(%arg7 : memref<40x128xf32, #tpu.memory_space<vmem>>) target_semaphore(%arg10 : memref<!tpu.dma_semaphore, #tpu.memory_space<semaphore_mem>>)
    %dma_start3A_483 = arith.constant 600 : i32
    %dma_start3A_484 = tpu.memref_slice %arg3[%select_n3A, %dma_start3A_483, %mul3A_32] : memref<26x1000x1024xf32, #tpu.memory_space<hbm>> -> memref<1x40x128xf32, #tpu.memory_space<hbm>>
    %dma_start3A_485 = tpu.memref_squeeze %dma_start3A_484 : memref<1x40x128xf32, #tpu.memory_space<hbm>> -> memref<40x128xf32, #tpu.memory_space<hbm>>
    %dma_start3A_486 = arith.constant 600 : i32
    %dma_start3A_487 = tpu.memref_slice %arg3[%select_n3A, %dma_start3A_486, %mul3A_32] : memref<26x1000x1024xf32, #tpu.memory_space<hbm>> -> memref<1x40x128xf32, #tpu.memory_space<hbm>>
    %dma_start3A_488 = tpu.memref_squeeze %dma_start3A_487 : memref<1x40x128xf32, #tpu.memory_space<hbm>> -> memref<40x128xf32, #tpu.memory_space<hbm>>
    tpu.enqueue_dma source(%dma_start3A_488 : memref<40x128xf32, #tpu.memory_space<hbm>>) target(%arg8 : memref<40x128xf32, #tpu.memory_space<vmem>>) target_semaphore(%arg11 : memref<!tpu.dma_semaphore, #tpu.memory_space<semaphore_mem>>)
    %scan3A_489 = arith.constant 0 : i32
    %scan3A_490 = arith.constant 40 : i32
    %scan3A_491 = arith.addi %scan3A_489, %scan3A_490 : i32
    %scan3A_492 = arith.constant 1 : i32
    %scan3A_493:16 = scf.for %scan3A_801 = %scan3A_489 to %scan3A_491 step %scan3A_492 iter_args(%scan3A_802 = %scan3A_463#0, %scan3A_803 = %scan3A_463#1, %scan3A_804 = %scan3A_463#2, %scan3A_805 = %scan3A_463#3, %scan3A_806 = %scan3A_463#4, %scan3A_807 = %scan3A_463#5, %scan3A_808 = %scan3A_463#6, %scan3A_809 = %scan3A_463#7, %scan3A_810 = %scan3A_463#8, %scan3A_811 = %scan3A_463#9, %scan3A_812 = %scan3A_463#10, %scan3A_813 = %scan3A_463#11, %scan3A_814 = %scan3A_463#12, %scan3A_815 = %scan3A_463#13, %scan3A_816 = %scan3A_463#14, %scan3A_817 = %scan3A_463#15) -> (vector<16xf32>, vector<16xi32>, vector<16xf32>, vector<16xi32>, vector<16xf32>, vector<16xi32>, vector<16xf32>, vector<16xi32>, vector<16xf32>, vector<16xi32>, vector<16xf32>, vector<16xi32>, vector<16xf32>, vector<16xi32>, vector<16xf32>, vector<16xi32>)  : i32 {
      %add3A_818 = arith.constant 560 : i32
      %add3A_819 = arith.addi %add3A_818, %scan3A_801 : i32
      %get3A = arith.index_cast %scan3A_801 : i32 to index
      %get3A_820 = arith.constant 0 : index
      %get3A_821 = tpu.vector_load %arg5[%get3A, %get3A_820] {strides = array<i32>} : memref<40x128xf32, #tpu.memory_space<vmem>>, vector<16xf32>,
      %get3A_822 = arith.index_cast %scan3A_801 : i32 to index
      %get3A_823 = arith.constant 0 : index
      %get3A_824 = tpu.vector_load %arg6[%get3A_822, %get3A_823] {strides = array<i32>} : memref<40x128xf32, #tpu.memory_space<vmem>>, vector<16xf32>,
      %add3A_825 = arith.addf %get3A_821, %get3A_824 : vector<16xf32>
      %gt3A = arith.cmpf ogt, %add3A_825, %scan3A_802 : vector<16xf32>
      %select_n3A_826 = arith.select %gt3A, %add3A_825, %scan3A_802 : vector<16xi1>, vector<16xf32>
      %broadcast_in_dim3A_827 = vector.broadcast %add3A_819 : i32 to vector<16xi32>
      %select_n3A_828 = arith.select %gt3A, %broadcast_in_dim3A_827, %scan3A_803 : vector<16xi1>, vector<16xi32>
      %get3A_829 = arith.index_cast %scan3A_801 : i32 to index
      %get3A_830 = arith.constant 16 : index
      %get3A_831 = tpu.vector_load %arg5[%get3A_829, %get3A_830] {strides = array<i32>} : memref<40x128xf32, #tpu.memory_space<vmem>>, vector<16xf32>,
      %get3A_832 = arith.index_cast %scan3A_801 : i32 to index
      %get3A_833 = arith.constant 16 : index
      %get3A_834 = tpu.vector_load %arg6[%get3A_832, %get3A_833] {strides = array<i32>} : memref<40x128xf32, #tpu.memory_space<vmem>>, vector<16xf32>,
      %add3A_835 = arith.addf %get3A_831, %get3A_834 : vector<16xf32>
      %gt3A_836 = arith.cmpf ogt, %add3A_835, %scan3A_804 : vector<16xf32>
      %select_n3A_837 = arith.select %gt3A_836, %add3A_835, %scan3A_804 : vector<16xi1>, vector<16xf32>
      %broadcast_in_dim3A_838 = vector.broadcast %add3A_819 : i32 to vector<16xi32>
      %select_n3A_839 = arith.select %gt3A_836, %broadcast_in_dim3A_838, %scan3A_805 : vector<16xi1>, vector<16xi32>
      %get3A_840 = arith.index_cast %scan3A_801 : i32 to index
      %get3A_841 = arith.constant 32 : index
      %get3A_842 = tpu.vector_load %arg5[%get3A_840, %get3A_841] {strides = array<i32>} : memref<40x128xf32, #tpu.memory_space<vmem>>, vector<16xf32>,
      %get3A_843 = arith.index_cast %scan3A_801 : i32 to index
      %get3A_844 = arith.constant 32 : index
      %get3A_845 = tpu.vector_load %arg6[%get3A_843, %get3A_844] {strides = array<i32>} : memref<40x128xf32, #tpu.memory_space<vmem>>, vector<16xf32>,
      %add3A_846 = arith.addf %get3A_842, %get3A_845 : vector<16xf32>
      %gt3A_847 = arith.cmpf ogt, %add3A_846, %scan3A_806 : vector<16xf32>
      %select_n3A_848 = arith.select %gt3A_847, %add3A_846, %scan3A_806 : vector<16xi1>, vector<16xf32>
      %broadcast_in_dim3A_849 = vector.broadcast %add3A_819 : i32 to vector<16xi32>
      %select_n3A_850 = arith.select %gt3A_847, %broadcast_in_dim3A_849, %scan3A_807 : vector<16xi1>, vector<16xi32>
      %get3A_851 = arith.index_cast %scan3A_801 : i32 to index
      %get3A_852 = arith.constant 48 : index
      %get3A_853 = tpu.vector_load %arg5[%get3A_851, %get3A_852] {strides = array<i32>} : memref<40x128xf32, #tpu.memory_space<vmem>>, vector<16xf32>,
      %get3A_854 = arith.index_cast %scan3A_801 : i32 to index
      %get3A_855 = arith.constant 48 : index
      %get3A_856 = tpu.vector_load %arg6[%get3A_854, %get3A_855] {strides = array<i32>} : memref<40x128xf32, #tpu.memory_space<vmem>>, vector<16xf32>,
      %add3A_857 = arith.addf %get3A_853, %get3A_856 : vector<16xf32>
      %gt3A_858 = arith.cmpf ogt, %add3A_857, %scan3A_808 : vector<16xf32>
      %select_n3A_859 = arith.select %gt3A_858, %add3A_857, %scan3A_808 : vector<16xi1>, vector<16xf32>
      %broadcast_in_dim3A_860 = vector.broadcast %add3A_819 : i32 to vector<16xi32>
      %select_n3A_861 = arith.select %gt3A_858, %broadcast_in_dim3A_860, %scan3A_809 : vector<16xi1>, vector<16xi32>
      %get3A_862 = arith.index_cast %scan3A_801 : i32 to index
      %get3A_863 = arith.constant 64 : index
      %get3A_864 = tpu.vector_load %arg5[%get3A_862, %get3A_863] {strides = array<i32>} : memref<40x128xf32, #tpu.memory_space<vmem>>, vector<16xf32>,
      %get3A_865 = arith.index_cast %scan3A_801 : i32 to index
      %get3A_866 = arith.constant 64 : index
      %get3A_867 = tpu.vector_load %arg6[%get3A_865, %get3A_866] {strides = array<i32>} : memref<40x128xf32, #tpu.memory_space<vmem>>, vector<16xf32>,
      %add3A_868 = arith.addf %get3A_864, %get3A_867 : vector<16xf32>
      %gt3A_869 = arith.cmpf ogt, %add3A_868, %scan3A_810 : vector<16xf32>
      %select_n3A_870 = arith.select %gt3A_869, %add3A_868, %scan3A_810 : vector<16xi1>, vector<16xf32>
      %broadcast_in_dim3A_871 = vector.broadcast %add3A_819 : i32 to vector<16xi32>
      %select_n3A_872 = arith.select %gt3A_869, %broadcast_in_dim3A_871, %scan3A_811 : vector<16xi1>, vector<16xi32>
      %get3A_873 = arith.index_cast %scan3A_801 : i32 to index
      %get3A_874 = arith.constant 80 : index
      %get3A_875 = tpu.vector_load %arg5[%get3A_873, %get3A_874] {strides = array<i32>} : memref<40x128xf32, #tpu.memory_space<vmem>>, vector<16xf32>,
      %get3A_876 = arith.index_cast %scan3A_801 : i32 to index
      %get3A_877 = arith.constant 80 : index
      %get3A_878 = tpu.vector_load %arg6[%get3A_876, %get3A_877] {strides = array<i32>} : memref<40x128xf32, #tpu.memory_space<vmem>>, vector<16xf32>,
      %add3A_879 = arith.addf %get3A_875, %get3A_878 : vector<16xf32>
      %gt3A_880 = arith.cmpf ogt, %add3A_879, %scan3A_812 : vector<16xf32>
      %select_n3A_881 = arith.select %gt3A_880, %add3A_879, %scan3A_812 : vector<16xi1>, vector<16xf32>
      %broadcast_in_dim3A_882 = vector.broadcast %add3A_819 : i32 to vector<16xi32>
      %select_n3A_883 = arith.select %gt3A_880, %broadcast_in_dim3A_882, %scan3A_813 : vector<16xi1>, vector<16xi32>
      %get3A_884 = arith.index_cast %scan3A_801 : i32 to index
      %get3A_885 = arith.constant 96 : index
      %get3A_886 = tpu.vector_load %arg5[%get3A_884, %get3A_885] {strides = array<i32>} : memref<40x128xf32, #tpu.memory_space<vmem>>, vector<16xf32>,
      %get3A_887 = arith.index_cast %scan3A_801 : i32 to index
      %get3A_888 = arith.constant 96 : index
      %get3A_889 = tpu.vector_load %arg6[%get3A_887, %get3A_888] {strides = array<i32>} : memref<40x128xf32, #tpu.memory_space<vmem>>, vector<16xf32>,
      %add3A_890 = arith.addf %get3A_886, %get3A_889 : vector<16xf32>
      %gt3A_891 = arith.cmpf ogt, %add3A_890, %scan3A_814 : vector<16xf32>
      %select_n3A_892 = arith.select %gt3A_891, %add3A_890, %scan3A_814 : vector<16xi1>, vector<16xf32>
      %broadcast_in_dim3A_893 = vector.broadcast %add3A_819 : i32 to vector<16xi32>
      %select_n3A_894 = arith.select %gt3A_891, %broadcast_in_dim3A_893, %scan3A_815 : vector<16xi1>, vector<16xi32>
      %get3A_895 = arith.index_cast %scan3A_801 : i32 to index
      %get3A_896 = arith.constant 112 : index
      %get3A_897 = tpu.vector_load %arg5[%get3A_895, %get3A_896] {strides = array<i32>} : memref<40x128xf32, #tpu.memory_space<vmem>>, vector<16xf32>,
      %get3A_898 = arith.index_cast %scan3A_801 : i32 to index
      %get3A_899 = arith.constant 112 : index
      %get3A_900 = tpu.vector_load %arg6[%get3A_898, %get3A_899] {strides = array<i32>} : memref<40x128xf32, #tpu.memory_space<vmem>>, vector<16xf32>,
      %add3A_901 = arith.addf %get3A_897, %get3A_900 : vector<16xf32>
      %gt3A_902 = arith.cmpf ogt, %add3A_901, %scan3A_816 : vector<16xf32>
      %select_n3A_903 = arith.select %gt3A_902, %add3A_901, %scan3A_816 : vector<16xi1>, vector<16xf32>
      %broadcast_in_dim3A_904 = vector.broadcast %add3A_819 : i32 to vector<16xi32>
      %select_n3A_905 = arith.select %gt3A_902, %broadcast_in_dim3A_904, %scan3A_817 : vector<16xi1>, vector<16xi32>
      scf.yield %select_n3A_826, %select_n3A_828, %select_n3A_837, %select_n3A_839, %select_n3A_848, %select_n3A_850, %select_n3A_859, %select_n3A_861, %select_n3A_870, %select_n3A_872, %select_n3A_881, %select_n3A_883, %select_n3A_892, %select_n3A_894, %select_n3A_903, %select_n3A_905 : vector<16xf32>, vector<16xi32>, vector<16xf32>, vector<16xi32>, vector<16xf32>, vector<16xi32>, vector<16xf32>, vector<16xi32>, vector<16xf32>, vector<16xi32>, vector<16xf32>, vector<16xi32>, vector<16xf32>, vector<16xi32>, vector<16xf32>, vector<16xi32>
    }
    %scan3A_494 = arith.constant 40 : i32
    %dma_wait3A_495 = arith.constant 600 : i32
    %dma_wait3A_496 = tpu.memref_slice %arg2[%select_n3A, %dma_wait3A_495, %mul3A_32] : memref<26x1000x1024xf32, #tpu.memory_space<hbm>> -> memref<1x40x128xf32, #tpu.memory_space<hbm>>
    %dma_wait3A_497 = tpu.memref_squeeze %dma_wait3A_496 : memref<1x40x128xf32, #tpu.memory_space<hbm>> -> memref<40x128xf32, #tpu.memory_space<hbm>>
    %dma_wait3A_498 = arith.constant 600 : i32
    %dma_wait3A_499 = tpu.memref_slice %arg2[%select_n3A, %dma_wait3A_498, %mul3A_32] : memref<26x1000x1024xf32, #tpu.memory_space<hbm>> -> memref<1x40x128xf32, #tpu.memory_space<hbm>>
    %dma_wait3A_500 = tpu.memref_squeeze %dma_wait3A_499 : memref<1x40x128xf32, #tpu.memory_space<hbm>> -> memref<40x128xf32, #tpu.memory_space<hbm>>
    tpu.wait_dma2 semaphore(%arg10 : memref<!tpu.dma_semaphore, #tpu.memory_space<semaphore_mem>>) src(%dma_wait3A_500 : memref<40x128xf32, #tpu.memory_space<hbm>>) dst(%arg7 : memref<40x128xf32, #tpu.memory_space<vmem>>)
    %dma_wait3A_501 = arith.constant 600 : i32
    %dma_wait3A_502 = tpu.memref_slice %arg3[%select_n3A, %dma_wait3A_501, %mul3A_32] : memref<26x1000x1024xf32, #tpu.memory_space<hbm>> -> memref<1x40x128xf32, #tpu.memory_space<hbm>>
    %dma_wait3A_503 = tpu.memref_squeeze %dma_wait3A_502 : memref<1x40x128xf32, #tpu.memory_space<hbm>> -> memref<40x128xf32, #tpu.memory_space<hbm>>
    %dma_wait3A_504 = arith.constant 600 : i32
    %dma_wait3A_505 = tpu.memref_slice %arg3[%select_n3A, %dma_wait3A_504, %mul3A_32] : memref<26x1000x1024xf32, #tpu.memory_space<hbm>> -> memref<1x40x128xf32, #tpu.memory_space<hbm>>
    %dma_wait3A_506 = tpu.memref_squeeze %dma_wait3A_505 : memref<1x40x128xf32, #tpu.memory_space<hbm>> -> memref<40x128xf32, #tpu.memory_space<hbm>>
    tpu.wait_dma2 semaphore(%arg11 : memref<!tpu.dma_semaphore, #tpu.memory_space<semaphore_mem>>) src(%dma_wait3A_506 : memref<40x128xf32, #tpu.memory_space<hbm>>) dst(%arg8 : memref<40x128xf32, #tpu.memory_space<vmem>>)
    %dma_start3A_507 = arith.constant 640 : i32
    %dma_start3A_508 = tpu.memref_slice %arg2[%select_n3A, %dma_start3A_507, %mul3A_32] : memref<26x1000x1024xf32, #tpu.memory_space<hbm>> -> memref<1x40x128xf32, #tpu.memory_space<hbm>>
    %dma_start3A_509 = tpu.memref_squeeze %dma_start3A_508 : memref<1x40x128xf32, #tpu.memory_space<hbm>> -> memref<40x128xf32, #tpu.memory_space<hbm>>
    %dma_start3A_510 = arith.constant 640 : i32
    %dma_start3A_511 = tpu.memref_slice %arg2[%select_n3A, %dma_start3A_510, %mul3A_32] : memref<26x1000x1024xf32, #tpu.memory_space<hbm>> -> memref<1x40x128xf32, #tpu.memory_space<hbm>>
    %dma_start3A_512 = tpu.memref_squeeze %dma_start3A_511 : memref<1x40x128xf32, #tpu.memory_space<hbm>> -> memref<40x128xf32, #tpu.memory_space<hbm>>
    tpu.enqueue_dma source(%dma_start3A_512 : memref<40x128xf32, #tpu.memory_space<hbm>>) target(%arg5 : memref<40x128xf32, #tpu.memory_space<vmem>>) target_semaphore(%arg10 : memref<!tpu.dma_semaphore, #tpu.memory_space<semaphore_mem>>)
    %dma_start3A_513 = arith.constant 640 : i32
    %dma_start3A_514 = tpu.memref_slice %arg3[%select_n3A, %dma_start3A_513, %mul3A_32] : memref<26x1000x1024xf32, #tpu.memory_space<hbm>> -> memref<1x40x128xf32, #tpu.memory_space<hbm>>
    %dma_start3A_515 = tpu.memref_squeeze %dma_start3A_514 : memref<1x40x128xf32, #tpu.memory_space<hbm>> -> memref<40x128xf32, #tpu.memory_space<hbm>>
    %dma_start3A_516 = arith.constant 640 : i32
    %dma_start3A_517 = tpu.memref_slice %arg3[%select_n3A, %dma_start3A_516, %mul3A_32] : memref<26x1000x1024xf32, #tpu.memory_space<hbm>> -> memref<1x40x128xf32, #tpu.memory_space<hbm>>
    %dma_start3A_518 = tpu.memref_squeeze %dma_start3A_517 : memref<1x40x128xf32, #tpu.memory_space<hbm>> -> memref<40x128xf32, #tpu.memory_space<hbm>>
    tpu.enqueue_dma source(%dma_start3A_518 : memref<40x128xf32, #tpu.memory_space<hbm>>) target(%arg6 : memref<40x128xf32, #tpu.memory_space<vmem>>) target_semaphore(%arg11 : memref<!tpu.dma_semaphore, #tpu.memory_space<semaphore_mem>>)
    %scan3A_519 = arith.constant 0 : i32
    %scan3A_520 = arith.constant 40 : i32
    %scan3A_521 = arith.addi %scan3A_519, %scan3A_520 : i32
    %scan3A_522 = arith.constant 1 : i32
    %scan3A_523:16 = scf.for %scan3A_801 = %scan3A_519 to %scan3A_521 step %scan3A_522 iter_args(%scan3A_802 = %scan3A_493#0, %scan3A_803 = %scan3A_493#1, %scan3A_804 = %scan3A_493#2, %scan3A_805 = %scan3A_493#3, %scan3A_806 = %scan3A_493#4, %scan3A_807 = %scan3A_493#5, %scan3A_808 = %scan3A_493#6, %scan3A_809 = %scan3A_493#7, %scan3A_810 = %scan3A_493#8, %scan3A_811 = %scan3A_493#9, %scan3A_812 = %scan3A_493#10, %scan3A_813 = %scan3A_493#11, %scan3A_814 = %scan3A_493#12, %scan3A_815 = %scan3A_493#13, %scan3A_816 = %scan3A_493#14, %scan3A_817 = %scan3A_493#15) -> (vector<16xf32>, vector<16xi32>, vector<16xf32>, vector<16xi32>, vector<16xf32>, vector<16xi32>, vector<16xf32>, vector<16xi32>, vector<16xf32>, vector<16xi32>, vector<16xf32>, vector<16xi32>, vector<16xf32>, vector<16xi32>, vector<16xf32>, vector<16xi32>)  : i32 {
      %add3A_818 = arith.constant 600 : i32
      %add3A_819 = arith.addi %add3A_818, %scan3A_801 : i32
      %get3A = arith.index_cast %scan3A_801 : i32 to index
      %get3A_820 = arith.constant 0 : index
      %get3A_821 = tpu.vector_load %arg7[%get3A, %get3A_820] {strides = array<i32>} : memref<40x128xf32, #tpu.memory_space<vmem>>, vector<16xf32>,
      %get3A_822 = arith.index_cast %scan3A_801 : i32 to index
      %get3A_823 = arith.constant 0 : index
      %get3A_824 = tpu.vector_load %arg8[%get3A_822, %get3A_823] {strides = array<i32>} : memref<40x128xf32, #tpu.memory_space<vmem>>, vector<16xf32>,
      %add3A_825 = arith.addf %get3A_821, %get3A_824 : vector<16xf32>
      %gt3A = arith.cmpf ogt, %add3A_825, %scan3A_802 : vector<16xf32>
      %select_n3A_826 = arith.select %gt3A, %add3A_825, %scan3A_802 : vector<16xi1>, vector<16xf32>
      %broadcast_in_dim3A_827 = vector.broadcast %add3A_819 : i32 to vector<16xi32>
      %select_n3A_828 = arith.select %gt3A, %broadcast_in_dim3A_827, %scan3A_803 : vector<16xi1>, vector<16xi32>
      %get3A_829 = arith.index_cast %scan3A_801 : i32 to index
      %get3A_830 = arith.constant 16 : index
      %get3A_831 = tpu.vector_load %arg7[%get3A_829, %get3A_830] {strides = array<i32>} : memref<40x128xf32, #tpu.memory_space<vmem>>, vector<16xf32>,
      %get3A_832 = arith.index_cast %scan3A_801 : i32 to index
      %get3A_833 = arith.constant 16 : index
      %get3A_834 = tpu.vector_load %arg8[%get3A_832, %get3A_833] {strides = array<i32>} : memref<40x128xf32, #tpu.memory_space<vmem>>, vector<16xf32>,
      %add3A_835 = arith.addf %get3A_831, %get3A_834 : vector<16xf32>
      %gt3A_836 = arith.cmpf ogt, %add3A_835, %scan3A_804 : vector<16xf32>
      %select_n3A_837 = arith.select %gt3A_836, %add3A_835, %scan3A_804 : vector<16xi1>, vector<16xf32>
      %broadcast_in_dim3A_838 = vector.broadcast %add3A_819 : i32 to vector<16xi32>
      %select_n3A_839 = arith.select %gt3A_836, %broadcast_in_dim3A_838, %scan3A_805 : vector<16xi1>, vector<16xi32>
      %get3A_840 = arith.index_cast %scan3A_801 : i32 to index
      %get3A_841 = arith.constant 32 : index
      %get3A_842 = tpu.vector_load %arg7[%get3A_840, %get3A_841] {strides = array<i32>} : memref<40x128xf32, #tpu.memory_space<vmem>>, vector<16xf32>,
      %get3A_843 = arith.index_cast %scan3A_801 : i32 to index
      %get3A_844 = arith.constant 32 : index
      %get3A_845 = tpu.vector_load %arg8[%get3A_843, %get3A_844] {strides = array<i32>} : memref<40x128xf32, #tpu.memory_space<vmem>>, vector<16xf32>,
      %add3A_846 = arith.addf %get3A_842, %get3A_845 : vector<16xf32>
      %gt3A_847 = arith.cmpf ogt, %add3A_846, %scan3A_806 : vector<16xf32>
      %select_n3A_848 = arith.select %gt3A_847, %add3A_846, %scan3A_806 : vector<16xi1>, vector<16xf32>
      %broadcast_in_dim3A_849 = vector.broadcast %add3A_819 : i32 to vector<16xi32>
      %select_n3A_850 = arith.select %gt3A_847, %broadcast_in_dim3A_849, %scan3A_807 : vector<16xi1>, vector<16xi32>
      %get3A_851 = arith.index_cast %scan3A_801 : i32 to index
      %get3A_852 = arith.constant 48 : index
      %get3A_853 = tpu.vector_load %arg7[%get3A_851, %get3A_852] {strides = array<i32>} : memref<40x128xf32, #tpu.memory_space<vmem>>, vector<16xf32>,
      %get3A_854 = arith.index_cast %scan3A_801 : i32 to index
      %get3A_855 = arith.constant 48 : index
      %get3A_856 = tpu.vector_load %arg8[%get3A_854, %get3A_855] {strides = array<i32>} : memref<40x128xf32, #tpu.memory_space<vmem>>, vector<16xf32>,
      %add3A_857 = arith.addf %get3A_853, %get3A_856 : vector<16xf32>
      %gt3A_858 = arith.cmpf ogt, %add3A_857, %scan3A_808 : vector<16xf32>
      %select_n3A_859 = arith.select %gt3A_858, %add3A_857, %scan3A_808 : vector<16xi1>, vector<16xf32>
      %broadcast_in_dim3A_860 = vector.broadcast %add3A_819 : i32 to vector<16xi32>
      %select_n3A_861 = arith.select %gt3A_858, %broadcast_in_dim3A_860, %scan3A_809 : vector<16xi1>, vector<16xi32>
      %get3A_862 = arith.index_cast %scan3A_801 : i32 to index
      %get3A_863 = arith.constant 64 : index
      %get3A_864 = tpu.vector_load %arg7[%get3A_862, %get3A_863] {strides = array<i32>} : memref<40x128xf32, #tpu.memory_space<vmem>>, vector<16xf32>,
      %get3A_865 = arith.index_cast %scan3A_801 : i32 to index
      %get3A_866 = arith.constant 64 : index
      %get3A_867 = tpu.vector_load %arg8[%get3A_865, %get3A_866] {strides = array<i32>} : memref<40x128xf32, #tpu.memory_space<vmem>>, vector<16xf32>,
      %add3A_868 = arith.addf %get3A_864, %get3A_867 : vector<16xf32>
      %gt3A_869 = arith.cmpf ogt, %add3A_868, %scan3A_810 : vector<16xf32>
      %select_n3A_870 = arith.select %gt3A_869, %add3A_868, %scan3A_810 : vector<16xi1>, vector<16xf32>
      %broadcast_in_dim3A_871 = vector.broadcast %add3A_819 : i32 to vector<16xi32>
      %select_n3A_872 = arith.select %gt3A_869, %broadcast_in_dim3A_871, %scan3A_811 : vector<16xi1>, vector<16xi32>
      %get3A_873 = arith.index_cast %scan3A_801 : i32 to index
      %get3A_874 = arith.constant 80 : index
      %get3A_875 = tpu.vector_load %arg7[%get3A_873, %get3A_874] {strides = array<i32>} : memref<40x128xf32, #tpu.memory_space<vmem>>, vector<16xf32>,
      %get3A_876 = arith.index_cast %scan3A_801 : i32 to index
      %get3A_877 = arith.constant 80 : index
      %get3A_878 = tpu.vector_load %arg8[%get3A_876, %get3A_877] {strides = array<i32>} : memref<40x128xf32, #tpu.memory_space<vmem>>, vector<16xf32>,
      %add3A_879 = arith.addf %get3A_875, %get3A_878 : vector<16xf32>
      %gt3A_880 = arith.cmpf ogt, %add3A_879, %scan3A_812 : vector<16xf32>
      %select_n3A_881 = arith.select %gt3A_880, %add3A_879, %scan3A_812 : vector<16xi1>, vector<16xf32>
      %broadcast_in_dim3A_882 = vector.broadcast %add3A_819 : i32 to vector<16xi32>
      %select_n3A_883 = arith.select %gt3A_880, %broadcast_in_dim3A_882, %scan3A_813 : vector<16xi1>, vector<16xi32>
      %get3A_884 = arith.index_cast %scan3A_801 : i32 to index
      %get3A_885 = arith.constant 96 : index
      %get3A_886 = tpu.vector_load %arg7[%get3A_884, %get3A_885] {strides = array<i32>} : memref<40x128xf32, #tpu.memory_space<vmem>>, vector<16xf32>,
      %get3A_887 = arith.index_cast %scan3A_801 : i32 to index
      %get3A_888 = arith.constant 96 : index
      %get3A_889 = tpu.vector_load %arg8[%get3A_887, %get3A_888] {strides = array<i32>} : memref<40x128xf32, #tpu.memory_space<vmem>>, vector<16xf32>,
      %add3A_890 = arith.addf %get3A_886, %get3A_889 : vector<16xf32>
      %gt3A_891 = arith.cmpf ogt, %add3A_890, %scan3A_814 : vector<16xf32>
      %select_n3A_892 = arith.select %gt3A_891, %add3A_890, %scan3A_814 : vector<16xi1>, vector<16xf32>
      %broadcast_in_dim3A_893 = vector.broadcast %add3A_819 : i32 to vector<16xi32>
      %select_n3A_894 = arith.select %gt3A_891, %broadcast_in_dim3A_893, %scan3A_815 : vector<16xi1>, vector<16xi32>
      %get3A_895 = arith.index_cast %scan3A_801 : i32 to index
      %get3A_896 = arith.constant 112 : index
      %get3A_897 = tpu.vector_load %arg7[%get3A_895, %get3A_896] {strides = array<i32>} : memref<40x128xf32, #tpu.memory_space<vmem>>, vector<16xf32>,
      %get3A_898 = arith.index_cast %scan3A_801 : i32 to index
      %get3A_899 = arith.constant 112 : index
      %get3A_900 = tpu.vector_load %arg8[%get3A_898, %get3A_899] {strides = array<i32>} : memref<40x128xf32, #tpu.memory_space<vmem>>, vector<16xf32>,
      %add3A_901 = arith.addf %get3A_897, %get3A_900 : vector<16xf32>
      %gt3A_902 = arith.cmpf ogt, %add3A_901, %scan3A_816 : vector<16xf32>
      %select_n3A_903 = arith.select %gt3A_902, %add3A_901, %scan3A_816 : vector<16xi1>, vector<16xf32>
      %broadcast_in_dim3A_904 = vector.broadcast %add3A_819 : i32 to vector<16xi32>
      %select_n3A_905 = arith.select %gt3A_902, %broadcast_in_dim3A_904, %scan3A_817 : vector<16xi1>, vector<16xi32>
      scf.yield %select_n3A_826, %select_n3A_828, %select_n3A_837, %select_n3A_839, %select_n3A_848, %select_n3A_850, %select_n3A_859, %select_n3A_861, %select_n3A_870, %select_n3A_872, %select_n3A_881, %select_n3A_883, %select_n3A_892, %select_n3A_894, %select_n3A_903, %select_n3A_905 : vector<16xf32>, vector<16xi32>, vector<16xf32>, vector<16xi32>, vector<16xf32>, vector<16xi32>, vector<16xf32>, vector<16xi32>, vector<16xf32>, vector<16xi32>, vector<16xf32>, vector<16xi32>, vector<16xf32>, vector<16xi32>, vector<16xf32>, vector<16xi32>
    }
    %scan3A_524 = arith.constant 40 : i32
    %dma_wait3A_525 = arith.constant 640 : i32
    %dma_wait3A_526 = tpu.memref_slice %arg2[%select_n3A, %dma_wait3A_525, %mul3A_32] : memref<26x1000x1024xf32, #tpu.memory_space<hbm>> -> memref<1x40x128xf32, #tpu.memory_space<hbm>>
    %dma_wait3A_527 = tpu.memref_squeeze %dma_wait3A_526 : memref<1x40x128xf32, #tpu.memory_space<hbm>> -> memref<40x128xf32, #tpu.memory_space<hbm>>
    %dma_wait3A_528 = arith.constant 640 : i32
    %dma_wait3A_529 = tpu.memref_slice %arg2[%select_n3A, %dma_wait3A_528, %mul3A_32] : memref<26x1000x1024xf32, #tpu.memory_space<hbm>> -> memref<1x40x128xf32, #tpu.memory_space<hbm>>
    %dma_wait3A_530 = tpu.memref_squeeze %dma_wait3A_529 : memref<1x40x128xf32, #tpu.memory_space<hbm>> -> memref<40x128xf32, #tpu.memory_space<hbm>>
    tpu.wait_dma2 semaphore(%arg10 : memref<!tpu.dma_semaphore, #tpu.memory_space<semaphore_mem>>) src(%dma_wait3A_530 : memref<40x128xf32, #tpu.memory_space<hbm>>) dst(%arg5 : memref<40x128xf32, #tpu.memory_space<vmem>>)
    %dma_wait3A_531 = arith.constant 640 : i32
    %dma_wait3A_532 = tpu.memref_slice %arg3[%select_n3A, %dma_wait3A_531, %mul3A_32] : memref<26x1000x1024xf32, #tpu.memory_space<hbm>> -> memref<1x40x128xf32, #tpu.memory_space<hbm>>
    %dma_wait3A_533 = tpu.memref_squeeze %dma_wait3A_532 : memref<1x40x128xf32, #tpu.memory_space<hbm>> -> memref<40x128xf32, #tpu.memory_space<hbm>>
    %dma_wait3A_534 = arith.constant 640 : i32
    %dma_wait3A_535 = tpu.memref_slice %arg3[%select_n3A, %dma_wait3A_534, %mul3A_32] : memref<26x1000x1024xf32, #tpu.memory_space<hbm>> -> memref<1x40x128xf32, #tpu.memory_space<hbm>>
    %dma_wait3A_536 = tpu.memref_squeeze %dma_wait3A_535 : memref<1x40x128xf32, #tpu.memory_space<hbm>> -> memref<40x128xf32, #tpu.memory_space<hbm>>
    tpu.wait_dma2 semaphore(%arg11 : memref<!tpu.dma_semaphore, #tpu.memory_space<semaphore_mem>>) src(%dma_wait3A_536 : memref<40x128xf32, #tpu.memory_space<hbm>>) dst(%arg6 : memref<40x128xf32, #tpu.memory_space<vmem>>)
    %dma_start3A_537 = arith.constant 680 : i32
    %dma_start3A_538 = tpu.memref_slice %arg2[%select_n3A, %dma_start3A_537, %mul3A_32] : memref<26x1000x1024xf32, #tpu.memory_space<hbm>> -> memref<1x40x128xf32, #tpu.memory_space<hbm>>
    %dma_start3A_539 = tpu.memref_squeeze %dma_start3A_538 : memref<1x40x128xf32, #tpu.memory_space<hbm>> -> memref<40x128xf32, #tpu.memory_space<hbm>>
    %dma_start3A_540 = arith.constant 680 : i32
    %dma_start3A_541 = tpu.memref_slice %arg2[%select_n3A, %dma_start3A_540, %mul3A_32] : memref<26x1000x1024xf32, #tpu.memory_space<hbm>> -> memref<1x40x128xf32, #tpu.memory_space<hbm>>
    %dma_start3A_542 = tpu.memref_squeeze %dma_start3A_541 : memref<1x40x128xf32, #tpu.memory_space<hbm>> -> memref<40x128xf32, #tpu.memory_space<hbm>>
    tpu.enqueue_dma source(%dma_start3A_542 : memref<40x128xf32, #tpu.memory_space<hbm>>) target(%arg7 : memref<40x128xf32, #tpu.memory_space<vmem>>) target_semaphore(%arg10 : memref<!tpu.dma_semaphore, #tpu.memory_space<semaphore_mem>>)
    %dma_start3A_543 = arith.constant 680 : i32
    %dma_start3A_544 = tpu.memref_slice %arg3[%select_n3A, %dma_start3A_543, %mul3A_32] : memref<26x1000x1024xf32, #tpu.memory_space<hbm>> -> memref<1x40x128xf32, #tpu.memory_space<hbm>>
    %dma_start3A_545 = tpu.memref_squeeze %dma_start3A_544 : memref<1x40x128xf32, #tpu.memory_space<hbm>> -> memref<40x128xf32, #tpu.memory_space<hbm>>
    %dma_start3A_546 = arith.constant 680 : i32
    %dma_start3A_547 = tpu.memref_slice %arg3[%select_n3A, %dma_start3A_546, %mul3A_32] : memref<26x1000x1024xf32, #tpu.memory_space<hbm>> -> memref<1x40x128xf32, #tpu.memory_space<hbm>>
    %dma_start3A_548 = tpu.memref_squeeze %dma_start3A_547 : memref<1x40x128xf32, #tpu.memory_space<hbm>> -> memref<40x128xf32, #tpu.memory_space<hbm>>
    tpu.enqueue_dma source(%dma_start3A_548 : memref<40x128xf32, #tpu.memory_space<hbm>>) target(%arg8 : memref<40x128xf32, #tpu.memory_space<vmem>>) target_semaphore(%arg11 : memref<!tpu.dma_semaphore, #tpu.memory_space<semaphore_mem>>)
    %scan3A_549 = arith.constant 0 : i32
    %scan3A_550 = arith.constant 40 : i32
    %scan3A_551 = arith.addi %scan3A_549, %scan3A_550 : i32
    %scan3A_552 = arith.constant 1 : i32
    %scan3A_553:16 = scf.for %scan3A_801 = %scan3A_549 to %scan3A_551 step %scan3A_552 iter_args(%scan3A_802 = %scan3A_523#0, %scan3A_803 = %scan3A_523#1, %scan3A_804 = %scan3A_523#2, %scan3A_805 = %scan3A_523#3, %scan3A_806 = %scan3A_523#4, %scan3A_807 = %scan3A_523#5, %scan3A_808 = %scan3A_523#6, %scan3A_809 = %scan3A_523#7, %scan3A_810 = %scan3A_523#8, %scan3A_811 = %scan3A_523#9, %scan3A_812 = %scan3A_523#10, %scan3A_813 = %scan3A_523#11, %scan3A_814 = %scan3A_523#12, %scan3A_815 = %scan3A_523#13, %scan3A_816 = %scan3A_523#14, %scan3A_817 = %scan3A_523#15) -> (vector<16xf32>, vector<16xi32>, vector<16xf32>, vector<16xi32>, vector<16xf32>, vector<16xi32>, vector<16xf32>, vector<16xi32>, vector<16xf32>, vector<16xi32>, vector<16xf32>, vector<16xi32>, vector<16xf32>, vector<16xi32>, vector<16xf32>, vector<16xi32>)  : i32 {
      %add3A_818 = arith.constant 640 : i32
      %add3A_819 = arith.addi %add3A_818, %scan3A_801 : i32
      %get3A = arith.index_cast %scan3A_801 : i32 to index
      %get3A_820 = arith.constant 0 : index
      %get3A_821 = tpu.vector_load %arg5[%get3A, %get3A_820] {strides = array<i32>} : memref<40x128xf32, #tpu.memory_space<vmem>>, vector<16xf32>,
      %get3A_822 = arith.index_cast %scan3A_801 : i32 to index
      %get3A_823 = arith.constant 0 : index
      %get3A_824 = tpu.vector_load %arg6[%get3A_822, %get3A_823] {strides = array<i32>} : memref<40x128xf32, #tpu.memory_space<vmem>>, vector<16xf32>,
      %add3A_825 = arith.addf %get3A_821, %get3A_824 : vector<16xf32>
      %gt3A = arith.cmpf ogt, %add3A_825, %scan3A_802 : vector<16xf32>
      %select_n3A_826 = arith.select %gt3A, %add3A_825, %scan3A_802 : vector<16xi1>, vector<16xf32>
      %broadcast_in_dim3A_827 = vector.broadcast %add3A_819 : i32 to vector<16xi32>
      %select_n3A_828 = arith.select %gt3A, %broadcast_in_dim3A_827, %scan3A_803 : vector<16xi1>, vector<16xi32>
      %get3A_829 = arith.index_cast %scan3A_801 : i32 to index
      %get3A_830 = arith.constant 16 : index
      %get3A_831 = tpu.vector_load %arg5[%get3A_829, %get3A_830] {strides = array<i32>} : memref<40x128xf32, #tpu.memory_space<vmem>>, vector<16xf32>,
      %get3A_832 = arith.index_cast %scan3A_801 : i32 to index
      %get3A_833 = arith.constant 16 : index
      %get3A_834 = tpu.vector_load %arg6[%get3A_832, %get3A_833] {strides = array<i32>} : memref<40x128xf32, #tpu.memory_space<vmem>>, vector<16xf32>,
      %add3A_835 = arith.addf %get3A_831, %get3A_834 : vector<16xf32>
      %gt3A_836 = arith.cmpf ogt, %add3A_835, %scan3A_804 : vector<16xf32>
      %select_n3A_837 = arith.select %gt3A_836, %add3A_835, %scan3A_804 : vector<16xi1>, vector<16xf32>
      %broadcast_in_dim3A_838 = vector.broadcast %add3A_819 : i32 to vector<16xi32>
      %select_n3A_839 = arith.select %gt3A_836, %broadcast_in_dim3A_838, %scan3A_805 : vector<16xi1>, vector<16xi32>
      %get3A_840 = arith.index_cast %scan3A_801 : i32 to index
      %get3A_841 = arith.constant 32 : index
      %get3A_842 = tpu.vector_load %arg5[%get3A_840, %get3A_841] {strides = array<i32>} : memref<40x128xf32, #tpu.memory_space<vmem>>, vector<16xf32>,
      %get3A_843 = arith.index_cast %scan3A_801 : i32 to index
      %get3A_844 = arith.constant 32 : index
      %get3A_845 = tpu.vector_load %arg6[%get3A_843, %get3A_844] {strides = array<i32>} : memref<40x128xf32, #tpu.memory_space<vmem>>, vector<16xf32>,
      %add3A_846 = arith.addf %get3A_842, %get3A_845 : vector<16xf32>
      %gt3A_847 = arith.cmpf ogt, %add3A_846, %scan3A_806 : vector<16xf32>
      %select_n3A_848 = arith.select %gt3A_847, %add3A_846, %scan3A_806 : vector<16xi1>, vector<16xf32>
      %broadcast_in_dim3A_849 = vector.broadcast %add3A_819 : i32 to vector<16xi32>
      %select_n3A_850 = arith.select %gt3A_847, %broadcast_in_dim3A_849, %scan3A_807 : vector<16xi1>, vector<16xi32>
      %get3A_851 = arith.index_cast %scan3A_801 : i32 to index
      %get3A_852 = arith.constant 48 : index
      %get3A_853 = tpu.vector_load %arg5[%get3A_851, %get3A_852] {strides = array<i32>} : memref<40x128xf32, #tpu.memory_space<vmem>>, vector<16xf32>,
      %get3A_854 = arith.index_cast %scan3A_801 : i32 to index
      %get3A_855 = arith.constant 48 : index
      %get3A_856 = tpu.vector_load %arg6[%get3A_854, %get3A_855] {strides = array<i32>} : memref<40x128xf32, #tpu.memory_space<vmem>>, vector<16xf32>,
      %add3A_857 = arith.addf %get3A_853, %get3A_856 : vector<16xf32>
      %gt3A_858 = arith.cmpf ogt, %add3A_857, %scan3A_808 : vector<16xf32>
      %select_n3A_859 = arith.select %gt3A_858, %add3A_857, %scan3A_808 : vector<16xi1>, vector<16xf32>
      %broadcast_in_dim3A_860 = vector.broadcast %add3A_819 : i32 to vector<16xi32>
      %select_n3A_861 = arith.select %gt3A_858, %broadcast_in_dim3A_860, %scan3A_809 : vector<16xi1>, vector<16xi32>
      %get3A_862 = arith.index_cast %scan3A_801 : i32 to index
      %get3A_863 = arith.constant 64 : index
      %get3A_864 = tpu.vector_load %arg5[%get3A_862, %get3A_863] {strides = array<i32>} : memref<40x128xf32, #tpu.memory_space<vmem>>, vector<16xf32>,
      %get3A_865 = arith.index_cast %scan3A_801 : i32 to index
      %get3A_866 = arith.constant 64 : index
      %get3A_867 = tpu.vector_load %arg6[%get3A_865, %get3A_866] {strides = array<i32>} : memref<40x128xf32, #tpu.memory_space<vmem>>, vector<16xf32>,
      %add3A_868 = arith.addf %get3A_864, %get3A_867 : vector<16xf32>
      %gt3A_869 = arith.cmpf ogt, %add3A_868, %scan3A_810 : vector<16xf32>
      %select_n3A_870 = arith.select %gt3A_869, %add3A_868, %scan3A_810 : vector<16xi1>, vector<16xf32>
      %broadcast_in_dim3A_871 = vector.broadcast %add3A_819 : i32 to vector<16xi32>
      %select_n3A_872 = arith.select %gt3A_869, %broadcast_in_dim3A_871, %scan3A_811 : vector<16xi1>, vector<16xi32>
      %get3A_873 = arith.index_cast %scan3A_801 : i32 to index
      %get3A_874 = arith.constant 80 : index
      %get3A_875 = tpu.vector_load %arg5[%get3A_873, %get3A_874] {strides = array<i32>} : memref<40x128xf32, #tpu.memory_space<vmem>>, vector<16xf32>,
      %get3A_876 = arith.index_cast %scan3A_801 : i32 to index
      %get3A_877 = arith.constant 80 : index
      %get3A_878 = tpu.vector_load %arg6[%get3A_876, %get3A_877] {strides = array<i32>} : memref<40x128xf32, #tpu.memory_space<vmem>>, vector<16xf32>,
      %add3A_879 = arith.addf %get3A_875, %get3A_878 : vector<16xf32>
      %gt3A_880 = arith.cmpf ogt, %add3A_879, %scan3A_812 : vector<16xf32>
      %select_n3A_881 = arith.select %gt3A_880, %add3A_879, %scan3A_812 : vector<16xi1>, vector<16xf32>
      %broadcast_in_dim3A_882 = vector.broadcast %add3A_819 : i32 to vector<16xi32>
      %select_n3A_883 = arith.select %gt3A_880, %broadcast_in_dim3A_882, %scan3A_813 : vector<16xi1>, vector<16xi32>
      %get3A_884 = arith.index_cast %scan3A_801 : i32 to index
      %get3A_885 = arith.constant 96 : index
      %get3A_886 = tpu.vector_load %arg5[%get3A_884, %get3A_885] {strides = array<i32>} : memref<40x128xf32, #tpu.memory_space<vmem>>, vector<16xf32>,
      %get3A_887 = arith.index_cast %scan3A_801 : i32 to index
      %get3A_888 = arith.constant 96 : index
      %get3A_889 = tpu.vector_load %arg6[%get3A_887, %get3A_888] {strides = array<i32>} : memref<40x128xf32, #tpu.memory_space<vmem>>, vector<16xf32>,
      %add3A_890 = arith.addf %get3A_886, %get3A_889 : vector<16xf32>
      %gt3A_891 = arith.cmpf ogt, %add3A_890, %scan3A_814 : vector<16xf32>
      %select_n3A_892 = arith.select %gt3A_891, %add3A_890, %scan3A_814 : vector<16xi1>, vector<16xf32>
      %broadcast_in_dim3A_893 = vector.broadcast %add3A_819 : i32 to vector<16xi32>
      %select_n3A_894 = arith.select %gt3A_891, %broadcast_in_dim3A_893, %scan3A_815 : vector<16xi1>, vector<16xi32>
      %get3A_895 = arith.index_cast %scan3A_801 : i32 to index
      %get3A_896 = arith.constant 112 : index
      %get3A_897 = tpu.vector_load %arg5[%get3A_895, %get3A_896] {strides = array<i32>} : memref<40x128xf32, #tpu.memory_space<vmem>>, vector<16xf32>,
      %get3A_898 = arith.index_cast %scan3A_801 : i32 to index
      %get3A_899 = arith.constant 112 : index
      %get3A_900 = tpu.vector_load %arg6[%get3A_898, %get3A_899] {strides = array<i32>} : memref<40x128xf32, #tpu.memory_space<vmem>>, vector<16xf32>,
      %add3A_901 = arith.addf %get3A_897, %get3A_900 : vector<16xf32>
      %gt3A_902 = arith.cmpf ogt, %add3A_901, %scan3A_816 : vector<16xf32>
      %select_n3A_903 = arith.select %gt3A_902, %add3A_901, %scan3A_816 : vector<16xi1>, vector<16xf32>
      %broadcast_in_dim3A_904 = vector.broadcast %add3A_819 : i32 to vector<16xi32>
      %select_n3A_905 = arith.select %gt3A_902, %broadcast_in_dim3A_904, %scan3A_817 : vector<16xi1>, vector<16xi32>
      scf.yield %select_n3A_826, %select_n3A_828, %select_n3A_837, %select_n3A_839, %select_n3A_848, %select_n3A_850, %select_n3A_859, %select_n3A_861, %select_n3A_870, %select_n3A_872, %select_n3A_881, %select_n3A_883, %select_n3A_892, %select_n3A_894, %select_n3A_903, %select_n3A_905 : vector<16xf32>, vector<16xi32>, vector<16xf32>, vector<16xi32>, vector<16xf32>, vector<16xi32>, vector<16xf32>, vector<16xi32>, vector<16xf32>, vector<16xi32>, vector<16xf32>, vector<16xi32>, vector<16xf32>, vector<16xi32>, vector<16xf32>, vector<16xi32>
    }
    %scan3A_554 = arith.constant 40 : i32
    %dma_wait3A_555 = arith.constant 680 : i32
    %dma_wait3A_556 = tpu.memref_slice %arg2[%select_n3A, %dma_wait3A_555, %mul3A_32] : memref<26x1000x1024xf32, #tpu.memory_space<hbm>> -> memref<1x40x128xf32, #tpu.memory_space<hbm>>
    %dma_wait3A_557 = tpu.memref_squeeze %dma_wait3A_556 : memref<1x40x128xf32, #tpu.memory_space<hbm>> -> memref<40x128xf32, #tpu.memory_space<hbm>>
    %dma_wait3A_558 = arith.constant 680 : i32
    %dma_wait3A_559 = tpu.memref_slice %arg2[%select_n3A, %dma_wait3A_558, %mul3A_32] : memref<26x1000x1024xf32, #tpu.memory_space<hbm>> -> memref<1x40x128xf32, #tpu.memory_space<hbm>>
    %dma_wait3A_560 = tpu.memref_squeeze %dma_wait3A_559 : memref<1x40x128xf32, #tpu.memory_space<hbm>> -> memref<40x128xf32, #tpu.memory_space<hbm>>
    tpu.wait_dma2 semaphore(%arg10 : memref<!tpu.dma_semaphore, #tpu.memory_space<semaphore_mem>>) src(%dma_wait3A_560 : memref<40x128xf32, #tpu.memory_space<hbm>>) dst(%arg7 : memref<40x128xf32, #tpu.memory_space<vmem>>)
    %dma_wait3A_561 = arith.constant 680 : i32
    %dma_wait3A_562 = tpu.memref_slice %arg3[%select_n3A, %dma_wait3A_561, %mul3A_32] : memref<26x1000x1024xf32, #tpu.memory_space<hbm>> -> memref<1x40x128xf32, #tpu.memory_space<hbm>>
    %dma_wait3A_563 = tpu.memref_squeeze %dma_wait3A_562 : memref<1x40x128xf32, #tpu.memory_space<hbm>> -> memref<40x128xf32, #tpu.memory_space<hbm>>
    %dma_wait3A_564 = arith.constant 680 : i32
    %dma_wait3A_565 = tpu.memref_slice %arg3[%select_n3A, %dma_wait3A_564, %mul3A_32] : memref<26x1000x1024xf32, #tpu.memory_space<hbm>> -> memref<1x40x128xf32, #tpu.memory_space<hbm>>
    %dma_wait3A_566 = tpu.memref_squeeze %dma_wait3A_565 : memref<1x40x128xf32, #tpu.memory_space<hbm>> -> memref<40x128xf32, #tpu.memory_space<hbm>>
    tpu.wait_dma2 semaphore(%arg11 : memref<!tpu.dma_semaphore, #tpu.memory_space<semaphore_mem>>) src(%dma_wait3A_566 : memref<40x128xf32, #tpu.memory_space<hbm>>) dst(%arg8 : memref<40x128xf32, #tpu.memory_space<vmem>>)
    %dma_start3A_567 = arith.constant 720 : i32
    %dma_start3A_568 = tpu.memref_slice %arg2[%select_n3A, %dma_start3A_567, %mul3A_32] : memref<26x1000x1024xf32, #tpu.memory_space<hbm>> -> memref<1x40x128xf32, #tpu.memory_space<hbm>>
    %dma_start3A_569 = tpu.memref_squeeze %dma_start3A_568 : memref<1x40x128xf32, #tpu.memory_space<hbm>> -> memref<40x128xf32, #tpu.memory_space<hbm>>
    %dma_start3A_570 = arith.constant 720 : i32
    %dma_start3A_571 = tpu.memref_slice %arg2[%select_n3A, %dma_start3A_570, %mul3A_32] : memref<26x1000x1024xf32, #tpu.memory_space<hbm>> -> memref<1x40x128xf32, #tpu.memory_space<hbm>>
    %dma_start3A_572 = tpu.memref_squeeze %dma_start3A_571 : memref<1x40x128xf32, #tpu.memory_space<hbm>> -> memref<40x128xf32, #tpu.memory_space<hbm>>
    tpu.enqueue_dma source(%dma_start3A_572 : memref<40x128xf32, #tpu.memory_space<hbm>>) target(%arg5 : memref<40x128xf32, #tpu.memory_space<vmem>>) target_semaphore(%arg10 : memref<!tpu.dma_semaphore, #tpu.memory_space<semaphore_mem>>)
    %dma_start3A_573 = arith.constant 720 : i32
    %dma_start3A_574 = tpu.memref_slice %arg3[%select_n3A, %dma_start3A_573, %mul3A_32] : memref<26x1000x1024xf32, #tpu.memory_space<hbm>> -> memref<1x40x128xf32, #tpu.memory_space<hbm>>
    %dma_start3A_575 = tpu.memref_squeeze %dma_start3A_574 : memref<1x40x128xf32, #tpu.memory_space<hbm>> -> memref<40x128xf32, #tpu.memory_space<hbm>>
    %dma_start3A_576 = arith.constant 720 : i32
    %dma_start3A_577 = tpu.memref_slice %arg3[%select_n3A, %dma_start3A_576, %mul3A_32] : memref<26x1000x1024xf32, #tpu.memory_space<hbm>> -> memref<1x40x128xf32, #tpu.memory_space<hbm>>
    %dma_start3A_578 = tpu.memref_squeeze %dma_start3A_577 : memref<1x40x128xf32, #tpu.memory_space<hbm>> -> memref<40x128xf32, #tpu.memory_space<hbm>>
    tpu.enqueue_dma source(%dma_start3A_578 : memref<40x128xf32, #tpu.memory_space<hbm>>) target(%arg6 : memref<40x128xf32, #tpu.memory_space<vmem>>) target_semaphore(%arg11 : memref<!tpu.dma_semaphore, #tpu.memory_space<semaphore_mem>>)
    %scan3A_579 = arith.constant 0 : i32
    %scan3A_580 = arith.constant 40 : i32
    %scan3A_581 = arith.addi %scan3A_579, %scan3A_580 : i32
    %scan3A_582 = arith.constant 1 : i32
    %scan3A_583:16 = scf.for %scan3A_801 = %scan3A_579 to %scan3A_581 step %scan3A_582 iter_args(%scan3A_802 = %scan3A_553#0, %scan3A_803 = %scan3A_553#1, %scan3A_804 = %scan3A_553#2, %scan3A_805 = %scan3A_553#3, %scan3A_806 = %scan3A_553#4, %scan3A_807 = %scan3A_553#5, %scan3A_808 = %scan3A_553#6, %scan3A_809 = %scan3A_553#7, %scan3A_810 = %scan3A_553#8, %scan3A_811 = %scan3A_553#9, %scan3A_812 = %scan3A_553#10, %scan3A_813 = %scan3A_553#11, %scan3A_814 = %scan3A_553#12, %scan3A_815 = %scan3A_553#13, %scan3A_816 = %scan3A_553#14, %scan3A_817 = %scan3A_553#15) -> (vector<16xf32>, vector<16xi32>, vector<16xf32>, vector<16xi32>, vector<16xf32>, vector<16xi32>, vector<16xf32>, vector<16xi32>, vector<16xf32>, vector<16xi32>, vector<16xf32>, vector<16xi32>, vector<16xf32>, vector<16xi32>, vector<16xf32>, vector<16xi32>)  : i32 {
      %add3A_818 = arith.constant 680 : i32
      %add3A_819 = arith.addi %add3A_818, %scan3A_801 : i32
      %get3A = arith.index_cast %scan3A_801 : i32 to index
      %get3A_820 = arith.constant 0 : index
      %get3A_821 = tpu.vector_load %arg7[%get3A, %get3A_820] {strides = array<i32>} : memref<40x128xf32, #tpu.memory_space<vmem>>, vector<16xf32>,
      %get3A_822 = arith.index_cast %scan3A_801 : i32 to index
      %get3A_823 = arith.constant 0 : index
      %get3A_824 = tpu.vector_load %arg8[%get3A_822, %get3A_823] {strides = array<i32>} : memref<40x128xf32, #tpu.memory_space<vmem>>, vector<16xf32>,
      %add3A_825 = arith.addf %get3A_821, %get3A_824 : vector<16xf32>
      %gt3A = arith.cmpf ogt, %add3A_825, %scan3A_802 : vector<16xf32>
      %select_n3A_826 = arith.select %gt3A, %add3A_825, %scan3A_802 : vector<16xi1>, vector<16xf32>
      %broadcast_in_dim3A_827 = vector.broadcast %add3A_819 : i32 to vector<16xi32>
      %select_n3A_828 = arith.select %gt3A, %broadcast_in_dim3A_827, %scan3A_803 : vector<16xi1>, vector<16xi32>
      %get3A_829 = arith.index_cast %scan3A_801 : i32 to index
      %get3A_830 = arith.constant 16 : index
      %get3A_831 = tpu.vector_load %arg7[%get3A_829, %get3A_830] {strides = array<i32>} : memref<40x128xf32, #tpu.memory_space<vmem>>, vector<16xf32>,
      %get3A_832 = arith.index_cast %scan3A_801 : i32 to index
      %get3A_833 = arith.constant 16 : index
      %get3A_834 = tpu.vector_load %arg8[%get3A_832, %get3A_833] {strides = array<i32>} : memref<40x128xf32, #tpu.memory_space<vmem>>, vector<16xf32>,
      %add3A_835 = arith.addf %get3A_831, %get3A_834 : vector<16xf32>
      %gt3A_836 = arith.cmpf ogt, %add3A_835, %scan3A_804 : vector<16xf32>
      %select_n3A_837 = arith.select %gt3A_836, %add3A_835, %scan3A_804 : vector<16xi1>, vector<16xf32>
      %broadcast_in_dim3A_838 = vector.broadcast %add3A_819 : i32 to vector<16xi32>
      %select_n3A_839 = arith.select %gt3A_836, %broadcast_in_dim3A_838, %scan3A_805 : vector<16xi1>, vector<16xi32>
      %get3A_840 = arith.index_cast %scan3A_801 : i32 to index
      %get3A_841 = arith.constant 32 : index
      %get3A_842 = tpu.vector_load %arg7[%get3A_840, %get3A_841] {strides = array<i32>} : memref<40x128xf32, #tpu.memory_space<vmem>>, vector<16xf32>,
      %get3A_843 = arith.index_cast %scan3A_801 : i32 to index
      %get3A_844 = arith.constant 32 : index
      %get3A_845 = tpu.vector_load %arg8[%get3A_843, %get3A_844] {strides = array<i32>} : memref<40x128xf32, #tpu.memory_space<vmem>>, vector<16xf32>,
      %add3A_846 = arith.addf %get3A_842, %get3A_845 : vector<16xf32>
      %gt3A_847 = arith.cmpf ogt, %add3A_846, %scan3A_806 : vector<16xf32>
      %select_n3A_848 = arith.select %gt3A_847, %add3A_846, %scan3A_806 : vector<16xi1>, vector<16xf32>
      %broadcast_in_dim3A_849 = vector.broadcast %add3A_819 : i32 to vector<16xi32>
      %select_n3A_850 = arith.select %gt3A_847, %broadcast_in_dim3A_849, %scan3A_807 : vector<16xi1>, vector<16xi32>
      %get3A_851 = arith.index_cast %scan3A_801 : i32 to index
      %get3A_852 = arith.constant 48 : index
      %get3A_853 = tpu.vector_load %arg7[%get3A_851, %get3A_852] {strides = array<i32>} : memref<40x128xf32, #tpu.memory_space<vmem>>, vector<16xf32>,
      %get3A_854 = arith.index_cast %scan3A_801 : i32 to index
      %get3A_855 = arith.constant 48 : index
      %get3A_856 = tpu.vector_load %arg8[%get3A_854, %get3A_855] {strides = array<i32>} : memref<40x128xf32, #tpu.memory_space<vmem>>, vector<16xf32>,
      %add3A_857 = arith.addf %get3A_853, %get3A_856 : vector<16xf32>
      %gt3A_858 = arith.cmpf ogt, %add3A_857, %scan3A_808 : vector<16xf32>
      %select_n3A_859 = arith.select %gt3A_858, %add3A_857, %scan3A_808 : vector<16xi1>, vector<16xf32>
      %broadcast_in_dim3A_860 = vector.broadcast %add3A_819 : i32 to vector<16xi32>
      %select_n3A_861 = arith.select %gt3A_858, %broadcast_in_dim3A_860, %scan3A_809 : vector<16xi1>, vector<16xi32>
      %get3A_862 = arith.index_cast %scan3A_801 : i32 to index
      %get3A_863 = arith.constant 64 : index
      %get3A_864 = tpu.vector_load %arg7[%get3A_862, %get3A_863] {strides = array<i32>} : memref<40x128xf32, #tpu.memory_space<vmem>>, vector<16xf32>,
      %get3A_865 = arith.index_cast %scan3A_801 : i32 to index
      %get3A_866 = arith.constant 64 : index
      %get3A_867 = tpu.vector_load %arg8[%get3A_865, %get3A_866] {strides = array<i32>} : memref<40x128xf32, #tpu.memory_space<vmem>>, vector<16xf32>,
      %add3A_868 = arith.addf %get3A_864, %get3A_867 : vector<16xf32>
      %gt3A_869 = arith.cmpf ogt, %add3A_868, %scan3A_810 : vector<16xf32>
      %select_n3A_870 = arith.select %gt3A_869, %add3A_868, %scan3A_810 : vector<16xi1>, vector<16xf32>
      %broadcast_in_dim3A_871 = vector.broadcast %add3A_819 : i32 to vector<16xi32>
      %select_n3A_872 = arith.select %gt3A_869, %broadcast_in_dim3A_871, %scan3A_811 : vector<16xi1>, vector<16xi32>
      %get3A_873 = arith.index_cast %scan3A_801 : i32 to index
      %get3A_874 = arith.constant 80 : index
      %get3A_875 = tpu.vector_load %arg7[%get3A_873, %get3A_874] {strides = array<i32>} : memref<40x128xf32, #tpu.memory_space<vmem>>, vector<16xf32>,
      %get3A_876 = arith.index_cast %scan3A_801 : i32 to index
      %get3A_877 = arith.constant 80 : index
      %get3A_878 = tpu.vector_load %arg8[%get3A_876, %get3A_877] {strides = array<i32>} : memref<40x128xf32, #tpu.memory_space<vmem>>, vector<16xf32>,
      %add3A_879 = arith.addf %get3A_875, %get3A_878 : vector<16xf32>
      %gt3A_880 = arith.cmpf ogt, %add3A_879, %scan3A_812 : vector<16xf32>
      %select_n3A_881 = arith.select %gt3A_880, %add3A_879, %scan3A_812 : vector<16xi1>, vector<16xf32>
      %broadcast_in_dim3A_882 = vector.broadcast %add3A_819 : i32 to vector<16xi32>
      %select_n3A_883 = arith.select %gt3A_880, %broadcast_in_dim3A_882, %scan3A_813 : vector<16xi1>, vector<16xi32>
      %get3A_884 = arith.index_cast %scan3A_801 : i32 to index
      %get3A_885 = arith.constant 96 : index
      %get3A_886 = tpu.vector_load %arg7[%get3A_884, %get3A_885] {strides = array<i32>} : memref<40x128xf32, #tpu.memory_space<vmem>>, vector<16xf32>,
      %get3A_887 = arith.index_cast %scan3A_801 : i32 to index
      %get3A_888 = arith.constant 96 : index
      %get3A_889 = tpu.vector_load %arg8[%get3A_887, %get3A_888] {strides = array<i32>} : memref<40x128xf32, #tpu.memory_space<vmem>>, vector<16xf32>,
      %add3A_890 = arith.addf %get3A_886, %get3A_889 : vector<16xf32>
      %gt3A_891 = arith.cmpf ogt, %add3A_890, %scan3A_814 : vector<16xf32>
      %select_n3A_892 = arith.select %gt3A_891, %add3A_890, %scan3A_814 : vector<16xi1>, vector<16xf32>
      %broadcast_in_dim3A_893 = vector.broadcast %add3A_819 : i32 to vector<16xi32>
      %select_n3A_894 = arith.select %gt3A_891, %broadcast_in_dim3A_893, %scan3A_815 : vector<16xi1>, vector<16xi32>
      %get3A_895 = arith.index_cast %scan3A_801 : i32 to index
      %get3A_896 = arith.constant 112 : index
      %get3A_897 = tpu.vector_load %arg7[%get3A_895, %get3A_896] {strides = array<i32>} : memref<40x128xf32, #tpu.memory_space<vmem>>, vector<16xf32>,
      %get3A_898 = arith.index_cast %scan3A_801 : i32 to index
      %get3A_899 = arith.constant 112 : index
      %get3A_900 = tpu.vector_load %arg8[%get3A_898, %get3A_899] {strides = array<i32>} : memref<40x128xf32, #tpu.memory_space<vmem>>, vector<16xf32>,
      %add3A_901 = arith.addf %get3A_897, %get3A_900 : vector<16xf32>
      %gt3A_902 = arith.cmpf ogt, %add3A_901, %scan3A_816 : vector<16xf32>
      %select_n3A_903 = arith.select %gt3A_902, %add3A_901, %scan3A_816 : vector<16xi1>, vector<16xf32>
      %broadcast_in_dim3A_904 = vector.broadcast %add3A_819 : i32 to vector<16xi32>
      %select_n3A_905 = arith.select %gt3A_902, %broadcast_in_dim3A_904, %scan3A_817 : vector<16xi1>, vector<16xi32>
      scf.yield %select_n3A_826, %select_n3A_828, %select_n3A_837, %select_n3A_839, %select_n3A_848, %select_n3A_850, %select_n3A_859, %select_n3A_861, %select_n3A_870, %select_n3A_872, %select_n3A_881, %select_n3A_883, %select_n3A_892, %select_n3A_894, %select_n3A_903, %select_n3A_905 : vector<16xf32>, vector<16xi32>, vector<16xf32>, vector<16xi32>, vector<16xf32>, vector<16xi32>, vector<16xf32>, vector<16xi32>, vector<16xf32>, vector<16xi32>, vector<16xf32>, vector<16xi32>, vector<16xf32>, vector<16xi32>, vector<16xf32>, vector<16xi32>
    }
    %scan3A_584 = arith.constant 40 : i32
    %dma_wait3A_585 = arith.constant 720 : i32
    %dma_wait3A_586 = tpu.memref_slice %arg2[%select_n3A, %dma_wait3A_585, %mul3A_32] : memref<26x1000x1024xf32, #tpu.memory_space<hbm>> -> memref<1x40x128xf32, #tpu.memory_space<hbm>>
    %dma_wait3A_587 = tpu.memref_squeeze %dma_wait3A_586 : memref<1x40x128xf32, #tpu.memory_space<hbm>> -> memref<40x128xf32, #tpu.memory_space<hbm>>
    %dma_wait3A_588 = arith.constant 720 : i32
    %dma_wait3A_589 = tpu.memref_slice %arg2[%select_n3A, %dma_wait3A_588, %mul3A_32] : memref<26x1000x1024xf32, #tpu.memory_space<hbm>> -> memref<1x40x128xf32, #tpu.memory_space<hbm>>
    %dma_wait3A_590 = tpu.memref_squeeze %dma_wait3A_589 : memref<1x40x128xf32, #tpu.memory_space<hbm>> -> memref<40x128xf32, #tpu.memory_space<hbm>>
    tpu.wait_dma2 semaphore(%arg10 : memref<!tpu.dma_semaphore, #tpu.memory_space<semaphore_mem>>) src(%dma_wait3A_590 : memref<40x128xf32, #tpu.memory_space<hbm>>) dst(%arg5 : memref<40x128xf32, #tpu.memory_space<vmem>>)
    %dma_wait3A_591 = arith.constant 720 : i32
    %dma_wait3A_592 = tpu.memref_slice %arg3[%select_n3A, %dma_wait3A_591, %mul3A_32] : memref<26x1000x1024xf32, #tpu.memory_space<hbm>> -> memref<1x40x128xf32, #tpu.memory_space<hbm>>
    %dma_wait3A_593 = tpu.memref_squeeze %dma_wait3A_592 : memref<1x40x128xf32, #tpu.memory_space<hbm>> -> memref<40x128xf32, #tpu.memory_space<hbm>>
    %dma_wait3A_594 = arith.constant 720 : i32
    %dma_wait3A_595 = tpu.memref_slice %arg3[%select_n3A, %dma_wait3A_594, %mul3A_32] : memref<26x1000x1024xf32, #tpu.memory_space<hbm>> -> memref<1x40x128xf32, #tpu.memory_space<hbm>>
    %dma_wait3A_596 = tpu.memref_squeeze %dma_wait3A_595 : memref<1x40x128xf32, #tpu.memory_space<hbm>> -> memref<40x128xf32, #tpu.memory_space<hbm>>
    tpu.wait_dma2 semaphore(%arg11 : memref<!tpu.dma_semaphore, #tpu.memory_space<semaphore_mem>>) src(%dma_wait3A_596 : memref<40x128xf32, #tpu.memory_space<hbm>>) dst(%arg6 : memref<40x128xf32, #tpu.memory_space<vmem>>)
    %dma_start3A_597 = arith.constant 760 : i32
    %dma_start3A_598 = tpu.memref_slice %arg2[%select_n3A, %dma_start3A_597, %mul3A_32] : memref<26x1000x1024xf32, #tpu.memory_space<hbm>> -> memref<1x40x128xf32, #tpu.memory_space<hbm>>
    %dma_start3A_599 = tpu.memref_squeeze %dma_start3A_598 : memref<1x40x128xf32, #tpu.memory_space<hbm>> -> memref<40x128xf32, #tpu.memory_space<hbm>>
    %dma_start3A_600 = arith.constant 760 : i32
    %dma_start3A_601 = tpu.memref_slice %arg2[%select_n3A, %dma_start3A_600, %mul3A_32] : memref<26x1000x1024xf32, #tpu.memory_space<hbm>> -> memref<1x40x128xf32, #tpu.memory_space<hbm>>
    %dma_start3A_602 = tpu.memref_squeeze %dma_start3A_601 : memref<1x40x128xf32, #tpu.memory_space<hbm>> -> memref<40x128xf32, #tpu.memory_space<hbm>>
    tpu.enqueue_dma source(%dma_start3A_602 : memref<40x128xf32, #tpu.memory_space<hbm>>) target(%arg7 : memref<40x128xf32, #tpu.memory_space<vmem>>) target_semaphore(%arg10 : memref<!tpu.dma_semaphore, #tpu.memory_space<semaphore_mem>>)
    %dma_start3A_603 = arith.constant 760 : i32
    %dma_start3A_604 = tpu.memref_slice %arg3[%select_n3A, %dma_start3A_603, %mul3A_32] : memref<26x1000x1024xf32, #tpu.memory_space<hbm>> -> memref<1x40x128xf32, #tpu.memory_space<hbm>>
    %dma_start3A_605 = tpu.memref_squeeze %dma_start3A_604 : memref<1x40x128xf32, #tpu.memory_space<hbm>> -> memref<40x128xf32, #tpu.memory_space<hbm>>
    %dma_start3A_606 = arith.constant 760 : i32
    %dma_start3A_607 = tpu.memref_slice %arg3[%select_n3A, %dma_start3A_606, %mul3A_32] : memref<26x1000x1024xf32, #tpu.memory_space<hbm>> -> memref<1x40x128xf32, #tpu.memory_space<hbm>>
    %dma_start3A_608 = tpu.memref_squeeze %dma_start3A_607 : memref<1x40x128xf32, #tpu.memory_space<hbm>> -> memref<40x128xf32, #tpu.memory_space<hbm>>
    tpu.enqueue_dma source(%dma_start3A_608 : memref<40x128xf32, #tpu.memory_space<hbm>>) target(%arg8 : memref<40x128xf32, #tpu.memory_space<vmem>>) target_semaphore(%arg11 : memref<!tpu.dma_semaphore, #tpu.memory_space<semaphore_mem>>)
    %scan3A_609 = arith.constant 0 : i32
    %scan3A_610 = arith.constant 40 : i32
    %scan3A_611 = arith.addi %scan3A_609, %scan3A_610 : i32
    %scan3A_612 = arith.constant 1 : i32
    %scan3A_613:16 = scf.for %scan3A_801 = %scan3A_609 to %scan3A_611 step %scan3A_612 iter_args(%scan3A_802 = %scan3A_583#0, %scan3A_803 = %scan3A_583#1, %scan3A_804 = %scan3A_583#2, %scan3A_805 = %scan3A_583#3, %scan3A_806 = %scan3A_583#4, %scan3A_807 = %scan3A_583#5, %scan3A_808 = %scan3A_583#6, %scan3A_809 = %scan3A_583#7, %scan3A_810 = %scan3A_583#8, %scan3A_811 = %scan3A_583#9, %scan3A_812 = %scan3A_583#10, %scan3A_813 = %scan3A_583#11, %scan3A_814 = %scan3A_583#12, %scan3A_815 = %scan3A_583#13, %scan3A_816 = %scan3A_583#14, %scan3A_817 = %scan3A_583#15) -> (vector<16xf32>, vector<16xi32>, vector<16xf32>, vector<16xi32>, vector<16xf32>, vector<16xi32>, vector<16xf32>, vector<16xi32>, vector<16xf32>, vector<16xi32>, vector<16xf32>, vector<16xi32>, vector<16xf32>, vector<16xi32>, vector<16xf32>, vector<16xi32>)  : i32 {
      %add3A_818 = arith.constant 720 : i32
      %add3A_819 = arith.addi %add3A_818, %scan3A_801 : i32
      %get3A = arith.index_cast %scan3A_801 : i32 to index
      %get3A_820 = arith.constant 0 : index
      %get3A_821 = tpu.vector_load %arg5[%get3A, %get3A_820] {strides = array<i32>} : memref<40x128xf32, #tpu.memory_space<vmem>>, vector<16xf32>,
      %get3A_822 = arith.index_cast %scan3A_801 : i32 to index
      %get3A_823 = arith.constant 0 : index
      %get3A_824 = tpu.vector_load %arg6[%get3A_822, %get3A_823] {strides = array<i32>} : memref<40x128xf32, #tpu.memory_space<vmem>>, vector<16xf32>,
      %add3A_825 = arith.addf %get3A_821, %get3A_824 : vector<16xf32>
      %gt3A = arith.cmpf ogt, %add3A_825, %scan3A_802 : vector<16xf32>
      %select_n3A_826 = arith.select %gt3A, %add3A_825, %scan3A_802 : vector<16xi1>, vector<16xf32>
      %broadcast_in_dim3A_827 = vector.broadcast %add3A_819 : i32 to vector<16xi32>
      %select_n3A_828 = arith.select %gt3A, %broadcast_in_dim3A_827, %scan3A_803 : vector<16xi1>, vector<16xi32>
      %get3A_829 = arith.index_cast %scan3A_801 : i32 to index
      %get3A_830 = arith.constant 16 : index
      %get3A_831 = tpu.vector_load %arg5[%get3A_829, %get3A_830] {strides = array<i32>} : memref<40x128xf32, #tpu.memory_space<vmem>>, vector<16xf32>,
      %get3A_832 = arith.index_cast %scan3A_801 : i32 to index
      %get3A_833 = arith.constant 16 : index
      %get3A_834 = tpu.vector_load %arg6[%get3A_832, %get3A_833] {strides = array<i32>} : memref<40x128xf32, #tpu.memory_space<vmem>>, vector<16xf32>,
      %add3A_835 = arith.addf %get3A_831, %get3A_834 : vector<16xf32>
      %gt3A_836 = arith.cmpf ogt, %add3A_835, %scan3A_804 : vector<16xf32>
      %select_n3A_837 = arith.select %gt3A_836, %add3A_835, %scan3A_804 : vector<16xi1>, vector<16xf32>
      %broadcast_in_dim3A_838 = vector.broadcast %add3A_819 : i32 to vector<16xi32>
      %select_n3A_839 = arith.select %gt3A_836, %broadcast_in_dim3A_838, %scan3A_805 : vector<16xi1>, vector<16xi32>
      %get3A_840 = arith.index_cast %scan3A_801 : i32 to index
      %get3A_841 = arith.constant 32 : index
      %get3A_842 = tpu.vector_load %arg5[%get3A_840, %get3A_841] {strides = array<i32>} : memref<40x128xf32, #tpu.memory_space<vmem>>, vector<16xf32>,
      %get3A_843 = arith.index_cast %scan3A_801 : i32 to index
      %get3A_844 = arith.constant 32 : index
      %get3A_845 = tpu.vector_load %arg6[%get3A_843, %get3A_844] {strides = array<i32>} : memref<40x128xf32, #tpu.memory_space<vmem>>, vector<16xf32>,
      %add3A_846 = arith.addf %get3A_842, %get3A_845 : vector<16xf32>
      %gt3A_847 = arith.cmpf ogt, %add3A_846, %scan3A_806 : vector<16xf32>
      %select_n3A_848 = arith.select %gt3A_847, %add3A_846, %scan3A_806 : vector<16xi1>, vector<16xf32>
      %broadcast_in_dim3A_849 = vector.broadcast %add3A_819 : i32 to vector<16xi32>
      %select_n3A_850 = arith.select %gt3A_847, %broadcast_in_dim3A_849, %scan3A_807 : vector<16xi1>, vector<16xi32>
      %get3A_851 = arith.index_cast %scan3A_801 : i32 to index
      %get3A_852 = arith.constant 48 : index
      %get3A_853 = tpu.vector_load %arg5[%get3A_851, %get3A_852] {strides = array<i32>} : memref<40x128xf32, #tpu.memory_space<vmem>>, vector<16xf32>,
      %get3A_854 = arith.index_cast %scan3A_801 : i32 to index
      %get3A_855 = arith.constant 48 : index
      %get3A_856 = tpu.vector_load %arg6[%get3A_854, %get3A_855] {strides = array<i32>} : memref<40x128xf32, #tpu.memory_space<vmem>>, vector<16xf32>,
      %add3A_857 = arith.addf %get3A_853, %get3A_856 : vector<16xf32>
      %gt3A_858 = arith.cmpf ogt, %add3A_857, %scan3A_808 : vector<16xf32>
      %select_n3A_859 = arith.select %gt3A_858, %add3A_857, %scan3A_808 : vector<16xi1>, vector<16xf32>
      %broadcast_in_dim3A_860 = vector.broadcast %add3A_819 : i32 to vector<16xi32>
      %select_n3A_861 = arith.select %gt3A_858, %broadcast_in_dim3A_860, %scan3A_809 : vector<16xi1>, vector<16xi32>
      %get3A_862 = arith.index_cast %scan3A_801 : i32 to index
      %get3A_863 = arith.constant 64 : index
      %get3A_864 = tpu.vector_load %arg5[%get3A_862, %get3A_863] {strides = array<i32>} : memref<40x128xf32, #tpu.memory_space<vmem>>, vector<16xf32>,
      %get3A_865 = arith.index_cast %scan3A_801 : i32 to index
      %get3A_866 = arith.constant 64 : index
      %get3A_867 = tpu.vector_load %arg6[%get3A_865, %get3A_866] {strides = array<i32>} : memref<40x128xf32, #tpu.memory_space<vmem>>, vector<16xf32>,
      %add3A_868 = arith.addf %get3A_864, %get3A_867 : vector<16xf32>
      %gt3A_869 = arith.cmpf ogt, %add3A_868, %scan3A_810 : vector<16xf32>
      %select_n3A_870 = arith.select %gt3A_869, %add3A_868, %scan3A_810 : vector<16xi1>, vector<16xf32>
      %broadcast_in_dim3A_871 = vector.broadcast %add3A_819 : i32 to vector<16xi32>
      %select_n3A_872 = arith.select %gt3A_869, %broadcast_in_dim3A_871, %scan3A_811 : vector<16xi1>, vector<16xi32>
      %get3A_873 = arith.index_cast %scan3A_801 : i32 to index
      %get3A_874 = arith.constant 80 : index
      %get3A_875 = tpu.vector_load %arg5[%get3A_873, %get3A_874] {strides = array<i32>} : memref<40x128xf32, #tpu.memory_space<vmem>>, vector<16xf32>,
      %get3A_876 = arith.index_cast %scan3A_801 : i32 to index
      %get3A_877 = arith.constant 80 : index
      %get3A_878 = tpu.vector_load %arg6[%get3A_876, %get3A_877] {strides = array<i32>} : memref<40x128xf32, #tpu.memory_space<vmem>>, vector<16xf32>,
      %add3A_879 = arith.addf %get3A_875, %get3A_878 : vector<16xf32>
      %gt3A_880 = arith.cmpf ogt, %add3A_879, %scan3A_812 : vector<16xf32>
      %select_n3A_881 = arith.select %gt3A_880, %add3A_879, %scan3A_812 : vector<16xi1>, vector<16xf32>
      %broadcast_in_dim3A_882 = vector.broadcast %add3A_819 : i32 to vector<16xi32>
      %select_n3A_883 = arith.select %gt3A_880, %broadcast_in_dim3A_882, %scan3A_813 : vector<16xi1>, vector<16xi32>
      %get3A_884 = arith.index_cast %scan3A_801 : i32 to index
      %get3A_885 = arith.constant 96 : index
      %get3A_886 = tpu.vector_load %arg5[%get3A_884, %get3A_885] {strides = array<i32>} : memref<40x128xf32, #tpu.memory_space<vmem>>, vector<16xf32>,
      %get3A_887 = arith.index_cast %scan3A_801 : i32 to index
      %get3A_888 = arith.constant 96 : index
      %get3A_889 = tpu.vector_load %arg6[%get3A_887, %get3A_888] {strides = array<i32>} : memref<40x128xf32, #tpu.memory_space<vmem>>, vector<16xf32>,
      %add3A_890 = arith.addf %get3A_886, %get3A_889 : vector<16xf32>
      %gt3A_891 = arith.cmpf ogt, %add3A_890, %scan3A_814 : vector<16xf32>
      %select_n3A_892 = arith.select %gt3A_891, %add3A_890, %scan3A_814 : vector<16xi1>, vector<16xf32>
      %broadcast_in_dim3A_893 = vector.broadcast %add3A_819 : i32 to vector<16xi32>
      %select_n3A_894 = arith.select %gt3A_891, %broadcast_in_dim3A_893, %scan3A_815 : vector<16xi1>, vector<16xi32>
      %get3A_895 = arith.index_cast %scan3A_801 : i32 to index
      %get3A_896 = arith.constant 112 : index
      %get3A_897 = tpu.vector_load %arg5[%get3A_895, %get3A_896] {strides = array<i32>} : memref<40x128xf32, #tpu.memory_space<vmem>>, vector<16xf32>,
      %get3A_898 = arith.index_cast %scan3A_801 : i32 to index
      %get3A_899 = arith.constant 112 : index
      %get3A_900 = tpu.vector_load %arg6[%get3A_898, %get3A_899] {strides = array<i32>} : memref<40x128xf32, #tpu.memory_space<vmem>>, vector<16xf32>,
      %add3A_901 = arith.addf %get3A_897, %get3A_900 : vector<16xf32>
      %gt3A_902 = arith.cmpf ogt, %add3A_901, %scan3A_816 : vector<16xf32>
      %select_n3A_903 = arith.select %gt3A_902, %add3A_901, %scan3A_816 : vector<16xi1>, vector<16xf32>
      %broadcast_in_dim3A_904 = vector.broadcast %add3A_819 : i32 to vector<16xi32>
      %select_n3A_905 = arith.select %gt3A_902, %broadcast_in_dim3A_904, %scan3A_817 : vector<16xi1>, vector<16xi32>
      scf.yield %select_n3A_826, %select_n3A_828, %select_n3A_837, %select_n3A_839, %select_n3A_848, %select_n3A_850, %select_n3A_859, %select_n3A_861, %select_n3A_870, %select_n3A_872, %select_n3A_881, %select_n3A_883, %select_n3A_892, %select_n3A_894, %select_n3A_903, %select_n3A_905 : vector<16xf32>, vector<16xi32>, vector<16xf32>, vector<16xi32>, vector<16xf32>, vector<16xi32>, vector<16xf32>, vector<16xi32>, vector<16xf32>, vector<16xi32>, vector<16xf32>, vector<16xi32>, vector<16xf32>, vector<16xi32>, vector<16xf32>, vector<16xi32>
    }
    %scan3A_614 = arith.constant 40 : i32
    %dma_wait3A_615 = arith.constant 760 : i32
    %dma_wait3A_616 = tpu.memref_slice %arg2[%select_n3A, %dma_wait3A_615, %mul3A_32] : memref<26x1000x1024xf32, #tpu.memory_space<hbm>> -> memref<1x40x128xf32, #tpu.memory_space<hbm>>
    %dma_wait3A_617 = tpu.memref_squeeze %dma_wait3A_616 : memref<1x40x128xf32, #tpu.memory_space<hbm>> -> memref<40x128xf32, #tpu.memory_space<hbm>>
    %dma_wait3A_618 = arith.constant 760 : i32
    %dma_wait3A_619 = tpu.memref_slice %arg2[%select_n3A, %dma_wait3A_618, %mul3A_32] : memref<26x1000x1024xf32, #tpu.memory_space<hbm>> -> memref<1x40x128xf32, #tpu.memory_space<hbm>>
    %dma_wait3A_620 = tpu.memref_squeeze %dma_wait3A_619 : memref<1x40x128xf32, #tpu.memory_space<hbm>> -> memref<40x128xf32, #tpu.memory_space<hbm>>
    tpu.wait_dma2 semaphore(%arg10 : memref<!tpu.dma_semaphore, #tpu.memory_space<semaphore_mem>>) src(%dma_wait3A_620 : memref<40x128xf32, #tpu.memory_space<hbm>>) dst(%arg7 : memref<40x128xf32, #tpu.memory_space<vmem>>)
    %dma_wait3A_621 = arith.constant 760 : i32
    %dma_wait3A_622 = tpu.memref_slice %arg3[%select_n3A, %dma_wait3A_621, %mul3A_32] : memref<26x1000x1024xf32, #tpu.memory_space<hbm>> -> memref<1x40x128xf32, #tpu.memory_space<hbm>>
    %dma_wait3A_623 = tpu.memref_squeeze %dma_wait3A_622 : memref<1x40x128xf32, #tpu.memory_space<hbm>> -> memref<40x128xf32, #tpu.memory_space<hbm>>
    %dma_wait3A_624 = arith.constant 760 : i32
    %dma_wait3A_625 = tpu.memref_slice %arg3[%select_n3A, %dma_wait3A_624, %mul3A_32] : memref<26x1000x1024xf32, #tpu.memory_space<hbm>> -> memref<1x40x128xf32, #tpu.memory_space<hbm>>
    %dma_wait3A_626 = tpu.memref_squeeze %dma_wait3A_625 : memref<1x40x128xf32, #tpu.memory_space<hbm>> -> memref<40x128xf32, #tpu.memory_space<hbm>>
    tpu.wait_dma2 semaphore(%arg11 : memref<!tpu.dma_semaphore, #tpu.memory_space<semaphore_mem>>) src(%dma_wait3A_626 : memref<40x128xf32, #tpu.memory_space<hbm>>) dst(%arg8 : memref<40x128xf32, #tpu.memory_space<vmem>>)
    %dma_start3A_627 = arith.constant 800 : i32
    %dma_start3A_628 = tpu.memref_slice %arg2[%select_n3A, %dma_start3A_627, %mul3A_32] : memref<26x1000x1024xf32, #tpu.memory_space<hbm>> -> memref<1x40x128xf32, #tpu.memory_space<hbm>>
    %dma_start3A_629 = tpu.memref_squeeze %dma_start3A_628 : memref<1x40x128xf32, #tpu.memory_space<hbm>> -> memref<40x128xf32, #tpu.memory_space<hbm>>
    %dma_start3A_630 = arith.constant 800 : i32
    %dma_start3A_631 = tpu.memref_slice %arg2[%select_n3A, %dma_start3A_630, %mul3A_32] : memref<26x1000x1024xf32, #tpu.memory_space<hbm>> -> memref<1x40x128xf32, #tpu.memory_space<hbm>>
    %dma_start3A_632 = tpu.memref_squeeze %dma_start3A_631 : memref<1x40x128xf32, #tpu.memory_space<hbm>> -> memref<40x128xf32, #tpu.memory_space<hbm>>
    tpu.enqueue_dma source(%dma_start3A_632 : memref<40x128xf32, #tpu.memory_space<hbm>>) target(%arg5 : memref<40x128xf32, #tpu.memory_space<vmem>>) target_semaphore(%arg10 : memref<!tpu.dma_semaphore, #tpu.memory_space<semaphore_mem>>)
    %dma_start3A_633 = arith.constant 800 : i32
    %dma_start3A_634 = tpu.memref_slice %arg3[%select_n3A, %dma_start3A_633, %mul3A_32] : memref<26x1000x1024xf32, #tpu.memory_space<hbm>> -> memref<1x40x128xf32, #tpu.memory_space<hbm>>
    %dma_start3A_635 = tpu.memref_squeeze %dma_start3A_634 : memref<1x40x128xf32, #tpu.memory_space<hbm>> -> memref<40x128xf32, #tpu.memory_space<hbm>>
    %dma_start3A_636 = arith.constant 800 : i32
    %dma_start3A_637 = tpu.memref_slice %arg3[%select_n3A, %dma_start3A_636, %mul3A_32] : memref<26x1000x1024xf32, #tpu.memory_space<hbm>> -> memref<1x40x128xf32, #tpu.memory_space<hbm>>
    %dma_start3A_638 = tpu.memref_squeeze %dma_start3A_637 : memref<1x40x128xf32, #tpu.memory_space<hbm>> -> memref<40x128xf32, #tpu.memory_space<hbm>>
    tpu.enqueue_dma source(%dma_start3A_638 : memref<40x128xf32, #tpu.memory_space<hbm>>) target(%arg6 : memref<40x128xf32, #tpu.memory_space<vmem>>) target_semaphore(%arg11 : memref<!tpu.dma_semaphore, #tpu.memory_space<semaphore_mem>>)
    %scan3A_639 = arith.constant 0 : i32
    %scan3A_640 = arith.constant 40 : i32
    %scan3A_641 = arith.addi %scan3A_639, %scan3A_640 : i32
    %scan3A_642 = arith.constant 1 : i32
    %scan3A_643:16 = scf.for %scan3A_801 = %scan3A_639 to %scan3A_641 step %scan3A_642 iter_args(%scan3A_802 = %scan3A_613#0, %scan3A_803 = %scan3A_613#1, %scan3A_804 = %scan3A_613#2, %scan3A_805 = %scan3A_613#3, %scan3A_806 = %scan3A_613#4, %scan3A_807 = %scan3A_613#5, %scan3A_808 = %scan3A_613#6, %scan3A_809 = %scan3A_613#7, %scan3A_810 = %scan3A_613#8, %scan3A_811 = %scan3A_613#9, %scan3A_812 = %scan3A_613#10, %scan3A_813 = %scan3A_613#11, %scan3A_814 = %scan3A_613#12, %scan3A_815 = %scan3A_613#13, %scan3A_816 = %scan3A_613#14, %scan3A_817 = %scan3A_613#15) -> (vector<16xf32>, vector<16xi32>, vector<16xf32>, vector<16xi32>, vector<16xf32>, vector<16xi32>, vector<16xf32>, vector<16xi32>, vector<16xf32>, vector<16xi32>, vector<16xf32>, vector<16xi32>, vector<16xf32>, vector<16xi32>, vector<16xf32>, vector<16xi32>)  : i32 {
      %add3A_818 = arith.constant 760 : i32
      %add3A_819 = arith.addi %add3A_818, %scan3A_801 : i32
      %get3A = arith.index_cast %scan3A_801 : i32 to index
      %get3A_820 = arith.constant 0 : index
      %get3A_821 = tpu.vector_load %arg7[%get3A, %get3A_820] {strides = array<i32>} : memref<40x128xf32, #tpu.memory_space<vmem>>, vector<16xf32>,
      %get3A_822 = arith.index_cast %scan3A_801 : i32 to index
      %get3A_823 = arith.constant 0 : index
      %get3A_824 = tpu.vector_load %arg8[%get3A_822, %get3A_823] {strides = array<i32>} : memref<40x128xf32, #tpu.memory_space<vmem>>, vector<16xf32>,
      %add3A_825 = arith.addf %get3A_821, %get3A_824 : vector<16xf32>
      %gt3A = arith.cmpf ogt, %add3A_825, %scan3A_802 : vector<16xf32>
      %select_n3A_826 = arith.select %gt3A, %add3A_825, %scan3A_802 : vector<16xi1>, vector<16xf32>
      %broadcast_in_dim3A_827 = vector.broadcast %add3A_819 : i32 to vector<16xi32>
      %select_n3A_828 = arith.select %gt3A, %broadcast_in_dim3A_827, %scan3A_803 : vector<16xi1>, vector<16xi32>
      %get3A_829 = arith.index_cast %scan3A_801 : i32 to index
      %get3A_830 = arith.constant 16 : index
      %get3A_831 = tpu.vector_load %arg7[%get3A_829, %get3A_830] {strides = array<i32>} : memref<40x128xf32, #tpu.memory_space<vmem>>, vector<16xf32>,
      %get3A_832 = arith.index_cast %scan3A_801 : i32 to index
      %get3A_833 = arith.constant 16 : index
      %get3A_834 = tpu.vector_load %arg8[%get3A_832, %get3A_833] {strides = array<i32>} : memref<40x128xf32, #tpu.memory_space<vmem>>, vector<16xf32>,
      %add3A_835 = arith.addf %get3A_831, %get3A_834 : vector<16xf32>
      %gt3A_836 = arith.cmpf ogt, %add3A_835, %scan3A_804 : vector<16xf32>
      %select_n3A_837 = arith.select %gt3A_836, %add3A_835, %scan3A_804 : vector<16xi1>, vector<16xf32>
      %broadcast_in_dim3A_838 = vector.broadcast %add3A_819 : i32 to vector<16xi32>
      %select_n3A_839 = arith.select %gt3A_836, %broadcast_in_dim3A_838, %scan3A_805 : vector<16xi1>, vector<16xi32>
      %get3A_840 = arith.index_cast %scan3A_801 : i32 to index
      %get3A_841 = arith.constant 32 : index
      %get3A_842 = tpu.vector_load %arg7[%get3A_840, %get3A_841] {strides = array<i32>} : memref<40x128xf32, #tpu.memory_space<vmem>>, vector<16xf32>,
      %get3A_843 = arith.index_cast %scan3A_801 : i32 to index
      %get3A_844 = arith.constant 32 : index
      %get3A_845 = tpu.vector_load %arg8[%get3A_843, %get3A_844] {strides = array<i32>} : memref<40x128xf32, #tpu.memory_space<vmem>>, vector<16xf32>,
      %add3A_846 = arith.addf %get3A_842, %get3A_845 : vector<16xf32>
      %gt3A_847 = arith.cmpf ogt, %add3A_846, %scan3A_806 : vector<16xf32>
      %select_n3A_848 = arith.select %gt3A_847, %add3A_846, %scan3A_806 : vector<16xi1>, vector<16xf32>
      %broadcast_in_dim3A_849 = vector.broadcast %add3A_819 : i32 to vector<16xi32>
      %select_n3A_850 = arith.select %gt3A_847, %broadcast_in_dim3A_849, %scan3A_807 : vector<16xi1>, vector<16xi32>
      %get3A_851 = arith.index_cast %scan3A_801 : i32 to index
      %get3A_852 = arith.constant 48 : index
      %get3A_853 = tpu.vector_load %arg7[%get3A_851, %get3A_852] {strides = array<i32>} : memref<40x128xf32, #tpu.memory_space<vmem>>, vector<16xf32>,
      %get3A_854 = arith.index_cast %scan3A_801 : i32 to index
      %get3A_855 = arith.constant 48 : index
      %get3A_856 = tpu.vector_load %arg8[%get3A_854, %get3A_855] {strides = array<i32>} : memref<40x128xf32, #tpu.memory_space<vmem>>, vector<16xf32>,
      %add3A_857 = arith.addf %get3A_853, %get3A_856 : vector<16xf32>
      %gt3A_858 = arith.cmpf ogt, %add3A_857, %scan3A_808 : vector<16xf32>
      %select_n3A_859 = arith.select %gt3A_858, %add3A_857, %scan3A_808 : vector<16xi1>, vector<16xf32>
      %broadcast_in_dim3A_860 = vector.broadcast %add3A_819 : i32 to vector<16xi32>
      %select_n3A_861 = arith.select %gt3A_858, %broadcast_in_dim3A_860, %scan3A_809 : vector<16xi1>, vector<16xi32>
      %get3A_862 = arith.index_cast %scan3A_801 : i32 to index
      %get3A_863 = arith.constant 64 : index
      %get3A_864 = tpu.vector_load %arg7[%get3A_862, %get3A_863] {strides = array<i32>} : memref<40x128xf32, #tpu.memory_space<vmem>>, vector<16xf32>,
      %get3A_865 = arith.index_cast %scan3A_801 : i32 to index
      %get3A_866 = arith.constant 64 : index
      %get3A_867 = tpu.vector_load %arg8[%get3A_865, %get3A_866] {strides = array<i32>} : memref<40x128xf32, #tpu.memory_space<vmem>>, vector<16xf32>,
      %add3A_868 = arith.addf %get3A_864, %get3A_867 : vector<16xf32>
      %gt3A_869 = arith.cmpf ogt, %add3A_868, %scan3A_810 : vector<16xf32>
      %select_n3A_870 = arith.select %gt3A_869, %add3A_868, %scan3A_810 : vector<16xi1>, vector<16xf32>
      %broadcast_in_dim3A_871 = vector.broadcast %add3A_819 : i32 to vector<16xi32>
      %select_n3A_872 = arith.select %gt3A_869, %broadcast_in_dim3A_871, %scan3A_811 : vector<16xi1>, vector<16xi32>
      %get3A_873 = arith.index_cast %scan3A_801 : i32 to index
      %get3A_874 = arith.constant 80 : index
      %get3A_875 = tpu.vector_load %arg7[%get3A_873, %get3A_874] {strides = array<i32>} : memref<40x128xf32, #tpu.memory_space<vmem>>, vector<16xf32>,
      %get3A_876 = arith.index_cast %scan3A_801 : i32 to index
      %get3A_877 = arith.constant 80 : index
      %get3A_878 = tpu.vector_load %arg8[%get3A_876, %get3A_877] {strides = array<i32>} : memref<40x128xf32, #tpu.memory_space<vmem>>, vector<16xf32>,
      %add3A_879 = arith.addf %get3A_875, %get3A_878 : vector<16xf32>
      %gt3A_880 = arith.cmpf ogt, %add3A_879, %scan3A_812 : vector<16xf32>
      %select_n3A_881 = arith.select %gt3A_880, %add3A_879, %scan3A_812 : vector<16xi1>, vector<16xf32>
      %broadcast_in_dim3A_882 = vector.broadcast %add3A_819 : i32 to vector<16xi32>
      %select_n3A_883 = arith.select %gt3A_880, %broadcast_in_dim3A_882, %scan3A_813 : vector<16xi1>, vector<16xi32>
      %get3A_884 = arith.index_cast %scan3A_801 : i32 to index
      %get3A_885 = arith.constant 96 : index
      %get3A_886 = tpu.vector_load %arg7[%get3A_884, %get3A_885] {strides = array<i32>} : memref<40x128xf32, #tpu.memory_space<vmem>>, vector<16xf32>,
      %get3A_887 = arith.index_cast %scan3A_801 : i32 to index
      %get3A_888 = arith.constant 96 : index
      %get3A_889 = tpu.vector_load %arg8[%get3A_887, %get3A_888] {strides = array<i32>} : memref<40x128xf32, #tpu.memory_space<vmem>>, vector<16xf32>,
      %add3A_890 = arith.addf %get3A_886, %get3A_889 : vector<16xf32>
      %gt3A_891 = arith.cmpf ogt, %add3A_890, %scan3A_814 : vector<16xf32>
      %select_n3A_892 = arith.select %gt3A_891, %add3A_890, %scan3A_814 : vector<16xi1>, vector<16xf32>
      %broadcast_in_dim3A_893 = vector.broadcast %add3A_819 : i32 to vector<16xi32>
      %select_n3A_894 = arith.select %gt3A_891, %broadcast_in_dim3A_893, %scan3A_815 : vector<16xi1>, vector<16xi32>
      %get3A_895 = arith.index_cast %scan3A_801 : i32 to index
      %get3A_896 = arith.constant 112 : index
      %get3A_897 = tpu.vector_load %arg7[%get3A_895, %get3A_896] {strides = array<i32>} : memref<40x128xf32, #tpu.memory_space<vmem>>, vector<16xf32>,
      %get3A_898 = arith.index_cast %scan3A_801 : i32 to index
      %get3A_899 = arith.constant 112 : index
      %get3A_900 = tpu.vector_load %arg8[%get3A_898, %get3A_899] {strides = array<i32>} : memref<40x128xf32, #tpu.memory_space<vmem>>, vector<16xf32>,
      %add3A_901 = arith.addf %get3A_897, %get3A_900 : vector<16xf32>
      %gt3A_902 = arith.cmpf ogt, %add3A_901, %scan3A_816 : vector<16xf32>
      %select_n3A_903 = arith.select %gt3A_902, %add3A_901, %scan3A_816 : vector<16xi1>, vector<16xf32>
      %broadcast_in_dim3A_904 = vector.broadcast %add3A_819 : i32 to vector<16xi32>
      %select_n3A_905 = arith.select %gt3A_902, %broadcast_in_dim3A_904, %scan3A_817 : vector<16xi1>, vector<16xi32>
      scf.yield %select_n3A_826, %select_n3A_828, %select_n3A_837, %select_n3A_839, %select_n3A_848, %select_n3A_850, %select_n3A_859, %select_n3A_861, %select_n3A_870, %select_n3A_872, %select_n3A_881, %select_n3A_883, %select_n3A_892, %select_n3A_894, %select_n3A_903, %select_n3A_905 : vector<16xf32>, vector<16xi32>, vector<16xf32>, vector<16xi32>, vector<16xf32>, vector<16xi32>, vector<16xf32>, vector<16xi32>, vector<16xf32>, vector<16xi32>, vector<16xf32>, vector<16xi32>, vector<16xf32>, vector<16xi32>, vector<16xf32>, vector<16xi32>
    }
    %scan3A_644 = arith.constant 40 : i32
    %dma_wait3A_645 = arith.constant 800 : i32
    %dma_wait3A_646 = tpu.memref_slice %arg2[%select_n3A, %dma_wait3A_645, %mul3A_32] : memref<26x1000x1024xf32, #tpu.memory_space<hbm>> -> memref<1x40x128xf32, #tpu.memory_space<hbm>>
    %dma_wait3A_647 = tpu.memref_squeeze %dma_wait3A_646 : memref<1x40x128xf32, #tpu.memory_space<hbm>> -> memref<40x128xf32, #tpu.memory_space<hbm>>
    %dma_wait3A_648 = arith.constant 800 : i32
    %dma_wait3A_649 = tpu.memref_slice %arg2[%select_n3A, %dma_wait3A_648, %mul3A_32] : memref<26x1000x1024xf32, #tpu.memory_space<hbm>> -> memref<1x40x128xf32, #tpu.memory_space<hbm>>
    %dma_wait3A_650 = tpu.memref_squeeze %dma_wait3A_649 : memref<1x40x128xf32, #tpu.memory_space<hbm>> -> memref<40x128xf32, #tpu.memory_space<hbm>>
    tpu.wait_dma2 semaphore(%arg10 : memref<!tpu.dma_semaphore, #tpu.memory_space<semaphore_mem>>) src(%dma_wait3A_650 : memref<40x128xf32, #tpu.memory_space<hbm>>) dst(%arg5 : memref<40x128xf32, #tpu.memory_space<vmem>>)
    %dma_wait3A_651 = arith.constant 800 : i32
    %dma_wait3A_652 = tpu.memref_slice %arg3[%select_n3A, %dma_wait3A_651, %mul3A_32] : memref<26x1000x1024xf32, #tpu.memory_space<hbm>> -> memref<1x40x128xf32, #tpu.memory_space<hbm>>
    %dma_wait3A_653 = tpu.memref_squeeze %dma_wait3A_652 : memref<1x40x128xf32, #tpu.memory_space<hbm>> -> memref<40x128xf32, #tpu.memory_space<hbm>>
    %dma_wait3A_654 = arith.constant 800 : i32
    %dma_wait3A_655 = tpu.memref_slice %arg3[%select_n3A, %dma_wait3A_654, %mul3A_32] : memref<26x1000x1024xf32, #tpu.memory_space<hbm>> -> memref<1x40x128xf32, #tpu.memory_space<hbm>>
    %dma_wait3A_656 = tpu.memref_squeeze %dma_wait3A_655 : memref<1x40x128xf32, #tpu.memory_space<hbm>> -> memref<40x128xf32, #tpu.memory_space<hbm>>
    tpu.wait_dma2 semaphore(%arg11 : memref<!tpu.dma_semaphore, #tpu.memory_space<semaphore_mem>>) src(%dma_wait3A_656 : memref<40x128xf32, #tpu.memory_space<hbm>>) dst(%arg6 : memref<40x128xf32, #tpu.memory_space<vmem>>)
    %dma_start3A_657 = arith.constant 840 : i32
    %dma_start3A_658 = tpu.memref_slice %arg2[%select_n3A, %dma_start3A_657, %mul3A_32] : memref<26x1000x1024xf32, #tpu.memory_space<hbm>> -> memref<1x40x128xf32, #tpu.memory_space<hbm>>
    %dma_start3A_659 = tpu.memref_squeeze %dma_start3A_658 : memref<1x40x128xf32, #tpu.memory_space<hbm>> -> memref<40x128xf32, #tpu.memory_space<hbm>>
    %dma_start3A_660 = arith.constant 840 : i32
    %dma_start3A_661 = tpu.memref_slice %arg2[%select_n3A, %dma_start3A_660, %mul3A_32] : memref<26x1000x1024xf32, #tpu.memory_space<hbm>> -> memref<1x40x128xf32, #tpu.memory_space<hbm>>
    %dma_start3A_662 = tpu.memref_squeeze %dma_start3A_661 : memref<1x40x128xf32, #tpu.memory_space<hbm>> -> memref<40x128xf32, #tpu.memory_space<hbm>>
    tpu.enqueue_dma source(%dma_start3A_662 : memref<40x128xf32, #tpu.memory_space<hbm>>) target(%arg7 : memref<40x128xf32, #tpu.memory_space<vmem>>) target_semaphore(%arg10 : memref<!tpu.dma_semaphore, #tpu.memory_space<semaphore_mem>>)
    %dma_start3A_663 = arith.constant 840 : i32
    %dma_start3A_664 = tpu.memref_slice %arg3[%select_n3A, %dma_start3A_663, %mul3A_32] : memref<26x1000x1024xf32, #tpu.memory_space<hbm>> -> memref<1x40x128xf32, #tpu.memory_space<hbm>>
    %dma_start3A_665 = tpu.memref_squeeze %dma_start3A_664 : memref<1x40x128xf32, #tpu.memory_space<hbm>> -> memref<40x128xf32, #tpu.memory_space<hbm>>
    %dma_start3A_666 = arith.constant 840 : i32
    %dma_start3A_667 = tpu.memref_slice %arg3[%select_n3A, %dma_start3A_666, %mul3A_32] : memref<26x1000x1024xf32, #tpu.memory_space<hbm>> -> memref<1x40x128xf32, #tpu.memory_space<hbm>>
    %dma_start3A_668 = tpu.memref_squeeze %dma_start3A_667 : memref<1x40x128xf32, #tpu.memory_space<hbm>> -> memref<40x128xf32, #tpu.memory_space<hbm>>
    tpu.enqueue_dma source(%dma_start3A_668 : memref<40x128xf32, #tpu.memory_space<hbm>>) target(%arg8 : memref<40x128xf32, #tpu.memory_space<vmem>>) target_semaphore(%arg11 : memref<!tpu.dma_semaphore, #tpu.memory_space<semaphore_mem>>)
    %scan3A_669 = arith.constant 0 : i32
    %scan3A_670 = arith.constant 40 : i32
    %scan3A_671 = arith.addi %scan3A_669, %scan3A_670 : i32
    %scan3A_672 = arith.constant 1 : i32
    %scan3A_673:16 = scf.for %scan3A_801 = %scan3A_669 to %scan3A_671 step %scan3A_672 iter_args(%scan3A_802 = %scan3A_643#0, %scan3A_803 = %scan3A_643#1, %scan3A_804 = %scan3A_643#2, %scan3A_805 = %scan3A_643#3, %scan3A_806 = %scan3A_643#4, %scan3A_807 = %scan3A_643#5, %scan3A_808 = %scan3A_643#6, %scan3A_809 = %scan3A_643#7, %scan3A_810 = %scan3A_643#8, %scan3A_811 = %scan3A_643#9, %scan3A_812 = %scan3A_643#10, %scan3A_813 = %scan3A_643#11, %scan3A_814 = %scan3A_643#12, %scan3A_815 = %scan3A_643#13, %scan3A_816 = %scan3A_643#14, %scan3A_817 = %scan3A_643#15) -> (vector<16xf32>, vector<16xi32>, vector<16xf32>, vector<16xi32>, vector<16xf32>, vector<16xi32>, vector<16xf32>, vector<16xi32>, vector<16xf32>, vector<16xi32>, vector<16xf32>, vector<16xi32>, vector<16xf32>, vector<16xi32>, vector<16xf32>, vector<16xi32>)  : i32 {
      %add3A_818 = arith.constant 800 : i32
      %add3A_819 = arith.addi %add3A_818, %scan3A_801 : i32
      %get3A = arith.index_cast %scan3A_801 : i32 to index
      %get3A_820 = arith.constant 0 : index
      %get3A_821 = tpu.vector_load %arg5[%get3A, %get3A_820] {strides = array<i32>} : memref<40x128xf32, #tpu.memory_space<vmem>>, vector<16xf32>,
      %get3A_822 = arith.index_cast %scan3A_801 : i32 to index
      %get3A_823 = arith.constant 0 : index
      %get3A_824 = tpu.vector_load %arg6[%get3A_822, %get3A_823] {strides = array<i32>} : memref<40x128xf32, #tpu.memory_space<vmem>>, vector<16xf32>,
      %add3A_825 = arith.addf %get3A_821, %get3A_824 : vector<16xf32>
      %gt3A = arith.cmpf ogt, %add3A_825, %scan3A_802 : vector<16xf32>
      %select_n3A_826 = arith.select %gt3A, %add3A_825, %scan3A_802 : vector<16xi1>, vector<16xf32>
      %broadcast_in_dim3A_827 = vector.broadcast %add3A_819 : i32 to vector<16xi32>
      %select_n3A_828 = arith.select %gt3A, %broadcast_in_dim3A_827, %scan3A_803 : vector<16xi1>, vector<16xi32>
      %get3A_829 = arith.index_cast %scan3A_801 : i32 to index
      %get3A_830 = arith.constant 16 : index
      %get3A_831 = tpu.vector_load %arg5[%get3A_829, %get3A_830] {strides = array<i32>} : memref<40x128xf32, #tpu.memory_space<vmem>>, vector<16xf32>,
      %get3A_832 = arith.index_cast %scan3A_801 : i32 to index
      %get3A_833 = arith.constant 16 : index
      %get3A_834 = tpu.vector_load %arg6[%get3A_832, %get3A_833] {strides = array<i32>} : memref<40x128xf32, #tpu.memory_space<vmem>>, vector<16xf32>,
      %add3A_835 = arith.addf %get3A_831, %get3A_834 : vector<16xf32>
      %gt3A_836 = arith.cmpf ogt, %add3A_835, %scan3A_804 : vector<16xf32>
      %select_n3A_837 = arith.select %gt3A_836, %add3A_835, %scan3A_804 : vector<16xi1>, vector<16xf32>
      %broadcast_in_dim3A_838 = vector.broadcast %add3A_819 : i32 to vector<16xi32>
      %select_n3A_839 = arith.select %gt3A_836, %broadcast_in_dim3A_838, %scan3A_805 : vector<16xi1>, vector<16xi32>
      %get3A_840 = arith.index_cast %scan3A_801 : i32 to index
      %get3A_841 = arith.constant 32 : index
      %get3A_842 = tpu.vector_load %arg5[%get3A_840, %get3A_841] {strides = array<i32>} : memref<40x128xf32, #tpu.memory_space<vmem>>, vector<16xf32>,
      %get3A_843 = arith.index_cast %scan3A_801 : i32 to index
      %get3A_844 = arith.constant 32 : index
      %get3A_845 = tpu.vector_load %arg6[%get3A_843, %get3A_844] {strides = array<i32>} : memref<40x128xf32, #tpu.memory_space<vmem>>, vector<16xf32>,
      %add3A_846 = arith.addf %get3A_842, %get3A_845 : vector<16xf32>
      %gt3A_847 = arith.cmpf ogt, %add3A_846, %scan3A_806 : vector<16xf32>
      %select_n3A_848 = arith.select %gt3A_847, %add3A_846, %scan3A_806 : vector<16xi1>, vector<16xf32>
      %broadcast_in_dim3A_849 = vector.broadcast %add3A_819 : i32 to vector<16xi32>
      %select_n3A_850 = arith.select %gt3A_847, %broadcast_in_dim3A_849, %scan3A_807 : vector<16xi1>, vector<16xi32>
      %get3A_851 = arith.index_cast %scan3A_801 : i32 to index
      %get3A_852 = arith.constant 48 : index
      %get3A_853 = tpu.vector_load %arg5[%get3A_851, %get3A_852] {strides = array<i32>} : memref<40x128xf32, #tpu.memory_space<vmem>>, vector<16xf32>,
      %get3A_854 = arith.index_cast %scan3A_801 : i32 to index
      %get3A_855 = arith.constant 48 : index
      %get3A_856 = tpu.vector_load %arg6[%get3A_854, %get3A_855] {strides = array<i32>} : memref<40x128xf32, #tpu.memory_space<vmem>>, vector<16xf32>,
      %add3A_857 = arith.addf %get3A_853, %get3A_856 : vector<16xf32>
      %gt3A_858 = arith.cmpf ogt, %add3A_857, %scan3A_808 : vector<16xf32>
      %select_n3A_859 = arith.select %gt3A_858, %add3A_857, %scan3A_808 : vector<16xi1>, vector<16xf32>
      %broadcast_in_dim3A_860 = vector.broadcast %add3A_819 : i32 to vector<16xi32>
      %select_n3A_861 = arith.select %gt3A_858, %broadcast_in_dim3A_860, %scan3A_809 : vector<16xi1>, vector<16xi32>
      %get3A_862 = arith.index_cast %scan3A_801 : i32 to index
      %get3A_863 = arith.constant 64 : index
      %get3A_864 = tpu.vector_load %arg5[%get3A_862, %get3A_863] {strides = array<i32>} : memref<40x128xf32, #tpu.memory_space<vmem>>, vector<16xf32>,
      %get3A_865 = arith.index_cast %scan3A_801 : i32 to index
      %get3A_866 = arith.constant 64 : index
      %get3A_867 = tpu.vector_load %arg6[%get3A_865, %get3A_866] {strides = array<i32>} : memref<40x128xf32, #tpu.memory_space<vmem>>, vector<16xf32>,
      %add3A_868 = arith.addf %get3A_864, %get3A_867 : vector<16xf32>
      %gt3A_869 = arith.cmpf ogt, %add3A_868, %scan3A_810 : vector<16xf32>
      %select_n3A_870 = arith.select %gt3A_869, %add3A_868, %scan3A_810 : vector<16xi1>, vector<16xf32>
      %broadcast_in_dim3A_871 = vector.broadcast %add3A_819 : i32 to vector<16xi32>
      %select_n3A_872 = arith.select %gt3A_869, %broadcast_in_dim3A_871, %scan3A_811 : vector<16xi1>, vector<16xi32>
      %get3A_873 = arith.index_cast %scan3A_801 : i32 to index
      %get3A_874 = arith.constant 80 : index
      %get3A_875 = tpu.vector_load %arg5[%get3A_873, %get3A_874] {strides = array<i32>} : memref<40x128xf32, #tpu.memory_space<vmem>>, vector<16xf32>,
      %get3A_876 = arith.index_cast %scan3A_801 : i32 to index
      %get3A_877 = arith.constant 80 : index
      %get3A_878 = tpu.vector_load %arg6[%get3A_876, %get3A_877] {strides = array<i32>} : memref<40x128xf32, #tpu.memory_space<vmem>>, vector<16xf32>,
      %add3A_879 = arith.addf %get3A_875, %get3A_878 : vector<16xf32>
      %gt3A_880 = arith.cmpf ogt, %add3A_879, %scan3A_812 : vector<16xf32>
      %select_n3A_881 = arith.select %gt3A_880, %add3A_879, %scan3A_812 : vector<16xi1>, vector<16xf32>
      %broadcast_in_dim3A_882 = vector.broadcast %add3A_819 : i32 to vector<16xi32>
      %select_n3A_883 = arith.select %gt3A_880, %broadcast_in_dim3A_882, %scan3A_813 : vector<16xi1>, vector<16xi32>
      %get3A_884 = arith.index_cast %scan3A_801 : i32 to index
      %get3A_885 = arith.constant 96 : index
      %get3A_886 = tpu.vector_load %arg5[%get3A_884, %get3A_885] {strides = array<i32>} : memref<40x128xf32, #tpu.memory_space<vmem>>, vector<16xf32>,
      %get3A_887 = arith.index_cast %scan3A_801 : i32 to index
      %get3A_888 = arith.constant 96 : index
      %get3A_889 = tpu.vector_load %arg6[%get3A_887, %get3A_888] {strides = array<i32>} : memref<40x128xf32, #tpu.memory_space<vmem>>, vector<16xf32>,
      %add3A_890 = arith.addf %get3A_886, %get3A_889 : vector<16xf32>
      %gt3A_891 = arith.cmpf ogt, %add3A_890, %scan3A_814 : vector<16xf32>
      %select_n3A_892 = arith.select %gt3A_891, %add3A_890, %scan3A_814 : vector<16xi1>, vector<16xf32>
      %broadcast_in_dim3A_893 = vector.broadcast %add3A_819 : i32 to vector<16xi32>
      %select_n3A_894 = arith.select %gt3A_891, %broadcast_in_dim3A_893, %scan3A_815 : vector<16xi1>, vector<16xi32>
      %get3A_895 = arith.index_cast %scan3A_801 : i32 to index
      %get3A_896 = arith.constant 112 : index
      %get3A_897 = tpu.vector_load %arg5[%get3A_895, %get3A_896] {strides = array<i32>} : memref<40x128xf32, #tpu.memory_space<vmem>>, vector<16xf32>,
      %get3A_898 = arith.index_cast %scan3A_801 : i32 to index
      %get3A_899 = arith.constant 112 : index
      %get3A_900 = tpu.vector_load %arg6[%get3A_898, %get3A_899] {strides = array<i32>} : memref<40x128xf32, #tpu.memory_space<vmem>>, vector<16xf32>,
      %add3A_901 = arith.addf %get3A_897, %get3A_900 : vector<16xf32>
      %gt3A_902 = arith.cmpf ogt, %add3A_901, %scan3A_816 : vector<16xf32>
      %select_n3A_903 = arith.select %gt3A_902, %add3A_901, %scan3A_816 : vector<16xi1>, vector<16xf32>
      %broadcast_in_dim3A_904 = vector.broadcast %add3A_819 : i32 to vector<16xi32>
      %select_n3A_905 = arith.select %gt3A_902, %broadcast_in_dim3A_904, %scan3A_817 : vector<16xi1>, vector<16xi32>
      scf.yield %select_n3A_826, %select_n3A_828, %select_n3A_837, %select_n3A_839, %select_n3A_848, %select_n3A_850, %select_n3A_859, %select_n3A_861, %select_n3A_870, %select_n3A_872, %select_n3A_881, %select_n3A_883, %select_n3A_892, %select_n3A_894, %select_n3A_903, %select_n3A_905 : vector<16xf32>, vector<16xi32>, vector<16xf32>, vector<16xi32>, vector<16xf32>, vector<16xi32>, vector<16xf32>, vector<16xi32>, vector<16xf32>, vector<16xi32>, vector<16xf32>, vector<16xi32>, vector<16xf32>, vector<16xi32>, vector<16xf32>, vector<16xi32>
    }
    %scan3A_674 = arith.constant 40 : i32
    %dma_wait3A_675 = arith.constant 840 : i32
    %dma_wait3A_676 = tpu.memref_slice %arg2[%select_n3A, %dma_wait3A_675, %mul3A_32] : memref<26x1000x1024xf32, #tpu.memory_space<hbm>> -> memref<1x40x128xf32, #tpu.memory_space<hbm>>
    %dma_wait3A_677 = tpu.memref_squeeze %dma_wait3A_676 : memref<1x40x128xf32, #tpu.memory_space<hbm>> -> memref<40x128xf32, #tpu.memory_space<hbm>>
    %dma_wait3A_678 = arith.constant 840 : i32
    %dma_wait3A_679 = tpu.memref_slice %arg2[%select_n3A, %dma_wait3A_678, %mul3A_32] : memref<26x1000x1024xf32, #tpu.memory_space<hbm>> -> memref<1x40x128xf32, #tpu.memory_space<hbm>>
    %dma_wait3A_680 = tpu.memref_squeeze %dma_wait3A_679 : memref<1x40x128xf32, #tpu.memory_space<hbm>> -> memref<40x128xf32, #tpu.memory_space<hbm>>
    tpu.wait_dma2 semaphore(%arg10 : memref<!tpu.dma_semaphore, #tpu.memory_space<semaphore_mem>>) src(%dma_wait3A_680 : memref<40x128xf32, #tpu.memory_space<hbm>>) dst(%arg7 : memref<40x128xf32, #tpu.memory_space<vmem>>)
    %dma_wait3A_681 = arith.constant 840 : i32
    %dma_wait3A_682 = tpu.memref_slice %arg3[%select_n3A, %dma_wait3A_681, %mul3A_32] : memref<26x1000x1024xf32, #tpu.memory_space<hbm>> -> memref<1x40x128xf32, #tpu.memory_space<hbm>>
    %dma_wait3A_683 = tpu.memref_squeeze %dma_wait3A_682 : memref<1x40x128xf32, #tpu.memory_space<hbm>> -> memref<40x128xf32, #tpu.memory_space<hbm>>
    %dma_wait3A_684 = arith.constant 840 : i32
    %dma_wait3A_685 = tpu.memref_slice %arg3[%select_n3A, %dma_wait3A_684, %mul3A_32] : memref<26x1000x1024xf32, #tpu.memory_space<hbm>> -> memref<1x40x128xf32, #tpu.memory_space<hbm>>
    %dma_wait3A_686 = tpu.memref_squeeze %dma_wait3A_685 : memref<1x40x128xf32, #tpu.memory_space<hbm>> -> memref<40x128xf32, #tpu.memory_space<hbm>>
    tpu.wait_dma2 semaphore(%arg11 : memref<!tpu.dma_semaphore, #tpu.memory_space<semaphore_mem>>) src(%dma_wait3A_686 : memref<40x128xf32, #tpu.memory_space<hbm>>) dst(%arg8 : memref<40x128xf32, #tpu.memory_space<vmem>>)
    %dma_start3A_687 = arith.constant 880 : i32
    %dma_start3A_688 = tpu.memref_slice %arg2[%select_n3A, %dma_start3A_687, %mul3A_32] : memref<26x1000x1024xf32, #tpu.memory_space<hbm>> -> memref<1x40x128xf32, #tpu.memory_space<hbm>>
    %dma_start3A_689 = tpu.memref_squeeze %dma_start3A_688 : memref<1x40x128xf32, #tpu.memory_space<hbm>> -> memref<40x128xf32, #tpu.memory_space<hbm>>
    %dma_start3A_690 = arith.constant 880 : i32
    %dma_start3A_691 = tpu.memref_slice %arg2[%select_n3A, %dma_start3A_690, %mul3A_32] : memref<26x1000x1024xf32, #tpu.memory_space<hbm>> -> memref<1x40x128xf32, #tpu.memory_space<hbm>>
    %dma_start3A_692 = tpu.memref_squeeze %dma_start3A_691 : memref<1x40x128xf32, #tpu.memory_space<hbm>> -> memref<40x128xf32, #tpu.memory_space<hbm>>
    tpu.enqueue_dma source(%dma_start3A_692 : memref<40x128xf32, #tpu.memory_space<hbm>>) target(%arg5 : memref<40x128xf32, #tpu.memory_space<vmem>>) target_semaphore(%arg10 : memref<!tpu.dma_semaphore, #tpu.memory_space<semaphore_mem>>)
    %dma_start3A_693 = arith.constant 880 : i32
    %dma_start3A_694 = tpu.memref_slice %arg3[%select_n3A, %dma_start3A_693, %mul3A_32] : memref<26x1000x1024xf32, #tpu.memory_space<hbm>> -> memref<1x40x128xf32, #tpu.memory_space<hbm>>
    %dma_start3A_695 = tpu.memref_squeeze %dma_start3A_694 : memref<1x40x128xf32, #tpu.memory_space<hbm>> -> memref<40x128xf32, #tpu.memory_space<hbm>>
    %dma_start3A_696 = arith.constant 880 : i32
    %dma_start3A_697 = tpu.memref_slice %arg3[%select_n3A, %dma_start3A_696, %mul3A_32] : memref<26x1000x1024xf32, #tpu.memory_space<hbm>> -> memref<1x40x128xf32, #tpu.memory_space<hbm>>
    %dma_start3A_698 = tpu.memref_squeeze %dma_start3A_697 : memref<1x40x128xf32, #tpu.memory_space<hbm>> -> memref<40x128xf32, #tpu.memory_space<hbm>>
    tpu.enqueue_dma source(%dma_start3A_698 : memref<40x128xf32, #tpu.memory_space<hbm>>) target(%arg6 : memref<40x128xf32, #tpu.memory_space<vmem>>) target_semaphore(%arg11 : memref<!tpu.dma_semaphore, #tpu.memory_space<semaphore_mem>>)
    %scan3A_699 = arith.constant 0 : i32
    %scan3A_700 = arith.constant 40 : i32
    %scan3A_701 = arith.addi %scan3A_699, %scan3A_700 : i32
    %scan3A_702 = arith.constant 1 : i32
    %scan3A_703:16 = scf.for %scan3A_801 = %scan3A_699 to %scan3A_701 step %scan3A_702 iter_args(%scan3A_802 = %scan3A_673#0, %scan3A_803 = %scan3A_673#1, %scan3A_804 = %scan3A_673#2, %scan3A_805 = %scan3A_673#3, %scan3A_806 = %scan3A_673#4, %scan3A_807 = %scan3A_673#5, %scan3A_808 = %scan3A_673#6, %scan3A_809 = %scan3A_673#7, %scan3A_810 = %scan3A_673#8, %scan3A_811 = %scan3A_673#9, %scan3A_812 = %scan3A_673#10, %scan3A_813 = %scan3A_673#11, %scan3A_814 = %scan3A_673#12, %scan3A_815 = %scan3A_673#13, %scan3A_816 = %scan3A_673#14, %scan3A_817 = %scan3A_673#15) -> (vector<16xf32>, vector<16xi32>, vector<16xf32>, vector<16xi32>, vector<16xf32>, vector<16xi32>, vector<16xf32>, vector<16xi32>, vector<16xf32>, vector<16xi32>, vector<16xf32>, vector<16xi32>, vector<16xf32>, vector<16xi32>, vector<16xf32>, vector<16xi32>)  : i32 {
      %add3A_818 = arith.constant 840 : i32
      %add3A_819 = arith.addi %add3A_818, %scan3A_801 : i32
      %get3A = arith.index_cast %scan3A_801 : i32 to index
      %get3A_820 = arith.constant 0 : index
      %get3A_821 = tpu.vector_load %arg7[%get3A, %get3A_820] {strides = array<i32>} : memref<40x128xf32, #tpu.memory_space<vmem>>, vector<16xf32>,
      %get3A_822 = arith.index_cast %scan3A_801 : i32 to index
      %get3A_823 = arith.constant 0 : index
      %get3A_824 = tpu.vector_load %arg8[%get3A_822, %get3A_823] {strides = array<i32>} : memref<40x128xf32, #tpu.memory_space<vmem>>, vector<16xf32>,
      %add3A_825 = arith.addf %get3A_821, %get3A_824 : vector<16xf32>
      %gt3A = arith.cmpf ogt, %add3A_825, %scan3A_802 : vector<16xf32>
      %select_n3A_826 = arith.select %gt3A, %add3A_825, %scan3A_802 : vector<16xi1>, vector<16xf32>
      %broadcast_in_dim3A_827 = vector.broadcast %add3A_819 : i32 to vector<16xi32>
      %select_n3A_828 = arith.select %gt3A, %broadcast_in_dim3A_827, %scan3A_803 : vector<16xi1>, vector<16xi32>
      %get3A_829 = arith.index_cast %scan3A_801 : i32 to index
      %get3A_830 = arith.constant 16 : index
      %get3A_831 = tpu.vector_load %arg7[%get3A_829, %get3A_830] {strides = array<i32>} : memref<40x128xf32, #tpu.memory_space<vmem>>, vector<16xf32>,
      %get3A_832 = arith.index_cast %scan3A_801 : i32 to index
      %get3A_833 = arith.constant 16 : index
      %get3A_834 = tpu.vector_load %arg8[%get3A_832, %get3A_833] {strides = array<i32>} : memref<40x128xf32, #tpu.memory_space<vmem>>, vector<16xf32>,
      %add3A_835 = arith.addf %get3A_831, %get3A_834 : vector<16xf32>
      %gt3A_836 = arith.cmpf ogt, %add3A_835, %scan3A_804 : vector<16xf32>
      %select_n3A_837 = arith.select %gt3A_836, %add3A_835, %scan3A_804 : vector<16xi1>, vector<16xf32>
      %broadcast_in_dim3A_838 = vector.broadcast %add3A_819 : i32 to vector<16xi32>
      %select_n3A_839 = arith.select %gt3A_836, %broadcast_in_dim3A_838, %scan3A_805 : vector<16xi1>, vector<16xi32>
      %get3A_840 = arith.index_cast %scan3A_801 : i32 to index
      %get3A_841 = arith.constant 32 : index
      %get3A_842 = tpu.vector_load %arg7[%get3A_840, %get3A_841] {strides = array<i32>} : memref<40x128xf32, #tpu.memory_space<vmem>>, vector<16xf32>,
      %get3A_843 = arith.index_cast %scan3A_801 : i32 to index
      %get3A_844 = arith.constant 32 : index
      %get3A_845 = tpu.vector_load %arg8[%get3A_843, %get3A_844] {strides = array<i32>} : memref<40x128xf32, #tpu.memory_space<vmem>>, vector<16xf32>,
      %add3A_846 = arith.addf %get3A_842, %get3A_845 : vector<16xf32>
      %gt3A_847 = arith.cmpf ogt, %add3A_846, %scan3A_806 : vector<16xf32>
      %select_n3A_848 = arith.select %gt3A_847, %add3A_846, %scan3A_806 : vector<16xi1>, vector<16xf32>
      %broadcast_in_dim3A_849 = vector.broadcast %add3A_819 : i32 to vector<16xi32>
      %select_n3A_850 = arith.select %gt3A_847, %broadcast_in_dim3A_849, %scan3A_807 : vector<16xi1>, vector<16xi32>
      %get3A_851 = arith.index_cast %scan3A_801 : i32 to index
      %get3A_852 = arith.constant 48 : index
      %get3A_853 = tpu.vector_load %arg7[%get3A_851, %get3A_852] {strides = array<i32>} : memref<40x128xf32, #tpu.memory_space<vmem>>, vector<16xf32>,
      %get3A_854 = arith.index_cast %scan3A_801 : i32 to index
      %get3A_855 = arith.constant 48 : index
      %get3A_856 = tpu.vector_load %arg8[%get3A_854, %get3A_855] {strides = array<i32>} : memref<40x128xf32, #tpu.memory_space<vmem>>, vector<16xf32>,
      %add3A_857 = arith.addf %get3A_853, %get3A_856 : vector<16xf32>
      %gt3A_858 = arith.cmpf ogt, %add3A_857, %scan3A_808 : vector<16xf32>
      %select_n3A_859 = arith.select %gt3A_858, %add3A_857, %scan3A_808 : vector<16xi1>, vector<16xf32>
      %broadcast_in_dim3A_860 = vector.broadcast %add3A_819 : i32 to vector<16xi32>
      %select_n3A_861 = arith.select %gt3A_858, %broadcast_in_dim3A_860, %scan3A_809 : vector<16xi1>, vector<16xi32>
      %get3A_862 = arith.index_cast %scan3A_801 : i32 to index
      %get3A_863 = arith.constant 64 : index
      %get3A_864 = tpu.vector_load %arg7[%get3A_862, %get3A_863] {strides = array<i32>} : memref<40x128xf32, #tpu.memory_space<vmem>>, vector<16xf32>,
      %get3A_865 = arith.index_cast %scan3A_801 : i32 to index
      %get3A_866 = arith.constant 64 : index
      %get3A_867 = tpu.vector_load %arg8[%get3A_865, %get3A_866] {strides = array<i32>} : memref<40x128xf32, #tpu.memory_space<vmem>>, vector<16xf32>,
      %add3A_868 = arith.addf %get3A_864, %get3A_867 : vector<16xf32>
      %gt3A_869 = arith.cmpf ogt, %add3A_868, %scan3A_810 : vector<16xf32>
      %select_n3A_870 = arith.select %gt3A_869, %add3A_868, %scan3A_810 : vector<16xi1>, vector<16xf32>
      %broadcast_in_dim3A_871 = vector.broadcast %add3A_819 : i32 to vector<16xi32>
      %select_n3A_872 = arith.select %gt3A_869, %broadcast_in_dim3A_871, %scan3A_811 : vector<16xi1>, vector<16xi32>
      %get3A_873 = arith.index_cast %scan3A_801 : i32 to index
      %get3A_874 = arith.constant 80 : index
      %get3A_875 = tpu.vector_load %arg7[%get3A_873, %get3A_874] {strides = array<i32>} : memref<40x128xf32, #tpu.memory_space<vmem>>, vector<16xf32>,
      %get3A_876 = arith.index_cast %scan3A_801 : i32 to index
      %get3A_877 = arith.constant 80 : index
      %get3A_878 = tpu.vector_load %arg8[%get3A_876, %get3A_877] {strides = array<i32>} : memref<40x128xf32, #tpu.memory_space<vmem>>, vector<16xf32>,
      %add3A_879 = arith.addf %get3A_875, %get3A_878 : vector<16xf32>
      %gt3A_880 = arith.cmpf ogt, %add3A_879, %scan3A_812 : vector<16xf32>
      %select_n3A_881 = arith.select %gt3A_880, %add3A_879, %scan3A_812 : vector<16xi1>, vector<16xf32>
      %broadcast_in_dim3A_882 = vector.broadcast %add3A_819 : i32 to vector<16xi32>
      %select_n3A_883 = arith.select %gt3A_880, %broadcast_in_dim3A_882, %scan3A_813 : vector<16xi1>, vector<16xi32>
      %get3A_884 = arith.index_cast %scan3A_801 : i32 to index
      %get3A_885 = arith.constant 96 : index
      %get3A_886 = tpu.vector_load %arg7[%get3A_884, %get3A_885] {strides = array<i32>} : memref<40x128xf32, #tpu.memory_space<vmem>>, vector<16xf32>,
      %get3A_887 = arith.index_cast %scan3A_801 : i32 to index
      %get3A_888 = arith.constant 96 : index
      %get3A_889 = tpu.vector_load %arg8[%get3A_887, %get3A_888] {strides = array<i32>} : memref<40x128xf32, #tpu.memory_space<vmem>>, vector<16xf32>,
      %add3A_890 = arith.addf %get3A_886, %get3A_889 : vector<16xf32>
      %gt3A_891 = arith.cmpf ogt, %add3A_890, %scan3A_814 : vector<16xf32>
      %select_n3A_892 = arith.select %gt3A_891, %add3A_890, %scan3A_814 : vector<16xi1>, vector<16xf32>
      %broadcast_in_dim3A_893 = vector.broadcast %add3A_819 : i32 to vector<16xi32>
      %select_n3A_894 = arith.select %gt3A_891, %broadcast_in_dim3A_893, %scan3A_815 : vector<16xi1>, vector<16xi32>
      %get3A_895 = arith.index_cast %scan3A_801 : i32 to index
      %get3A_896 = arith.constant 112 : index
      %get3A_897 = tpu.vector_load %arg7[%get3A_895, %get3A_896] {strides = array<i32>} : memref<40x128xf32, #tpu.memory_space<vmem>>, vector<16xf32>,
      %get3A_898 = arith.index_cast %scan3A_801 : i32 to index
      %get3A_899 = arith.constant 112 : index
      %get3A_900 = tpu.vector_load %arg8[%get3A_898, %get3A_899] {strides = array<i32>} : memref<40x128xf32, #tpu.memory_space<vmem>>, vector<16xf32>,
      %add3A_901 = arith.addf %get3A_897, %get3A_900 : vector<16xf32>
      %gt3A_902 = arith.cmpf ogt, %add3A_901, %scan3A_816 : vector<16xf32>
      %select_n3A_903 = arith.select %gt3A_902, %add3A_901, %scan3A_816 : vector<16xi1>, vector<16xf32>
      %broadcast_in_dim3A_904 = vector.broadcast %add3A_819 : i32 to vector<16xi32>
      %select_n3A_905 = arith.select %gt3A_902, %broadcast_in_dim3A_904, %scan3A_817 : vector<16xi1>, vector<16xi32>
      scf.yield %select_n3A_826, %select_n3A_828, %select_n3A_837, %select_n3A_839, %select_n3A_848, %select_n3A_850, %select_n3A_859, %select_n3A_861, %select_n3A_870, %select_n3A_872, %select_n3A_881, %select_n3A_883, %select_n3A_892, %select_n3A_894, %select_n3A_903, %select_n3A_905 : vector<16xf32>, vector<16xi32>, vector<16xf32>, vector<16xi32>, vector<16xf32>, vector<16xi32>, vector<16xf32>, vector<16xi32>, vector<16xf32>, vector<16xi32>, vector<16xf32>, vector<16xi32>, vector<16xf32>, vector<16xi32>, vector<16xf32>, vector<16xi32>
    }
    %scan3A_704 = arith.constant 40 : i32
    %dma_wait3A_705 = arith.constant 880 : i32
    %dma_wait3A_706 = tpu.memref_slice %arg2[%select_n3A, %dma_wait3A_705, %mul3A_32] : memref<26x1000x1024xf32, #tpu.memory_space<hbm>> -> memref<1x40x128xf32, #tpu.memory_space<hbm>>
    %dma_wait3A_707 = tpu.memref_squeeze %dma_wait3A_706 : memref<1x40x128xf32, #tpu.memory_space<hbm>> -> memref<40x128xf32, #tpu.memory_space<hbm>>
    %dma_wait3A_708 = arith.constant 880 : i32
    %dma_wait3A_709 = tpu.memref_slice %arg2[%select_n3A, %dma_wait3A_708, %mul3A_32] : memref<26x1000x1024xf32, #tpu.memory_space<hbm>> -> memref<1x40x128xf32, #tpu.memory_space<hbm>>
    %dma_wait3A_710 = tpu.memref_squeeze %dma_wait3A_709 : memref<1x40x128xf32, #tpu.memory_space<hbm>> -> memref<40x128xf32, #tpu.memory_space<hbm>>
    tpu.wait_dma2 semaphore(%arg10 : memref<!tpu.dma_semaphore, #tpu.memory_space<semaphore_mem>>) src(%dma_wait3A_710 : memref<40x128xf32, #tpu.memory_space<hbm>>) dst(%arg5 : memref<40x128xf32, #tpu.memory_space<vmem>>)
    %dma_wait3A_711 = arith.constant 880 : i32
    %dma_wait3A_712 = tpu.memref_slice %arg3[%select_n3A, %dma_wait3A_711, %mul3A_32] : memref<26x1000x1024xf32, #tpu.memory_space<hbm>> -> memref<1x40x128xf32, #tpu.memory_space<hbm>>
    %dma_wait3A_713 = tpu.memref_squeeze %dma_wait3A_712 : memref<1x40x128xf32, #tpu.memory_space<hbm>> -> memref<40x128xf32, #tpu.memory_space<hbm>>
    %dma_wait3A_714 = arith.constant 880 : i32
    %dma_wait3A_715 = tpu.memref_slice %arg3[%select_n3A, %dma_wait3A_714, %mul3A_32] : memref<26x1000x1024xf32, #tpu.memory_space<hbm>> -> memref<1x40x128xf32, #tpu.memory_space<hbm>>
    %dma_wait3A_716 = tpu.memref_squeeze %dma_wait3A_715 : memref<1x40x128xf32, #tpu.memory_space<hbm>> -> memref<40x128xf32, #tpu.memory_space<hbm>>
    tpu.wait_dma2 semaphore(%arg11 : memref<!tpu.dma_semaphore, #tpu.memory_space<semaphore_mem>>) src(%dma_wait3A_716 : memref<40x128xf32, #tpu.memory_space<hbm>>) dst(%arg6 : memref<40x128xf32, #tpu.memory_space<vmem>>)
    %dma_start3A_717 = arith.constant 920 : i32
    %dma_start3A_718 = tpu.memref_slice %arg2[%select_n3A, %dma_start3A_717, %mul3A_32] : memref<26x1000x1024xf32, #tpu.memory_space<hbm>> -> memref<1x40x128xf32, #tpu.memory_space<hbm>>
    %dma_start3A_719 = tpu.memref_squeeze %dma_start3A_718 : memref<1x40x128xf32, #tpu.memory_space<hbm>> -> memref<40x128xf32, #tpu.memory_space<hbm>>
    %dma_start3A_720 = arith.constant 920 : i32
    %dma_start3A_721 = tpu.memref_slice %arg2[%select_n3A, %dma_start3A_720, %mul3A_32] : memref<26x1000x1024xf32, #tpu.memory_space<hbm>> -> memref<1x40x128xf32, #tpu.memory_space<hbm>>
    %dma_start3A_722 = tpu.memref_squeeze %dma_start3A_721 : memref<1x40x128xf32, #tpu.memory_space<hbm>> -> memref<40x128xf32, #tpu.memory_space<hbm>>
    tpu.enqueue_dma source(%dma_start3A_722 : memref<40x128xf32, #tpu.memory_space<hbm>>) target(%arg7 : memref<40x128xf32, #tpu.memory_space<vmem>>) target_semaphore(%arg10 : memref<!tpu.dma_semaphore, #tpu.memory_space<semaphore_mem>>)
    %dma_start3A_723 = arith.constant 920 : i32
    %dma_start3A_724 = tpu.memref_slice %arg3[%select_n3A, %dma_start3A_723, %mul3A_32] : memref<26x1000x1024xf32, #tpu.memory_space<hbm>> -> memref<1x40x128xf32, #tpu.memory_space<hbm>>
    %dma_start3A_725 = tpu.memref_squeeze %dma_start3A_724 : memref<1x40x128xf32, #tpu.memory_space<hbm>> -> memref<40x128xf32, #tpu.memory_space<hbm>>
    %dma_start3A_726 = arith.constant 920 : i32
    %dma_start3A_727 = tpu.memref_slice %arg3[%select_n3A, %dma_start3A_726, %mul3A_32] : memref<26x1000x1024xf32, #tpu.memory_space<hbm>> -> memref<1x40x128xf32, #tpu.memory_space<hbm>>
    %dma_start3A_728 = tpu.memref_squeeze %dma_start3A_727 : memref<1x40x128xf32, #tpu.memory_space<hbm>> -> memref<40x128xf32, #tpu.memory_space<hbm>>
    tpu.enqueue_dma source(%dma_start3A_728 : memref<40x128xf32, #tpu.memory_space<hbm>>) target(%arg8 : memref<40x128xf32, #tpu.memory_space<vmem>>) target_semaphore(%arg11 : memref<!tpu.dma_semaphore, #tpu.memory_space<semaphore_mem>>)
    %scan3A_729 = arith.constant 0 : i32
    %scan3A_730 = arith.constant 40 : i32
    %scan3A_731 = arith.addi %scan3A_729, %scan3A_730 : i32
    %scan3A_732 = arith.constant 1 : i32
    %scan3A_733:16 = scf.for %scan3A_801 = %scan3A_729 to %scan3A_731 step %scan3A_732 iter_args(%scan3A_802 = %scan3A_703#0, %scan3A_803 = %scan3A_703#1, %scan3A_804 = %scan3A_703#2, %scan3A_805 = %scan3A_703#3, %scan3A_806 = %scan3A_703#4, %scan3A_807 = %scan3A_703#5, %scan3A_808 = %scan3A_703#6, %scan3A_809 = %scan3A_703#7, %scan3A_810 = %scan3A_703#8, %scan3A_811 = %scan3A_703#9, %scan3A_812 = %scan3A_703#10, %scan3A_813 = %scan3A_703#11, %scan3A_814 = %scan3A_703#12, %scan3A_815 = %scan3A_703#13, %scan3A_816 = %scan3A_703#14, %scan3A_817 = %scan3A_703#15) -> (vector<16xf32>, vector<16xi32>, vector<16xf32>, vector<16xi32>, vector<16xf32>, vector<16xi32>, vector<16xf32>, vector<16xi32>, vector<16xf32>, vector<16xi32>, vector<16xf32>, vector<16xi32>, vector<16xf32>, vector<16xi32>, vector<16xf32>, vector<16xi32>)  : i32 {
      %add3A_818 = arith.constant 880 : i32
      %add3A_819 = arith.addi %add3A_818, %scan3A_801 : i32
      %get3A = arith.index_cast %scan3A_801 : i32 to index
      %get3A_820 = arith.constant 0 : index
      %get3A_821 = tpu.vector_load %arg5[%get3A, %get3A_820] {strides = array<i32>} : memref<40x128xf32, #tpu.memory_space<vmem>>, vector<16xf32>,
      %get3A_822 = arith.index_cast %scan3A_801 : i32 to index
      %get3A_823 = arith.constant 0 : index
      %get3A_824 = tpu.vector_load %arg6[%get3A_822, %get3A_823] {strides = array<i32>} : memref<40x128xf32, #tpu.memory_space<vmem>>, vector<16xf32>,
      %add3A_825 = arith.addf %get3A_821, %get3A_824 : vector<16xf32>
      %gt3A = arith.cmpf ogt, %add3A_825, %scan3A_802 : vector<16xf32>
      %select_n3A_826 = arith.select %gt3A, %add3A_825, %scan3A_802 : vector<16xi1>, vector<16xf32>
      %broadcast_in_dim3A_827 = vector.broadcast %add3A_819 : i32 to vector<16xi32>
      %select_n3A_828 = arith.select %gt3A, %broadcast_in_dim3A_827, %scan3A_803 : vector<16xi1>, vector<16xi32>
      %get3A_829 = arith.index_cast %scan3A_801 : i32 to index
      %get3A_830 = arith.constant 16 : index
      %get3A_831 = tpu.vector_load %arg5[%get3A_829, %get3A_830] {strides = array<i32>} : memref<40x128xf32, #tpu.memory_space<vmem>>, vector<16xf32>,
      %get3A_832 = arith.index_cast %scan3A_801 : i32 to index
      %get3A_833 = arith.constant 16 : index
      %get3A_834 = tpu.vector_load %arg6[%get3A_832, %get3A_833] {strides = array<i32>} : memref<40x128xf32, #tpu.memory_space<vmem>>, vector<16xf32>,
      %add3A_835 = arith.addf %get3A_831, %get3A_834 : vector<16xf32>
      %gt3A_836 = arith.cmpf ogt, %add3A_835, %scan3A_804 : vector<16xf32>
      %select_n3A_837 = arith.select %gt3A_836, %add3A_835, %scan3A_804 : vector<16xi1>, vector<16xf32>
      %broadcast_in_dim3A_838 = vector.broadcast %add3A_819 : i32 to vector<16xi32>
      %select_n3A_839 = arith.select %gt3A_836, %broadcast_in_dim3A_838, %scan3A_805 : vector<16xi1>, vector<16xi32>
      %get3A_840 = arith.index_cast %scan3A_801 : i32 to index
      %get3A_841 = arith.constant 32 : index
      %get3A_842 = tpu.vector_load %arg5[%get3A_840, %get3A_841] {strides = array<i32>} : memref<40x128xf32, #tpu.memory_space<vmem>>, vector<16xf32>,
      %get3A_843 = arith.index_cast %scan3A_801 : i32 to index
      %get3A_844 = arith.constant 32 : index
      %get3A_845 = tpu.vector_load %arg6[%get3A_843, %get3A_844] {strides = array<i32>} : memref<40x128xf32, #tpu.memory_space<vmem>>, vector<16xf32>,
      %add3A_846 = arith.addf %get3A_842, %get3A_845 : vector<16xf32>
      %gt3A_847 = arith.cmpf ogt, %add3A_846, %scan3A_806 : vector<16xf32>
      %select_n3A_848 = arith.select %gt3A_847, %add3A_846, %scan3A_806 : vector<16xi1>, vector<16xf32>
      %broadcast_in_dim3A_849 = vector.broadcast %add3A_819 : i32 to vector<16xi32>
      %select_n3A_850 = arith.select %gt3A_847, %broadcast_in_dim3A_849, %scan3A_807 : vector<16xi1>, vector<16xi32>
      %get3A_851 = arith.index_cast %scan3A_801 : i32 to index
      %get3A_852 = arith.constant 48 : index
      %get3A_853 = tpu.vector_load %arg5[%get3A_851, %get3A_852] {strides = array<i32>} : memref<40x128xf32, #tpu.memory_space<vmem>>, vector<16xf32>,
      %get3A_854 = arith.index_cast %scan3A_801 : i32 to index
      %get3A_855 = arith.constant 48 : index
      %get3A_856 = tpu.vector_load %arg6[%get3A_854, %get3A_855] {strides = array<i32>} : memref<40x128xf32, #tpu.memory_space<vmem>>, vector<16xf32>,
      %add3A_857 = arith.addf %get3A_853, %get3A_856 : vector<16xf32>
      %gt3A_858 = arith.cmpf ogt, %add3A_857, %scan3A_808 : vector<16xf32>
      %select_n3A_859 = arith.select %gt3A_858, %add3A_857, %scan3A_808 : vector<16xi1>, vector<16xf32>
      %broadcast_in_dim3A_860 = vector.broadcast %add3A_819 : i32 to vector<16xi32>
      %select_n3A_861 = arith.select %gt3A_858, %broadcast_in_dim3A_860, %scan3A_809 : vector<16xi1>, vector<16xi32>
      %get3A_862 = arith.index_cast %scan3A_801 : i32 to index
      %get3A_863 = arith.constant 64 : index
      %get3A_864 = tpu.vector_load %arg5[%get3A_862, %get3A_863] {strides = array<i32>} : memref<40x128xf32, #tpu.memory_space<vmem>>, vector<16xf32>,
      %get3A_865 = arith.index_cast %scan3A_801 : i32 to index
      %get3A_866 = arith.constant 64 : index
      %get3A_867 = tpu.vector_load %arg6[%get3A_865, %get3A_866] {strides = array<i32>} : memref<40x128xf32, #tpu.memory_space<vmem>>, vector<16xf32>,
      %add3A_868 = arith.addf %get3A_864, %get3A_867 : vector<16xf32>
      %gt3A_869 = arith.cmpf ogt, %add3A_868, %scan3A_810 : vector<16xf32>
      %select_n3A_870 = arith.select %gt3A_869, %add3A_868, %scan3A_810 : vector<16xi1>, vector<16xf32>
      %broadcast_in_dim3A_871 = vector.broadcast %add3A_819 : i32 to vector<16xi32>
      %select_n3A_872 = arith.select %gt3A_869, %broadcast_in_dim3A_871, %scan3A_811 : vector<16xi1>, vector<16xi32>
      %get3A_873 = arith.index_cast %scan3A_801 : i32 to index
      %get3A_874 = arith.constant 80 : index
      %get3A_875 = tpu.vector_load %arg5[%get3A_873, %get3A_874] {strides = array<i32>} : memref<40x128xf32, #tpu.memory_space<vmem>>, vector<16xf32>,
      %get3A_876 = arith.index_cast %scan3A_801 : i32 to index
      %get3A_877 = arith.constant 80 : index
      %get3A_878 = tpu.vector_load %arg6[%get3A_876, %get3A_877] {strides = array<i32>} : memref<40x128xf32, #tpu.memory_space<vmem>>, vector<16xf32>,
      %add3A_879 = arith.addf %get3A_875, %get3A_878 : vector<16xf32>
      %gt3A_880 = arith.cmpf ogt, %add3A_879, %scan3A_812 : vector<16xf32>
      %select_n3A_881 = arith.select %gt3A_880, %add3A_879, %scan3A_812 : vector<16xi1>, vector<16xf32>
      %broadcast_in_dim3A_882 = vector.broadcast %add3A_819 : i32 to vector<16xi32>
      %select_n3A_883 = arith.select %gt3A_880, %broadcast_in_dim3A_882, %scan3A_813 : vector<16xi1>, vector<16xi32>
      %get3A_884 = arith.index_cast %scan3A_801 : i32 to index
      %get3A_885 = arith.constant 96 : index
      %get3A_886 = tpu.vector_load %arg5[%get3A_884, %get3A_885] {strides = array<i32>} : memref<40x128xf32, #tpu.memory_space<vmem>>, vector<16xf32>,
      %get3A_887 = arith.index_cast %scan3A_801 : i32 to index
      %get3A_888 = arith.constant 96 : index
      %get3A_889 = tpu.vector_load %arg6[%get3A_887, %get3A_888] {strides = array<i32>} : memref<40x128xf32, #tpu.memory_space<vmem>>, vector<16xf32>,
      %add3A_890 = arith.addf %get3A_886, %get3A_889 : vector<16xf32>
      %gt3A_891 = arith.cmpf ogt, %add3A_890, %scan3A_814 : vector<16xf32>
      %select_n3A_892 = arith.select %gt3A_891, %add3A_890, %scan3A_814 : vector<16xi1>, vector<16xf32>
      %broadcast_in_dim3A_893 = vector.broadcast %add3A_819 : i32 to vector<16xi32>
      %select_n3A_894 = arith.select %gt3A_891, %broadcast_in_dim3A_893, %scan3A_815 : vector<16xi1>, vector<16xi32>
      %get3A_895 = arith.index_cast %scan3A_801 : i32 to index
      %get3A_896 = arith.constant 112 : index
      %get3A_897 = tpu.vector_load %arg5[%get3A_895, %get3A_896] {strides = array<i32>} : memref<40x128xf32, #tpu.memory_space<vmem>>, vector<16xf32>,
      %get3A_898 = arith.index_cast %scan3A_801 : i32 to index
      %get3A_899 = arith.constant 112 : index
      %get3A_900 = tpu.vector_load %arg6[%get3A_898, %get3A_899] {strides = array<i32>} : memref<40x128xf32, #tpu.memory_space<vmem>>, vector<16xf32>,
      %add3A_901 = arith.addf %get3A_897, %get3A_900 : vector<16xf32>
      %gt3A_902 = arith.cmpf ogt, %add3A_901, %scan3A_816 : vector<16xf32>
      %select_n3A_903 = arith.select %gt3A_902, %add3A_901, %scan3A_816 : vector<16xi1>, vector<16xf32>
      %broadcast_in_dim3A_904 = vector.broadcast %add3A_819 : i32 to vector<16xi32>
      %select_n3A_905 = arith.select %gt3A_902, %broadcast_in_dim3A_904, %scan3A_817 : vector<16xi1>, vector<16xi32>
      scf.yield %select_n3A_826, %select_n3A_828, %select_n3A_837, %select_n3A_839, %select_n3A_848, %select_n3A_850, %select_n3A_859, %select_n3A_861, %select_n3A_870, %select_n3A_872, %select_n3A_881, %select_n3A_883, %select_n3A_892, %select_n3A_894, %select_n3A_903, %select_n3A_905 : vector<16xf32>, vector<16xi32>, vector<16xf32>, vector<16xi32>, vector<16xf32>, vector<16xi32>, vector<16xf32>, vector<16xi32>, vector<16xf32>, vector<16xi32>, vector<16xf32>, vector<16xi32>, vector<16xf32>, vector<16xi32>, vector<16xf32>, vector<16xi32>
    }
    %scan3A_734 = arith.constant 40 : i32
    %dma_wait3A_735 = arith.constant 920 : i32
    %dma_wait3A_736 = tpu.memref_slice %arg2[%select_n3A, %dma_wait3A_735, %mul3A_32] : memref<26x1000x1024xf32, #tpu.memory_space<hbm>> -> memref<1x40x128xf32, #tpu.memory_space<hbm>>
    %dma_wait3A_737 = tpu.memref_squeeze %dma_wait3A_736 : memref<1x40x128xf32, #tpu.memory_space<hbm>> -> memref<40x128xf32, #tpu.memory_space<hbm>>
    %dma_wait3A_738 = arith.constant 920 : i32
    %dma_wait3A_739 = tpu.memref_slice %arg2[%select_n3A, %dma_wait3A_738, %mul3A_32] : memref<26x1000x1024xf32, #tpu.memory_space<hbm>> -> memref<1x40x128xf32, #tpu.memory_space<hbm>>
    %dma_wait3A_740 = tpu.memref_squeeze %dma_wait3A_739 : memref<1x40x128xf32, #tpu.memory_space<hbm>> -> memref<40x128xf32, #tpu.memory_space<hbm>>
    tpu.wait_dma2 semaphore(%arg10 : memref<!tpu.dma_semaphore, #tpu.memory_space<semaphore_mem>>) src(%dma_wait3A_740 : memref<40x128xf32, #tpu.memory_space<hbm>>) dst(%arg7 : memref<40x128xf32, #tpu.memory_space<vmem>>)
    %dma_wait3A_741 = arith.constant 920 : i32
    %dma_wait3A_742 = tpu.memref_slice %arg3[%select_n3A, %dma_wait3A_741, %mul3A_32] : memref<26x1000x1024xf32, #tpu.memory_space<hbm>> -> memref<1x40x128xf32, #tpu.memory_space<hbm>>
    %dma_wait3A_743 = tpu.memref_squeeze %dma_wait3A_742 : memref<1x40x128xf32, #tpu.memory_space<hbm>> -> memref<40x128xf32, #tpu.memory_space<hbm>>
    %dma_wait3A_744 = arith.constant 920 : i32
    %dma_wait3A_745 = tpu.memref_slice %arg3[%select_n3A, %dma_wait3A_744, %mul3A_32] : memref<26x1000x1024xf32, #tpu.memory_space<hbm>> -> memref<1x40x128xf32, #tpu.memory_space<hbm>>
    %dma_wait3A_746 = tpu.memref_squeeze %dma_wait3A_745 : memref<1x40x128xf32, #tpu.memory_space<hbm>> -> memref<40x128xf32, #tpu.memory_space<hbm>>
    tpu.wait_dma2 semaphore(%arg11 : memref<!tpu.dma_semaphore, #tpu.memory_space<semaphore_mem>>) src(%dma_wait3A_746 : memref<40x128xf32, #tpu.memory_space<hbm>>) dst(%arg8 : memref<40x128xf32, #tpu.memory_space<vmem>>)
    %dma_start3A_747 = arith.constant 960 : i32
    %dma_start3A_748 = tpu.memref_slice %arg2[%select_n3A, %dma_start3A_747, %mul3A_32] : memref<26x1000x1024xf32, #tpu.memory_space<hbm>> -> memref<1x40x128xf32, #tpu.memory_space<hbm>>
    %dma_start3A_749 = tpu.memref_squeeze %dma_start3A_748 : memref<1x40x128xf32, #tpu.memory_space<hbm>> -> memref<40x128xf32, #tpu.memory_space<hbm>>
    %dma_start3A_750 = arith.constant 960 : i32
    %dma_start3A_751 = tpu.memref_slice %arg2[%select_n3A, %dma_start3A_750, %mul3A_32] : memref<26x1000x1024xf32, #tpu.memory_space<hbm>> -> memref<1x40x128xf32, #tpu.memory_space<hbm>>
    %dma_start3A_752 = tpu.memref_squeeze %dma_start3A_751 : memref<1x40x128xf32, #tpu.memory_space<hbm>> -> memref<40x128xf32, #tpu.memory_space<hbm>>
    tpu.enqueue_dma source(%dma_start3A_752 : memref<40x128xf32, #tpu.memory_space<hbm>>) target(%arg5 : memref<40x128xf32, #tpu.memory_space<vmem>>) target_semaphore(%arg10 : memref<!tpu.dma_semaphore, #tpu.memory_space<semaphore_mem>>)
    %dma_start3A_753 = arith.constant 960 : i32
    %dma_start3A_754 = tpu.memref_slice %arg3[%select_n3A, %dma_start3A_753, %mul3A_32] : memref<26x1000x1024xf32, #tpu.memory_space<hbm>> -> memref<1x40x128xf32, #tpu.memory_space<hbm>>
    %dma_start3A_755 = tpu.memref_squeeze %dma_start3A_754 : memref<1x40x128xf32, #tpu.memory_space<hbm>> -> memref<40x128xf32, #tpu.memory_space<hbm>>
    %dma_start3A_756 = arith.constant 960 : i32
    %dma_start3A_757 = tpu.memref_slice %arg3[%select_n3A, %dma_start3A_756, %mul3A_32] : memref<26x1000x1024xf32, #tpu.memory_space<hbm>> -> memref<1x40x128xf32, #tpu.memory_space<hbm>>
    %dma_start3A_758 = tpu.memref_squeeze %dma_start3A_757 : memref<1x40x128xf32, #tpu.memory_space<hbm>> -> memref<40x128xf32, #tpu.memory_space<hbm>>
    tpu.enqueue_dma source(%dma_start3A_758 : memref<40x128xf32, #tpu.memory_space<hbm>>) target(%arg6 : memref<40x128xf32, #tpu.memory_space<vmem>>) target_semaphore(%arg11 : memref<!tpu.dma_semaphore, #tpu.memory_space<semaphore_mem>>)
    %scan3A_759 = arith.constant 0 : i32
    %scan3A_760 = arith.constant 40 : i32
    %scan3A_761 = arith.addi %scan3A_759, %scan3A_760 : i32
    %scan3A_762 = arith.constant 1 : i32
    %scan3A_763:16 = scf.for %scan3A_801 = %scan3A_759 to %scan3A_761 step %scan3A_762 iter_args(%scan3A_802 = %scan3A_733#0, %scan3A_803 = %scan3A_733#1, %scan3A_804 = %scan3A_733#2, %scan3A_805 = %scan3A_733#3, %scan3A_806 = %scan3A_733#4, %scan3A_807 = %scan3A_733#5, %scan3A_808 = %scan3A_733#6, %scan3A_809 = %scan3A_733#7, %scan3A_810 = %scan3A_733#8, %scan3A_811 = %scan3A_733#9, %scan3A_812 = %scan3A_733#10, %scan3A_813 = %scan3A_733#11, %scan3A_814 = %scan3A_733#12, %scan3A_815 = %scan3A_733#13, %scan3A_816 = %scan3A_733#14, %scan3A_817 = %scan3A_733#15) -> (vector<16xf32>, vector<16xi32>, vector<16xf32>, vector<16xi32>, vector<16xf32>, vector<16xi32>, vector<16xf32>, vector<16xi32>, vector<16xf32>, vector<16xi32>, vector<16xf32>, vector<16xi32>, vector<16xf32>, vector<16xi32>, vector<16xf32>, vector<16xi32>)  : i32 {
      %add3A_818 = arith.constant 920 : i32
      %add3A_819 = arith.addi %add3A_818, %scan3A_801 : i32
      %get3A = arith.index_cast %scan3A_801 : i32 to index
      %get3A_820 = arith.constant 0 : index
      %get3A_821 = tpu.vector_load %arg7[%get3A, %get3A_820] {strides = array<i32>} : memref<40x128xf32, #tpu.memory_space<vmem>>, vector<16xf32>,
      %get3A_822 = arith.index_cast %scan3A_801 : i32 to index
      %get3A_823 = arith.constant 0 : index
      %get3A_824 = tpu.vector_load %arg8[%get3A_822, %get3A_823] {strides = array<i32>} : memref<40x128xf32, #tpu.memory_space<vmem>>, vector<16xf32>,
      %add3A_825 = arith.addf %get3A_821, %get3A_824 : vector<16xf32>
      %gt3A = arith.cmpf ogt, %add3A_825, %scan3A_802 : vector<16xf32>
      %select_n3A_826 = arith.select %gt3A, %add3A_825, %scan3A_802 : vector<16xi1>, vector<16xf32>
      %broadcast_in_dim3A_827 = vector.broadcast %add3A_819 : i32 to vector<16xi32>
      %select_n3A_828 = arith.select %gt3A, %broadcast_in_dim3A_827, %scan3A_803 : vector<16xi1>, vector<16xi32>
      %get3A_829 = arith.index_cast %scan3A_801 : i32 to index
      %get3A_830 = arith.constant 16 : index
      %get3A_831 = tpu.vector_load %arg7[%get3A_829, %get3A_830] {strides = array<i32>} : memref<40x128xf32, #tpu.memory_space<vmem>>, vector<16xf32>,
      %get3A_832 = arith.index_cast %scan3A_801 : i32 to index
      %get3A_833 = arith.constant 16 : index
      %get3A_834 = tpu.vector_load %arg8[%get3A_832, %get3A_833] {strides = array<i32>} : memref<40x128xf32, #tpu.memory_space<vmem>>, vector<16xf32>,
      %add3A_835 = arith.addf %get3A_831, %get3A_834 : vector<16xf32>
      %gt3A_836 = arith.cmpf ogt, %add3A_835, %scan3A_804 : vector<16xf32>
      %select_n3A_837 = arith.select %gt3A_836, %add3A_835, %scan3A_804 : vector<16xi1>, vector<16xf32>
      %broadcast_in_dim3A_838 = vector.broadcast %add3A_819 : i32 to vector<16xi32>
      %select_n3A_839 = arith.select %gt3A_836, %broadcast_in_dim3A_838, %scan3A_805 : vector<16xi1>, vector<16xi32>
      %get3A_840 = arith.index_cast %scan3A_801 : i32 to index
      %get3A_841 = arith.constant 32 : index
      %get3A_842 = tpu.vector_load %arg7[%get3A_840, %get3A_841] {strides = array<i32>} : memref<40x128xf32, #tpu.memory_space<vmem>>, vector<16xf32>,
      %get3A_843 = arith.index_cast %scan3A_801 : i32 to index
      %get3A_844 = arith.constant 32 : index
      %get3A_845 = tpu.vector_load %arg8[%get3A_843, %get3A_844] {strides = array<i32>} : memref<40x128xf32, #tpu.memory_space<vmem>>, vector<16xf32>,
      %add3A_846 = arith.addf %get3A_842, %get3A_845 : vector<16xf32>
      %gt3A_847 = arith.cmpf ogt, %add3A_846, %scan3A_806 : vector<16xf32>
      %select_n3A_848 = arith.select %gt3A_847, %add3A_846, %scan3A_806 : vector<16xi1>, vector<16xf32>
      %broadcast_in_dim3A_849 = vector.broadcast %add3A_819 : i32 to vector<16xi32>
      %select_n3A_850 = arith.select %gt3A_847, %broadcast_in_dim3A_849, %scan3A_807 : vector<16xi1>, vector<16xi32>
      %get3A_851 = arith.index_cast %scan3A_801 : i32 to index
      %get3A_852 = arith.constant 48 : index
      %get3A_853 = tpu.vector_load %arg7[%get3A_851, %get3A_852] {strides = array<i32>} : memref<40x128xf32, #tpu.memory_space<vmem>>, vector<16xf32>,
      %get3A_854 = arith.index_cast %scan3A_801 : i32 to index
      %get3A_855 = arith.constant 48 : index
      %get3A_856 = tpu.vector_load %arg8[%get3A_854, %get3A_855] {strides = array<i32>} : memref<40x128xf32, #tpu.memory_space<vmem>>, vector<16xf32>,
      %add3A_857 = arith.addf %get3A_853, %get3A_856 : vector<16xf32>
      %gt3A_858 = arith.cmpf ogt, %add3A_857, %scan3A_808 : vector<16xf32>
      %select_n3A_859 = arith.select %gt3A_858, %add3A_857, %scan3A_808 : vector<16xi1>, vector<16xf32>
      %broadcast_in_dim3A_860 = vector.broadcast %add3A_819 : i32 to vector<16xi32>
      %select_n3A_861 = arith.select %gt3A_858, %broadcast_in_dim3A_860, %scan3A_809 : vector<16xi1>, vector<16xi32>
      %get3A_862 = arith.index_cast %scan3A_801 : i32 to index
      %get3A_863 = arith.constant 64 : index
      %get3A_864 = tpu.vector_load %arg7[%get3A_862, %get3A_863] {strides = array<i32>} : memref<40x128xf32, #tpu.memory_space<vmem>>, vector<16xf32>,
      %get3A_865 = arith.index_cast %scan3A_801 : i32 to index
      %get3A_866 = arith.constant 64 : index
      %get3A_867 = tpu.vector_load %arg8[%get3A_865, %get3A_866] {strides = array<i32>} : memref<40x128xf32, #tpu.memory_space<vmem>>, vector<16xf32>,
      %add3A_868 = arith.addf %get3A_864, %get3A_867 : vector<16xf32>
      %gt3A_869 = arith.cmpf ogt, %add3A_868, %scan3A_810 : vector<16xf32>
      %select_n3A_870 = arith.select %gt3A_869, %add3A_868, %scan3A_810 : vector<16xi1>, vector<16xf32>
      %broadcast_in_dim3A_871 = vector.broadcast %add3A_819 : i32 to vector<16xi32>
      %select_n3A_872 = arith.select %gt3A_869, %broadcast_in_dim3A_871, %scan3A_811 : vector<16xi1>, vector<16xi32>
      %get3A_873 = arith.index_cast %scan3A_801 : i32 to index
      %get3A_874 = arith.constant 80 : index
      %get3A_875 = tpu.vector_load %arg7[%get3A_873, %get3A_874] {strides = array<i32>} : memref<40x128xf32, #tpu.memory_space<vmem>>, vector<16xf32>,
      %get3A_876 = arith.index_cast %scan3A_801 : i32 to index
      %get3A_877 = arith.constant 80 : index
      %get3A_878 = tpu.vector_load %arg8[%get3A_876, %get3A_877] {strides = array<i32>} : memref<40x128xf32, #tpu.memory_space<vmem>>, vector<16xf32>,
      %add3A_879 = arith.addf %get3A_875, %get3A_878 : vector<16xf32>
      %gt3A_880 = arith.cmpf ogt, %add3A_879, %scan3A_812 : vector<16xf32>
      %select_n3A_881 = arith.select %gt3A_880, %add3A_879, %scan3A_812 : vector<16xi1>, vector<16xf32>
      %broadcast_in_dim3A_882 = vector.broadcast %add3A_819 : i32 to vector<16xi32>
      %select_n3A_883 = arith.select %gt3A_880, %broadcast_in_dim3A_882, %scan3A_813 : vector<16xi1>, vector<16xi32>
      %get3A_884 = arith.index_cast %scan3A_801 : i32 to index
      %get3A_885 = arith.constant 96 : index
      %get3A_886 = tpu.vector_load %arg7[%get3A_884, %get3A_885] {strides = array<i32>} : memref<40x128xf32, #tpu.memory_space<vmem>>, vector<16xf32>,
      %get3A_887 = arith.index_cast %scan3A_801 : i32 to index
      %get3A_888 = arith.constant 96 : index
      %get3A_889 = tpu.vector_load %arg8[%get3A_887, %get3A_888] {strides = array<i32>} : memref<40x128xf32, #tpu.memory_space<vmem>>, vector<16xf32>,
      %add3A_890 = arith.addf %get3A_886, %get3A_889 : vector<16xf32>
      %gt3A_891 = arith.cmpf ogt, %add3A_890, %scan3A_814 : vector<16xf32>
      %select_n3A_892 = arith.select %gt3A_891, %add3A_890, %scan3A_814 : vector<16xi1>, vector<16xf32>
      %broadcast_in_dim3A_893 = vector.broadcast %add3A_819 : i32 to vector<16xi32>
      %select_n3A_894 = arith.select %gt3A_891, %broadcast_in_dim3A_893, %scan3A_815 : vector<16xi1>, vector<16xi32>
      %get3A_895 = arith.index_cast %scan3A_801 : i32 to index
      %get3A_896 = arith.constant 112 : index
      %get3A_897 = tpu.vector_load %arg7[%get3A_895, %get3A_896] {strides = array<i32>} : memref<40x128xf32, #tpu.memory_space<vmem>>, vector<16xf32>,
      %get3A_898 = arith.index_cast %scan3A_801 : i32 to index
      %get3A_899 = arith.constant 112 : index
      %get3A_900 = tpu.vector_load %arg8[%get3A_898, %get3A_899] {strides = array<i32>} : memref<40x128xf32, #tpu.memory_space<vmem>>, vector<16xf32>,
      %add3A_901 = arith.addf %get3A_897, %get3A_900 : vector<16xf32>
      %gt3A_902 = arith.cmpf ogt, %add3A_901, %scan3A_816 : vector<16xf32>
      %select_n3A_903 = arith.select %gt3A_902, %add3A_901, %scan3A_816 : vector<16xi1>, vector<16xf32>
      %broadcast_in_dim3A_904 = vector.broadcast %add3A_819 : i32 to vector<16xi32>
      %select_n3A_905 = arith.select %gt3A_902, %broadcast_in_dim3A_904, %scan3A_817 : vector<16xi1>, vector<16xi32>
      scf.yield %select_n3A_826, %select_n3A_828, %select_n3A_837, %select_n3A_839, %select_n3A_848, %select_n3A_850, %select_n3A_859, %select_n3A_861, %select_n3A_870, %select_n3A_872, %select_n3A_881, %select_n3A_883, %select_n3A_892, %select_n3A_894, %select_n3A_903, %select_n3A_905 : vector<16xf32>, vector<16xi32>, vector<16xf32>, vector<16xi32>, vector<16xf32>, vector<16xi32>, vector<16xf32>, vector<16xi32>, vector<16xf32>, vector<16xi32>, vector<16xf32>, vector<16xi32>, vector<16xf32>, vector<16xi32>, vector<16xf32>, vector<16xi32>
    }
    %scan3A_764 = arith.constant 40 : i32
    %dma_wait3A_765 = arith.constant 960 : i32
    %dma_wait3A_766 = tpu.memref_slice %arg2[%select_n3A, %dma_wait3A_765, %mul3A_32] : memref<26x1000x1024xf32, #tpu.memory_space<hbm>> -> memref<1x40x128xf32, #tpu.memory_space<hbm>>
    %dma_wait3A_767 = tpu.memref_squeeze %dma_wait3A_766 : memref<1x40x128xf32, #tpu.memory_space<hbm>> -> memref<40x128xf32, #tpu.memory_space<hbm>>
    %dma_wait3A_768 = arith.constant 960 : i32
    %dma_wait3A_769 = tpu.memref_slice %arg2[%select_n3A, %dma_wait3A_768, %mul3A_32] : memref<26x1000x1024xf32, #tpu.memory_space<hbm>> -> memref<1x40x128xf32, #tpu.memory_space<hbm>>
    %dma_wait3A_770 = tpu.memref_squeeze %dma_wait3A_769 : memref<1x40x128xf32, #tpu.memory_space<hbm>> -> memref<40x128xf32, #tpu.memory_space<hbm>>
    tpu.wait_dma2 semaphore(%arg10 : memref<!tpu.dma_semaphore, #tpu.memory_space<semaphore_mem>>) src(%dma_wait3A_770 : memref<40x128xf32, #tpu.memory_space<hbm>>) dst(%arg5 : memref<40x128xf32, #tpu.memory_space<vmem>>)
    %dma_wait3A_771 = arith.constant 960 : i32
    %dma_wait3A_772 = tpu.memref_slice %arg3[%select_n3A, %dma_wait3A_771, %mul3A_32] : memref<26x1000x1024xf32, #tpu.memory_space<hbm>> -> memref<1x40x128xf32, #tpu.memory_space<hbm>>
    %dma_wait3A_773 = tpu.memref_squeeze %dma_wait3A_772 : memref<1x40x128xf32, #tpu.memory_space<hbm>> -> memref<40x128xf32, #tpu.memory_space<hbm>>
    %dma_wait3A_774 = arith.constant 960 : i32
    %dma_wait3A_775 = tpu.memref_slice %arg3[%select_n3A, %dma_wait3A_774, %mul3A_32] : memref<26x1000x1024xf32, #tpu.memory_space<hbm>> -> memref<1x40x128xf32, #tpu.memory_space<hbm>>
    %dma_wait3A_776 = tpu.memref_squeeze %dma_wait3A_775 : memref<1x40x128xf32, #tpu.memory_space<hbm>> -> memref<40x128xf32, #tpu.memory_space<hbm>>
    tpu.wait_dma2 semaphore(%arg11 : memref<!tpu.dma_semaphore, #tpu.memory_space<semaphore_mem>>) src(%dma_wait3A_776 : memref<40x128xf32, #tpu.memory_space<hbm>>) dst(%arg6 : memref<40x128xf32, #tpu.memory_space<vmem>>)
    %scan3A_777 = arith.constant 0 : i32
    %scan3A_778 = arith.constant 40 : i32
    %scan3A_779 = arith.addi %scan3A_777, %scan3A_778 : i32
    %scan3A_780 = arith.constant 1 : i32
    %scan3A_781:16 = scf.for %scan3A_801 = %scan3A_777 to %scan3A_779 step %scan3A_780 iter_args(%scan3A_802 = %scan3A_763#0, %scan3A_803 = %scan3A_763#1, %scan3A_804 = %scan3A_763#2, %scan3A_805 = %scan3A_763#3, %scan3A_806 = %scan3A_763#4, %scan3A_807 = %scan3A_763#5, %scan3A_808 = %scan3A_763#6, %scan3A_809 = %scan3A_763#7, %scan3A_810 = %scan3A_763#8, %scan3A_811 = %scan3A_763#9, %scan3A_812 = %scan3A_763#10, %scan3A_813 = %scan3A_763#11, %scan3A_814 = %scan3A_763#12, %scan3A_815 = %scan3A_763#13, %scan3A_816 = %scan3A_763#14, %scan3A_817 = %scan3A_763#15) -> (vector<16xf32>, vector<16xi32>, vector<16xf32>, vector<16xi32>, vector<16xf32>, vector<16xi32>, vector<16xf32>, vector<16xi32>, vector<16xf32>, vector<16xi32>, vector<16xf32>, vector<16xi32>, vector<16xf32>, vector<16xi32>, vector<16xf32>, vector<16xi32>)  : i32 {
      %add3A_818 = arith.constant 960 : i32
      %add3A_819 = arith.addi %add3A_818, %scan3A_801 : i32
      %get3A = arith.index_cast %scan3A_801 : i32 to index
      %get3A_820 = arith.constant 0 : index
      %get3A_821 = tpu.vector_load %arg5[%get3A, %get3A_820] {strides = array<i32>} : memref<40x128xf32, #tpu.memory_space<vmem>>, vector<16xf32>,
      %get3A_822 = arith.index_cast %scan3A_801 : i32 to index
      %get3A_823 = arith.constant 0 : index
      %get3A_824 = tpu.vector_load %arg6[%get3A_822, %get3A_823] {strides = array<i32>} : memref<40x128xf32, #tpu.memory_space<vmem>>, vector<16xf32>,
      %add3A_825 = arith.addf %get3A_821, %get3A_824 : vector<16xf32>
      %gt3A = arith.cmpf ogt, %add3A_825, %scan3A_802 : vector<16xf32>
      %select_n3A_826 = arith.select %gt3A, %add3A_825, %scan3A_802 : vector<16xi1>, vector<16xf32>
      %broadcast_in_dim3A_827 = vector.broadcast %add3A_819 : i32 to vector<16xi32>
      %select_n3A_828 = arith.select %gt3A, %broadcast_in_dim3A_827, %scan3A_803 : vector<16xi1>, vector<16xi32>
      %get3A_829 = arith.index_cast %scan3A_801 : i32 to index
      %get3A_830 = arith.constant 16 : index
      %get3A_831 = tpu.vector_load %arg5[%get3A_829, %get3A_830] {strides = array<i32>} : memref<40x128xf32, #tpu.memory_space<vmem>>, vector<16xf32>,
      %get3A_832 = arith.index_cast %scan3A_801 : i32 to index
      %get3A_833 = arith.constant 16 : index
      %get3A_834 = tpu.vector_load %arg6[%get3A_832, %get3A_833] {strides = array<i32>} : memref<40x128xf32, #tpu.memory_space<vmem>>, vector<16xf32>,
      %add3A_835 = arith.addf %get3A_831, %get3A_834 : vector<16xf32>
      %gt3A_836 = arith.cmpf ogt, %add3A_835, %scan3A_804 : vector<16xf32>
      %select_n3A_837 = arith.select %gt3A_836, %add3A_835, %scan3A_804 : vector<16xi1>, vector<16xf32>
      %broadcast_in_dim3A_838 = vector.broadcast %add3A_819 : i32 to vector<16xi32>
      %select_n3A_839 = arith.select %gt3A_836, %broadcast_in_dim3A_838, %scan3A_805 : vector<16xi1>, vector<16xi32>
      %get3A_840 = arith.index_cast %scan3A_801 : i32 to index
      %get3A_841 = arith.constant 32 : index
      %get3A_842 = tpu.vector_load %arg5[%get3A_840, %get3A_841] {strides = array<i32>} : memref<40x128xf32, #tpu.memory_space<vmem>>, vector<16xf32>,
      %get3A_843 = arith.index_cast %scan3A_801 : i32 to index
      %get3A_844 = arith.constant 32 : index
      %get3A_845 = tpu.vector_load %arg6[%get3A_843, %get3A_844] {strides = array<i32>} : memref<40x128xf32, #tpu.memory_space<vmem>>, vector<16xf32>,
      %add3A_846 = arith.addf %get3A_842, %get3A_845 : vector<16xf32>
      %gt3A_847 = arith.cmpf ogt, %add3A_846, %scan3A_806 : vector<16xf32>
      %select_n3A_848 = arith.select %gt3A_847, %add3A_846, %scan3A_806 : vector<16xi1>, vector<16xf32>
      %broadcast_in_dim3A_849 = vector.broadcast %add3A_819 : i32 to vector<16xi32>
      %select_n3A_850 = arith.select %gt3A_847, %broadcast_in_dim3A_849, %scan3A_807 : vector<16xi1>, vector<16xi32>
      %get3A_851 = arith.index_cast %scan3A_801 : i32 to index
      %get3A_852 = arith.constant 48 : index
      %get3A_853 = tpu.vector_load %arg5[%get3A_851, %get3A_852] {strides = array<i32>} : memref<40x128xf32, #tpu.memory_space<vmem>>, vector<16xf32>,
      %get3A_854 = arith.index_cast %scan3A_801 : i32 to index
      %get3A_855 = arith.constant 48 : index
      %get3A_856 = tpu.vector_load %arg6[%get3A_854, %get3A_855] {strides = array<i32>} : memref<40x128xf32, #tpu.memory_space<vmem>>, vector<16xf32>,
      %add3A_857 = arith.addf %get3A_853, %get3A_856 : vector<16xf32>
      %gt3A_858 = arith.cmpf ogt, %add3A_857, %scan3A_808 : vector<16xf32>
      %select_n3A_859 = arith.select %gt3A_858, %add3A_857, %scan3A_808 : vector<16xi1>, vector<16xf32>
      %broadcast_in_dim3A_860 = vector.broadcast %add3A_819 : i32 to vector<16xi32>
      %select_n3A_861 = arith.select %gt3A_858, %broadcast_in_dim3A_860, %scan3A_809 : vector<16xi1>, vector<16xi32>
      %get3A_862 = arith.index_cast %scan3A_801 : i32 to index
      %get3A_863 = arith.constant 64 : index
      %get3A_864 = tpu.vector_load %arg5[%get3A_862, %get3A_863] {strides = array<i32>} : memref<40x128xf32, #tpu.memory_space<vmem>>, vector<16xf32>,
      %get3A_865 = arith.index_cast %scan3A_801 : i32 to index
      %get3A_866 = arith.constant 64 : index
      %get3A_867 = tpu.vector_load %arg6[%get3A_865, %get3A_866] {strides = array<i32>} : memref<40x128xf32, #tpu.memory_space<vmem>>, vector<16xf32>,
      %add3A_868 = arith.addf %get3A_864, %get3A_867 : vector<16xf32>
      %gt3A_869 = arith.cmpf ogt, %add3A_868, %scan3A_810 : vector<16xf32>
      %select_n3A_870 = arith.select %gt3A_869, %add3A_868, %scan3A_810 : vector<16xi1>, vector<16xf32>
      %broadcast_in_dim3A_871 = vector.broadcast %add3A_819 : i32 to vector<16xi32>
      %select_n3A_872 = arith.select %gt3A_869, %broadcast_in_dim3A_871, %scan3A_811 : vector<16xi1>, vector<16xi32>
      %get3A_873 = arith.index_cast %scan3A_801 : i32 to index
      %get3A_874 = arith.constant 80 : index
      %get3A_875 = tpu.vector_load %arg5[%get3A_873, %get3A_874] {strides = array<i32>} : memref<40x128xf32, #tpu.memory_space<vmem>>, vector<16xf32>,
      %get3A_876 = arith.index_cast %scan3A_801 : i32 to index
      %get3A_877 = arith.constant 80 : index
      %get3A_878 = tpu.vector_load %arg6[%get3A_876, %get3A_877] {strides = array<i32>} : memref<40x128xf32, #tpu.memory_space<vmem>>, vector<16xf32>,
      %add3A_879 = arith.addf %get3A_875, %get3A_878 : vector<16xf32>
      %gt3A_880 = arith.cmpf ogt, %add3A_879, %scan3A_812 : vector<16xf32>
      %select_n3A_881 = arith.select %gt3A_880, %add3A_879, %scan3A_812 : vector<16xi1>, vector<16xf32>
      %broadcast_in_dim3A_882 = vector.broadcast %add3A_819 : i32 to vector<16xi32>
      %select_n3A_883 = arith.select %gt3A_880, %broadcast_in_dim3A_882, %scan3A_813 : vector<16xi1>, vector<16xi32>
      %get3A_884 = arith.index_cast %scan3A_801 : i32 to index
      %get3A_885 = arith.constant 96 : index
      %get3A_886 = tpu.vector_load %arg5[%get3A_884, %get3A_885] {strides = array<i32>} : memref<40x128xf32, #tpu.memory_space<vmem>>, vector<16xf32>,
      %get3A_887 = arith.index_cast %scan3A_801 : i32 to index
      %get3A_888 = arith.constant 96 : index
      %get3A_889 = tpu.vector_load %arg6[%get3A_887, %get3A_888] {strides = array<i32>} : memref<40x128xf32, #tpu.memory_space<vmem>>, vector<16xf32>,
      %add3A_890 = arith.addf %get3A_886, %get3A_889 : vector<16xf32>
      %gt3A_891 = arith.cmpf ogt, %add3A_890, %scan3A_814 : vector<16xf32>
      %select_n3A_892 = arith.select %gt3A_891, %add3A_890, %scan3A_814 : vector<16xi1>, vector<16xf32>
      %broadcast_in_dim3A_893 = vector.broadcast %add3A_819 : i32 to vector<16xi32>
      %select_n3A_894 = arith.select %gt3A_891, %broadcast_in_dim3A_893, %scan3A_815 : vector<16xi1>, vector<16xi32>
      %get3A_895 = arith.index_cast %scan3A_801 : i32 to index
      %get3A_896 = arith.constant 112 : index
      %get3A_897 = tpu.vector_load %arg5[%get3A_895, %get3A_896] {strides = array<i32>} : memref<40x128xf32, #tpu.memory_space<vmem>>, vector<16xf32>,
      %get3A_898 = arith.index_cast %scan3A_801 : i32 to index
      %get3A_899 = arith.constant 112 : index
      %get3A_900 = tpu.vector_load %arg6[%get3A_898, %get3A_899] {strides = array<i32>} : memref<40x128xf32, #tpu.memory_space<vmem>>, vector<16xf32>,
      %add3A_901 = arith.addf %get3A_897, %get3A_900 : vector<16xf32>
      %gt3A_902 = arith.cmpf ogt, %add3A_901, %scan3A_816 : vector<16xf32>
      %select_n3A_903 = arith.select %gt3A_902, %add3A_901, %scan3A_816 : vector<16xi1>, vector<16xf32>
      %broadcast_in_dim3A_904 = vector.broadcast %add3A_819 : i32 to vector<16xi32>
      %select_n3A_905 = arith.select %gt3A_902, %broadcast_in_dim3A_904, %scan3A_817 : vector<16xi1>, vector<16xi32>
      scf.yield %select_n3A_826, %select_n3A_828, %select_n3A_837, %select_n3A_839, %select_n3A_848, %select_n3A_850, %select_n3A_859, %select_n3A_861, %select_n3A_870, %select_n3A_872, %select_n3A_881, %select_n3A_883, %select_n3A_892, %select_n3A_894, %select_n3A_903, %select_n3A_905 : vector<16xf32>, vector<16xi32>, vector<16xf32>, vector<16xi32>, vector<16xf32>, vector<16xi32>, vector<16xf32>, vector<16xi32>, vector<16xf32>, vector<16xi32>, vector<16xf32>, vector<16xi32>, vector<16xf32>, vector<16xi32>, vector<16xf32>, vector<16xi32>
    }
    %scan3A_782 = arith.constant 40 : i32
    %swap3A = arith.constant 0 : index
    %swap3A_783 = tpu.vector_load %arg9[%swap3A] {strides = array<i32>} : memref<128xi32, #tpu.memory_space<vmem>>, vector<16xi32>,
    tpu.vector_store %arg9[%swap3A], %scan3A_781#1 {strides = array<i32>} : memref<128xi32, #tpu.memory_space<vmem>>, vector<16xi32>,
    %swap3A_784 = arith.constant 16 : index
    %swap3A_785 = tpu.vector_load %arg9[%swap3A_784] {strides = array<i32>} : memref<128xi32, #tpu.memory_space<vmem>>, vector<16xi32>,
    tpu.vector_store %arg9[%swap3A_784], %scan3A_781#3 {strides = array<i32>} : memref<128xi32, #tpu.memory_space<vmem>>, vector<16xi32>,
    %swap3A_786 = arith.constant 32 : index
    %swap3A_787 = tpu.vector_load %arg9[%swap3A_786] {strides = array<i32>} : memref<128xi32, #tpu.memory_space<vmem>>, vector<16xi32>,
    tpu.vector_store %arg9[%swap3A_786], %scan3A_781#5 {strides = array<i32>} : memref<128xi32, #tpu.memory_space<vmem>>, vector<16xi32>,
    %swap3A_788 = arith.constant 48 : index
    %swap3A_789 = tpu.vector_load %arg9[%swap3A_788] {strides = array<i32>} : memref<128xi32, #tpu.memory_space<vmem>>, vector<16xi32>,
    tpu.vector_store %arg9[%swap3A_788], %scan3A_781#7 {strides = array<i32>} : memref<128xi32, #tpu.memory_space<vmem>>, vector<16xi32>,
    %swap3A_790 = arith.constant 64 : index
    %swap3A_791 = tpu.vector_load %arg9[%swap3A_790] {strides = array<i32>} : memref<128xi32, #tpu.memory_space<vmem>>, vector<16xi32>,
    tpu.vector_store %arg9[%swap3A_790], %scan3A_781#9 {strides = array<i32>} : memref<128xi32, #tpu.memory_space<vmem>>, vector<16xi32>,
    %swap3A_792 = arith.constant 80 : index
    %swap3A_793 = tpu.vector_load %arg9[%swap3A_792] {strides = array<i32>} : memref<128xi32, #tpu.memory_space<vmem>>, vector<16xi32>,
    tpu.vector_store %arg9[%swap3A_792], %scan3A_781#11 {strides = array<i32>} : memref<128xi32, #tpu.memory_space<vmem>>, vector<16xi32>,
    %swap3A_794 = arith.constant 96 : index
    %swap3A_795 = tpu.vector_load %arg9[%swap3A_794] {strides = array<i32>} : memref<128xi32, #tpu.memory_space<vmem>>, vector<16xi32>,
    tpu.vector_store %arg9[%swap3A_794], %scan3A_781#13 {strides = array<i32>} : memref<128xi32, #tpu.memory_space<vmem>>, vector<16xi32>,
    %swap3A_796 = arith.constant 112 : index
    %swap3A_797 = tpu.vector_load %arg9[%swap3A_796] {strides = array<i32>} : memref<128xi32, #tpu.memory_space<vmem>>, vector<16xi32>,
    tpu.vector_store %arg9[%swap3A_796], %scan3A_781#15 {strides = array<i32>} : memref<128xi32, #tpu.memory_space<vmem>>, vector<16xi32>,
    %mul3A_798 = arith.constant 1024 : i32
    %mul3A_799 = arith.muli %select_n3A, %mul3A_798 : i32
    %add3A_800 = arith.addi %mul3A_799, %mul3A_32 : i32
    "tpu.region"() ({
      %run_scoped3A = tpu.sem_alloc : memref<!tpu.dma_semaphore, #tpu.memory_space<semaphore_mem>>
      %dma_start3A_801 = tpu.memref_slice %arg4[%add3A_800] : memref<4096xi32, #tpu.memory_space<hbm>> -> memref<128xi32, #tpu.memory_space<hbm>>
      %dma_start3A_802 = tpu.memref_slice %arg4[%add3A_800] : memref<4096xi32, #tpu.memory_space<hbm>> -> memref<128xi32, #tpu.memory_space<hbm>>
      tpu.enqueue_dma source(%arg9 : memref<128xi32, #tpu.memory_space<vmem>>) target(%dma_start3A_802 : memref<128xi32, #tpu.memory_space<hbm>>) target_semaphore(%run_scoped3A : memref<!tpu.dma_semaphore, #tpu.memory_space<semaphore_mem>>)
      %dma_wait3A_803 = tpu.memref_slice %arg4[%add3A_800] : memref<4096xi32, #tpu.memory_space<hbm>> -> memref<128xi32, #tpu.memory_space<hbm>>
      %dma_wait3A_804 = tpu.memref_slice %arg4[%add3A_800] : memref<4096xi32, #tpu.memory_space<hbm>> -> memref<128xi32, #tpu.memory_space<hbm>>
      tpu.wait_dma2 semaphore(%run_scoped3A : memref<!tpu.dma_semaphore, #tpu.memory_space<semaphore_mem>>) src(%arg9 : memref<128xi32, #tpu.memory_space<vmem>>) dst(%dma_wait3A_804 : memref<128xi32, #tpu.memory_space<hbm>>)
      tpu.yield
    }) : () -> ()
    return
  }
}

module attributes {stable_mosaic.version = 14 : i64} {
  func.func @tc_body(%arg0: i32, %arg1: memref<1x1000x1024xf32, #tpu.memory_space<vmem>>, %arg2: memref<1x1000x1024xf32, #tpu.memory_space<vmem>>, %arg3: memref<26x1024xi32, #tpu.memory_space<vmem>>, %arg4: memref<26x1024xi32, #tpu.memory_space<vmem>>, %arg5: memref<4x1024xi32, #tpu.memory_space<vmem>>, %arg6: memref<22x1024xi32, #tpu.memory_space<vmem>>, %arg7: memref<22x1024xi32, #tpu.memory_space<vmem>>, %arg8: memref<22x1024xf32, #tpu.memory_space<vmem>>) attributes {dimension_semantics = [#tpu.dimension_semantics<arbitrary>], iteration_bounds = array<i64: 22>, scalar_prefetch = 0 : i64, scratch_operands = 0 : i64, tpu.core_type = #tpu.core_type<tc>, window_params = [{transform_indices = @transform_0, window_bounds = array<i64: 1, 1000, 1024>}, {transform_indices = @transform_1, window_bounds = array<i64: 1, 1000, 1024>}, {pipeline_mode = #tpu.pipeline_mode<synchronous>, transform_indices = @transform_2, window_bounds = array<i64: 26, 1024>}, {pipeline_mode = #tpu.pipeline_mode<synchronous>, transform_indices = @transform_3, window_bounds = array<i64: 26, 1024>}, {pipeline_mode = #tpu.pipeline_mode<synchronous>, transform_indices = @transform_4, window_bounds = array<i64: 4, 1024>}, {pipeline_mode = #tpu.pipeline_mode<synchronous>, transform_indices = @transform_5, window_bounds = array<i64: 22, 1024>}, {pipeline_mode = #tpu.pipeline_mode<synchronous>, transform_indices = @transform_6, window_bounds = array<i64: 22, 1024>}, {pipeline_mode = #tpu.pipeline_mode<synchronous>, transform_indices = @transform_7, window_bounds = array<i64: 22, 1024>}]} {
    %add3A = arith.constant 4 : i32
    %add3A_0 = arith.addi %arg0, %add3A : i32
    %get3A = arith.constant 0 : index
    %get3A_1 = arith.constant 0 : index
    %get3A_2 = arith.constant 0 : index
    %get3A_3 = vector.load %arg1[%get3A, %get3A_1, %get3A_2] : memref<1x1000x1024xf32, #tpu.memory_space<vmem>>, vector<1x1000x1024xf32>
    %get3A_4 = vector.shape_cast %get3A_3 : vector<1x1000x1024xf32> to vector<1000x1024xf32>
    %get3A_5 = arith.constant 0 : index
    %get3A_6 = arith.constant 0 : index
    %get3A_7 = arith.constant 0 : index
    %get3A_8 = vector.load %arg2[%get3A_5, %get3A_6, %get3A_7] : memref<1x1000x1024xf32, #tpu.memory_space<vmem>>, vector<1x1000x1024xf32>
    %get3A_9 = vector.shape_cast %get3A_8 : vector<1x1000x1024xf32> to vector<1000x1024xf32>
    %add3A_10 = arith.addf %get3A_4, %get3A_9 : vector<1000x1024xf32>
    %reduce_max3A = arith.constant dense<0xFF800000> : vector<1024xf32>
    %reduce_max3A_11 = vector.multi_reduction <maximumf>, %add3A_10, %reduce_max3A [0] : vector<1000x1024xf32> to vector<1024xf32>
    %iota3A = tpu.iota {dimensions = array<i32: 0>} : vector<1000x1024xi32>
    %broadcast_in_dim3A = vector.shape_cast %reduce_max3A_11 : vector<1024xf32> to vector<1x1024xf32>
    %eq3A = vector.broadcast %broadcast_in_dim3A : vector<1x1024xf32> to vector<1000x1024xf32>
    %eq3A_12 = arith.cmpf oeq, %add3A_10, %eq3A : vector<1000x1024xf32>
    %jit3A = arith.constant 1000 : i32
    %broadcast_in_dim3A_13 = vector.broadcast %jit3A : i32 to vector<1000x1024xi32>
    %select_n3A = arith.select %eq3A_12, %iota3A, %broadcast_in_dim3A_13 : vector<1000x1024xi1>, vector<1000x1024xi32>
    %reduce_min3A = arith.constant dense<2147483647> : vector<1024xi32>
    %reduce_min3A_14 = vector.multi_reduction <minsi>, %select_n3A, %reduce_min3A [0] : vector<1000x1024xi32> to vector<1024xi32>
    %get3A_15 = arith.index_cast %add3A_0 : i32 to index
    %get3A_16 = arith.constant 0 : index
    %get3A_17 = vector.load %arg4[%get3A_15, %get3A_16] : memref<26x1024xi32, #tpu.memory_space<vmem>>, vector<1x1024xi32>
    %get3A_18 = arith.constant 0 : index
    %get3A_19 = arith.constant 0 : index
    %get3A_20 = vector.load %arg5[%get3A_18, %get3A_19] : memref<4x1024xi32, #tpu.memory_space<vmem>>, vector<1x1024xi32>
    %eq3A_21 = vector.broadcast %add3A_0 : i32 to vector<1x1024xi32>
    %eq3A_22 = arith.cmpi eq, %get3A_20, %eq3A_21 : vector<1x1024xi32>
    %get3A_23 = arith.constant 1 : index
    %get3A_24 = arith.constant 0 : index
    %get3A_25 = vector.load %arg5[%get3A_23, %get3A_24] : memref<4x1024xi32, #tpu.memory_space<vmem>>, vector<1x1024xi32>
    %eq3A_26 = vector.broadcast %add3A_0 : i32 to vector<1x1024xi32>
    %eq3A_27 = arith.cmpi eq, %get3A_25, %eq3A_26 : vector<1x1024xi32>
    %or3A = arith.ori %eq3A_22, %eq3A_27 : vector<1x1024xi1>
    %get3A_28 = arith.constant 2 : index
    %get3A_29 = arith.constant 0 : index
    %get3A_30 = vector.load %arg5[%get3A_28, %get3A_29] : memref<4x1024xi32, #tpu.memory_space<vmem>>, vector<1x1024xi32>
    %eq3A_31 = vector.broadcast %add3A_0 : i32 to vector<1x1024xi32>
    %eq3A_32 = arith.cmpi eq, %get3A_30, %eq3A_31 : vector<1x1024xi32>
    %or3A_33 = arith.ori %or3A, %eq3A_32 : vector<1x1024xi1>
    %get3A_34 = arith.constant 3 : index
    %get3A_35 = arith.constant 0 : index
    %get3A_36 = vector.load %arg5[%get3A_34, %get3A_35] : memref<4x1024xi32, #tpu.memory_space<vmem>>, vector<1x1024xi32>
    %eq3A_37 = vector.broadcast %add3A_0 : i32 to vector<1x1024xi32>
    %eq3A_38 = arith.cmpi eq, %get3A_36, %eq3A_37 : vector<1x1024xi32>
    %or3A_39 = arith.ori %or3A_33, %eq3A_38 : vector<1x1024xi1>
    %eq3A_40 = arith.constant 0 : i32
    %eq3A_41 = vector.broadcast %eq3A_40 : i32 to vector<1x1024xi32>
    %eq3A_42 = arith.cmpi eq, %get3A_17, %eq3A_41 : vector<1x1024xi32>
    %and3A = arith.andi %or3A_39, %eq3A_42 : vector<1x1024xi1>
    %sub3A = arith.constant 4 : i32
    %sub3A_43 = arith.subi %add3A_0, %sub3A : i32
    %broadcast_in_dim3A_44 = vector.shape_cast %reduce_min3A_14 : vector<1024xi32> to vector<1x1024xi32>
    %get3A_45 = arith.index_cast %add3A_0 : i32 to index
    %get3A_46 = arith.constant 0 : index
    %get3A_47 = vector.load %arg3[%get3A_45, %get3A_46] : memref<26x1024xi32, #tpu.memory_space<vmem>>, vector<1x1024xi32>
    %select_n3A_48 = arith.select %and3A, %broadcast_in_dim3A_44, %get3A_47 : vector<1x1024xi1>, vector<1x1024xi32>
    %swap3A = arith.index_cast %sub3A_43 : i32 to index
    %swap3A_49 = arith.constant 0 : index
    %swap3A_50 = vector.load %arg6[%swap3A, %swap3A_49] : memref<22x1024xi32, #tpu.memory_space<vmem>>, vector<1x1024xi32>
    tpu.vector_store %arg6[%swap3A, %swap3A_49], %select_n3A_48 {strides = array<i32>} : memref<22x1024xi32, #tpu.memory_space<vmem>>, vector<1x1024xi32>,
    %jit3A_51 = arith.constant 1 : i32
    %broadcast_in_dim3A_52 = vector.broadcast %jit3A_51 : i32 to vector<1x1024xi32>
    %select_n3A_53 = arith.select %or3A_39, %broadcast_in_dim3A_52, %get3A_17 : vector<1x1024xi1>, vector<1x1024xi32>
    %swap3A_54 = arith.index_cast %sub3A_43 : i32 to index
    %swap3A_55 = arith.constant 0 : index
    %swap3A_56 = vector.load %arg7[%swap3A_54, %swap3A_55] : memref<22x1024xi32, #tpu.memory_space<vmem>>, vector<1x1024xi32>
    tpu.vector_store %arg7[%swap3A_54, %swap3A_55], %select_n3A_53 {strides = array<i32>} : memref<22x1024xi32, #tpu.memory_space<vmem>>, vector<1x1024xi32>,
    %ne3A = arith.constant 0 : i32
    %ne3A_57 = vector.broadcast %ne3A : i32 to vector<1x1024xi32>
    %ne3A_58 = arith.cmpi ne, %get3A_17, %ne3A_57 : vector<1x1024xi32>
    %jit3A_59 = arith.constant 0.000000e+00 : f32
    %jit3A_60 = arith.constant 0xFF800000 : f32
    %broadcast_in_dim3A_61 = vector.broadcast %jit3A_59 : f32 to vector<1x1024xf32>
    %broadcast_in_dim3A_62 = vector.broadcast %jit3A_60 : f32 to vector<1x1024xf32>
    %select_n3A_63 = arith.select %ne3A_58, %broadcast_in_dim3A_61, %broadcast_in_dim3A_62 : vector<1x1024xi1>, vector<1x1024xf32>
    %swap3A_64 = arith.index_cast %sub3A_43 : i32 to index
    %swap3A_65 = arith.constant 0 : index
    %swap3A_66 = vector.load %arg8[%swap3A_64, %swap3A_65] : memref<22x1024xf32, #tpu.memory_space<vmem>>, vector<1x1024xf32>
    tpu.vector_store %arg8[%swap3A_64, %swap3A_65], %select_n3A_63 {strides = array<i32>} : memref<22x1024xf32, #tpu.memory_space<vmem>>, vector<1x1024xf32>,
    return
  }
  func.func @transform_0(%arg0: i32) -> (i32, i32, i32) {
    %add3A = arith.constant 4 : i32
    %add3A_0 = arith.addi %arg0, %add3A : i32
    %c0_i32 = arith.constant 0 : i32
    %c0_i32_1 = arith.constant 0 : i32
    %c0_i32_2 = arith.constant 0 : i32
    return %add3A_0, %c0_i32, %c0_i32_1 : i32, i32, i32
  }
  func.func @transform_1(%arg0: i32) -> (i32, i32, i32) {
    %add3A = arith.constant 4 : i32
    %add3A_0 = arith.addi %arg0, %add3A : i32
    %c0_i32 = arith.constant 0 : i32
    %c0_i32_1 = arith.constant 0 : i32
    %c0_i32_2 = arith.constant 0 : i32
    return %add3A_0, %c0_i32, %c0_i32_1 : i32, i32, i32
  }
  func.func @transform_2(%arg0: i32) -> (i32, i32) {
    %c0_i32 = arith.constant 0 : i32
    %c0_i32_0 = arith.constant 0 : i32
    %c0_i32_1 = arith.constant 0 : i32
    return %c0_i32, %c0_i32_0 : i32, i32
  }
  func.func @transform_3(%arg0: i32) -> (i32, i32) {
    %c0_i32 = arith.constant 0 : i32
    %c0_i32_0 = arith.constant 0 : i32
    %c0_i32_1 = arith.constant 0 : i32
    return %c0_i32, %c0_i32_0 : i32, i32
  }
  func.func @transform_4(%arg0: i32) -> (i32, i32) {
    %c0_i32 = arith.constant 0 : i32
    %c0_i32_0 = arith.constant 0 : i32
    %c0_i32_1 = arith.constant 0 : i32
    return %c0_i32, %c0_i32_0 : i32, i32
  }
  func.func @transform_5(%arg0: i32) -> (i32, i32) {
    %c0_i32 = arith.constant 0 : i32
    %c0_i32_0 = arith.constant 0 : i32
    %c0_i32_1 = arith.constant 0 : i32
    return %c0_i32, %c0_i32_0 : i32, i32
  }
  func.func @transform_6(%arg0: i32) -> (i32, i32) {
    %c0_i32 = arith.constant 0 : i32
    %c0_i32_0 = arith.constant 0 : i32
    %c0_i32_1 = arith.constant 0 : i32
    return %c0_i32, %c0_i32_0 : i32, i32
  }
  func.func @transform_7(%arg0: i32) -> (i32, i32) {
    %c0_i32 = arith.constant 0 : i32
    %c0_i32_0 = arith.constant 0 : i32
    %c0_i32_1 = arith.constant 0 : i32
    return %c0_i32, %c0_i32_0 : i32, i32
  }
}

</mosaic_0001>

<sc_bundles>
// kernel: kernel.4.cloned.1.call-start
scs
__scs_entry_jumppad:
0x0: {  	(pc) =	sbr.rel $0x88, $3  }
0x1: {  	(tag) =	ssettag $0x0;
	lr =	simm.s32 $0x1  }
0x2: {  	[smem:$0x3F9C] =	sst lr;
	_ =	strace $0xD0000000  }
0x3: {  	_ = 	snop  }
0x4: {  	_ = 	snop  }
0x5: {  	_ = 	snop  }
0x6: {  	_ = 	snop  }
0x7: {  	_ = 	snop  }
__scs_overlays_trampoline_lowered:
0x8: {  	[smem:$0x3FAB] =	sst s0  }
0x9: {  	[smem:$0x3FAC] =	sst s1  }
0xa: {  	[smem:$0x3FAD] =	sst s2  }
0xb: {  	[smem:$0x3FAE] =	sst s3  }
0xc: {  	[smem:$0x3FAF] =	sst s4  }
0xd: {  	[smem:$0x3FB0] =	sst s5  }
0xe: {  	[smem:$0x3FB1] =	sst s6  }
0xf: {  	[smem:$0x3FB2] =	sst s7  }
0x10: {  	[smem:$0x3FB3] =	sst s8  }
0x11: {  	[smem:$0x3FB4] =	sst s9;
	s0 =	simm.s32 @!p0 $0x0  }
0x12: {  	s1 =	sld [smem:$0x3F9A];
	s0 =	simm.s32 @p0 $0x1  }
0x13: {  	[smem:$0x3FB5] =	sst s0;
	s0 =	simm.s32 @!p1 $0x0  }
0x14: {  	s2 =	sld [smem:$0x3F99];
	s0 =	simm.s32 @p1 $0x1  }
0x15: {  	[smem:$0x3FB6] =	sst s0;
	s0 =	simm.s32 @!p2 $0x0  }
0x16: {  	s3 =	sld [smem:$0x3FDB];
	s0 =	simm.s32 @p2 $0x1  }
0x17: {  	s4 =	simm.s32 $0x1BF5;
	[smem:$0x3FB8] =	sst s0  }
0x18: {  	s0 =	sld [smem:$0x3F9B];
	_ =	swait.ge [sflag:s4], $0x0  }
0x19: {  	s7 =	sld [smem:$0x3F9C]  }
0x1a: {  	s8 =	sadd.s32 $0xFFFFE003, lr  }
0x1b: {  	s9 =	sadd.s32 $0xFFFFFEF7, lr;
	s5 =	simm.s32 $0xFFFFFFFF;
	p2 =	slt.u32 s8, $0xFFFFF086  }
0x1c: {  	p1 =	slt.u32 s9, $0xF7A;
	s5 =	simm.s32 @!p2 $0x0  }
0x1d: {  	s5 =	simm.s32 @p1 $0x1;
	p0 =	seq.s32 s7, s2  }
0x1e: {  	s7 =	smul.u32 @!p0 $0xF7A, s2;
	p2 =	seq.s32 @!p0 s5, $0x0  }
0x1f: {  	s9 =	smul.u32 $0xF7A, s1;
	s8 =	simm.s32 @!p0 $0x1BF5;
	p2 =	por !p2, p0  }
0x20: {  	[sflag:s8] =	ssyncset.s32 @!p0 $0xFFFFF086;
	s6 =	sadd.s32 @!p0 s3, s7;
	s7 =	simm.s32 @!p0 $0x108  }
0x21: {  	s3 =	sadd.s32 s3, s9;
	s6 =	sadd.s32 @!p0 $0x88, s6;
	s7 =	simm.s32 @p2 $0x1082  }
0x22: {  	[simem:s7], [sflag:s8] =	dma.local @!p0 [hbm:s6], $0xF7A  }
0x23: {  	s9 =	sor.u32 $0xD0000000, s2;
	s6 =	simm.s32 $0x108;
	_ =	swait.ge @!p0 [sflag:s8], $0x0  }
0x24: {  	s3 =	sadd.s32 $0x88, s3;
	s6 =	simm.s32 @!p1 $0x1082;
	[sflag:s4] =	ssyncset.s32 $0xFFFFF086  }
0x25: {  	[simem:s6], [sflag:s4] =	dma.local [hbm:s3], $0xF7A  }
0x26: {  	[smem:$0x3F9C] =	sst s1;
	(tag) =	ssettag s2;
	_ =	strace s9  }
0x27: {  	s1 =	sld [smem:$0x3FAC]  }
0x28: {  	s2 =	sld [smem:$0x3FAD]  }
0x29: {  	s4 =	sld [smem:$0x3FAF]  }
0x2a: {  	p0 =	seq.s32 s5, $0x0;
	s5 =	sld [smem:$0x3FB0]  }
0x2b: {  	s6 =	sld [smem:$0x3FB1]  }
0x2c: {  	s7 =	sld [smem:$0x3FB2]  }
0x2d: {  	s3 =	simm.s32 $0x108;
	s8 =	sld [smem:$0x3FB3]  }
0x2e: {  	s3 =	simm.s32 @!p0 $0x1082;
	s9 =	sld [smem:$0x3FB4]  }
0x2f: {  	lr =	sadd.s32 s0, s3;
	s0 =	sld [smem:$0x3FAB]  }
0x30: {  	s3 =	sld [smem:$0x3FAE]  }
0x31: {  	[smem:$0x3FB7] =	sst s10  }
0x32: {  	s10 =	sld [smem:$0x3FB5];
	_ =	sdelay $0x3  }
0x33: {  	p0 =	seq.s32 s10, $0x1;
	s10 =	sld [smem:$0x3FB7];
	_ =	sdelay $0x3  }
0x34: {  	[smem:$0x3FB7] =	sst s10  }
0x35: {  	s10 =	sld [smem:$0x3FB6];
	_ =	sdelay $0x3  }
0x36: {  	p1 =	seq.s32 s10, $0x1;
	s10 =	sld [smem:$0x3FB7];
	_ =	sdelay $0x3  }
0x37: {  	[smem:$0x3FB7] =	sst s10  }
0x38: {  	s10 =	sld [smem:$0x3FB8]  }
0x39: {  	_ = 	snop;
	(pc) =	sbr.ind lr, $3  }
0x3a: {  	_ = 	snop  }
0x3b: {  	_ = 	snop  }
0x3c: {  	p2 =	seq.s32 s10, $0x1;
	s10 =	sld [smem:$0x3FB7]  }
0x3d: {  	_ =	shalt  }
0x3e: {  	_ =	shalt  }
0x3f: {  	_ =	shalt  }
0x40: {  	_ =	shalt  }
0x41: {  	_ =	shalt  }
0x42: {  	_ =	shalt  }
0x43: {  	_ =	shalt  }
0x44: {  	_ =	shalt  }
0x45: {  	_ =	shalt  }
0x46: {  	_ =	shalt  }
0x47: {  	_ =	shalt  }
0x48: {  	_ =	shalt  }
0x49: {  	_ =	shalt  }
0x4a: {  	_ =	shalt  }
0x4b: {  	_ =	shalt  }
0x4c: {  	_ =	shalt  }
0x4d: {  	_ =	shalt  }
0x4e: {  	_ =	shalt  }
0x4f: {  	_ =	shalt  }
0x50: {  	_ =	shalt  }
0x51: {  	_ =	shalt  }
0x52: {  	_ =	shalt  }
0x53: {  	_ =	shalt  }
0x54: {  	_ =	shalt  }
0x55: {  	_ =	shalt  }
0x56: {  	_ =	shalt  }
0x57: {  	_ =	shalt  }
0x58: {  	_ =	shalt  }
0x59: {  	_ =	shalt  }
0x5a: {  	_ =	shalt  }
0x5b: {  	_ =	shalt  }
0x5c: {  	_ =	shalt  }
0x5d: {  	_ =	shalt  }
0x5e: {  	_ =	shalt  }
0x5f: {  	_ =	shalt  }
0x60: {  	_ =	shalt  }
0x61: {  	_ =	shalt  }
0x62: {  	_ =	shalt  }
0x63: {  	_ =	shalt  }
0x64: {  	_ =	shalt  }
0x65: {  	_ =	shalt  }
0x66: {  	_ =	shalt  }
0x67: {  	_ =	shalt  }
0x68: {  	_ =	shalt  }
0x69: {  	_ =	shalt  }
0x6a: {  	_ =	shalt  }
0x6b: {  	_ =	shalt  }
0x6c: {  	_ =	shalt  }
0x6d: {  	_ =	shalt  }
0x6e: {  	_ =	shalt  }
0x6f: {  	_ =	shalt  }
0x70: {  	_ =	shalt  }
0x71: {  	_ =	shalt  }
0x72: {  	_ =	shalt  }
0x73: {  	_ =	shalt  }
0x74: {  	_ =	shalt  }
0x75: {  	_ =	shalt  }
0x76: {  	_ =	shalt  }
0x77: {  	_ =	shalt  }
0x78: {  	_ =	shalt  }
0x79: {  	_ =	shalt  }
0x7a: {  	_ =	shalt  }
0x7b: {  	_ =	shalt  }
0x7c: {  	_ =	shalt  }
0x7d: {  	_ =	shalt  }
0x7e: {  	_ =	shalt  }
0x7f: {  	_ =	shalt  }
0x80: {  	_ =	shalt  }
0x81: {  	_ =	shalt  }
0x82: {  	_ =	shalt  }
0x83: {  	_ =	shalt  }
0x84: {  	_ =	shalt  }
0x85: {  	_ =	shalt  }
0x86: {  	_ =	shalt  }
0x87: {  	_ =	shalt  }
.Lfunc_end0:
.L_simem_size_0:
called_computation_lowered:
.L_overlay_start_0:
0x88: {  	s2 =	sld [smem:$0x3FD9]  }
0x89: {  	s3 =	sld [smem:$0x3FFE];
	_ =	sdelay $0x1  }
0x8a: {  	s1 =	srdreg.scid  }
0x8b: {  	s0 =	sand.u32 $0x1, s1  }
0x8c: {  	s15 =	sshll.u32 s0, $0xA;
	s2 =	sadd.s32 s3, s2  }
0x8d: {  	s2 =	sadd.s32 s2, s15  }
0x8e: {  	[smem:$0x3FC3] =	sst s2  }
0x8f: {  	_ = 	snop  }
0x90: {  	s2 =	sld [smem:$0x3FD0];
	_ =	sdelay $0x1  }
0x91: {  	s16 =	sld [smem:$0x3FC9]  }
0x92: {  	s5 =	simm.s32 $0xA;
	s6 =	simm.s32 $0x10;
	s4 =	sld [smem:$0x3FC8]  }
0x93: {  	[smem:s6], [sflag:s5] =	dma.local [hbm:s2], $0x1  }
0x94: {  	_ =	swait.eq [sflag:s5], $0x1  }
0x95: {  	[sflag:s5] =	ssyncset.done $0x0  }
0x96: {  	[sflag:s5] =	ssyncadd.s32 $0xFFFFFFFF  }
0x97: {  	s17 =	sld [smem:$0x11];
	(tm) =	ssettm $0x1  }
0x98: {  	s18 =	sld [smem:$0x3FFB];
	_ =	sdelay $0x3  }
0x99: {  	_ =	strace s18  }
0x9a: {  	s5 =	sld [smem:$0x3FFC];
	_ =	sdelay $0x3  }
0x9b: {  	_ =	strace s5  }
0x9c: {  	s5 =	sld [smem:$0x3FFD];
	_ =	sdelay $0x3  }
0x9d: {  	_ =	strace s5  }
0x9e: {  	_ =	strace $0x8FFFFFFF  }
0x9f: {  	s19 =	sld [smem:$0x3FDB];
	_ =	sdelay $0x1  }
0xa0: {  	s20 =	simm.s32 $_scs_section_size  }
0xa1: {  	s7 =	simm.s32 $_size__tile_overlayer_lowered;
	s8 =	simm.s32 $_tile_overlayer_lowered  }
0xa2: {  	s23 =	simm.s32 $0x1BFF;
	s22 =	sshll.u32 s8, $0x1;
	s5 =	sadd.s32 s20, s19  }
0xa3: {  	s9 =	simm.s32 $0x0;
	s21 =	sshll.u32 s7, $0x1;
	s7 =	sadd.s32 s22, s5  }
0xa4: {  	[timem:s9], [sflag:s23] =	dma.local [hbm:s7], s21  }
0xa5: {  	_ =	swait.ge [sflag:s23], s21  }
0xa6: {  	s6 =	ssub.s32 $0x0, s21;
	[sflag:s23] =	ssyncset.done $0x0  }
0xa7: {  	[sflag:s23] =	ssyncadd.s32 s6;
	_ =	sdelay $0x1  }
0xa8: {  	s24 =	simm.s32 $0x1B8B  }
0xa9: {  	_ =	swait.ge [sflag:s24], $0x1  }
0xaa: {  	[sflag:s24] =	ssyncset.done $0x0  }
0xab: {  	s25 =	simm.s32 $0x1B8E;
	[sflag:s24] =	ssyncadd.s32 $0xFFFFFFFF  }
0xac: {  	s26 =	simm.s32 $execute0_lowered;
	[smem:$0x3FD2] =	sst s25  }
0xad: {  	s6 =	sshll.u32 s26, $0x1;
	_ =	strace $0x80000046;
	[dreg:$0x1] =	wrdreg $0xFFFFFFFF  }
0xae: {  	s28 =	simm.s32 $_size_execute0_lowered;
	s5 =	sadd.s32 s5, s6;
	[dreg:$0x0] =	wrdreg $0x0  }
0xaf: {  	s6 =	sshll.u32 s28, $0x1;
	[dreg:$0x2] =	wrdreg s5  }
0xb0: {  	[dreg:$0x3] =	wrdreg s6  }
0xb1: {  	[dreg:$0x4] =	wrdreg $0xC0  }
0xb2: {  	_ =	task [dreg:s9], $0x5FFFF  }
0xb3: {  	[dreg:$0x1] =	wrdreg $0xFFFFFFFF  }
0xb4: {  	[dreg:$0x0] =	wrdreg $0x60  }
0xb5: {  	[dreg:$0x2] =	wrdreg s16  }
0xb6: {  	[dreg:$0x3] =	wrdreg s4  }
0xb7: {  	[dreg:$0x4] =	wrdreg s17  }
0xb8: {  	[dreg:$0x5] =	wrdreg $0x9  }
0xb9: {  	_ =	task.clear_ibuf [dreg:s9], $0x6FFFF;
	_ =	strace $0x90000046  }
0xba: {  	s29 =	simm.s32 $0x9;
	_ =	strace $0x80000048  }
0xbb: {  	_ =	swait.ge [sflag:s29], $0x1  }
0xbc: {  	[sflag:s29] =	ssyncadd.s32 $0xFFFFFFFF  }
0xbd: {  	_ =	strace $0x90000048  }
0xbe: {  	_ =	sfence  }
0xbf: {  	s30 =	sld [smem:$0x0];
	_ =	sdelay $0x2  }
0xc0: {  	s31 =	sshll.u32 s1, $0xD;
	s1 =	sshrl.u32 s1, $0x2  }
0xc1: {  	s3 =	sand.u32 $0x4000, s31;
	s1 =	sadd.s32 s1, s30  }
0xc2: {  	s0 =	sor.u32 s3, s0;
	s1 =	sshll.u32 s1, $0x11  }
0xc3: {  	s0 =	sor.u32 s1, s0  }
0xc4: {  	s0 =	sadd.s32 $0x8F2B, s0  }
0xc5: {  	[sflag:s0] =	ssyncadd.remote.s32 $0x1  }
0xc6: {  	_ =	sfence.sel $0xFFFF  }
0xc7: {  	[dreg:$0x0] =	wrdreg $0xFFFFFFFF;
	(pc) =	sbr.abs _section_cstart, $3  }
0xc8: {  	[dreg:$0x1] =	wrdreg $0xFFFFFFFF  }
0xc9: {  	_ =	task.clear_ibuf [dreg:s9], $0x2FFFF;
	_ =	strace $0x9FFFFFFF  }
0xca: {  	(tm) =	ssettm $0x7FFFFFFF  }
0xcb: {  	_ =	shalt  }
tec
execute0_lowered:
.L_overlay_start_1:
0x0: {  	(tag) =	ssettag $0x1  }
0x1: {  	s2 =	stileid.u32  }
0x2: {  	s0 =	srdreg.scid;
	s1 =	sshll.u32 s2, $0x1  }
0x3: {  	s3 =	sand.u32 $0x1, s0;
	s6 =	sshrl.u32 s2, $0x2;
	s1 =	sand.u32 $0x6, s1  }
0x4: {  	s7 =	rddreg [dreg:$0x2];
	s23 =	smul.u32 $0xFA000, s6;
	s4 =	sor.u32 s3, s1  }
0x5: {  	s28 =	simm.s32 $0x1;
	s29 =	simm.s32 $0x2;
	s5 =	sshll.u32 s4, $0xA  }
0x6: {  	s30 =	simm.s32 $0x2800;
	s0 =	rddreg [dreg:$0x0];
	s5 =	sor.u32 s23, s5  }
0x7: {  	s2 =	rddreg [dreg:$0x1];
	s3 =	ssub.s32 $0x2, s3;
	s5 =	sshrl.u32 s5, $0x3  }
0x8: {  	s1 =	simm.s32 $0x0;
	s8 =	sshrl.u32 s3, $0x1;
	s24 =	sadd.s32 $0x1400, s5  }
0x9: {  	[smem:$0x7FF] =	sst s1;
	s3 =	ssub.s32 s3, s8;
	s9 =	sadd.s32 s0, s24  }
0xa: {  	s25 =	sadd.s32 $0x2800, s5;
	s8 =	sadd.s32 s2, s24;
	[dreg:$0x4] =	wrdreg s9  }
0xb: {  	s10 =	sadd.s32 $0x3C00, s5;
	s26 =	sadd.s32 s0, s25;
	[dreg:$0x5] =	wrdreg s8  }
0xc: {  	s12 =	sadd.s32 $0x5000, s5;
	s11 =	sadd.s32 s0, s10;
	[dreg:$0x6] =	wrdreg s26  }
0xd: {  	s14 =	sadd.s32 $0x6400, s5;
	s13 =	sadd.s32 s0, s12;
	[dreg:$0x8] =	wrdreg s11  }
0xe: {  	s16 =	sadd.s32 $0x7800, s5;
	s15 =	sadd.s32 s0, s14;
	[dreg:$0xa] =	wrdreg s13  }
0xf: {  	s18 =	sadd.s32 $0x8C00, s5;
	s17 =	sadd.s32 s0, s16;
	[dreg:$0xc] =	wrdreg s15  }
0x10: {  	s20 =	sadd.s32 $0xA000, s5;
	s19 =	sadd.s32 s0, s18;
	[dreg:$0xe] =	wrdreg s17  }
0x11: {  	s31 =	simm.s32 $0x3C00;
	s21 =	sadd.s32 s0, s20;
	[dreg:$0x10] =	wrdreg s19  }
0x12: {  	s23 =	sadd.s32 $0xB400, s5;
	s22 =	sadd.s32 s2, s20;
	[dreg:$0x12] =	wrdreg s21  }
0x13: {  	s6 =	sshll.u32 s6, $0x7;
	s24 =	sadd.s32 s0, s23;
	[dreg:$0x13] =	wrdreg s22  }
0x14: {  	s6 =	sadd.s32 s7, s6;
	s9 =	sadd.s32 s2, s25;
	[dreg:$0x14] =	wrdreg s24  }
0x15: {  	s4 =	sshll.u32 s4, $0x4;
	s8 =	sadd.s32 s2, s10;
	[dreg:$0x7] =	wrdreg s9  }
0x16: {  	s20 =	sadd.s32 $0x14000, s5;
	s25 =	sadd.s32 s2, s23;
	[dreg:$0x9] =	wrdreg s8  }
0x17: {  	s26 =	sadd.s32 $0xC800, s5;
	s21 =	sadd.s32 s0, s20;
	[dreg:$0x15] =	wrdreg s25  }
0x18: {  	s10 =	sadd.s32 $0xDC00, s5;
	s9 =	sadd.s32 s2, s12;
	[smem:$0x7F8] =	sst s21  }
0x19: {  	s22 =	sadd.s32 $0x15400, s5;
	s8 =	sadd.s32 s2, s14;
	[dreg:$0xb] =	wrdreg s9  }
0x1a: {  	s24 =	sadd.s32 $0x16800, s5;
	s7 =	sadd.s32 s2, s26;
	[dreg:$0xd] =	wrdreg s8  }
0x1b: {  	s11 =	sadd.s32 s0, s10;
	s12 =	sadd.s32 $0xF000, s5;
	[dreg:$0x17] =	wrdreg s7  }
0x1c: {  	s14 =	sadd.s32 $0x10400, s5;
	s23 =	sadd.s32 s0, s22;
	[dreg:$0x18] =	wrdreg s11  }
0x1d: {  	s25 =	sadd.s32 s0, s24;
	s9 =	sadd.s32 s2, s16;
	[smem:$0x7FA] =	sst s23  }
0x1e: {  	s8 =	sadd.s32 s2, s18;
	s7 =	sadd.s32 s2, s10;
	[smem:$0x7FC] =	sst s25  }
0x1f: {  	s13 =	sadd.s32 s0, s12;
	s15 =	sadd.s32 s0, s14;
	[dreg:$0xf] =	wrdreg s9  }
0x20: {  	s16 =	sadd.s32 $0x11800, s5;
	s18 =	sadd.s32 $0x12C00, s5;
	[dreg:$0x11] =	wrdreg s8  }
0x21: {  	s11 =	sadd.s32 $0x19000, s5;
	s23 =	smax.u32 s3, $0x1;
	[dreg:$0x19] =	wrdreg s7  }
0x22: {  	s25 =	simm.s32 $0x2000;
	s9 =	sadd.s32 s0, s26;
	[dreg:$0x1a] =	wrdreg s13  }
0x23: {  	s7 =	sadd.s32 s2, s12;
	[dreg:$0x1c] =	wrdreg s15;
	s17 =	sadd.s32 s0, s16  }
0x24: {  	s19 =	sadd.s32 s0, s18;
	s26 =	sadd.s32 $0x17C00, s5;
	[dreg:$0x16] =	wrdreg s9  }
0x25: {  	s10 =	sadd.s32 s0, s11;
	s11 =	sadd.s32 s2, s11;
	[dreg:$0x1b] =	wrdreg s7  }
0x26: {  	s13 =	sadd.s32 $0x1A400, s5;
	s15 =	sadd.s32 $0x1B800, s5;
	[dreg:$0x1e] =	wrdreg s17  }
0x27: {  	s7 =	sadd.s32 s2, s14;
	[smem:$0x7F6] =	sst s19;
	s8 =	sadd.s32 s0, s26  }
0x28: {  	s9 =	sadd.s32 s2, s26;
	s12 =	sadd.s32 s0, s13;
	s13 =	sadd.s32 s2, s13  }
0x29: {  	s14 =	sadd.s32 s0, s15;
	s15 =	sadd.s32 s2, s15;
	s17 =	sadd.s32 s2, s5  }
0x2a: {  	s19 =	sadd.s32 $0x1CC00, s5;
	s26 =	simm.s32 $0x1400;
	[dreg:$0x1d] =	wrdreg s7  }
0x2b: {  	s7 =	sadd.s32 s2, s16;
	s16 =	sadd.s32 s0, s5;
	s5 =	sadd.s32 $0x1E000, s5  }
0x2c: {  	[dreg:$0x1f] =	wrdreg s7;
	s7 =	sadd.s32 s2, s18;
	s18 =	sadd.s32 s0, s19  }
0x2d: {  	s19 =	sadd.s32 s2, s19;
	[smem:$0x7F7] =	sst s7;
	s7 =	sadd.s32 s2, s20  }
0x2e: {  	s21 =	sadd.s32 s2, s5;
	[smem:$0x7F9] =	sst s7;
	s7 =	sadd.s32 s2, s22  }
0x2f: {  	s20 =	sadd.s32 s0, s5;
	[smem:$0x7FB] =	sst s7;
	s7 =	sadd.s32 s2, s24  }
0x30: {  	s0 =	simm.s32 $0x3;
	s22 =	sadd.s32 s4, s6;
	[smem:$0x7FD] =	sst s7  }
0x31: {  	s24 =	simm.s32 $0x400;
	s2 =	simm.s32 $0x0;
	_ =	strace $0x80000047  }
.LBB2_1:
0x32: {  	[tilespmem:s1], [sflag:$0x1] =	stream.strided.gather [hbm4b:s16+s24], $0x1400, s25, s24, $0x38;
	[tilespmem:$0x5080] =	vst v63  }
0x33: {  	_ = 	snop  }
0x34: {  	[tilespmem:s26], [sflag:$0x2] =	stream.strided.gather [hbm4b:s17+s24], $0x1400, s25, s24, $0x38;
	[tilespmem:$0x5080] =	vst v63  }
0x35: {  	_ =	swait.ge [sflag:s28], $0x1400  }
0x36: {  	[sflag:s28] =	ssyncset.done $0x0  }
0x37: {  	[sflag:s28] =	ssyncadd.s32 $0xFFFFEC00  }
0x38: {  	_ =	swait.ge [sflag:s29], $0x1400  }
0x39: {  	[sflag:s29] =	ssyncset.done $0x0  }
0x3a: {  	s3 =	rddreg [dreg:$0x4];
	[sflag:s29] =	ssyncadd.s32 $0xFFFFEC00  }
0x3b: {  	[tilespmem:s30], [sflag:$0x1] =	stream.strided.gather [hbm4b:s3+s24], $0x1400, s25, s24, $0x38;
	[tilespmem:$0x5080] =	vst v63  }
0x3c: {  	s4 =	simm.s32 $0x1440;
	s7 =	rddreg [dreg:$0x5]  }
0x3d: {  	[tilespmem:s31], [sflag:$0x2] =	stream.strided.gather [hbm4b:s7+s24], $0x1400, s25, s24, $0x38;
	[tilespmem:$0x5080] =	vst v63  }
0x3e: {  	s3 =	simm.s32 $0x40;
	v5 =	vld [tilespmem:s4+$0x0]  }
0x3f: {  	v2 =	vld [tilespmem:s3+$0xFFFFFFC0]  }
0x40: {  	v0 =	vld [tilespmem:s4+$0x30]  }
0x41: {  	v1 =	vld [tilespmem:s3+$0x30]  }
0x42: {  	v6 =	vld [tilespmem:s3+$0x20]  }
0x43: {  	v7 =	vld [tilespmem:s4+$0x20]  }
0x44: {  	v8 =	vld [tilespmem:s4+$0xFFFFFFC0]  }
0x45: {  	v19 =	vld [tilespmem:s3+$0xFFFFFFF0]  }
0x46: {  	v21 =	vld [tilespmem:s4+$0xFFFFFFF0]  }
0x47: {  	v3 =	vimm.f32 $-Inf;
	v4 =	vimm.s32 $0x0;
	v20 =	vld [tilespmem:s4+$0x10]  }
0x48: {  	v16 =	vimm.f32 $-Inf;
	v9 =	vimm.s32 $0x0;
	v10 =	vimm.f32 $-Inf;
	v22 =	vld [tilespmem:s3+$0xFFFFFFD0]  }
0x49: {  	v11 =	vimm.f32 $-Inf;
	v12 =	vimm.s32 $0x0;
	v13 =	vimm.s32 $0x0;
	v23 =	vld [tilespmem:s3+$0xFFFFFFE0]  }
0x4a: {  	v14 =	vimm.f32 $-Inf;
	v15 =	vimm.s32 $0x0;
	v25 =	vld [tilespmem:s3+$0x0];
	v0 =	vadd.f32 v0, v1  }
0x4b: {  	v17 =	vimm.s32 $0x0;
	v28 =	vld [tilespmem:s4+$0xFFFFFFD0];
	v24 =	vadd.f32 v7, v6;
	v18 =	vadd.f32 v8, v2  }
0x4c: {  	v26 =	vld [tilespmem:s4+$0xFFFFFFE0];
	v6 =	vimm.s32 $0x0;
	v7 =	vimm.f32 $-Inf;
	vm0 =	vgt.f32 v0, v3  }
0x4d: {  	s5 =	simm.s32 $0x1;
	s6 =	simm.s32 $0x14C0;
	v27 =	vld [tilespmem:s3+$0x10];
	s4 =	simm.s32 $0x0;
	v8 =	vimm.f32 $-Inf;
	v1 =	vsel vm0, v0, v3;
	v0 =	vsel vm0, s1, v4  }
.LBB2_2:
0x4e: {  	p0 =	sne.s32 s5, $0x27  }
0x4f: {  	v2 =	vld [tilespmem:s6+$0x0];
	vm0 =	vgt.f32 v18, v3;
	s3 =	sadd.s32 $0x80, s3;
	s7 =	smov.u32 s5;
	s5 =	sadd.s32 $0x1, s5  }
0x50: {  	v29 =	vld [tilespmem:s3+$0xFFFFFFC0];
	v3 =	vsel vm0, v18, v3;
	v4 =	vsel vm0, s4, v4  }
0x51: {  	v30 =	vadd.f32 v21, v19;
	vm0 =	vgt.f32 v24, v16;
	v18 =	vld [tilespmem:s6+$0x30]  }
0x52: {  	v21 =	vadd.f32 v5, v25;
	v31 =	vld [tilespmem:s3+$0x30]  }
0x53: {  	v22 =	vadd.f32 v28, v22;
	v16 =	vsel vm0, v24, v16;
	v6 =	vsel vm0, s4, v6;
	v25 =	vld [tilespmem:s3+$0x20]  }
0x54: {  	vm0 =	vgt.f32 v30, v7;
	v23 =	vadd.f32 v26, v23;
	v24 =	vadd.f32 v20, v27;
	v19 =	vld [tilespmem:s3+$0xFFFFFFF0];
	v5 =	vmovc v2  }
0x55: {  	v9 =	vsel vm0, s4, v9;
	vm2 =	vgt.f32 v21, v10;
	vm1 =	vgt.f32 v22, v8;
	v2 =	vld [tilespmem:s6+$0x20]  }
0x56: {  	v10 =	vsel vm2, v21, v10;
	v8 =	vsel vm1, v22, v8;
	vm3 =	vgt.f32 v23, v11;
	v26 =	vld [tilespmem:s6+$0xFFFFFFC0]  }
0x57: {  	v13 =	vsel vm2, s4, v13;
	v12 =	vsel vm1, s4, v12;
	vm1 =	vgt.f32 v24, v14;
	v21 =	vld [tilespmem:s6+$0xFFFFFFF0]  }
0x58: {  	v7 =	vsel vm0, v30, v7;
	v15 =	vsel vm1, s4, v15;
	v18 =	vadd.f32 v18, v31;
	v20 =	vld [tilespmem:s6+$0x10]  }
0x59: {  	v11 =	vsel vm3, v23, v11;
	v17 =	vsel vm3, s4, v17;
	v14 =	vsel vm1, v24, v14;
	s4 =	smov.u32 s7;
	v22 =	vld [tilespmem:s3+$0xFFFFFFD0]  }
.Ltmp0:
0x5a: {  	vm0 =	vgt.f32 v18, v1;
	v23 =	vld [tilespmem:s3+$0xFFFFFFE0];
	v24 =	vadd.f32 v2, v25;
	(pc) =	sbr.rel @p0 .LBB2_2-.Ltmp0, $4  }
0x5b: {  	v1 =	vsel vm0, v18, v1;
	v0 =	vsel vm0, s4, v0;
	v25 =	vld [tilespmem:s3+$0x0]  }
0x5c: {  	v18 =	vadd.f32 v26, v29;
	v28 =	vld [tilespmem:s6+$0xFFFFFFD0]  }
0x5d: {  	v26 =	vld [tilespmem:s6+$0xFFFFFFE0]  }
0x5e: {  	s6 =	sadd.s32 $0x80, s6;
	v27 =	vld [tilespmem:s3+$0x10]  }
0x5f: {  	_ =	swait.ge [sflag:s28], $0x1400  }
0x60: {  	[sflag:s28] =	ssyncset.done $0x0  }
0x61: {  	[sflag:s28] =	ssyncadd.s32 $0xFFFFEC00  }
0x62: {  	_ =	swait.ge [sflag:s29], $0x1400  }
0x63: {  	[sflag:s29] =	ssyncset.done $0x0  }
0x64: {  	s3 =	rddreg [dreg:$0x6];
	[sflag:s29] =	ssyncadd.s32 $0xFFFFEC00  }
0x65: {  	[tilespmem:s1], [sflag:$0x1] =	stream.strided.gather [hbm4b:s3+s24], $0x1400, s25, s24, $0x38;
	[tilespmem:$0x5080] =	vst v63  }
0x66: {  	s6 =	simm.s32 $0x3C40;
	s7 =	rddreg [dreg:$0x7]  }
0x67: {  	[tilespmem:s26], [sflag:$0x2] =	stream.strided.gather [hbm4b:s7+s24], $0x1400, s25, s24, $0x38;
	[tilespmem:$0x5080] =	vst v63  }
0x68: {  	s5 =	simm.s32 $0x2840;
	v2 =	vld [tilespmem:s6+$0x0]  }
0x69: {  	v29 =	vld [tilespmem:s5+$0xFFFFFFC0]  }
0x6a: {  	v30 =	vld [tilespmem:s6+$0x30]  }
0x6b: {  	v31 =	vld [tilespmem:s5+$0x30]  }
0x6c: {  	vm0 =	vgt.f32 v18, v3;
	v32 =	vld [tilespmem:s5+$0x20]  }
0x6d: {  	v3 =	vsel vm0, v18, v3;
	v18 =	vld [tilespmem:s5+$0xFFFFFFF0]  }
0x6e: {  	v19 =	vadd.f32 v21, v19;
	vm1 =	vgt.f32 v24, v16;
	v22 =	vadd.f32 v28, v22;
	v28 =	vld [tilespmem:s6+$0x20]  }
0x6f: {  	v25 =	vadd.f32 v5, v25;
	v5 =	vsel vm1, v24, v16;
	v4 =	vsel vm0, s4, v4;
	v33 =	vld [tilespmem:s6+$0xFFFFFFC0]  }
0x70: {  	v6 =	vsel vm1, s4, v6;
	vm13 =	vgt.f32 v19, v7;
	v16 =	vadd.f32 v26, v23;
	v21 =	vld [tilespmem:s6+$0xFFFFFFF0]  }
0x71: {  	v9 =	vsel vm13, s4, v9;
	v24 =	vadd.f32 v20, v27;
	vm12 =	vgt.f32 v22, v8;
	v20 =	vld [tilespmem:s6+$0x10]  }
0x72: {  	vm2 =	vgt.f32 v25, v10;
	v7 =	vsel vm13, v19, v7;
	v8 =	vsel vm12, v22, v8;
	v22 =	vld [tilespmem:s5+$0xFFFFFFD0]  }
0x73: {  	v10 =	vsel vm2, v25, v10;
	v13 =	vsel vm2, s4, v13;
	v23 =	vld [tilespmem:s5+$0xFFFFFFE0];
	v19 =	vadd.f32 v30, v31  }
0x74: {  	vm14 =	vgt.f32 v16, v11;
	v12 =	vsel vm12, s4, v12;
	vm3 =	vgt.f32 v24, v14;
	v25 =	vld [tilespmem:s5+$0x0]  }
0x75: {  	v11 =	vsel vm14, v16, v11;
	v14 =	vsel vm3, v24, v14;
	v27 =	vld [tilespmem:s6+$0xFFFFFFD0];
	vm15 =	vgt.f32 v19, v1  }
0x76: {  	s3 =	simm.s32 $0x28;
	v15 =	vsel vm3, s4, v15;
	v26 =	vld [tilespmem:s6+$0xFFFFFFE0];
	v24 =	vadd.f32 v28, v32;
	v16 =	vsel vm15, v19, v1  }
0x77: {  	s6 =	simm.s32 $0x3CC0;
	v28 =	vld [tilespmem:s5+$0x10];
	v1 =	vsel vm14, s4, v17;
	s4 =	simm.s32 $0x29;
	v17 =	vsel vm15, s3, v0;
	v19 =	vadd.f32 v33, v29  }
.LBB2_4:
0x78: {  	p0 =	sne.s32 s4, $0x4F  }
0x79: {  	v0 =	vld [tilespmem:s6+$0x0];
	vm0 =	vgt.f32 v19, v3;
	s5 =	sadd.s32 $0x80, s5;
	s7 =	smov.u32 s4;
	s4 =	sadd.s32 $0x1, s4  }
0x7a: {  	v29 =	vld [tilespmem:s5+$0xFFFFFFC0];
	v3 =	vsel vm0, v19, v3;
	v4 =	vsel vm0, s3, v4  }
0x7b: {  	v30 =	vadd.f32 v21, v18;
	vm0 =	vgt.f32 v24, v5;
	v19 =	vld [tilespmem:s6+$0x30]  }
0x7c: {  	v21 =	vadd.f32 v2, v25;
	v31 =	vld [tilespmem:s5+$0x30]  }
0x7d: {  	v22 =	vadd.f32 v27, v22;
	v5 =	vsel vm0, v24, v5;
	v6 =	vsel vm0, s3, v6;
	v25 =	vld [tilespmem:s5+$0x20]  }
0x7e: {  	vm0 =	vgt.f32 v30, v7;
	v23 =	vadd.f32 v26, v23;
	v24 =	vadd.f32 v20, v28;
	v18 =	vld [tilespmem:s5+$0xFFFFFFF0];
	v2 =	vmovc v0  }
0x7f: {  	v9 =	vsel vm0, s3, v9;
	vm2 =	vgt.f32 v21, v10;
	vm1 =	vgt.f32 v22, v8;
	v0 =	vld [tilespmem:s6+$0x20]  }
0x80: {  	v10 =	vsel vm2, v21, v10;
	v8 =	vsel vm1, v22, v8;
	vm3 =	vgt.f32 v23, v11;
	v26 =	vld [tilespmem:s6+$0xFFFFFFC0]  }
0x81: {  	v13 =	vsel vm2, s3, v13;
	v12 =	vsel vm1, s3, v12;
	vm1 =	vgt.f32 v24, v14;
	v21 =	vld [tilespmem:s6+$0xFFFFFFF0]  }
0x82: {  	v7 =	vsel vm0, v30, v7;
	v15 =	vsel vm1, s3, v15;
	v19 =	vadd.f32 v19, v31;
	v20 =	vld [tilespmem:s6+$0x10]  }
0x83: {  	v11 =	vsel vm3, v23, v11;
	v1 =	vsel vm3, s3, v1;
	v14 =	vsel vm1, v24, v14;
	s3 =	smov.u32 s7;
	v22 =	vld [tilespmem:s5+$0xFFFFFFD0]  }
.Ltmp1:
0x84: {  	vm0 =	vgt.f32 v19, v16;
	v23 =	vld [tilespmem:s5+$0xFFFFFFE0];
	v24 =	vadd.f32 v0, v25;
	(pc) =	sbr.rel @p0 .LBB2_4-.Ltmp1, $4  }
0x85: {  	v16 =	vsel vm0, v19, v16;
	v17 =	vsel vm0, s3, v17;
	v25 =	vld [tilespmem:s5+$0x0]  }
0x86: {  	v19 =	vadd.f32 v26, v29;
	v27 =	vld [tilespmem:s6+$0xFFFFFFD0]  }
0x87: {  	v26 =	vld [tilespmem:s6+$0xFFFFFFE0]  }
0x88: {  	s6 =	sadd.s32 $0x80, s6;
	v28 =	vld [tilespmem:s5+$0x10]  }
0x89: {  	_ =	swait.ge [sflag:s28], $0x1400  }
0x8a: {  	[sflag:s28] =	ssyncset.done $0x0  }
0x8b: {  	[sflag:s28] =	ssyncadd.s32 $0xFFFFEC00  }
0x8c: {  	_ =	swait.ge [sflag:s29], $0x1400  }
0x8d: {  	[sflag:s29] =	ssyncset.done $0x0  }
0x8e: {  	s4 =	rddreg [dreg:$0x8];
	[sflag:s29] =	ssyncadd.s32 $0xFFFFEC00  }
0x8f: {  	[tilespmem:s30], [sflag:$0x1] =	stream.strided.gather [hbm4b:s4+s24], $0x1400, s25, s24, $0x38;
	[tilespmem:$0x5080] =	vst v63  }
0x90: {  	s6 =	simm.s32 $0x1440;
	s7 =	rddreg [dreg:$0x9]  }
0x91: {  	[tilespmem:s31], [sflag:$0x2] =	stream.strided.gather [hbm4b:s7+s24], $0x1400, s25, s24, $0x38;
	[tilespmem:$0x5080] =	vst v63  }
0x92: {  	s5 =	simm.s32 $0x40;
	v0 =	vld [tilespmem:s6+$0x0]  }
0x93: {  	v29 =	vld [tilespmem:s5+$0xFFFFFFC0]  }
0x94: {  	v30 =	vld [tilespmem:s6+$0x30]  }
0x95: {  	v31 =	vld [tilespmem:s5+$0x30]  }
0x96: {  	vm0 =	vgt.f32 v19, v3;
	v32 =	vld [tilespmem:s5+$0x20]  }
0x97: {  	v3 =	vsel vm0, v19, v3;
	v19 =	vld [tilespmem:s5+$0xFFFFFFF0]  }
0x98: {  	v18 =	vadd.f32 v21, v18;
	vm1 =	vgt.f32 v24, v5;
	v22 =	vadd.f32 v27, v22;
	v27 =	vld [tilespmem:s6+$0x20]  }
0x99: {  	v25 =	vadd.f32 v2, v25;
	v5 =	vsel vm1, v24, v5;
	v2 =	vsel vm0, s3, v4;
	v33 =	vld [tilespmem:s6+$0xFFFFFFC0]  }
0x9a: {  	v4 =	vsel vm1, s3, v6;
	vm13 =	vgt.f32 v18, v7;
	v24 =	vadd.f32 v26, v23;
	v21 =	vld [tilespmem:s6+$0xFFFFFFF0]  }
0x9b: {  	v9 =	vsel vm13, s3, v9;
	v26 =	vadd.f32 v20, v28;
	vm12 =	vgt.f32 v22, v8;
	v20 =	vld [tilespmem:s6+$0x10]  }
0x9c: {  	vm2 =	vgt.f32 v25, v10;
	v6 =	vsel vm13, v18, v7;
	v8 =	vsel vm12, v22, v8;
	v22 =	vld [tilespmem:s5+$0xFFFFFFD0]  }
0x9d: {  	v7 =	vsel vm2, v25, v10;
	vm14 =	vgt.f32 v24, v11;
	vm3 =	vgt.f32 v26, v14;
	v23 =	vld [tilespmem:s5+$0xFFFFFFE0]  }
0x9e: {  	v10 =	vsel vm14, v24, v11;
	v11 =	vsel vm12, s3, v12;
	v25 =	vld [tilespmem:s5+$0x0];
	v18 =	vadd.f32 v30, v31  }
0x9f: {  	v12 =	vsel vm2, s3, v13;
	v14 =	vsel vm3, v26, v14;
	v13 =	vsel vm3, s3, v15;
	v26 =	vld [tilespmem:s6+$0xFFFFFFE0]  }
0xa0: {  	s4 =	simm.s32 $0x50;
	v15 =	vsel vm14, s3, v1;
	v28 =	vld [tilespmem:s5+$0x10];
	v24 =	vadd.f32 v27, v32;
	vm15 =	vgt.f32 v18, v16  }
0xa1: {  	s3 =	simm.s32 $0x51;
	v27 =	vld [tilespmem:s6+$0xFFFFFFD0];
	s6 =	simm.s32 $0x14C0;
	v16 =	vsel vm15, v18, v16;
	v17 =	vsel vm15, s4, v17;
	v18 =	vadd.f32 v33, v29  }
.LBB2_6:
0xa2: {  	p0 =	sne.s32 s3, $0x77  }
0xa3: {  	v1 =	vld [tilespmem:s6+$0x0];
	vm0 =	vgt.f32 v18, v3;
	s5 =	sadd.s32 $0x80, s5;
	s7 =	smov.u32 s3;
	s3 =	sadd.s32 $0x1, s3  }
0xa4: {  	v29 =	vld [tilespmem:s5+$0xFFFFFFC0];
	v3 =	vsel vm0, v18, v3;
	v2 =	vsel vm0, s4, v2  }
0xa5: {  	v30 =	vadd.f32 v21, v19;
	vm0 =	vgt.f32 v24, v5;
	v18 =	vld [tilespmem:s6+$0x30]  }
0xa6: {  	v21 =	vadd.f32 v0, v25;
	v31 =	vld [tilespmem:s5+$0x30]  }
0xa7: {  	v22 =	vadd.f32 v27, v22;
	v5 =	vsel vm0, v24, v5;
	v4 =	vsel vm0, s4, v4;
	v25 =	vld [tilespmem:s5+$0x20]  }
0xa8: {  	vm0 =	vgt.f32 v30, v6;
	v23 =	vadd.f32 v26, v23;
	v24 =	vadd.f32 v20, v28;
	v19 =	vld [tilespmem:s5+$0xFFFFFFF0];
	v0 =	vmovc v1  }
0xa9: {  	v9 =	vsel vm0, s4, v9;
	vm2 =	vgt.f32 v21, v7;
	vm1 =	vgt.f32 v22, v8;
	v1 =	vld [tilespmem:s6+$0x20]  }
0xaa: {  	v7 =	vsel vm2, v21, v7;
	v8 =	vsel vm1, v22, v8;
	vm3 =	vgt.f32 v23, v10;
	v26 =	vld [tilespmem:s6+$0xFFFFFFC0]  }
0xab: {  	v12 =	vsel vm2, s4, v12;
	v11 =	vsel vm1, s4, v11;
	vm1 =	vgt.f32 v24, v14;
	v21 =	vld [tilespmem:s6+$0xFFFFFFF0]  }
0xac: {  	v6 =	vsel vm0, v30, v6;
	v13 =	vsel vm1, s4, v13;
	v18 =	vadd.f32 v18, v31;
	v20 =	vld [tilespmem:s6+$0x10]  }
0xad: {  	v10 =	vsel vm3, v23, v10;
	v15 =	vsel vm3, s4, v15;
	v14 =	vsel vm1, v24, v14;
	s4 =	smov.u32 s7;
	v22 =	vld [tilespmem:s5+$0xFFFFFFD0]  }
.Ltmp2:
0xae: {  	vm0 =	vgt.f32 v18, v16;
	v23 =	vld [tilespmem:s5+$0xFFFFFFE0];
	v24 =	vadd.f32 v1, v25;
	(pc) =	sbr.rel @p0 .LBB2_6-.Ltmp2, $4  }
0xaf: {  	v16 =	vsel vm0, v18, v16;
	v17 =	vsel vm0, s4, v17;
	v25 =	vld [tilespmem:s5+$0x0]  }
0xb0: {  	v18 =	vadd.f32 v26, v29;
	v27 =	vld [tilespmem:s6+$0xFFFFFFD0]  }
0xb1: {  	v26 =	vld [tilespmem:s6+$0xFFFFFFE0]  }
0xb2: {  	s6 =	sadd.s32 $0x80, s6;
	v28 =	vld [tilespmem:s5+$0x10]  }
0xb3: {  	_ =	swait.ge [sflag:s28], $0x1400  }
0xb4: {  	[sflag:s28] =	ssyncset.done $0x0  }
0xb5: {  	[sflag:s28] =	ssyncadd.s32 $0xFFFFEC00  }
0xb6: {  	_ =	swait.ge [sflag:s29], $0x1400  }
0xb7: {  	[sflag:s29] =	ssyncset.done $0x0  }
0xb8: {  	s3 =	rddreg [dreg:$0xa];
	[sflag:s29] =	ssyncadd.s32 $0xFFFFEC00  }
0xb9: {  	[tilespmem:s1], [sflag:$0x1] =	stream.strided.gather [hbm4b:s3+s24], $0x1400, s25, s24, $0x38;
	[tilespmem:$0x5080] =	vst v63  }
0xba: {  	s6 =	simm.s32 $0x3C40;
	s7 =	rddreg [dreg:$0xb]  }
0xbb: {  	[tilespmem:s26], [sflag:$0x2] =	stream.strided.gather [hbm4b:s7+s24], $0x1400, s25, s24, $0x38;
	[tilespmem:$0x5080] =	vst v63  }
0xbc: {  	s5 =	simm.s32 $0x2840;
	v1 =	vld [tilespmem:s6+$0x0]  }
0xbd: {  	v29 =	vld [tilespmem:s5+$0xFFFFFFC0]  }
0xbe: {  	v30 =	vld [tilespmem:s6+$0x30]  }
0xbf: {  	v31 =	vld [tilespmem:s5+$0x30]  }
0xc0: {  	vm0 =	vgt.f32 v18, v3;
	v32 =	vld [tilespmem:s5+$0x20]  }
0xc1: {  	v3 =	vsel vm0, v18, v3;
	v18 =	vld [tilespmem:s5+$0xFFFFFFF0]  }
0xc2: {  	v19 =	vadd.f32 v21, v19;
	vm1 =	vgt.f32 v24, v5;
	v22 =	vadd.f32 v27, v22;
	v27 =	vld [tilespmem:s6+$0x20]  }
0xc3: {  	v0 =	vadd.f32 v0, v25;
	v5 =	vsel vm1, v24, v5;
	v2 =	vsel vm0, s4, v2;
	v33 =	vld [tilespmem:s6+$0xFFFFFFC0]  }
0xc4: {  	v4 =	vsel vm1, s4, v4;
	vm13 =	vgt.f32 v19, v6;
	v24 =	vadd.f32 v26, v23;
	v21 =	vld [tilespmem:s6+$0xFFFFFFF0]  }
0xc5: {  	v9 =	vsel vm13, s4, v9;
	v25 =	vadd.f32 v20, v28;
	vm12 =	vgt.f32 v22, v8;
	v20 =	vld [tilespmem:s6+$0x10]  }
0xc6: {  	vm2 =	vgt.f32 v0, v7;
	v6 =	vsel vm13, v19, v6;
	v8 =	vsel vm12, v22, v8;
	v22 =	vld [tilespmem:s5+$0xFFFFFFD0]  }
0xc7: {  	v7 =	vsel vm2, v0, v7;
	v12 =	vsel vm2, s4, v12;
	vm3 =	vgt.f32 v25, v14;
	v23 =	vld [tilespmem:s5+$0xFFFFFFE0]  }
0xc8: {  	vm14 =	vgt.f32 v24, v10;
	v14 =	vsel vm3, v25, v14;
	v25 =	vld [tilespmem:s5+$0x0];
	v19 =	vadd.f32 v30, v31  }
0xc9: {  	v11 =	vsel vm12, s4, v11;
	v10 =	vsel vm14, v24, v10;
	v15 =	vsel vm14, s4, v15;
	v26 =	vld [tilespmem:s6+$0xFFFFFFE0]  }
0xca: {  	s3 =	simm.s32 $0x78;
	v13 =	vsel vm3, s4, v13;
	v28 =	vld [tilespmem:s5+$0x10];
	v24 =	vadd.f32 v27, v32;
	vm15 =	vgt.f32 v19, v16  }
0xcb: {  	s4 =	simm.s32 $0x79;
	v27 =	vld [tilespmem:s6+$0xFFFFFFD0];
	s6 =	simm.s32 $0x3CC0;
	v16 =	vsel vm15, v19, v16;
	v17 =	vsel vm15, s3, v17;
	v19 =	vadd.f32 v33, v29  }
.LBB2_8:
0xcc: {  	p0 =	sne.s32 s4, $0x9F  }
0xcd: {  	v0 =	vld [tilespmem:s6+$0x0];
	vm0 =	vgt.f32 v19, v3;
	s5 =	sadd.s32 $0x80, s5;
	s7 =	smov.u32 s4;
	s4 =	sadd.s32 $0x1, s4  }
0xce: {  	v29 =	vld [tilespmem:s5+$0xFFFFFFC0];
	v3 =	vsel vm0, v19, v3;
	v2 =	vsel vm0, s3, v2  }
0xcf: {  	v30 =	vadd.f32 v21, v18;
	vm0 =	vgt.f32 v24, v5;
	v19 =	vld [tilespmem:s6+$0x30]  }
0xd0: {  	v21 =	vadd.f32 v1, v25;
	v31 =	vld [tilespmem:s5+$0x30]  }
0xd1: {  	v22 =	vadd.f32 v27, v22;
	v5 =	vsel vm0, v24, v5;
	v4 =	vsel vm0, s3, v4;
	v25 =	vld [tilespmem:s5+$0x20]  }
0xd2: {  	vm0 =	vgt.f32 v30, v6;
	v23 =	vadd.f32 v26, v23;
	v24 =	vadd.f32 v20, v28;
	v18 =	vld [tilespmem:s5+$0xFFFFFFF0];
	v1 =	vmovc v0  }
0xd3: {  	v9 =	vsel vm0, s3, v9;
	vm2 =	vgt.f32 v21, v7;
	vm1 =	vgt.f32 v22, v8;
	v0 =	vld [tilespmem:s6+$0x20]  }
0xd4: {  	v7 =	vsel vm2, v21, v7;
	v8 =	vsel vm1, v22, v8;
	vm3 =	vgt.f32 v23, v10;
	v26 =	vld [tilespmem:s6+$0xFFFFFFC0]  }
0xd5: {  	v12 =	vsel vm2, s3, v12;
	v11 =	vsel vm1, s3, v11;
	vm1 =	vgt.f32 v24, v14;
	v21 =	vld [tilespmem:s6+$0xFFFFFFF0]  }
0xd6: {  	v6 =	vsel vm0, v30, v6;
	v13 =	vsel vm1, s3, v13;
	v19 =	vadd.f32 v19, v31;
	v20 =	vld [tilespmem:s6+$0x10]  }
0xd7: {  	v10 =	vsel vm3, v23, v10;
	v15 =	vsel vm3, s3, v15;
	v14 =	vsel vm1, v24, v14;
	s3 =	smov.u32 s7;
	v22 =	vld [tilespmem:s5+$0xFFFFFFD0]  }
.Ltmp3:
0xd8: {  	vm0 =	vgt.f32 v19, v16;
	v23 =	vld [tilespmem:s5+$0xFFFFFFE0];
	v24 =	vadd.f32 v0, v25;
	(pc) =	sbr.rel @p0 .LBB2_8-.Ltmp3, $4  }
0xd9: {  	v16 =	vsel vm0, v19, v16;
	v17 =	vsel vm0, s3, v17;
	v25 =	vld [tilespmem:s5+$0x0]  }
0xda: {  	v19 =	vadd.f32 v26, v29;
	v27 =	vld [tilespmem:s6+$0xFFFFFFD0]  }
0xdb: {  	v26 =	vld [tilespmem:s6+$0xFFFFFFE0]  }
0xdc: {  	s6 =	sadd.s32 $0x80, s6;
	v28 =	vld [tilespmem:s5+$0x10]  }
0xdd: {  	_ =	swait.ge [sflag:s28], $0x1400  }
0xde: {  	[sflag:s28] =	ssyncset.done $0x0  }
0xdf: {  	[sflag:s28] =	ssyncadd.s32 $0xFFFFEC00  }
0xe0: {  	_ =	swait.ge [sflag:s29], $0x1400  }
0xe1: {  	[sflag:s29] =	ssyncset.done $0x0  }
0xe2: {  	s4 =	rddreg [dreg:$0xc];
	[sflag:s29] =	ssyncadd.s32 $0xFFFFEC00  }
0xe3: {  	[tilespmem:s30], [sflag:$0x1] =	stream.strided.gather [hbm4b:s4+s24], $0x1400, s25, s24, $0x38;
	[tilespmem:$0x5080] =	vst v63  }
0xe4: {  	s6 =	simm.s32 $0x1440;
	s7 =	rddreg [dreg:$0xd]  }
0xe5: {  	[tilespmem:s31], [sflag:$0x2] =	stream.strided.gather [hbm4b:s7+s24], $0x1400, s25, s24, $0x38;
	[tilespmem:$0x5080] =	vst v63  }
0xe6: {  	s5 =	simm.s32 $0x40;
	v0 =	vld [tilespmem:s6+$0x0]  }
0xe7: {  	v29 =	vld [tilespmem:s5+$0xFFFFFFC0]  }
0xe8: {  	v30 =	vld [tilespmem:s6+$0x30]  }
0xe9: {  	v31 =	vld [tilespmem:s5+$0x30]  }
0xea: {  	vm0 =	vgt.f32 v19, v3;
	v32 =	vld [tilespmem:s5+$0x20]  }
0xeb: {  	v3 =	vsel vm0, v19, v3;
	v19 =	vld [tilespmem:s5+$0xFFFFFFF0]  }
0xec: {  	v18 =	vadd.f32 v21, v18;
	vm1 =	vgt.f32 v24, v5;
	v22 =	vadd.f32 v27, v22;
	v27 =	vld [tilespmem:s6+$0x20]  }
0xed: {  	v1 =	vadd.f32 v1, v25;
	v5 =	vsel vm1, v24, v5;
	v2 =	vsel vm0, s3, v2;
	v33 =	vld [tilespmem:s6+$0xFFFFFFC0]  }
0xee: {  	v4 =	vsel vm1, s3, v4;
	vm13 =	vgt.f32 v18, v6;
	v24 =	vadd.f32 v26, v23;
	v21 =	vld [tilespmem:s6+$0xFFFFFFF0]  }
0xef: {  	v9 =	vsel vm13, s3, v9;
	v25 =	vadd.f32 v20, v28;
	vm12 =	vgt.f32 v22, v8;
	v20 =	vld [tilespmem:s6+$0x10]  }
0xf0: {  	vm2 =	vgt.f32 v1, v7;
	v6 =	vsel vm13, v18, v6;
	v8 =	vsel vm12, v22, v8;
	v22 =	vld [tilespmem:s5+$0xFFFFFFD0]  }
0xf1: {  	v7 =	vsel vm2, v1, v7;
	v12 =	vsel vm2, s3, v12;
	vm3 =	vgt.f32 v25, v14;
	v23 =	vld [tilespmem:s5+$0xFFFFFFE0]  }
0xf2: {  	vm14 =	vgt.f32 v24, v10;
	v14 =	vsel vm3, v25, v14;
	v25 =	vld [tilespmem:s5+$0x0];
	v18 =	vadd.f32 v30, v31  }
0xf3: {  	v11 =	vsel vm12, s3, v11;
	v10 =	vsel vm14, v24, v10;
	v15 =	vsel vm14, s3, v15;
	v26 =	vld [tilespmem:s6+$0xFFFFFFE0]  }
0xf4: {  	s4 =	simm.s32 $0xA0;
	v13 =	vsel vm3, s3, v13;
	v28 =	vld [tilespmem:s5+$0x10];
	v24 =	vadd.f32 v27, v32;
	vm15 =	vgt.f32 v18, v16  }
0xf5: {  	s3 =	simm.s32 $0xA1;
	v27 =	vld [tilespmem:s6+$0xFFFFFFD0];
	s6 =	simm.s32 $0x14C0;
	v16 =	vsel vm15, v18, v16;
	v17 =	vsel vm15, s4, v17;
	v18 =	vadd.f32 v33, v29  }
.LBB2_10:
0xf6: {  	p0 =	sne.s32 s3, $0xC7  }
0xf7: {  	v1 =	vld [tilespmem:s6+$0x0];
	vm0 =	vgt.f32 v18, v3;
	s5 =	sadd.s32 $0x80, s5;
	s7 =	smov.u32 s3;
	s3 =	sadd.s32 $0x1, s3  }
0xf8: {  	v29 =	vld [tilespmem:s5+$0xFFFFFFC0];
	v3 =	vsel vm0, v18, v3;
	v2 =	vsel vm0, s4, v2  }
0xf9: {  	v30 =	vadd.f32 v21, v19;
	vm0 =	vgt.f32 v24, v5;
	v18 =	vld [tilespmem:s6+$0x30]  }
0xfa: {  	v21 =	vadd.f32 v0, v25;
	v31 =	vld [tilespmem:s5+$0x30]  }
0xfb: {  	v22 =	vadd.f32 v27, v22;
	v5 =	vsel vm0, v24, v5;
	v4 =	vsel vm0, s4, v4;
	v25 =	vld [tilespmem:s5+$0x20]  }
0xfc: {  	vm0 =	vgt.f32 v30, v6;
	v23 =	vadd.f32 v26, v23;
	v24 =	vadd.f32 v20, v28;
	v19 =	vld [tilespmem:s5+$0xFFFFFFF0];
	v0 =	vmovc v1  }
0xfd: {  	v9 =	vsel vm0, s4, v9;
	vm2 =	vgt.f32 v21, v7;
	vm1 =	vgt.f32 v22, v8;
	v1 =	vld [tilespmem:s6+$0x20]  }
0xfe: {  	v7 =	vsel vm2, v21, v7;
	v8 =	vsel vm1, v22, v8;
	vm3 =	vgt.f32 v23, v10;
	v26 =	vld [tilespmem:s6+$0xFFFFFFC0]  }
0xff: {  	v12 =	vsel vm2, s4, v12;
	v11 =	vsel vm1, s4, v11;
	vm1 =	vgt.f32 v24, v14;
	v21 =	vld [tilespmem:s6+$0xFFFFFFF0]  }
0x100: {  	v6 =	vsel vm0, v30, v6;
	v13 =	vsel vm1, s4, v13;
	v18 =	vadd.f32 v18, v31;
	v20 =	vld [tilespmem:s6+$0x10]  }
0x101: {  	v10 =	vsel vm3, v23, v10;
	v15 =	vsel vm3, s4, v15;
	v14 =	vsel vm1, v24, v14;
	s4 =	smov.u32 s7;
	v22 =	vld [tilespmem:s5+$0xFFFFFFD0]  }
.Ltmp4:
0x102: {  	vm0 =	vgt.f32 v18, v16;
	v23 =	vld [tilespmem:s5+$0xFFFFFFE0];
	v24 =	vadd.f32 v1, v25;
	(pc) =	sbr.rel @p0 .LBB2_10-.Ltmp4, $4  }
0x103: {  	v16 =	vsel vm0, v18, v16;
	v17 =	vsel vm0, s4, v17;
	v25 =	vld [tilespmem:s5+$0x0]  }
0x104: {  	v18 =	vadd.f32 v26, v29;
	v27 =	vld [tilespmem:s6+$0xFFFFFFD0]  }
0x105: {  	v26 =	vld [tilespmem:s6+$0xFFFFFFE0]  }
0x106: {  	s6 =	sadd.s32 $0x80, s6;
	v28 =	vld [tilespmem:s5+$0x10]  }
0x107: {  	_ =	swait.ge [sflag:s28], $0x1400  }
0x108: {  	[sflag:s28] =	ssyncset.done $0x0  }
0x109: {  	[sflag:s28] =	ssyncadd.s32 $0xFFFFEC00  }
0x10a: {  	_ =	swait.ge [sflag:s29], $0x1400  }
0x10b: {  	[sflag:s29] =	ssyncset.done $0x0  }
0x10c: {  	s3 =	rddreg [dreg:$0xe];
	[sflag:s29] =	ssyncadd.s32 $0xFFFFEC00  }
0x10d: {  	[tilespmem:s1], [sflag:$0x1] =	stream.strided.gather [hbm4b:s3+s24], $0x1400, s25, s24, $0x38;
	[tilespmem:$0x5080] =	vst v63  }
0x10e: {  	s6 =	simm.s32 $0x3C40;
	s7 =	rddreg [dreg:$0xf]  }
0x10f: {  	[tilespmem:s26], [sflag:$0x2] =	stream.strided.gather [hbm4b:s7+s24], $0x1400, s25, s24, $0x38;
	[tilespmem:$0x5080] =	vst v63  }
0x110: {  	s5 =	simm.s32 $0x2840;
	v1 =	vld [tilespmem:s6+$0x0]  }
0x111: {  	v29 =	vld [tilespmem:s5+$0xFFFFFFC0]  }
0x112: {  	v30 =	vld [tilespmem:s6+$0x30]  }
0x113: {  	v31 =	vld [tilespmem:s5+$0x30]  }
0x114: {  	vm0 =	vgt.f32 v18, v3;
	v32 =	vld [tilespmem:s5+$0x20]  }
0x115: {  	v3 =	vsel vm0, v18, v3;
	v18 =	vld [tilespmem:s5+$0xFFFFFFF0]  }
0x116: {  	v19 =	vadd.f32 v21, v19;
	vm1 =	vgt.f32 v24, v5;
	v22 =	vadd.f32 v27, v22;
	v27 =	vld [tilespmem:s6+$0x20]  }
0x117: {  	v0 =	vadd.f32 v0, v25;
	v5 =	vsel vm1, v24, v5;
	v2 =	vsel vm0, s4, v2;
	v33 =	vld [tilespmem:s6+$0xFFFFFFC0]  }
0x118: {  	v4 =	vsel vm1, s4, v4;
	vm13 =	vgt.f32 v19, v6;
	v24 =	vadd.f32 v26, v23;
	v21 =	vld [tilespmem:s6+$0xFFFFFFF0]  }
0x119: {  	v9 =	vsel vm13, s4, v9;
	v25 =	vadd.f32 v20, v28;
	vm12 =	vgt.f32 v22, v8;
	v20 =	vld [tilespmem:s6+$0x10]  }
0x11a: {  	vm2 =	vgt.f32 v0, v7;
	v6 =	vsel vm13, v19, v6;
	v8 =	vsel vm12, v22, v8;
	v22 =	vld [tilespmem:s5+$0xFFFFFFD0]  }
0x11b: {  	v7 =	vsel vm2, v0, v7;
	v12 =	vsel vm2, s4, v12;
	vm3 =	vgt.f32 v25, v14;
	v23 =	vld [tilespmem:s5+$0xFFFFFFE0]  }
0x11c: {  	vm14 =	vgt.f32 v24, v10;
	v14 =	vsel vm3, v25, v14;
	v25 =	vld [tilespmem:s5+$0x0];
	v19 =	vadd.f32 v30, v31  }
0x11d: {  	v11 =	vsel vm12, s4, v11;
	v10 =	vsel vm14, v24, v10;
	v15 =	vsel vm14, s4, v15;
	v26 =	vld [tilespmem:s6+$0xFFFFFFE0]  }
0x11e: {  	s3 =	simm.s32 $0xC8;
	v13 =	vsel vm3, s4, v13;
	v28 =	vld [tilespmem:s5+$0x10];
	v24 =	vadd.f32 v27, v32;
	vm15 =	vgt.f32 v19, v16  }
0x11f: {  	s4 =	simm.s32 $0xC9;
	v27 =	vld [tilespmem:s6+$0xFFFFFFD0];
	s6 =	simm.s32 $0x3CC0;
	v16 =	vsel vm15, v19, v16;
	v17 =	vsel vm15, s3, v17;
	v19 =	vadd.f32 v33, v29  }
.LBB2_12:
0x120: {  	p0 =	sne.s32 s4, $0xEF  }
0x121: {  	v0 =	vld [tilespmem:s6+$0x0];
	vm0 =	vgt.f32 v19, v3;
	s5 =	sadd.s32 $0x80, s5;
	s7 =	smov.u32 s4;
	s4 =	sadd.s32 $0x1, s4  }
0x122: {  	v29 =	vld [tilespmem:s5+$0xFFFFFFC0];
	v3 =	vsel vm0, v19, v3;
	v2 =	vsel vm0, s3, v2  }
0x123: {  	v30 =	vadd.f32 v21, v18;
	vm0 =	vgt.f32 v24, v5;
	v19 =	vld [tilespmem:s6+$0x30]  }
0x124: {  	v21 =	vadd.f32 v1, v25;
	v31 =	vld [tilespmem:s5+$0x30]  }
0x125: {  	v22 =	vadd.f32 v27, v22;
	v5 =	vsel vm0, v24, v5;
	v4 =	vsel vm0, s3, v4;
	v25 =	vld [tilespmem:s5+$0x20]  }
0x126: {  	vm0 =	vgt.f32 v30, v6;
	v23 =	vadd.f32 v26, v23;
	v24 =	vadd.f32 v20, v28;
	v18 =	vld [tilespmem:s5+$0xFFFFFFF0];
	v1 =	vmovc v0  }
0x127: {  	v9 =	vsel vm0, s3, v9;
	vm2 =	vgt.f32 v21, v7;
	vm1 =	vgt.f32 v22, v8;
	v0 =	vld [tilespmem:s6+$0x20]  }
0x128: {  	v7 =	vsel vm2, v21, v7;
	v8 =	vsel vm1, v22, v8;
	vm3 =	vgt.f32 v23, v10;
	v26 =	vld [tilespmem:s6+$0xFFFFFFC0]  }
0x129: {  	v12 =	vsel vm2, s3, v12;
	v11 =	vsel vm1, s3, v11;
	vm1 =	vgt.f32 v24, v14;
	v21 =	vld [tilespmem:s6+$0xFFFFFFF0]  }
0x12a: {  	v6 =	vsel vm0, v30, v6;
	v13 =	vsel vm1, s3, v13;
	v19 =	vadd.f32 v19, v31;
	v20 =	vld [tilespmem:s6+$0x10]  }
0x12b: {  	v10 =	vsel vm3, v23, v10;
	v15 =	vsel vm3, s3, v15;
	v14 =	vsel vm1, v24, v14;
	s3 =	smov.u32 s7;
	v22 =	vld [tilespmem:s5+$0xFFFFFFD0]  }
.Ltmp5:
0x12c: {  	vm0 =	vgt.f32 v19, v16;
	v23 =	vld [tilespmem:s5+$0xFFFFFFE0];
	v24 =	vadd.f32 v0, v25;
	(pc) =	sbr.rel @p0 .LBB2_12-.Ltmp5, $4  }
0x12d: {  	v16 =	vsel vm0, v19, v16;
	v17 =	vsel vm0, s3, v17;
	v25 =	vld [tilespmem:s5+$0x0]  }
0x12e: {  	v19 =	vadd.f32 v26, v29;
	v27 =	vld [tilespmem:s6+$0xFFFFFFD0]  }
0x12f: {  	v26 =	vld [tilespmem:s6+$0xFFFFFFE0]  }
0x130: {  	s6 =	sadd.s32 $0x80, s6;
	v28 =	vld [tilespmem:s5+$0x10]  }
0x131: {  	_ =	swait.ge [sflag:s28], $0x1400  }
0x132: {  	[sflag:s28] =	ssyncset.done $0x0  }
0x133: {  	[sflag:s28] =	ssyncadd.s32 $0xFFFFEC00  }
0x134: {  	_ =	swait.ge [sflag:s29], $0x1400  }
0x135: {  	[sflag:s29] =	ssyncset.done $0x0  }
0x136: {  	s4 =	rddreg [dreg:$0x10];
	[sflag:s29] =	ssyncadd.s32 $0xFFFFEC00  }
0x137: {  	[tilespmem:s30], [sflag:$0x1] =	stream.strided.gather [hbm4b:s4+s24], $0x1400, s25, s24, $0x38;
	[tilespmem:$0x5080] =	vst v63  }
0x138: {  	s6 =	simm.s32 $0x1440;
	s7 =	rddreg [dreg:$0x11]  }
0x139: {  	[tilespmem:s31], [sflag:$0x2] =	stream.strided.gather [hbm4b:s7+s24], $0x1400, s25, s24, $0x38;
	[tilespmem:$0x5080] =	vst v63  }
0x13a: {  	s5 =	simm.s32 $0x40;
	v0 =	vld [tilespmem:s6+$0x0]  }
0x13b: {  	v29 =	vld [tilespmem:s5+$0xFFFFFFC0]  }
0x13c: {  	v30 =	vld [tilespmem:s6+$0x30]  }
0x13d: {  	v31 =	vld [tilespmem:s5+$0x30]  }
0x13e: {  	vm0 =	vgt.f32 v19, v3;
	v32 =	vld [tilespmem:s5+$0x20]  }
0x13f: {  	v3 =	vsel vm0, v19, v3;
	v19 =	vld [tilespmem:s5+$0xFFFFFFF0]  }
0x140: {  	v18 =	vadd.f32 v21, v18;
	vm1 =	vgt.f32 v24, v5;
	v22 =	vadd.f32 v27, v22;
	v27 =	vld [tilespmem:s6+$0x20]  }
0x141: {  	v1 =	vadd.f32 v1, v25;
	v5 =	vsel vm1, v24, v5;
	v2 =	vsel vm0, s3, v2;
	v33 =	vld [tilespmem:s6+$0xFFFFFFC0]  }
0x142: {  	v4 =	vsel vm1, s3, v4;
	vm13 =	vgt.f32 v18, v6;
	v24 =	vadd.f32 v26, v23;
	v21 =	vld [tilespmem:s6+$0xFFFFFFF0]  }
0x143: {  	v9 =	vsel vm13, s3, v9;
	v25 =	vadd.f32 v20, v28;
	vm12 =	vgt.f32 v22, v8;
	v20 =	vld [tilespmem:s6+$0x10]  }
0x144: {  	vm2 =	vgt.f32 v1, v7;
	v6 =	vsel vm13, v18, v6;
	v8 =	vsel vm12, v22, v8;
	v22 =	vld [tilespmem:s5+$0xFFFFFFD0]  }
0x145: {  	v7 =	vsel vm2, v1, v7;
	v12 =	vsel vm2, s3, v12;
	vm3 =	vgt.f32 v25, v14;
	v23 =	vld [tilespmem:s5+$0xFFFFFFE0]  }
0x146: {  	vm14 =	vgt.f32 v24, v10;
	v14 =	vsel vm3, v25, v14;
	v25 =	vld [tilespmem:s5+$0x0];
	v18 =	vadd.f32 v30, v31  }
0x147: {  	v11 =	vsel vm12, s3, v11;
	v10 =	vsel vm14, v24, v10;
	v15 =	vsel vm14, s3, v15;
	v26 =	vld [tilespmem:s6+$0xFFFFFFE0]  }
0x148: {  	s4 =	simm.s32 $0xF0;
	v13 =	vsel vm3, s3, v13;
	v28 =	vld [tilespmem:s5+$0x10];
	v24 =	vadd.f32 v27, v32;
	vm15 =	vgt.f32 v18, v16  }
0x149: {  	s3 =	simm.s32 $0xF1;
	v27 =	vld [tilespmem:s6+$0xFFFFFFD0];
	s6 =	simm.s32 $0x14C0;
	v16 =	vsel vm15, v18, v16;
	v17 =	vsel vm15, s4, v17;
	v18 =	vadd.f32 v33, v29  }
.LBB2_14:
0x14a: {  	p0 =	sne.s32 s3, $0x117  }
0x14b: {  	v1 =	vld [tilespmem:s6+$0x0];
	vm0 =	vgt.f32 v18, v3;
	s5 =	sadd.s32 $0x80, s5;
	s7 =	smov.u32 s3;
	s3 =	sadd.s32 $0x1, s3  }
0x14c: {  	v29 =	vld [tilespmem:s5+$0xFFFFFFC0];
	v3 =	vsel vm0, v18, v3;
	v2 =	vsel vm0, s4, v2  }
0x14d: {  	v30 =	vadd.f32 v21, v19;
	vm0 =	vgt.f32 v24, v5;
	v18 =	vld [tilespmem:s6+$0x30]  }
0x14e: {  	v21 =	vadd.f32 v0, v25;
	v31 =	vld [tilespmem:s5+$0x30]  }
0x14f: {  	v22 =	vadd.f32 v27, v22;
	v5 =	vsel vm0, v24, v5;
	v4 =	vsel vm0, s4, v4;
	v25 =	vld [tilespmem:s5+$0x20]  }
0x150: {  	vm0 =	vgt.f32 v30, v6;
	v23 =	vadd.f32 v26, v23;
	v24 =	vadd.f32 v20, v28;
	v19 =	vld [tilespmem:s5+$0xFFFFFFF0];
	v0 =	vmovc v1  }
0x151: {  	v9 =	vsel vm0, s4, v9;
	vm2 =	vgt.f32 v21, v7;
	vm1 =	vgt.f32 v22, v8;
	v1 =	vld [tilespmem:s6+$0x20]  }
0x152: {  	v7 =	vsel vm2, v21, v7;
	v8 =	vsel vm1, v22, v8;
	vm3 =	vgt.f32 v23, v10;
	v26 =	vld [tilespmem:s6+$0xFFFFFFC0]  }
0x153: {  	v12 =	vsel vm2, s4, v12;
	v11 =	vsel vm1, s4, v11;
	vm1 =	vgt.f32 v24, v14;
	v21 =	vld [tilespmem:s6+$0xFFFFFFF0]  }
0x154: {  	v6 =	vsel vm0, v30, v6;
	v13 =	vsel vm1, s4, v13;
	v18 =	vadd.f32 v18, v31;
	v20 =	vld [tilespmem:s6+$0x10]  }
0x155: {  	v10 =	vsel vm3, v23, v10;
	v15 =	vsel vm3, s4, v15;
	v14 =	vsel vm1, v24, v14;
	s4 =	smov.u32 s7;
	v22 =	vld [tilespmem:s5+$0xFFFFFFD0]  }
.Ltmp6:
0x156: {  	vm0 =	vgt.f32 v18, v16;
	v23 =	vld [tilespmem:s5+$0xFFFFFFE0];
	v24 =	vadd.f32 v1, v25;
	(pc) =	sbr.rel @p0 .LBB2_14-.Ltmp6, $4  }
0x157: {  	v16 =	vsel vm0, v18, v16;
	v17 =	vsel vm0, s4, v17;
	v25 =	vld [tilespmem:s5+$0x0]  }
0x158: {  	v18 =	vadd.f32 v26, v29;
	v27 =	vld [tilespmem:s6+$0xFFFFFFD0]  }
0x159: {  	v26 =	vld [tilespmem:s6+$0xFFFFFFE0]  }
0x15a: {  	s6 =	sadd.s32 $0x80, s6;
	v28 =	vld [tilespmem:s5+$0x10]  }
0x15b: {  	_ =	swait.ge [sflag:s28], $0x1400  }
0x15c: {  	[sflag:s28] =	ssyncset.done $0x0  }
0x15d: {  	[sflag:s28] =	ssyncadd.s32 $0xFFFFEC00  }
0x15e: {  	_ =	swait.ge [sflag:s29], $0x1400  }
0x15f: {  	[sflag:s29] =	ssyncset.done $0x0  }
0x160: {  	s3 =	rddreg [dreg:$0x12];
	[sflag:s29] =	ssyncadd.s32 $0xFFFFEC00  }
0x161: {  	[tilespmem:s1], [sflag:$0x1] =	stream.strided.gather [hbm4b:s3+s24], $0x1400, s25, s24, $0x38;
	[tilespmem:$0x5080] =	vst v63  }
0x162: {  	s6 =	simm.s32 $0x3C40;
	s7 =	rddreg [dreg:$0x13]  }
0x163: {  	[tilespmem:s26], [sflag:$0x2] =	stream.strided.gather [hbm4b:s7+s24], $0x1400, s25, s24, $0x38;
	[tilespmem:$0x5080] =	vst v63  }
0x164: {  	s5 =	simm.s32 $0x2840;
	v1 =	vld [tilespmem:s6+$0x0]  }
0x165: {  	v29 =	vld [tilespmem:s5+$0xFFFFFFC0]  }
0x166: {  	v30 =	vld [tilespmem:s6+$0x30]  }
0x167: {  	v31 =	vld [tilespmem:s5+$0x30]  }
0x168: {  	vm0 =	vgt.f32 v18, v3;
	v32 =	vld [tilespmem:s5+$0x20]  }
0x169: {  	v3 =	vsel vm0, v18, v3;
	v18 =	vld [tilespmem:s5+$0xFFFFFFF0]  }
0x16a: {  	v19 =	vadd.f32 v21, v19;
	vm1 =	vgt.f32 v24, v5;
	v22 =	vadd.f32 v27, v22;
	v27 =	vld [tilespmem:s6+$0x20]  }
0x16b: {  	v0 =	vadd.f32 v0, v25;
	v5 =	vsel vm1, v24, v5;
	v2 =	vsel vm0, s4, v2;
	v33 =	vld [tilespmem:s6+$0xFFFFFFC0]  }
0x16c: {  	v4 =	vsel vm1, s4, v4;
	vm13 =	vgt.f32 v19, v6;
	v24 =	vadd.f32 v26, v23;
	v21 =	vld [tilespmem:s6+$0xFFFFFFF0]  }
0x16d: {  	v9 =	vsel vm13, s4, v9;
	v25 =	vadd.f32 v20, v28;
	vm12 =	vgt.f32 v22, v8;
	v20 =	vld [tilespmem:s6+$0x10]  }
0x16e: {  	vm2 =	vgt.f32 v0, v7;
	v6 =	vsel vm13, v19, v6;
	v8 =	vsel vm12, v22, v8;
	v22 =	vld [tilespmem:s5+$0xFFFFFFD0]  }
0x16f: {  	v7 =	vsel vm2, v0, v7;
	v12 =	vsel vm2, s4, v12;
	vm3 =	vgt.f32 v25, v14;
	v23 =	vld [tilespmem:s5+$0xFFFFFFE0]  }
0x170: {  	vm14 =	vgt.f32 v24, v10;
	v14 =	vsel vm3, v25, v14;
	v25 =	vld [tilespmem:s5+$0x0];
	v19 =	vadd.f32 v30, v31  }
0x171: {  	v11 =	vsel vm12, s4, v11;
	v10 =	vsel vm14, v24, v10;
	v15 =	vsel vm14, s4, v15;
	v26 =	vld [tilespmem:s6+$0xFFFFFFE0]  }
0x172: {  	s3 =	simm.s32 $0x118;
	v13 =	vsel vm3, s4, v13;
	v28 =	vld [tilespmem:s5+$0x10];
	v24 =	vadd.f32 v27, v32;
	vm15 =	vgt.f32 v19, v16  }
0x173: {  	s4 =	simm.s32 $0x119;
	v27 =	vld [tilespmem:s6+$0xFFFFFFD0];
	s6 =	simm.s32 $0x3CC0;
	v16 =	vsel vm15, v19, v16;
	v17 =	vsel vm15, s3, v17;
	v19 =	vadd.f32 v33, v29  }
.LBB2_16:
0x174: {  	p0 =	sne.s32 s4, $0x13F  }
0x175: {  	v0 =	vld [tilespmem:s6+$0x0];
	vm0 =	vgt.f32 v19, v3;
	s5 =	sadd.s32 $0x80, s5;
	s7 =	smov.u32 s4;
	s4 =	sadd.s32 $0x1, s4  }
0x176: {  	v29 =	vld [tilespmem:s5+$0xFFFFFFC0];
	v3 =	vsel vm0, v19, v3;
	v2 =	vsel vm0, s3, v2  }
0x177: {  	v30 =	vadd.f32 v21, v18;
	vm0 =	vgt.f32 v24, v5;
	v19 =	vld [tilespmem:s6+$0x30]  }
0x178: {  	v21 =	vadd.f32 v1, v25;
	v31 =	vld [tilespmem:s5+$0x30]  }
0x179: {  	v22 =	vadd.f32 v27, v22;
	v5 =	vsel vm0, v24, v5;
	v4 =	vsel vm0, s3, v4;
	v25 =	vld [tilespmem:s5+$0x20]  }
0x17a: {  	vm0 =	vgt.f32 v30, v6;
	v23 =	vadd.f32 v26, v23;
	v24 =	vadd.f32 v20, v28;
	v18 =	vld [tilespmem:s5+$0xFFFFFFF0];
	v1 =	vmovc v0  }
0x17b: {  	v9 =	vsel vm0, s3, v9;
	vm2 =	vgt.f32 v21, v7;
	vm1 =	vgt.f32 v22, v8;
	v0 =	vld [tilespmem:s6+$0x20]  }
0x17c: {  	v7 =	vsel vm2, v21, v7;
	v8 =	vsel vm1, v22, v8;
	vm3 =	vgt.f32 v23, v10;
	v26 =	vld [tilespmem:s6+$0xFFFFFFC0]  }
0x17d: {  	v12 =	vsel vm2, s3, v12;
	v11 =	vsel vm1, s3, v11;
	vm1 =	vgt.f32 v24, v14;
	v21 =	vld [tilespmem:s6+$0xFFFFFFF0]  }
0x17e: {  	v6 =	vsel vm0, v30, v6;
	v13 =	vsel vm1, s3, v13;
	v19 =	vadd.f32 v19, v31;
	v20 =	vld [tilespmem:s6+$0x10]  }
0x17f: {  	v10 =	vsel vm3, v23, v10;
	v15 =	vsel vm3, s3, v15;
	v14 =	vsel vm1, v24, v14;
	s3 =	smov.u32 s7;
	v22 =	vld [tilespmem:s5+$0xFFFFFFD0]  }
.Ltmp7:
0x180: {  	vm0 =	vgt.f32 v19, v16;
	v23 =	vld [tilespmem:s5+$0xFFFFFFE0];
	v24 =	vadd.f32 v0, v25;
	(pc) =	sbr.rel @p0 .LBB2_16-.Ltmp7, $4  }
0x181: {  	v16 =	vsel vm0, v19, v16;
	v17 =	vsel vm0, s3, v17;
	v25 =	vld [tilespmem:s5+$0x0]  }
0x182: {  	v19 =	vadd.f32 v26, v29;
	v27 =	vld [tilespmem:s6+$0xFFFFFFD0]  }
0x183: {  	v26 =	vld [tilespmem:s6+$0xFFFFFFE0]  }
0x184: {  	s6 =	sadd.s32 $0x80, s6;
	v28 =	vld [tilespmem:s5+$0x10]  }
0x185: {  	_ =	swait.ge [sflag:s28], $0x1400  }
0x186: {  	[sflag:s28] =	ssyncset.done $0x0  }
0x187: {  	[sflag:s28] =	ssyncadd.s32 $0xFFFFEC00  }
0x188: {  	_ =	swait.ge [sflag:s29], $0x1400  }
0x189: {  	[sflag:s29] =	ssyncset.done $0x0  }
0x18a: {  	s4 =	rddreg [dreg:$0x14];
	[sflag:s29] =	ssyncadd.s32 $0xFFFFEC00  }
0x18b: {  	[tilespmem:s30], [sflag:$0x1] =	stream.strided.gather [hbm4b:s4+s24], $0x1400, s25, s24, $0x38;
	[tilespmem:$0x5080] =	vst v63  }
0x18c: {  	s6 =	simm.s32 $0x1440;
	s7 =	rddreg [dreg:$0x15]  }
0x18d: {  	[tilespmem:s31], [sflag:$0x2] =	stream.strided.gather [hbm4b:s7+s24], $0x1400, s25, s24, $0x38;
	[tilespmem:$0x5080] =	vst v63  }
0x18e: {  	s5 =	simm.s32 $0x40;
	v0 =	vld [tilespmem:s6+$0x0]  }
0x18f: {  	v29 =	vld [tilespmem:s5+$0xFFFFFFC0]  }
0x190: {  	v30 =	vld [tilespmem:s6+$0x30]  }
0x191: {  	v31 =	vld [tilespmem:s5+$0x30]  }
0x192: {  	vm0 =	vgt.f32 v19, v3;
	v32 =	vld [tilespmem:s5+$0x20]  }
0x193: {  	v3 =	vsel vm0, v19, v3;
	v19 =	vld [tilespmem:s5+$0xFFFFFFF0]  }
0x194: {  	v18 =	vadd.f32 v21, v18;
	vm1 =	vgt.f32 v24, v5;
	v22 =	vadd.f32 v27, v22;
	v27 =	vld [tilespmem:s6+$0x20]  }
0x195: {  	v1 =	vadd.f32 v1, v25;
	v5 =	vsel vm1, v24, v5;
	v2 =	vsel vm0, s3, v2;
	v33 =	vld [tilespmem:s6+$0xFFFFFFC0]  }
0x196: {  	v4 =	vsel vm1, s3, v4;
	vm13 =	vgt.f32 v18, v6;
	v24 =	vadd.f32 v26, v23;
	v21 =	vld [tilespmem:s6+$0xFFFFFFF0]  }
0x197: {  	v9 =	vsel vm13, s3, v9;
	v25 =	vadd.f32 v20, v28;
	vm12 =	vgt.f32 v22, v8;
	v20 =	vld [tilespmem:s6+$0x10]  }
0x198: {  	vm2 =	vgt.f32 v1, v7;
	v6 =	vsel vm13, v18, v6;
	v8 =	vsel vm12, v22, v8;
	v22 =	vld [tilespmem:s5+$0xFFFFFFD0]  }
0x199: {  	v7 =	vsel vm2, v1, v7;
	v12 =	vsel vm2, s3, v12;
	vm3 =	vgt.f32 v25, v14;
	v23 =	vld [tilespmem:s5+$0xFFFFFFE0]  }
0x19a: {  	vm14 =	vgt.f32 v24, v10;
	v14 =	vsel vm3, v25, v14;
	v25 =	vld [tilespmem:s5+$0x0];
	v18 =	vadd.f32 v30, v31  }
0x19b: {  	v11 =	vsel vm12, s3, v11;
	v10 =	vsel vm14, v24, v10;
	v15 =	vsel vm14, s3, v15;
	v26 =	vld [tilespmem:s6+$0xFFFFFFE0]  }
0x19c: {  	s4 =	simm.s32 $0x140;
	v13 =	vsel vm3, s3, v13;
	v28 =	vld [tilespmem:s5+$0x10];
	v24 =	vadd.f32 v27, v32;
	vm15 =	vgt.f32 v18, v16  }
0x19d: {  	s3 =	simm.s32 $0x141;
	v27 =	vld [tilespmem:s6+$0xFFFFFFD0];
	s6 =	simm.s32 $0x14C0;
	v16 =	vsel vm15, v18, v16;
	v17 =	vsel vm15, s4, v17;
	v18 =	vadd.f32 v33, v29  }
.LBB2_18:
0x19e: {  	p0 =	sne.s32 s3, $0x167  }
0x19f: {  	v1 =	vld [tilespmem:s6+$0x0];
	vm0 =	vgt.f32 v18, v3;
	s5 =	sadd.s32 $0x80, s5;
	s7 =	smov.u32 s3;
	s3 =	sadd.s32 $0x1, s3  }
0x1a0: {  	v29 =	vld [tilespmem:s5+$0xFFFFFFC0];
	v3 =	vsel vm0, v18, v3;
	v2 =	vsel vm0, s4, v2  }
0x1a1: {  	v30 =	vadd.f32 v21, v19;
	vm0 =	vgt.f32 v24, v5;
	v18 =	vld [tilespmem:s6+$0x30]  }
0x1a2: {  	v21 =	vadd.f32 v0, v25;
	v31 =	vld [tilespmem:s5+$0x30]  }
0x1a3: {  	v22 =	vadd.f32 v27, v22;
	v5 =	vsel vm0, v24, v5;
	v4 =	vsel vm0, s4, v4;
	v25 =	vld [tilespmem:s5+$0x20]  }
0x1a4: {  	vm0 =	vgt.f32 v30, v6;
	v23 =	vadd.f32 v26, v23;
	v24 =	vadd.f32 v20, v28;
	v19 =	vld [tilespmem:s5+$0xFFFFFFF0];
	v0 =	vmovc v1  }
0x1a5: {  	v9 =	vsel vm0, s4, v9;
	vm2 =	vgt.f32 v21, v7;
	vm1 =	vgt.f32 v22, v8;
	v1 =	vld [tilespmem:s6+$0x20]  }
0x1a6: {  	v7 =	vsel vm2, v21, v7;
	v8 =	vsel vm1, v22, v8;
	vm3 =	vgt.f32 v23, v10;
	v26 =	vld [tilespmem:s6+$0xFFFFFFC0]  }
0x1a7: {  	v12 =	vsel vm2, s4, v12;
	v11 =	vsel vm1, s4, v11;
	vm1 =	vgt.f32 v24, v14;
	v21 =	vld [tilespmem:s6+$0xFFFFFFF0]  }
0x1a8: {  	v6 =	vsel vm0, v30, v6;
	v13 =	vsel vm1, s4, v13;
	v18 =	vadd.f32 v18, v31;
	v20 =	vld [tilespmem:s6+$0x10]  }
0x1a9: {  	v10 =	vsel vm3, v23, v10;
	v15 =	vsel vm3, s4, v15;
	v14 =	vsel vm1, v24, v14;
	s4 =	smov.u32 s7;
	v22 =	vld [tilespmem:s5+$0xFFFFFFD0]  }
.Ltmp8:
0x1aa: {  	vm0 =	vgt.f32 v18, v16;
	v23 =	vld [tilespmem:s5+$0xFFFFFFE0];
	v24 =	vadd.f32 v1, v25;
	(pc) =	sbr.rel @p0 .LBB2_18-.Ltmp8, $4  }
0x1ab: {  	v16 =	vsel vm0, v18, v16;
	v17 =	vsel vm0, s4, v17;
	v25 =	vld [tilespmem:s5+$0x0]  }
0x1ac: {  	v18 =	vadd.f32 v26, v29;
	v27 =	vld [tilespmem:s6+$0xFFFFFFD0]  }
0x1ad: {  	v26 =	vld [tilespmem:s6+$0xFFFFFFE0]  }
0x1ae: {  	s6 =	sadd.s32 $0x80, s6;
	v28 =	vld [tilespmem:s5+$0x10]  }
0x1af: {  	_ =	swait.ge [sflag:s28], $0x1400  }
0x1b0: {  	[sflag:s28] =	ssyncset.done $0x0  }
0x1b1: {  	[sflag:s28] =	ssyncadd.s32 $0xFFFFEC00  }
0x1b2: {  	_ =	swait.ge [sflag:s29], $0x1400  }
0x1b3: {  	[sflag:s29] =	ssyncset.done $0x0  }
0x1b4: {  	s3 =	rddreg [dreg:$0x16];
	[sflag:s29] =	ssyncadd.s32 $0xFFFFEC00  }
0x1b5: {  	[tilespmem:s1], [sflag:$0x1] =	stream.strided.gather [hbm4b:s3+s24], $0x1400, s25, s24, $0x38;
	[tilespmem:$0x5080] =	vst v63  }
0x1b6: {  	s6 =	simm.s32 $0x3C40;
	s7 =	rddreg [dreg:$0x17]  }
0x1b7: {  	[tilespmem:s26], [sflag:$0x2] =	stream.strided.gather [hbm4b:s7+s24], $0x1400, s25, s24, $0x38;
	[tilespmem:$0x5080] =	vst v63  }
0x1b8: {  	s5 =	simm.s32 $0x2840;
	v1 =	vld [tilespmem:s6+$0x0]  }
0x1b9: {  	v29 =	vld [tilespmem:s5+$0xFFFFFFC0]  }
0x1ba: {  	v30 =	vld [tilespmem:s6+$0x30]  }
0x1bb: {  	v31 =	vld [tilespmem:s5+$0x30]  }
0x1bc: {  	vm0 =	vgt.f32 v18, v3;
	v32 =	vld [tilespmem:s5+$0x20]  }
0x1bd: {  	v3 =	vsel vm0, v18, v3;
	v18 =	vld [tilespmem:s5+$0xFFFFFFF0]  }
0x1be: {  	v19 =	vadd.f32 v21, v19;
	vm1 =	vgt.f32 v24, v5;
	v22 =	vadd.f32 v27, v22;
	v27 =	vld [tilespmem:s6+$0x20]  }
0x1bf: {  	v0 =	vadd.f32 v0, v25;
	v5 =	vsel vm1, v24, v5;
	v2 =	vsel vm0, s4, v2;
	v33 =	vld [tilespmem:s6+$0xFFFFFFC0]  }
0x1c0: {  	v4 =	vsel vm1, s4, v4;
	vm13 =	vgt.f32 v19, v6;
	v24 =	vadd.f32 v26, v23;
	v21 =	vld [tilespmem:s6+$0xFFFFFFF0]  }
0x1c1: {  	v9 =	vsel vm13, s4, v9;
	v25 =	vadd.f32 v20, v28;
	vm12 =	vgt.f32 v22, v8;
	v20 =	vld [tilespmem:s6+$0x10]  }
0x1c2: {  	vm2 =	vgt.f32 v0, v7;
	v6 =	vsel vm13, v19, v6;
	v8 =	vsel vm12, v22, v8;
	v22 =	vld [tilespmem:s5+$0xFFFFFFD0]  }
0x1c3: {  	v7 =	vsel vm2, v0, v7;
	v12 =	vsel vm2, s4, v12;
	vm3 =	vgt.f32 v25, v14;
	v23 =	vld [tilespmem:s5+$0xFFFFFFE0]  }
0x1c4: {  	vm14 =	vgt.f32 v24, v10;
	v14 =	vsel vm3, v25, v14;
	v25 =	vld [tilespmem:s5+$0x0];
	v19 =	vadd.f32 v30, v31  }
0x1c5: {  	v11 =	vsel vm12, s4, v11;
	v10 =	vsel vm14, v24, v10;
	v15 =	vsel vm14, s4, v15;
	v26 =	vld [tilespmem:s6+$0xFFFFFFE0]  }
0x1c6: {  	s3 =	simm.s32 $0x168;
	v13 =	vsel vm3, s4, v13;
	v28 =	vld [tilespmem:s5+$0x10];
	v24 =	vadd.f32 v27, v32;
	vm15 =	vgt.f32 v19, v16  }
0x1c7: {  	s4 =	simm.s32 $0x169;
	v27 =	vld [tilespmem:s6+$0xFFFFFFD0];
	s6 =	simm.s32 $0x3CC0;
	v16 =	vsel vm15, v19, v16;
	v17 =	vsel vm15, s3, v17;
	v19 =	vadd.f32 v33, v29  }
.LBB2_20:
0x1c8: {  	p0 =	sne.s32 s4, $0x18F  }
0x1c9: {  	v0 =	vld [tilespmem:s6+$0x0];
	vm0 =	vgt.f32 v19, v3;
	s5 =	sadd.s32 $0x80, s5;
	s7 =	smov.u32 s4;
	s4 =	sadd.s32 $0x1, s4  }
0x1ca: {  	v29 =	vld [tilespmem:s5+$0xFFFFFFC0];
	v3 =	vsel vm0, v19, v3;
	v2 =	vsel vm0, s3, v2  }
0x1cb: {  	v30 =	vadd.f32 v21, v18;
	vm0 =	vgt.f32 v24, v5;
	v19 =	vld [tilespmem:s6+$0x30]  }
0x1cc: {  	v21 =	vadd.f32 v1, v25;
	v31 =	vld [tilespmem:s5+$0x30]  }
0x1cd: {  	v22 =	vadd.f32 v27, v22;
	v5 =	vsel vm0, v24, v5;
	v4 =	vsel vm0, s3, v4;
	v25 =	vld [tilespmem:s5+$0x20]  }
0x1ce: {  	vm0 =	vgt.f32 v30, v6;
	v23 =	vadd.f32 v26, v23;
	v24 =	vadd.f32 v20, v28;
	v18 =	vld [tilespmem:s5+$0xFFFFFFF0];
	v1 =	vmovc v0  }
0x1cf: {  	v9 =	vsel vm0, s3, v9;
	vm2 =	vgt.f32 v21, v7;
	vm1 =	vgt.f32 v22, v8;
	v0 =	vld [tilespmem:s6+$0x20]  }
0x1d0: {  	v7 =	vsel vm2, v21, v7;
	v8 =	vsel vm1, v22, v8;
	vm3 =	vgt.f32 v23, v10;
	v26 =	vld [tilespmem:s6+$0xFFFFFFC0]  }
0x1d1: {  	v12 =	vsel vm2, s3, v12;
	v11 =	vsel vm1, s3, v11;
	vm1 =	vgt.f32 v24, v14;
	v21 =	vld [tilespmem:s6+$0xFFFFFFF0]  }
0x1d2: {  	v6 =	vsel vm0, v30, v6;
	v13 =	vsel vm1, s3, v13;
	v19 =	vadd.f32 v19, v31;
	v20 =	vld [tilespmem:s6+$0x10]  }
0x1d3: {  	v10 =	vsel vm3, v23, v10;
	v15 =	vsel vm3, s3, v15;
	v14 =	vsel vm1, v24, v14;
	s3 =	smov.u32 s7;
	v22 =	vld [tilespmem:s5+$0xFFFFFFD0]  }
.Ltmp9:
0x1d4: {  	vm0 =	vgt.f32 v19, v16;
	v23 =	vld [tilespmem:s5+$0xFFFFFFE0];
	v24 =	vadd.f32 v0, v25;
	(pc) =	sbr.rel @p0 .LBB2_20-.Ltmp9, $4  }
0x1d5: {  	v16 =	vsel vm0, v19, v16;
	v17 =	vsel vm0, s3, v17;
	v25 =	vld [tilespmem:s5+$0x0]  }
0x1d6: {  	v19 =	vadd.f32 v26, v29;
	v27 =	vld [tilespmem:s6+$0xFFFFFFD0]  }
0x1d7: {  	v26 =	vld [tilespmem:s6+$0xFFFFFFE0]  }
0x1d8: {  	s6 =	sadd.s32 $0x80, s6;
	v28 =	vld [tilespmem:s5+$0x10]  }
0x1d9: {  	_ =	swait.ge [sflag:s28], $0x1400  }
0x1da: {  	[sflag:s28] =	ssyncset.done $0x0  }
0x1db: {  	[sflag:s28] =	ssyncadd.s32 $0xFFFFEC00  }
0x1dc: {  	_ =	swait.ge [sflag:s29], $0x1400  }
0x1dd: {  	[sflag:s29] =	ssyncset.done $0x0  }
0x1de: {  	s4 =	rddreg [dreg:$0x18];
	[sflag:s29] =	ssyncadd.s32 $0xFFFFEC00  }
0x1df: {  	[tilespmem:s30], [sflag:$0x1] =	stream.strided.gather [hbm4b:s4+s24], $0x1400, s25, s24, $0x38;
	[tilespmem:$0x5080] =	vst v63  }
0x1e0: {  	s6 =	simm.s32 $0x1440;
	s7 =	rddreg [dreg:$0x19]  }
0x1e1: {  	[tilespmem:s31], [sflag:$0x2] =	stream.strided.gather [hbm4b:s7+s24], $0x1400, s25, s24, $0x38;
	[tilespmem:$0x5080] =	vst v63  }
0x1e2: {  	s5 =	simm.s32 $0x40;
	v0 =	vld [tilespmem:s6+$0x0]  }
0x1e3: {  	v29 =	vld [tilespmem:s5+$0xFFFFFFC0]  }
0x1e4: {  	v30 =	vld [tilespmem:s6+$0x30]  }
0x1e5: {  	v31 =	vld [tilespmem:s5+$0x30]  }
0x1e6: {  	vm0 =	vgt.f32 v19, v3;
	v32 =	vld [tilespmem:s5+$0x20]  }
0x1e7: {  	v3 =	vsel vm0, v19, v3;
	v19 =	vld [tilespmem:s5+$0xFFFFFFF0]  }
0x1e8: {  	v18 =	vadd.f32 v21, v18;
	vm1 =	vgt.f32 v24, v5;
	v22 =	vadd.f32 v27, v22;
	v27 =	vld [tilespmem:s6+$0x20]  }
0x1e9: {  	v1 =	vadd.f32 v1, v25;
	v5 =	vsel vm1, v24, v5;
	v2 =	vsel vm0, s3, v2;
	v33 =	vld [tilespmem:s6+$0xFFFFFFC0]  }
0x1ea: {  	v4 =	vsel vm1, s3, v4;
	vm13 =	vgt.f32 v18, v6;
	v24 =	vadd.f32 v26, v23;
	v21 =	vld [tilespmem:s6+$0xFFFFFFF0]  }
0x1eb: {  	v9 =	vsel vm13, s3, v9;
	v25 =	vadd.f32 v20, v28;
	vm12 =	vgt.f32 v22, v8;
	v20 =	vld [tilespmem:s6+$0x10]  }
0x1ec: {  	vm2 =	vgt.f32 v1, v7;
	v6 =	vsel vm13, v18, v6;
	v8 =	vsel vm12, v22, v8;
	v22 =	vld [tilespmem:s5+$0xFFFFFFD0]  }
0x1ed: {  	v7 =	vsel vm2, v1, v7;
	v12 =	vsel vm2, s3, v12;
	vm3 =	vgt.f32 v25, v14;
	v23 =	vld [tilespmem:s5+$0xFFFFFFE0]  }
0x1ee: {  	vm14 =	vgt.f32 v24, v10;
	v14 =	vsel vm3, v25, v14;
	v25 =	vld [tilespmem:s5+$0x0];
	v18 =	vadd.f32 v30, v31  }
0x1ef: {  	v11 =	vsel vm12, s3, v11;
	v10 =	vsel vm14, v24, v10;
	v15 =	vsel vm14, s3, v15;
	v26 =	vld [tilespmem:s6+$0xFFFFFFE0]  }
0x1f0: {  	s4 =	simm.s32 $0x190;
	v13 =	vsel vm3, s3, v13;
	v28 =	vld [tilespmem:s5+$0x10];
	v24 =	vadd.f32 v27, v32;
	vm15 =	vgt.f32 v18, v16  }
0x1f1: {  	s3 =	simm.s32 $0x191;
	v27 =	vld [tilespmem:s6+$0xFFFFFFD0];
	s6 =	simm.s32 $0x14C0;
	v16 =	vsel vm15, v18, v16;
	v17 =	vsel vm15, s4, v17;
	v18 =	vadd.f32 v33, v29  }
.LBB2_22:
0x1f2: {  	p0 =	sne.s32 s3, $0x1B7  }
0x1f3: {  	v1 =	vld [tilespmem:s6+$0x0];
	vm0 =	vgt.f32 v18, v3;
	s5 =	sadd.s32 $0x80, s5;
	s7 =	smov.u32 s3;
	s3 =	sadd.s32 $0x1, s3  }
0x1f4: {  	v29 =	vld [tilespmem:s5+$0xFFFFFFC0];
	v3 =	vsel vm0, v18, v3;
	v2 =	vsel vm0, s4, v2  }
0x1f5: {  	v30 =	vadd.f32 v21, v19;
	vm0 =	vgt.f32 v24, v5;
	v18 =	vld [tilespmem:s6+$0x30]  }
0x1f6: {  	v21 =	vadd.f32 v0, v25;
	v31 =	vld [tilespmem:s5+$0x30]  }
0x1f7: {  	v22 =	vadd.f32 v27, v22;
	v5 =	vsel vm0, v24, v5;
	v4 =	vsel vm0, s4, v4;
	v25 =	vld [tilespmem:s5+$0x20]  }
0x1f8: {  	vm0 =	vgt.f32 v30, v6;
	v23 =	vadd.f32 v26, v23;
	v24 =	vadd.f32 v20, v28;
	v19 =	vld [tilespmem:s5+$0xFFFFFFF0];
	v0 =	vmovc v1  }
0x1f9: {  	v9 =	vsel vm0, s4, v9;
	vm2 =	vgt.f32 v21, v7;
	vm1 =	vgt.f32 v22, v8;
	v1 =	vld [tilespmem:s6+$0x20]  }
0x1fa: {  	v7 =	vsel vm2, v21, v7;
	v8 =	vsel vm1, v22, v8;
	vm3 =	vgt.f32 v23, v10;
	v26 =	vld [tilespmem:s6+$0xFFFFFFC0]  }
0x1fb: {  	v12 =	vsel vm2, s4, v12;
	v11 =	vsel vm1, s4, v11;
	vm1 =	vgt.f32 v24, v14;
	v21 =	vld [tilespmem:s6+$0xFFFFFFF0]  }
0x1fc: {  	v6 =	vsel vm0, v30, v6;
	v13 =	vsel vm1, s4, v13;
	v18 =	vadd.f32 v18, v31;
	v20 =	vld [tilespmem:s6+$0x10]  }
0x1fd: {  	v10 =	vsel vm3, v23, v10;
	v15 =	vsel vm3, s4, v15;
	v14 =	vsel vm1, v24, v14;
	s4 =	smov.u32 s7;
	v22 =	vld [tilespmem:s5+$0xFFFFFFD0]  }
.Ltmp10:
0x1fe: {  	vm0 =	vgt.f32 v18, v16;
	v23 =	vld [tilespmem:s5+$0xFFFFFFE0];
	v24 =	vadd.f32 v1, v25;
	(pc) =	sbr.rel @p0 .LBB2_22-.Ltmp10, $4  }
0x1ff: {  	v16 =	vsel vm0, v18, v16;
	v17 =	vsel vm0, s4, v17;
	v25 =	vld [tilespmem:s5+$0x0]  }
0x200: {  	v18 =	vadd.f32 v26, v29;
	v27 =	vld [tilespmem:s6+$0xFFFFFFD0]  }
0x201: {  	v26 =	vld [tilespmem:s6+$0xFFFFFFE0]  }
0x202: {  	s6 =	sadd.s32 $0x80, s6;
	v28 =	vld [tilespmem:s5+$0x10]  }
0x203: {  	_ =	swait.ge [sflag:s28], $0x1400  }
0x204: {  	[sflag:s28] =	ssyncset.done $0x0  }
0x205: {  	[sflag:s28] =	ssyncadd.s32 $0xFFFFEC00  }
0x206: {  	_ =	swait.ge [sflag:s29], $0x1400  }
0x207: {  	[sflag:s29] =	ssyncset.done $0x0  }
0x208: {  	s3 =	rddreg [dreg:$0x1a];
	[sflag:s29] =	ssyncadd.s32 $0xFFFFEC00  }
0x209: {  	[tilespmem:s1], [sflag:$0x1] =	stream.strided.gather [hbm4b:s3+s24], $0x1400, s25, s24, $0x38;
	[tilespmem:$0x5080] =	vst v63  }
0x20a: {  	s6 =	simm.s32 $0x3C40;
	s7 =	rddreg [dreg:$0x1b]  }
0x20b: {  	[tilespmem:s26], [sflag:$0x2] =	stream.strided.gather [hbm4b:s7+s24], $0x1400, s25, s24, $0x38;
	[tilespmem:$0x5080] =	vst v63  }
0x20c: {  	s5 =	simm.s32 $0x2840;
	v1 =	vld [tilespmem:s6+$0x0]  }
0x20d: {  	v29 =	vld [tilespmem:s5+$0xFFFFFFC0]  }
0x20e: {  	v30 =	vld [tilespmem:s6+$0x30]  }
0x20f: {  	v31 =	vld [tilespmem:s5+$0x30]  }
0x210: {  	vm0 =	vgt.f32 v18, v3;
	v32 =	vld [tilespmem:s5+$0x20]  }
0x211: {  	v3 =	vsel vm0, v18, v3;
	v18 =	vld [tilespmem:s5+$0xFFFFFFF0]  }
0x212: {  	v19 =	vadd.f32 v21, v19;
	vm1 =	vgt.f32 v24, v5;
	v22 =	vadd.f32 v27, v22;
	v27 =	vld [tilespmem:s6+$0x20]  }
0x213: {  	v0 =	vadd.f32 v0, v25;
	v5 =	vsel vm1, v24, v5;
	v2 =	vsel vm0, s4, v2;
	v33 =	vld [tilespmem:s6+$0xFFFFFFC0]  }
0x214: {  	v4 =	vsel vm1, s4, v4;
	vm13 =	vgt.f32 v19, v6;
	v24 =	vadd.f32 v26, v23;
	v21 =	vld [tilespmem:s6+$0xFFFFFFF0]  }
0x215: {  	v9 =	vsel vm13, s4, v9;
	v25 =	vadd.f32 v20, v28;
	vm12 =	vgt.f32 v22, v8;
	v20 =	vld [tilespmem:s6+$0x10]  }
0x216: {  	vm2 =	vgt.f32 v0, v7;
	v6 =	vsel vm13, v19, v6;
	v8 =	vsel vm12, v22, v8;
	v22 =	vld [tilespmem:s5+$0xFFFFFFD0]  }
0x217: {  	v7 =	vsel vm2, v0, v7;
	v12 =	vsel vm2, s4, v12;
	vm3 =	vgt.f32 v25, v14;
	v23 =	vld [tilespmem:s5+$0xFFFFFFE0]  }
0x218: {  	vm14 =	vgt.f32 v24, v10;
	v14 =	vsel vm3, v25, v14;
	v25 =	vld [tilespmem:s5+$0x0];
	v19 =	vadd.f32 v30, v31  }
0x219: {  	v11 =	vsel vm12, s4, v11;
	v10 =	vsel vm14, v24, v10;
	v15 =	vsel vm14, s4, v15;
	v26 =	vld [tilespmem:s6+$0xFFFFFFE0]  }
0x21a: {  	s3 =	simm.s32 $0x1B8;
	v13 =	vsel vm3, s4, v13;
	v28 =	vld [tilespmem:s5+$0x10];
	v24 =	vadd.f32 v27, v32;
	vm15 =	vgt.f32 v19, v16  }
0x21b: {  	s4 =	simm.s32 $0x1B9;
	v27 =	vld [tilespmem:s6+$0xFFFFFFD0];
	s6 =	simm.s32 $0x3CC0;
	v16 =	vsel vm15, v19, v16;
	v17 =	vsel vm15, s3, v17;
	v19 =	vadd.f32 v33, v29  }
.LBB2_24:
0x21c: {  	p0 =	sne.s32 s4, $0x1DF  }
0x21d: {  	v0 =	vld [tilespmem:s6+$0x0];
	vm0 =	vgt.f32 v19, v3;
	s5 =	sadd.s32 $0x80, s5;
	s7 =	smov.u32 s4;
	s4 =	sadd.s32 $0x1, s4  }
0x21e: {  	v29 =	vld [tilespmem:s5+$0xFFFFFFC0];
	v3 =	vsel vm0, v19, v3;
	v2 =	vsel vm0, s3, v2  }
0x21f: {  	v30 =	vadd.f32 v21, v18;
	vm0 =	vgt.f32 v24, v5;
	v19 =	vld [tilespmem:s6+$0x30]  }
0x220: {  	v21 =	vadd.f32 v1, v25;
	v31 =	vld [tilespmem:s5+$0x30]  }
0x221: {  	v22 =	vadd.f32 v27, v22;
	v5 =	vsel vm0, v24, v5;
	v4 =	vsel vm0, s3, v4;
	v25 =	vld [tilespmem:s5+$0x20]  }
0x222: {  	vm0 =	vgt.f32 v30, v6;
	v23 =	vadd.f32 v26, v23;
	v24 =	vadd.f32 v20, v28;
	v18 =	vld [tilespmem:s5+$0xFFFFFFF0];
	v1 =	vmovc v0  }
0x223: {  	v9 =	vsel vm0, s3, v9;
	vm2 =	vgt.f32 v21, v7;
	vm1 =	vgt.f32 v22, v8;
	v0 =	vld [tilespmem:s6+$0x20]  }
0x224: {  	v7 =	vsel vm2, v21, v7;
	v8 =	vsel vm1, v22, v8;
	vm3 =	vgt.f32 v23, v10;
	v26 =	vld [tilespmem:s6+$0xFFFFFFC0]  }
0x225: {  	v12 =	vsel vm2, s3, v12;
	v11 =	vsel vm1, s3, v11;
	vm1 =	vgt.f32 v24, v14;
	v21 =	vld [tilespmem:s6+$0xFFFFFFF0]  }
0x226: {  	v6 =	vsel vm0, v30, v6;
	v13 =	vsel vm1, s3, v13;
	v19 =	vadd.f32 v19, v31;
	v20 =	vld [tilespmem:s6+$0x10]  }
0x227: {  	v10 =	vsel vm3, v23, v10;
	v15 =	vsel vm3, s3, v15;
	v14 =	vsel vm1, v24, v14;
	s3 =	smov.u32 s7;
	v22 =	vld [tilespmem:s5+$0xFFFFFFD0]  }
.Ltmp11:
0x228: {  	vm0 =	vgt.f32 v19, v16;
	v23 =	vld [tilespmem:s5+$0xFFFFFFE0];
	v24 =	vadd.f32 v0, v25;
	(pc) =	sbr.rel @p0 .LBB2_24-.Ltmp11, $4  }
0x229: {  	v16 =	vsel vm0, v19, v16;
	v17 =	vsel vm0, s3, v17;
	v25 =	vld [tilespmem:s5+$0x0]  }
0x22a: {  	v19 =	vadd.f32 v26, v29;
	v27 =	vld [tilespmem:s6+$0xFFFFFFD0]  }
0x22b: {  	v26 =	vld [tilespmem:s6+$0xFFFFFFE0]  }
0x22c: {  	s6 =	sadd.s32 $0x80, s6;
	v28 =	vld [tilespmem:s5+$0x10]  }
0x22d: {  	_ =	swait.ge [sflag:s28], $0x1400  }
0x22e: {  	[sflag:s28] =	ssyncset.done $0x0  }
0x22f: {  	[sflag:s28] =	ssyncadd.s32 $0xFFFFEC00  }
0x230: {  	_ =	swait.ge [sflag:s29], $0x1400  }
0x231: {  	[sflag:s29] =	ssyncset.done $0x0  }
0x232: {  	s4 =	rddreg [dreg:$0x1c];
	[sflag:s29] =	ssyncadd.s32 $0xFFFFEC00  }
0x233: {  	[tilespmem:s30], [sflag:$0x1] =	stream.strided.gather [hbm4b:s4+s24], $0x1400, s25, s24, $0x38;
	[tilespmem:$0x5080] =	vst v63  }
0x234: {  	s6 =	simm.s32 $0x1440;
	s7 =	rddreg [dreg:$0x1d]  }
0x235: {  	[tilespmem:s31], [sflag:$0x2] =	stream.strided.gather [hbm4b:s7+s24], $0x1400, s25, s24, $0x38;
	[tilespmem:$0x5080] =	vst v63  }
0x236: {  	s5 =	simm.s32 $0x40;
	v0 =	vld [tilespmem:s6+$0x0]  }
0x237: {  	v29 =	vld [tilespmem:s5+$0xFFFFFFC0]  }
0x238: {  	v30 =	vld [tilespmem:s6+$0x30]  }
0x239: {  	v31 =	vld [tilespmem:s5+$0x30]  }
0x23a: {  	vm0 =	vgt.f32 v19, v3;
	v32 =	vld [tilespmem:s5+$0x20]  }
0x23b: {  	v3 =	vsel vm0, v19, v3;
	v19 =	vld [tilespmem:s5+$0xFFFFFFF0]  }
0x23c: {  	v18 =	vadd.f32 v21, v18;
	vm1 =	vgt.f32 v24, v5;
	v22 =	vadd.f32 v27, v22;
	v27 =	vld [tilespmem:s6+$0x20]  }
0x23d: {  	v1 =	vadd.f32 v1, v25;
	v5 =	vsel vm1, v24, v5;
	v2 =	vsel vm0, s3, v2;
	v33 =	vld [tilespmem:s6+$0xFFFFFFC0]  }
0x23e: {  	v4 =	vsel vm1, s3, v4;
	vm13 =	vgt.f32 v18, v6;
	v24 =	vadd.f32 v26, v23;
	v21 =	vld [tilespmem:s6+$0xFFFFFFF0]  }
0x23f: {  	v9 =	vsel vm13, s3, v9;
	v25 =	vadd.f32 v20, v28;
	vm12 =	vgt.f32 v22, v8;
	v20 =	vld [tilespmem:s6+$0x10]  }
0x240: {  	vm2 =	vgt.f32 v1, v7;
	v6 =	vsel vm13, v18, v6;
	v8 =	vsel vm12, v22, v8;
	v22 =	vld [tilespmem:s5+$0xFFFFFFD0]  }
0x241: {  	v7 =	vsel vm2, v1, v7;
	v12 =	vsel vm2, s3, v12;
	vm3 =	vgt.f32 v25, v14;
	v23 =	vld [tilespmem:s5+$0xFFFFFFE0]  }
0x242: {  	vm14 =	vgt.f32 v24, v10;
	v14 =	vsel vm3, v25, v14;
	v25 =	vld [tilespmem:s5+$0x0];
	v18 =	vadd.f32 v30, v31  }
0x243: {  	v11 =	vsel vm12, s3, v11;
	v10 =	vsel vm14, v24, v10;
	v15 =	vsel vm14, s3, v15;
	v26 =	vld [tilespmem:s6+$0xFFFFFFE0]  }
0x244: {  	s4 =	simm.s32 $0x1E0;
	v13 =	vsel vm3, s3, v13;
	v28 =	vld [tilespmem:s5+$0x10];
	v24 =	vadd.f32 v27, v32;
	vm15 =	vgt.f32 v18, v16  }
0x245: {  	s3 =	simm.s32 $0x1E1;
	v27 =	vld [tilespmem:s6+$0xFFFFFFD0];
	s6 =	simm.s32 $0x14C0;
	v16 =	vsel vm15, v18, v16;
	v17 =	vsel vm15, s4, v17;
	v18 =	vadd.f32 v33, v29  }
.LBB2_26:
0x246: {  	p0 =	sne.s32 s3, $0x207  }
0x247: {  	v1 =	vld [tilespmem:s6+$0x0];
	vm0 =	vgt.f32 v18, v3;
	s5 =	sadd.s32 $0x80, s5;
	s7 =	smov.u32 s3;
	s3 =	sadd.s32 $0x1, s3  }
0x248: {  	v29 =	vld [tilespmem:s5+$0xFFFFFFC0];
	v3 =	vsel vm0, v18, v3;
	v2 =	vsel vm0, s4, v2  }
0x249: {  	v30 =	vadd.f32 v21, v19;
	vm0 =	vgt.f32 v24, v5;
	v18 =	vld [tilespmem:s6+$0x30]  }
0x24a: {  	v21 =	vadd.f32 v0, v25;
	v31 =	vld [tilespmem:s5+$0x30]  }
0x24b: {  	v22 =	vadd.f32 v27, v22;
	v5 =	vsel vm0, v24, v5;
	v4 =	vsel vm0, s4, v4;
	v25 =	vld [tilespmem:s5+$0x20]  }
0x24c: {  	vm0 =	vgt.f32 v30, v6;
	v23 =	vadd.f32 v26, v23;
	v24 =	vadd.f32 v20, v28;
	v19 =	vld [tilespmem:s5+$0xFFFFFFF0];
	v0 =	vmovc v1  }
0x24d: {  	v9 =	vsel vm0, s4, v9;
	vm2 =	vgt.f32 v21, v7;
	vm1 =	vgt.f32 v22, v8;
	v1 =	vld [tilespmem:s6+$0x20]  }
0x24e: {  	v7 =	vsel vm2, v21, v7;
	v8 =	vsel vm1, v22, v8;
	vm3 =	vgt.f32 v23, v10;
	v26 =	vld [tilespmem:s6+$0xFFFFFFC0]  }
0x24f: {  	v12 =	vsel vm2, s4, v12;
	v11 =	vsel vm1, s4, v11;
	vm1 =	vgt.f32 v24, v14;
	v21 =	vld [tilespmem:s6+$0xFFFFFFF0]  }
0x250: {  	v6 =	vsel vm0, v30, v6;
	v13 =	vsel vm1, s4, v13;
	v18 =	vadd.f32 v18, v31;
	v20 =	vld [tilespmem:s6+$0x10]  }
0x251: {  	v10 =	vsel vm3, v23, v10;
	v15 =	vsel vm3, s4, v15;
	v14 =	vsel vm1, v24, v14;
	s4 =	smov.u32 s7;
	v22 =	vld [tilespmem:s5+$0xFFFFFFD0]  }
.Ltmp12:
0x252: {  	vm0 =	vgt.f32 v18, v16;
	v23 =	vld [tilespmem:s5+$0xFFFFFFE0];
	v24 =	vadd.f32 v1, v25;
	(pc) =	sbr.rel @p0 .LBB2_26-.Ltmp12, $4  }
0x253: {  	v16 =	vsel vm0, v18, v16;
	v17 =	vsel vm0, s4, v17;
	v25 =	vld [tilespmem:s5+$0x0]  }
0x254: {  	v18 =	vadd.f32 v26, v29;
	v27 =	vld [tilespmem:s6+$0xFFFFFFD0]  }
0x255: {  	v26 =	vld [tilespmem:s6+$0xFFFFFFE0]  }
0x256: {  	s6 =	sadd.s32 $0x80, s6;
	v28 =	vld [tilespmem:s5+$0x10]  }
0x257: {  	_ =	swait.ge [sflag:s28], $0x1400  }
0x258: {  	[sflag:s28] =	ssyncset.done $0x0  }
0x259: {  	[sflag:s28] =	ssyncadd.s32 $0xFFFFEC00  }
0x25a: {  	_ =	swait.ge [sflag:s29], $0x1400  }
0x25b: {  	[sflag:s29] =	ssyncset.done $0x0  }
0x25c: {  	s3 =	rddreg [dreg:$0x1e];
	[sflag:s29] =	ssyncadd.s32 $0xFFFFEC00  }
0x25d: {  	[tilespmem:s1], [sflag:$0x1] =	stream.strided.gather [hbm4b:s3+s24], $0x1400, s25, s24, $0x38;
	[tilespmem:$0x5080] =	vst v63  }
0x25e: {  	s6 =	simm.s32 $0x3C40;
	s7 =	rddreg [dreg:$0x1f]  }
0x25f: {  	[tilespmem:s26], [sflag:$0x2] =	stream.strided.gather [hbm4b:s7+s24], $0x1400, s25, s24, $0x38;
	[tilespmem:$0x5080] =	vst v63  }
0x260: {  	s5 =	simm.s32 $0x2840;
	v1 =	vld [tilespmem:s6+$0x0]  }
0x261: {  	v29 =	vld [tilespmem:s5+$0xFFFFFFC0]  }
0x262: {  	v30 =	vld [tilespmem:s6+$0x30]  }
0x263: {  	v31 =	vld [tilespmem:s5+$0x30]  }
0x264: {  	vm0 =	vgt.f32 v18, v3;
	v32 =	vld [tilespmem:s5+$0x20]  }
0x265: {  	v3 =	vsel vm0, v18, v3;
	v18 =	vld [tilespmem:s5+$0xFFFFFFF0]  }
0x266: {  	v19 =	vadd.f32 v21, v19;
	vm1 =	vgt.f32 v24, v5;
	v22 =	vadd.f32 v27, v22;
	v27 =	vld [tilespmem:s6+$0x20]  }
0x267: {  	v0 =	vadd.f32 v0, v25;
	v5 =	vsel vm1, v24, v5;
	v2 =	vsel vm0, s4, v2;
	v33 =	vld [tilespmem:s6+$0xFFFFFFC0]  }
0x268: {  	v4 =	vsel vm1, s4, v4;
	vm13 =	vgt.f32 v19, v6;
	v24 =	vadd.f32 v26, v23;
	v21 =	vld [tilespmem:s6+$0xFFFFFFF0]  }
0x269: {  	v9 =	vsel vm13, s4, v9;
	v25 =	vadd.f32 v20, v28;
	vm12 =	vgt.f32 v22, v8;
	v20 =	vld [tilespmem:s6+$0x10]  }
0x26a: {  	vm2 =	vgt.f32 v0, v7;
	v6 =	vsel vm13, v19, v6;
	v8 =	vsel vm12, v22, v8;
	v22 =	vld [tilespmem:s5+$0xFFFFFFD0]  }
0x26b: {  	v7 =	vsel vm2, v0, v7;
	v12 =	vsel vm2, s4, v12;
	vm3 =	vgt.f32 v25, v14;
	v23 =	vld [tilespmem:s5+$0xFFFFFFE0]  }
0x26c: {  	vm14 =	vgt.f32 v24, v10;
	v14 =	vsel vm3, v25, v14;
	v25 =	vld [tilespmem:s5+$0x0];
	v19 =	vadd.f32 v30, v31  }
0x26d: {  	v11 =	vsel vm12, s4, v11;
	v10 =	vsel vm14, v24, v10;
	v15 =	vsel vm14, s4, v15;
	v26 =	vld [tilespmem:s6+$0xFFFFFFE0]  }
0x26e: {  	s3 =	simm.s32 $0x208;
	v13 =	vsel vm3, s4, v13;
	v28 =	vld [tilespmem:s5+$0x10];
	v24 =	vadd.f32 v27, v32;
	vm15 =	vgt.f32 v19, v16  }
0x26f: {  	s4 =	simm.s32 $0x209;
	v27 =	vld [tilespmem:s6+$0xFFFFFFD0];
	s6 =	simm.s32 $0x3CC0;
	v16 =	vsel vm15, v19, v16;
	v17 =	vsel vm15, s3, v17;
	v19 =	vadd.f32 v33, v29  }
.LBB2_28:
0x270: {  	p0 =	sne.s32 s4, $0x22F  }
0x271: {  	v0 =	vld [tilespmem:s6+$0x0];
	vm0 =	vgt.f32 v19, v3;
	s5 =	sadd.s32 $0x80, s5;
	s7 =	smov.u32 s4;
	s4 =	sadd.s32 $0x1, s4  }
0x272: {  	v29 =	vld [tilespmem:s5+$0xFFFFFFC0];
	v3 =	vsel vm0, v19, v3;
	v2 =	vsel vm0, s3, v2  }
0x273: {  	v30 =	vadd.f32 v21, v18;
	vm0 =	vgt.f32 v24, v5;
	v19 =	vld [tilespmem:s6+$0x30]  }
0x274: {  	v21 =	vadd.f32 v1, v25;
	v31 =	vld [tilespmem:s5+$0x30]  }
0x275: {  	v22 =	vadd.f32 v27, v22;
	v5 =	vsel vm0, v24, v5;
	v4 =	vsel vm0, s3, v4;
	v25 =	vld [tilespmem:s5+$0x20]  }
0x276: {  	vm0 =	vgt.f32 v30, v6;
	v23 =	vadd.f32 v26, v23;
	v24 =	vadd.f32 v20, v28;
	v18 =	vld [tilespmem:s5+$0xFFFFFFF0];
	v1 =	vmovc v0  }
0x277: {  	v9 =	vsel vm0, s3, v9;
	vm2 =	vgt.f32 v21, v7;
	vm1 =	vgt.f32 v22, v8;
	v0 =	vld [tilespmem:s6+$0x20]  }
0x278: {  	v7 =	vsel vm2, v21, v7;
	v8 =	vsel vm1, v22, v8;
	vm3 =	vgt.f32 v23, v10;
	v26 =	vld [tilespmem:s6+$0xFFFFFFC0]  }
0x279: {  	v12 =	vsel vm2, s3, v12;
	v11 =	vsel vm1, s3, v11;
	vm1 =	vgt.f32 v24, v14;
	v21 =	vld [tilespmem:s6+$0xFFFFFFF0]  }
0x27a: {  	v6 =	vsel vm0, v30, v6;
	v13 =	vsel vm1, s3, v13;
	v19 =	vadd.f32 v19, v31;
	v20 =	vld [tilespmem:s6+$0x10]  }
0x27b: {  	v10 =	vsel vm3, v23, v10;
	v15 =	vsel vm3, s3, v15;
	v14 =	vsel vm1, v24, v14;
	s3 =	smov.u32 s7;
	v22 =	vld [tilespmem:s5+$0xFFFFFFD0]  }
.Ltmp13:
0x27c: {  	vm0 =	vgt.f32 v19, v16;
	v23 =	vld [tilespmem:s5+$0xFFFFFFE0];
	v24 =	vadd.f32 v0, v25;
	(pc) =	sbr.rel @p0 .LBB2_28-.Ltmp13, $4  }
0x27d: {  	v16 =	vsel vm0, v19, v16;
	v17 =	vsel vm0, s3, v17;
	v25 =	vld [tilespmem:s5+$0x0]  }
0x27e: {  	v19 =	vadd.f32 v26, v29;
	v27 =	vld [tilespmem:s6+$0xFFFFFFD0]  }
0x27f: {  	v26 =	vld [tilespmem:s6+$0xFFFFFFE0]  }
0x280: {  	s6 =	sadd.s32 $0x80, s6;
	v28 =	vld [tilespmem:s5+$0x10]  }
0x281: {  	_ =	swait.ge [sflag:s28], $0x1400  }
0x282: {  	[sflag:s28] =	ssyncset.done $0x0  }
0x283: {  	[sflag:s28] =	ssyncadd.s32 $0xFFFFEC00  }
0x284: {  	_ =	swait.ge [sflag:s29], $0x1400  }
0x285: {  	s4 =	sld [smem:$0x7F6]  }
0x286: {  	[sflag:s29] =	ssyncset.done $0x0  }
0x287: {  	s7 =	sld [smem:$0x7F7];
	[sflag:s29] =	ssyncadd.s32 $0xFFFFEC00  }
0x288: {  	[tilespmem:s30], [sflag:$0x1] =	stream.strided.gather [hbm4b:s4+s24], $0x1400, s25, s24, $0x38;
	[tilespmem:$0x5080] =	vst v63  }
0x289: {  	s6 =	simm.s32 $0x1440  }
0x28a: {  	[tilespmem:s31], [sflag:$0x2] =	stream.strided.gather [hbm4b:s7+s24], $0x1400, s25, s24, $0x38;
	[tilespmem:$0x5080] =	vst v63  }
0x28b: {  	s5 =	simm.s32 $0x40;
	v0 =	vld [tilespmem:s6+$0x0]  }
0x28c: {  	v29 =	vld [tilespmem:s5+$0xFFFFFFC0]  }
0x28d: {  	v30 =	vld [tilespmem:s6+$0x30]  }
0x28e: {  	v31 =	vld [tilespmem:s5+$0x30]  }
0x28f: {  	vm0 =	vgt.f32 v19, v3;
	v32 =	vld [tilespmem:s5+$0x20]  }
0x290: {  	v3 =	vsel vm0, v19, v3;
	v19 =	vld [tilespmem:s5+$0xFFFFFFF0]  }
0x291: {  	v18 =	vadd.f32 v21, v18;
	vm1 =	vgt.f32 v24, v5;
	v22 =	vadd.f32 v27, v22;
	v27 =	vld [tilespmem:s6+$0x20]  }
0x292: {  	v1 =	vadd.f32 v1, v25;
	v5 =	vsel vm1, v24, v5;
	v2 =	vsel vm0, s3, v2;
	v33 =	vld [tilespmem:s6+$0xFFFFFFC0]  }
0x293: {  	v4 =	vsel vm1, s3, v4;
	vm13 =	vgt.f32 v18, v6;
	v24 =	vadd.f32 v26, v23;
	v21 =	vld [tilespmem:s6+$0xFFFFFFF0]  }
0x294: {  	v9 =	vsel vm13, s3, v9;
	v25 =	vadd.f32 v20, v28;
	vm12 =	vgt.f32 v22, v8;
	v20 =	vld [tilespmem:s6+$0x10]  }
0x295: {  	vm2 =	vgt.f32 v1, v7;
	v6 =	vsel vm13, v18, v6;
	v8 =	vsel vm12, v22, v8;
	v22 =	vld [tilespmem:s5+$0xFFFFFFD0]  }
0x296: {  	v7 =	vsel vm2, v1, v7;
	v12 =	vsel vm2, s3, v12;
	vm3 =	vgt.f32 v25, v14;
	v23 =	vld [tilespmem:s5+$0xFFFFFFE0]  }
0x297: {  	vm14 =	vgt.f32 v24, v10;
	v14 =	vsel vm3, v25, v14;
	v25 =	vld [tilespmem:s5+$0x0];
	v18 =	vadd.f32 v30, v31  }
0x298: {  	v11 =	vsel vm12, s3, v11;
	v10 =	vsel vm14, v24, v10;
	v15 =	vsel vm14, s3, v15;
	v26 =	vld [tilespmem:s6+$0xFFFFFFE0]  }
0x299: {  	v13 =	vsel vm3, s3, v13;
	s4 =	simm.s32 $0x230;
	v28 =	vld [tilespmem:s5+$0x10];
	v24 =	vadd.f32 v27, v32;
	vm15 =	vgt.f32 v18, v16  }
0x29a: {  	s3 =	simm.s32 $0x231;
	v27 =	vld [tilespmem:s6+$0xFFFFFFD0];
	s6 =	simm.s32 $0x14C0;
	v16 =	vsel vm15, v18, v16;
	v17 =	vsel vm15, s4, v17;
	v18 =	vadd.f32 v33, v29  }
.LBB2_30:
0x29b: {  	p0 =	sne.s32 s3, $0x257  }
0x29c: {  	v1 =	vld [tilespmem:s6+$0x0];
	vm0 =	vgt.f32 v18, v3;
	s5 =	sadd.s32 $0x80, s5;
	s7 =	smov.u32 s3;
	s3 =	sadd.s32 $0x1, s3  }
0x29d: {  	v29 =	vld [tilespmem:s5+$0xFFFFFFC0];
	v3 =	vsel vm0, v18, v3;
	v2 =	vsel vm0, s4, v2  }
0x29e: {  	v30 =	vadd.f32 v21, v19;
	vm0 =	vgt.f32 v24, v5;
	v18 =	vld [tilespmem:s6+$0x30]  }
0x29f: {  	v21 =	vadd.f32 v0, v25;
	v31 =	vld [tilespmem:s5+$0x30]  }
0x2a0: {  	v22 =	vadd.f32 v27, v22;
	v5 =	vsel vm0, v24, v5;
	v4 =	vsel vm0, s4, v4;
	v25 =	vld [tilespmem:s5+$0x20]  }
0x2a1: {  	vm0 =	vgt.f32 v30, v6;
	v23 =	vadd.f32 v26, v23;
	v24 =	vadd.f32 v20, v28;
	v19 =	vld [tilespmem:s5+$0xFFFFFFF0];
	v0 =	vmovc v1  }
0x2a2: {  	v9 =	vsel vm0, s4, v9;
	vm2 =	vgt.f32 v21, v7;
	vm1 =	vgt.f32 v22, v8;
	v1 =	vld [tilespmem:s6+$0x20]  }
0x2a3: {  	v7 =	vsel vm2, v21, v7;
	v8 =	vsel vm1, v22, v8;
	vm3 =	vgt.f32 v23, v10;
	v26 =	vld [tilespmem:s6+$0xFFFFFFC0]  }
0x2a4: {  	v12 =	vsel vm2, s4, v12;
	v11 =	vsel vm1, s4, v11;
	vm1 =	vgt.f32 v24, v14;
	v21 =	vld [tilespmem:s6+$0xFFFFFFF0]  }
0x2a5: {  	v6 =	vsel vm0, v30, v6;
	v13 =	vsel vm1, s4, v13;
	v18 =	vadd.f32 v18, v31;
	v20 =	vld [tilespmem:s6+$0x10]  }
0x2a6: {  	v10 =	vsel vm3, v23, v10;
	v15 =	vsel vm3, s4, v15;
	v14 =	vsel vm1, v24, v14;
	s4 =	smov.u32 s7;
	v22 =	vld [tilespmem:s5+$0xFFFFFFD0]  }
.Ltmp14:
0x2a7: {  	vm0 =	vgt.f32 v18, v16;
	v23 =	vld [tilespmem:s5+$0xFFFFFFE0];
	v24 =	vadd.f32 v1, v25;
	(pc) =	sbr.rel @p0 .LBB2_30-.Ltmp14, $4  }
0x2a8: {  	v16 =	vsel vm0, v18, v16;
	v17 =	vsel vm0, s4, v17;
	v25 =	vld [tilespmem:s5+$0x0]  }
0x2a9: {  	v18 =	vadd.f32 v26, v29;
	v27 =	vld [tilespmem:s6+$0xFFFFFFD0]  }
0x2aa: {  	v26 =	vld [tilespmem:s6+$0xFFFFFFE0]  }
0x2ab: {  	s6 =	sadd.s32 $0x80, s6;
	v28 =	vld [tilespmem:s5+$0x10]  }
0x2ac: {  	_ =	swait.ge [sflag:s28], $0x1400  }
0x2ad: {  	[sflag:s28] =	ssyncset.done $0x0  }
0x2ae: {  	[sflag:s28] =	ssyncadd.s32 $0xFFFFEC00  }
0x2af: {  	_ =	swait.ge [sflag:s29], $0x1400  }
0x2b0: {  	s3 =	sld [smem:$0x7F8]  }
0x2b1: {  	[sflag:s29] =	ssyncset.done $0x0  }
0x2b2: {  	s7 =	sld [smem:$0x7F9];
	[sflag:s29] =	ssyncadd.s32 $0xFFFFEC00  }
0x2b3: {  	[tilespmem:s1], [sflag:$0x1] =	stream.strided.gather [hbm4b:s3+s24], $0x1400, s25, s24, $0x38;
	[tilespmem:$0x5080] =	vst v63  }
0x2b4: {  	s6 =	simm.s32 $0x3C40  }
0x2b5: {  	[tilespmem:s26], [sflag:$0x2] =	stream.strided.gather [hbm4b:s7+s24], $0x1400, s25, s24, $0x38;
	[tilespmem:$0x5080] =	vst v63  }
0x2b6: {  	s5 =	simm.s32 $0x2840;
	v1 =	vld [tilespmem:s6+$0x0]  }
0x2b7: {  	v29 =	vld [tilespmem:s5+$0xFFFFFFC0]  }
0x2b8: {  	v30 =	vld [tilespmem:s6+$0x30]  }
0x2b9: {  	v31 =	vld [tilespmem:s5+$0x30]  }
0x2ba: {  	vm0 =	vgt.f32 v18, v3;
	v32 =	vld [tilespmem:s5+$0x20]  }
0x2bb: {  	v3 =	vsel vm0, v18, v3;
	v18 =	vld [tilespmem:s5+$0xFFFFFFF0]  }
0x2bc: {  	v19 =	vadd.f32 v21, v19;
	vm1 =	vgt.f32 v24, v5;
	v22 =	vadd.f32 v27, v22;
	v27 =	vld [tilespmem:s6+$0x20]  }
0x2bd: {  	v0 =	vadd.f32 v0, v25;
	v5 =	vsel vm1, v24, v5;
	v2 =	vsel vm0, s4, v2;
	v33 =	vld [tilespmem:s6+$0xFFFFFFC0]  }
0x2be: {  	v4 =	vsel vm1, s4, v4;
	vm13 =	vgt.f32 v19, v6;
	v24 =	vadd.f32 v26, v23;
	v21 =	vld [tilespmem:s6+$0xFFFFFFF0]  }
0x2bf: {  	v9 =	vsel vm13, s4, v9;
	v25 =	vadd.f32 v20, v28;
	vm12 =	vgt.f32 v22, v8;
	v20 =	vld [tilespmem:s6+$0x10]  }
0x2c0: {  	vm2 =	vgt.f32 v0, v7;
	v6 =	vsel vm13, v19, v6;
	v8 =	vsel vm12, v22, v8;
	v22 =	vld [tilespmem:s5+$0xFFFFFFD0]  }
0x2c1: {  	v7 =	vsel vm2, v0, v7;
	v12 =	vsel vm2, s4, v12;
	vm3 =	vgt.f32 v25, v14;
	v23 =	vld [tilespmem:s5+$0xFFFFFFE0]  }
0x2c2: {  	vm14 =	vgt.f32 v24, v10;
	v14 =	vsel vm3, v25, v14;
	v25 =	vld [tilespmem:s5+$0x0];
	v19 =	vadd.f32 v30, v31  }
0x2c3: {  	v11 =	vsel vm12, s4, v11;
	v10 =	vsel vm14, v24, v10;
	v15 =	vsel vm14, s4, v15;
	v26 =	vld [tilespmem:s6+$0xFFFFFFE0]  }
0x2c4: {  	v13 =	vsel vm3, s4, v13;
	s3 =	simm.s32 $0x258;
	v28 =	vld [tilespmem:s5+$0x10];
	v24 =	vadd.f32 v27, v32;
	vm15 =	vgt.f32 v19, v16  }
0x2c5: {  	s4 =	simm.s32 $0x259;
	v27 =	vld [tilespmem:s6+$0xFFFFFFD0];
	s6 =	simm.s32 $0x3CC0;
	v16 =	vsel vm15, v19, v16;
	v17 =	vsel vm15, s3, v17;
	v19 =	vadd.f32 v33, v29  }
.LBB2_32:
0x2c6: {  	p0 =	sne.s32 s4, $0x27F  }
0x2c7: {  	v0 =	vld [tilespmem:s6+$0x0];
	vm0 =	vgt.f32 v19, v3;
	s5 =	sadd.s32 $0x80, s5;
	s7 =	smov.u32 s4;
	s4 =	sadd.s32 $0x1, s4  }
0x2c8: {  	v29 =	vld [tilespmem:s5+$0xFFFFFFC0];
	v3 =	vsel vm0, v19, v3;
	v2 =	vsel vm0, s3, v2  }
0x2c9: {  	v30 =	vadd.f32 v21, v18;
	vm0 =	vgt.f32 v24, v5;
	v19 =	vld [tilespmem:s6+$0x30]  }
0x2ca: {  	v21 =	vadd.f32 v1, v25;
	v31 =	vld [tilespmem:s5+$0x30]  }
0x2cb: {  	v22 =	vadd.f32 v27, v22;
	v5 =	vsel vm0, v24, v5;
	v4 =	vsel vm0, s3, v4;
	v25 =	vld [tilespmem:s5+$0x20]  }
0x2cc: {  	vm0 =	vgt.f32 v30, v6;
	v23 =	vadd.f32 v26, v23;
	v24 =	vadd.f32 v20, v28;
	v18 =	vld [tilespmem:s5+$0xFFFFFFF0];
	v1 =	vmovc v0  }
0x2cd: {  	v9 =	vsel vm0, s3, v9;
	vm2 =	vgt.f32 v21, v7;
	vm1 =	vgt.f32 v22, v8;
	v0 =	vld [tilespmem:s6+$0x20]  }
0x2ce: {  	v7 =	vsel vm2, v21, v7;
	v8 =	vsel vm1, v22, v8;
	vm3 =	vgt.f32 v23, v10;
	v26 =	vld [tilespmem:s6+$0xFFFFFFC0]  }
0x2cf: {  	v12 =	vsel vm2, s3, v12;
	v11 =	vsel vm1, s3, v11;
	vm1 =	vgt.f32 v24, v14;
	v21 =	vld [tilespmem:s6+$0xFFFFFFF0]  }
0x2d0: {  	v6 =	vsel vm0, v30, v6;
	v13 =	vsel vm1, s3, v13;
	v19 =	vadd.f32 v19, v31;
	v20 =	vld [tilespmem:s6+$0x10]  }
0x2d1: {  	v10 =	vsel vm3, v23, v10;
	v15 =	vsel vm3, s3, v15;
	v14 =	vsel vm1, v24, v14;
	s3 =	smov.u32 s7;
	v22 =	vld [tilespmem:s5+$0xFFFFFFD0]  }
.Ltmp15:
0x2d2: {  	vm0 =	vgt.f32 v19, v16;
	v23 =	vld [tilespmem:s5+$0xFFFFFFE0];
	v24 =	vadd.f32 v0, v25;
	(pc) =	sbr.rel @p0 .LBB2_32-.Ltmp15, $4  }
0x2d3: {  	v16 =	vsel vm0, v19, v16;
	v17 =	vsel vm0, s3, v17;
	v25 =	vld [tilespmem:s5+$0x0]  }
0x2d4: {  	v19 =	vadd.f32 v26, v29;
	v27 =	vld [tilespmem:s6+$0xFFFFFFD0]  }
0x2d5: {  	v26 =	vld [tilespmem:s6+$0xFFFFFFE0]  }
0x2d6: {  	s6 =	sadd.s32 $0x80, s6;
	v28 =	vld [tilespmem:s5+$0x10]  }
0x2d7: {  	_ =	swait.ge [sflag:s28], $0x1400  }
0x2d8: {  	[sflag:s28] =	ssyncset.done $0x0  }
0x2d9: {  	[sflag:s28] =	ssyncadd.s32 $0xFFFFEC00  }
0x2da: {  	_ =	swait.ge [sflag:s29], $0x1400  }
0x2db: {  	s4 =	sld [smem:$0x7FA]  }
0x2dc: {  	[sflag:s29] =	ssyncset.done $0x0  }
0x2dd: {  	s7 =	sld [smem:$0x7FB];
	[sflag:s29] =	ssyncadd.s32 $0xFFFFEC00  }
0x2de: {  	[tilespmem:s30], [sflag:$0x1] =	stream.strided.gather [hbm4b:s4+s24], $0x1400, s25, s24, $0x38;
	[tilespmem:$0x5080] =	vst v63  }
0x2df: {  	s6 =	simm.s32 $0x1440  }
0x2e0: {  	[tilespmem:s31], [sflag:$0x2] =	stream.strided.gather [hbm4b:s7+s24], $0x1400, s25, s24, $0x38;
	[tilespmem:$0x5080] =	vst v63  }
0x2e1: {  	s5 =	simm.s32 $0x40;
	v0 =	vld [tilespmem:s6+$0x0]  }
0x2e2: {  	v29 =	vld [tilespmem:s5+$0xFFFFFFC0]  }
0x2e3: {  	v30 =	vld [tilespmem:s6+$0x30]  }
0x2e4: {  	v31 =	vld [tilespmem:s5+$0x30]  }
0x2e5: {  	vm0 =	vgt.f32 v19, v3;
	v32 =	vld [tilespmem:s5+$0x20]  }
0x2e6: {  	v3 =	vsel vm0, v19, v3;
	v19 =	vld [tilespmem:s5+$0xFFFFFFF0]  }
0x2e7: {  	v18 =	vadd.f32 v21, v18;
	vm1 =	vgt.f32 v24, v5;
	v22 =	vadd.f32 v27, v22;
	v27 =	vld [tilespmem:s6+$0x20]  }
0x2e8: {  	v1 =	vadd.f32 v1, v25;
	v5 =	vsel vm1, v24, v5;
	v2 =	vsel vm0, s3, v2;
	v33 =	vld [tilespmem:s6+$0xFFFFFFC0]  }
0x2e9: {  	v4 =	vsel vm1, s3, v4;
	vm13 =	vgt.f32 v18, v6;
	v24 =	vadd.f32 v26, v23;
	v21 =	vld [tilespmem:s6+$0xFFFFFFF0]  }
0x2ea: {  	v9 =	vsel vm13, s3, v9;
	v25 =	vadd.f32 v20, v28;
	vm12 =	vgt.f32 v22, v8;
	v20 =	vld [tilespmem:s6+$0x10]  }
0x2eb: {  	vm2 =	vgt.f32 v1, v7;
	v6 =	vsel vm13, v18, v6;
	v8 =	vsel vm12, v22, v8;
	v22 =	vld [tilespmem:s5+$0xFFFFFFD0]  }
0x2ec: {  	v7 =	vsel vm2, v1, v7;
	v12 =	vsel vm2, s3, v12;
	vm3 =	vgt.f32 v25, v14;
	v23 =	vld [tilespmem:s5+$0xFFFFFFE0]  }
0x2ed: {  	vm14 =	vgt.f32 v24, v10;
	v14 =	vsel vm3, v25, v14;
	v25 =	vld [tilespmem:s5+$0x0];
	v18 =	vadd.f32 v30, v31  }
0x2ee: {  	v11 =	vsel vm12, s3, v11;
	v10 =	vsel vm14, v24, v10;
	v15 =	vsel vm14, s3, v15;
	v26 =	vld [tilespmem:s6+$0xFFFFFFE0]  }
0x2ef: {  	v13 =	vsel vm3, s3, v13;
	s4 =	simm.s32 $0x280;
	v28 =	vld [tilespmem:s5+$0x10];
	v24 =	vadd.f32 v27, v32;
	vm15 =	vgt.f32 v18, v16  }
0x2f0: {  	s3 =	simm.s32 $0x281;
	v27 =	vld [tilespmem:s6+$0xFFFFFFD0];
	s6 =	simm.s32 $0x14C0;
	v16 =	vsel vm15, v18, v16;
	v17 =	vsel vm15, s4, v17;
	v18 =	vadd.f32 v33, v29  }
.LBB2_34:
0x2f1: {  	p0 =	sne.s32 s3, $0x2A7  }
0x2f2: {  	v1 =	vld [tilespmem:s6+$0x0];
	vm0 =	vgt.f32 v18, v3;
	s5 =	sadd.s32 $0x80, s5;
	s7 =	smov.u32 s3;
	s3 =	sadd.s32 $0x1, s3  }
0x2f3: {  	v29 =	vld [tilespmem:s5+$0xFFFFFFC0];
	v3 =	vsel vm0, v18, v3;
	v2 =	vsel vm0, s4, v2  }
0x2f4: {  	v30 =	vadd.f32 v21, v19;
	vm0 =	vgt.f32 v24, v5;
	v18 =	vld [tilespmem:s6+$0x30]  }
0x2f5: {  	v21 =	vadd.f32 v0, v25;
	v31 =	vld [tilespmem:s5+$0x30]  }
0x2f6: {  	v22 =	vadd.f32 v27, v22;
	v5 =	vsel vm0, v24, v5;
	v4 =	vsel vm0, s4, v4;
	v25 =	vld [tilespmem:s5+$0x20]  }
0x2f7: {  	vm0 =	vgt.f32 v30, v6;
	v23 =	vadd.f32 v26, v23;
	v24 =	vadd.f32 v20, v28;
	v19 =	vld [tilespmem:s5+$0xFFFFFFF0];
	v0 =	vmovc v1  }
0x2f8: {  	v9 =	vsel vm0, s4, v9;
	vm2 =	vgt.f32 v21, v7;
	vm1 =	vgt.f32 v22, v8;
	v1 =	vld [tilespmem:s6+$0x20]  }
0x2f9: {  	v7 =	vsel vm2, v21, v7;
	v8 =	vsel vm1, v22, v8;
	vm3 =	vgt.f32 v23, v10;
	v26 =	vld [tilespmem:s6+$0xFFFFFFC0]  }
0x2fa: {  	v12 =	vsel vm2, s4, v12;
	v11 =	vsel vm1, s4, v11;
	vm1 =	vgt.f32 v24, v14;
	v21 =	vld [tilespmem:s6+$0xFFFFFFF0]  }
0x2fb: {  	v6 =	vsel vm0, v30, v6;
	v13 =	vsel vm1, s4, v13;
	v18 =	vadd.f32 v18, v31;
	v20 =	vld [tilespmem:s6+$0x10]  }
0x2fc: {  	v10 =	vsel vm3, v23, v10;
	v15 =	vsel vm3, s4, v15;
	v14 =	vsel vm1, v24, v14;
	s4 =	smov.u32 s7;
	v22 =	vld [tilespmem:s5+$0xFFFFFFD0]  }
.Ltmp16:
0x2fd: {  	vm0 =	vgt.f32 v18, v16;
	v23 =	vld [tilespmem:s5+$0xFFFFFFE0];
	v24 =	vadd.f32 v1, v25;
	(pc) =	sbr.rel @p0 .LBB2_34-.Ltmp16, $4  }
0x2fe: {  	v16 =	vsel vm0, v18, v16;
	v17 =	vsel vm0, s4, v17;
	v25 =	vld [tilespmem:s5+$0x0]  }
0x2ff: {  	v18 =	vadd.f32 v26, v29;
	v27 =	vld [tilespmem:s6+$0xFFFFFFD0]  }
0x300: {  	v26 =	vld [tilespmem:s6+$0xFFFFFFE0]  }
0x301: {  	s6 =	sadd.s32 $0x80, s6;
	v28 =	vld [tilespmem:s5+$0x10]  }
0x302: {  	_ =	swait.ge [sflag:s28], $0x1400  }
0x303: {  	[sflag:s28] =	ssyncset.done $0x0  }
0x304: {  	[sflag:s28] =	ssyncadd.s32 $0xFFFFEC00  }
0x305: {  	_ =	swait.ge [sflag:s29], $0x1400  }
0x306: {  	s3 =	sld [smem:$0x7FC]  }
0x307: {  	[sflag:s29] =	ssyncset.done $0x0  }
0x308: {  	s7 =	sld [smem:$0x7FD];
	[sflag:s29] =	ssyncadd.s32 $0xFFFFEC00  }
0x309: {  	[tilespmem:s1], [sflag:$0x1] =	stream.strided.gather [hbm4b:s3+s24], $0x1400, s25, s24, $0x38;
	[tilespmem:$0x5080] =	vst v63  }
0x30a: {  	s6 =	simm.s32 $0x3C40  }
0x30b: {  	[tilespmem:s26], [sflag:$0x2] =	stream.strided.gather [hbm4b:s7+s24], $0x1400, s25, s24, $0x38;
	[tilespmem:$0x5080] =	vst v63  }
0x30c: {  	s5 =	simm.s32 $0x2840;
	v1 =	vld [tilespmem:s6+$0x0]  }
0x30d: {  	v29 =	vld [tilespmem:s5+$0xFFFFFFC0]  }
0x30e: {  	v30 =	vld [tilespmem:s6+$0x30]  }
0x30f: {  	v31 =	vld [tilespmem:s5+$0x30]  }
0x310: {  	vm0 =	vgt.f32 v18, v3;
	v32 =	vld [tilespmem:s5+$0x20]  }
0x311: {  	v3 =	vsel vm0, v18, v3;
	v18 =	vld [tilespmem:s5+$0xFFFFFFF0]  }
0x312: {  	v19 =	vadd.f32 v21, v19;
	vm1 =	vgt.f32 v24, v5;
	v22 =	vadd.f32 v27, v22;
	v27 =	vld [tilespmem:s6+$0x20]  }
0x313: {  	v0 =	vadd.f32 v0, v25;
	v5 =	vsel vm1, v24, v5;
	v2 =	vsel vm0, s4, v2;
	v33 =	vld [tilespmem:s6+$0xFFFFFFC0]  }
0x314: {  	v4 =	vsel vm1, s4, v4;
	vm13 =	vgt.f32 v19, v6;
	v24 =	vadd.f32 v26, v23;
	v21 =	vld [tilespmem:s6+$0xFFFFFFF0]  }
0x315: {  	v9 =	vsel vm13, s4, v9;
	v25 =	vadd.f32 v20, v28;
	vm12 =	vgt.f32 v22, v8;
	v20 =	vld [tilespmem:s6+$0x10]  }
0x316: {  	vm2 =	vgt.f32 v0, v7;
	v6 =	vsel vm13, v19, v6;
	v8 =	vsel vm12, v22, v8;
	v22 =	vld [tilespmem:s5+$0xFFFFFFD0]  }
0x317: {  	v7 =	vsel vm2, v0, v7;
	v12 =	vsel vm2, s4, v12;
	vm3 =	vgt.f32 v25, v14;
	v23 =	vld [tilespmem:s5+$0xFFFFFFE0]  }
0x318: {  	vm14 =	vgt.f32 v24, v10;
	v14 =	vsel vm3, v25, v14;
	v25 =	vld [tilespmem:s5+$0x0];
	v19 =	vadd.f32 v30, v31  }
0x319: {  	v11 =	vsel vm12, s4, v11;
	v10 =	vsel vm14, v24, v10;
	v15 =	vsel vm14, s4, v15;
	v26 =	vld [tilespmem:s6+$0xFFFFFFE0]  }
0x31a: {  	v13 =	vsel vm3, s4, v13;
	s3 =	simm.s32 $0x2A8;
	v28 =	vld [tilespmem:s5+$0x10];
	v24 =	vadd.f32 v27, v32;
	vm15 =	vgt.f32 v19, v16  }
0x31b: {  	s4 =	simm.s32 $0x2A9;
	v27 =	vld [tilespmem:s6+$0xFFFFFFD0];
	s6 =	simm.s32 $0x3CC0;
	v16 =	vsel vm15, v19, v16;
	v17 =	vsel vm15, s3, v17;
	v19 =	vadd.f32 v33, v29  }
.LBB2_36:
0x31c: {  	p0 =	sne.s32 s4, $0x2CF  }
0x31d: {  	v0 =	vld [tilespmem:s6+$0x0];
	vm0 =	vgt.f32 v19, v3;
	s5 =	sadd.s32 $0x80, s5;
	s7 =	smov.u32 s4;
	s4 =	sadd.s32 $0x1, s4  }
0x31e: {  	v29 =	vld [tilespmem:s5+$0xFFFFFFC0];
	v3 =	vsel vm0, v19, v3;
	v2 =	vsel vm0, s3, v2  }
0x31f: {  	v30 =	vadd.f32 v21, v18;
	vm0 =	vgt.f32 v24, v5;
	v19 =	vld [tilespmem:s6+$0x30]  }
0x320: {  	v21 =	vadd.f32 v1, v25;
	v31 =	vld [tilespmem:s5+$0x30]  }
0x321: {  	v22 =	vadd.f32 v27, v22;
	v5 =	vsel vm0, v24, v5;
	v4 =	vsel vm0, s3, v4;
	v25 =	vld [tilespmem:s5+$0x20]  }
0x322: {  	vm0 =	vgt.f32 v30, v6;
	v23 =	vadd.f32 v26, v23;
	v24 =	vadd.f32 v20, v28;
	v18 =	vld [tilespmem:s5+$0xFFFFFFF0];
	v1 =	vmovc v0  }
0x323: {  	v9 =	vsel vm0, s3, v9;
	vm2 =	vgt.f32 v21, v7;
	vm1 =	vgt.f32 v22, v8;
	v0 =	vld [tilespmem:s6+$0x20]  }
0x324: {  	v7 =	vsel vm2, v21, v7;
	v8 =	vsel vm1, v22, v8;
	vm3 =	vgt.f32 v23, v10;
	v26 =	vld [tilespmem:s6+$0xFFFFFFC0]  }
0x325: {  	v12 =	vsel vm2, s3, v12;
	v11 =	vsel vm1, s3, v11;
	vm1 =	vgt.f32 v24, v14;
	v21 =	vld [tilespmem:s6+$0xFFFFFFF0]  }
0x326: {  	v6 =	vsel vm0, v30, v6;
	v13 =	vsel vm1, s3, v13;
	v19 =	vadd.f32 v19, v31;
	v20 =	vld [tilespmem:s6+$0x10]  }
0x327: {  	v10 =	vsel vm3, v23, v10;
	v15 =	vsel vm3, s3, v15;
	v14 =	vsel vm1, v24, v14;
	s3 =	smov.u32 s7;
	v22 =	vld [tilespmem:s5+$0xFFFFFFD0]  }
.Ltmp17:
0x328: {  	vm0 =	vgt.f32 v19, v16;
	v23 =	vld [tilespmem:s5+$0xFFFFFFE0];
	v24 =	vadd.f32 v0, v25;
	(pc) =	sbr.rel @p0 .LBB2_36-.Ltmp17, $4  }
0x329: {  	v16 =	vsel vm0, v19, v16;
	v17 =	vsel vm0, s3, v17;
	v25 =	vld [tilespmem:s5+$0x0]  }
0x32a: {  	v19 =	vadd.f32 v26, v29;
	v27 =	vld [tilespmem:s6+$0xFFFFFFD0]  }
0x32b: {  	v26 =	vld [tilespmem:s6+$0xFFFFFFE0]  }
0x32c: {  	s6 =	sadd.s32 $0x80, s6;
	v28 =	vld [tilespmem:s5+$0x10]  }
0x32d: {  	_ =	swait.ge [sflag:s28], $0x1400  }
0x32e: {  	[sflag:s28] =	ssyncset.done $0x0  }
0x32f: {  	[sflag:s28] =	ssyncadd.s32 $0xFFFFEC00  }
0x330: {  	_ =	swait.ge [sflag:s29], $0x1400  }
0x331: {  	[sflag:s29] =	ssyncset.done $0x0  }
0x332: {  	[sflag:s29] =	ssyncadd.s32 $0xFFFFEC00  }
0x333: {  	[tilespmem:s30], [sflag:$0x1] =	stream.strided.gather [hbm4b:s8+s24], $0x1400, s25, s24, $0x38;
	[tilespmem:$0x5080] =	vst v63  }
0x334: {  	s6 =	simm.s32 $0x1440  }
0x335: {  	[tilespmem:s31], [sflag:$0x2] =	stream.strided.gather [hbm4b:s9+s24], $0x1400, s25, s24, $0x38;
	[tilespmem:$0x5080] =	vst v63  }
0x336: {  	s5 =	simm.s32 $0x40;
	v0 =	vld [tilespmem:s6+$0x0]  }
0x337: {  	v29 =	vld [tilespmem:s5+$0xFFFFFFC0]  }
0x338: {  	v30 =	vld [tilespmem:s6+$0x30]  }
0x339: {  	v31 =	vld [tilespmem:s5+$0x30]  }
0x33a: {  	vm0 =	vgt.f32 v19, v3;
	v32 =	vld [tilespmem:s5+$0x20]  }
0x33b: {  	v3 =	vsel vm0, v19, v3;
	v19 =	vld [tilespmem:s5+$0xFFFFFFF0]  }
0x33c: {  	v18 =	vadd.f32 v21, v18;
	vm1 =	vgt.f32 v24, v5;
	v22 =	vadd.f32 v27, v22;
	v27 =	vld [tilespmem:s6+$0x20]  }
0x33d: {  	v1 =	vadd.f32 v1, v25;
	v5 =	vsel vm1, v24, v5;
	v2 =	vsel vm0, s3, v2;
	v33 =	vld [tilespmem:s6+$0xFFFFFFC0]  }
0x33e: {  	v4 =	vsel vm1, s3, v4;
	vm13 =	vgt.f32 v18, v6;
	v24 =	vadd.f32 v26, v23;
	v21 =	vld [tilespmem:s6+$0xFFFFFFF0]  }
0x33f: {  	v9 =	vsel vm13, s3, v9;
	v25 =	vadd.f32 v20, v28;
	vm12 =	vgt.f32 v22, v8;
	v20 =	vld [tilespmem:s6+$0x10]  }
0x340: {  	vm2 =	vgt.f32 v1, v7;
	v6 =	vsel vm13, v18, v6;
	v8 =	vsel vm12, v22, v8;
	v22 =	vld [tilespmem:s5+$0xFFFFFFD0]  }
0x341: {  	v7 =	vsel vm2, v1, v7;
	v12 =	vsel vm2, s3, v12;
	vm3 =	vgt.f32 v25, v14;
	v23 =	vld [tilespmem:s5+$0xFFFFFFE0]  }
0x342: {  	vm14 =	vgt.f32 v24, v10;
	v14 =	vsel vm3, v25, v14;
	v25 =	vld [tilespmem:s5+$0x0];
	v18 =	vadd.f32 v30, v31  }
0x343: {  	v11 =	vsel vm12, s3, v11;
	v10 =	vsel vm14, v24, v10;
	v15 =	vsel vm14, s3, v15;
	v26 =	vld [tilespmem:s6+$0xFFFFFFE0]  }
0x344: {  	s4 =	simm.s32 $0x2D0;
	v13 =	vsel vm3, s3, v13;
	v28 =	vld [tilespmem:s5+$0x10];
	v24 =	vadd.f32 v27, v32;
	vm15 =	vgt.f32 v18, v16  }
0x345: {  	s3 =	simm.s32 $0x2D1;
	v27 =	vld [tilespmem:s6+$0xFFFFFFD0];
	s6 =	simm.s32 $0x14C0;
	v16 =	vsel vm15, v18, v16;
	v17 =	vsel vm15, s4, v17;
	v18 =	vadd.f32 v33, v29  }
.LBB2_38:
0x346: {  	p0 =	sne.s32 s3, $0x2F7  }
0x347: {  	v1 =	vld [tilespmem:s6+$0x0];
	vm0 =	vgt.f32 v18, v3;
	s5 =	sadd.s32 $0x80, s5;
	s7 =	smov.u32 s3;
	s3 =	sadd.s32 $0x1, s3  }
0x348: {  	v29 =	vld [tilespmem:s5+$0xFFFFFFC0];
	v3 =	vsel vm0, v18, v3;
	v2 =	vsel vm0, s4, v2  }
0x349: {  	v30 =	vadd.f32 v21, v19;
	vm0 =	vgt.f32 v24, v5;
	v18 =	vld [tilespmem:s6+$0x30]  }
0x34a: {  	v21 =	vadd.f32 v0, v25;
	v31 =	vld [tilespmem:s5+$0x30]  }
0x34b: {  	v22 =	vadd.f32 v27, v22;
	v5 =	vsel vm0, v24, v5;
	v4 =	vsel vm0, s4, v4;
	v25 =	vld [tilespmem:s5+$0x20]  }
0x34c: {  	vm0 =	vgt.f32 v30, v6;
	v23 =	vadd.f32 v26, v23;
	v24 =	vadd.f32 v20, v28;
	v19 =	vld [tilespmem:s5+$0xFFFFFFF0];
	v0 =	vmovc v1  }
0x34d: {  	v9 =	vsel vm0, s4, v9;
	vm2 =	vgt.f32 v21, v7;
	vm1 =	vgt.f32 v22, v8;
	v1 =	vld [tilespmem:s6+$0x20]  }
0x34e: {  	v7 =	vsel vm2, v21, v7;
	v8 =	vsel vm1, v22, v8;
	vm3 =	vgt.f32 v23, v10;
	v26 =	vld [tilespmem:s6+$0xFFFFFFC0]  }
0x34f: {  	v12 =	vsel vm2, s4, v12;
	v11 =	vsel vm1, s4, v11;
	vm1 =	vgt.f32 v24, v14;
	v21 =	vld [tilespmem:s6+$0xFFFFFFF0]  }
0x350: {  	v6 =	vsel vm0, v30, v6;
	v13 =	vsel vm1, s4, v13;
	v18 =	vadd.f32 v18, v31;
	v20 =	vld [tilespmem:s6+$0x10]  }
0x351: {  	v10 =	vsel vm3, v23, v10;
	v15 =	vsel vm3, s4, v15;
	v14 =	vsel vm1, v24, v14;
	s4 =	smov.u32 s7;
	v22 =	vld [tilespmem:s5+$0xFFFFFFD0]  }
.Ltmp18:
0x352: {  	vm0 =	vgt.f32 v18, v16;
	v23 =	vld [tilespmem:s5+$0xFFFFFFE0];
	v24 =	vadd.f32 v1, v25;
	(pc) =	sbr.rel @p0 .LBB2_38-.Ltmp18, $4  }
0x353: {  	v16 =	vsel vm0, v18, v16;
	v17 =	vsel vm0, s4, v17;
	v25 =	vld [tilespmem:s5+$0x0]  }
0x354: {  	v18 =	vadd.f32 v26, v29;
	v27 =	vld [tilespmem:s6+$0xFFFFFFD0]  }
0x355: {  	v26 =	vld [tilespmem:s6+$0xFFFFFFE0]  }
0x356: {  	s6 =	sadd.s32 $0x80, s6;
	v28 =	vld [tilespmem:s5+$0x10]  }
0x357: {  	_ =	swait.ge [sflag:s28], $0x1400  }
0x358: {  	[sflag:s28] =	ssyncset.done $0x0  }
0x359: {  	[sflag:s28] =	ssyncadd.s32 $0xFFFFEC00  }
0x35a: {  	_ =	swait.ge [sflag:s29], $0x1400  }
0x35b: {  	[sflag:s29] =	ssyncset.done $0x0  }
0x35c: {  	[sflag:s29] =	ssyncadd.s32 $0xFFFFEC00  }
0x35d: {  	[tilespmem:s1], [sflag:$0x1] =	stream.strided.gather [hbm4b:s10+s24], $0x1400, s25, s24, $0x38;
	[tilespmem:$0x5080] =	vst v63  }
0x35e: {  	s6 =	simm.s32 $0x3C40  }
0x35f: {  	[tilespmem:s26], [sflag:$0x2] =	stream.strided.gather [hbm4b:s11+s24], $0x1400, s25, s24, $0x38;
	[tilespmem:$0x5080] =	vst v63  }
0x360: {  	s5 =	simm.s32 $0x2840;
	v1 =	vld [tilespmem:s6+$0x0]  }
0x361: {  	v29 =	vld [tilespmem:s5+$0xFFFFFFC0]  }
0x362: {  	v30 =	vld [tilespmem:s6+$0x30]  }
0x363: {  	v31 =	vld [tilespmem:s5+$0x30]  }
0x364: {  	vm0 =	vgt.f32 v18, v3;
	v32 =	vld [tilespmem:s5+$0x20]  }
0x365: {  	v3 =	vsel vm0, v18, v3;
	v18 =	vld [tilespmem:s5+$0xFFFFFFF0]  }
0x366: {  	v19 =	vadd.f32 v21, v19;
	vm1 =	vgt.f32 v24, v5;
	v22 =	vadd.f32 v27, v22;
	v27 =	vld [tilespmem:s6+$0x20]  }
0x367: {  	v0 =	vadd.f32 v0, v25;
	v5 =	vsel vm1, v24, v5;
	v2 =	vsel vm0, s4, v2;
	v33 =	vld [tilespmem:s6+$0xFFFFFFC0]  }
0x368: {  	v4 =	vsel vm1, s4, v4;
	vm13 =	vgt.f32 v19, v6;
	v24 =	vadd.f32 v26, v23;
	v21 =	vld [tilespmem:s6+$0xFFFFFFF0]  }
0x369: {  	v9 =	vsel vm13, s4, v9;
	v25 =	vadd.f32 v20, v28;
	vm12 =	vgt.f32 v22, v8;
	v20 =	vld [tilespmem:s6+$0x10]  }
0x36a: {  	vm2 =	vgt.f32 v0, v7;
	v6 =	vsel vm13, v19, v6;
	v8 =	vsel vm12, v22, v8;
	v22 =	vld [tilespmem:s5+$0xFFFFFFD0]  }
0x36b: {  	v7 =	vsel vm2, v0, v7;
	v12 =	vsel vm2, s4, v12;
	vm3 =	vgt.f32 v25, v14;
	v23 =	vld [tilespmem:s5+$0xFFFFFFE0]  }
0x36c: {  	vm14 =	vgt.f32 v24, v10;
	v14 =	vsel vm3, v25, v14;
	v25 =	vld [tilespmem:s5+$0x0];
	v19 =	vadd.f32 v30, v31  }
0x36d: {  	v11 =	vsel vm12, s4, v11;
	v10 =	vsel vm14, v24, v10;
	v15 =	vsel vm14, s4, v15;
	v26 =	vld [tilespmem:s6+$0xFFFFFFE0]  }
0x36e: {  	s3 =	simm.s32 $0x2F8;
	v13 =	vsel vm3, s4, v13;
	v28 =	vld [tilespmem:s5+$0x10];
	v24 =	vadd.f32 v27, v32;
	vm15 =	vgt.f32 v19, v16  }
0x36f: {  	s4 =	simm.s32 $0x2F9;
	v27 =	vld [tilespmem:s6+$0xFFFFFFD0];
	s6 =	simm.s32 $0x3CC0;
	v16 =	vsel vm15, v19, v16;
	v17 =	vsel vm15, s3, v17;
	v19 =	vadd.f32 v33, v29  }
.LBB2_40:
0x370: {  	p0 =	sne.s32 s4, $0x31F  }
0x371: {  	v0 =	vld [tilespmem:s6+$0x0];
	vm0 =	vgt.f32 v19, v3;
	s5 =	sadd.s32 $0x80, s5;
	s7 =	smov.u32 s4;
	s4 =	sadd.s32 $0x1, s4  }
0x372: {  	v29 =	vld [tilespmem:s5+$0xFFFFFFC0];
	v3 =	vsel vm0, v19, v3;
	v2 =	vsel vm0, s3, v2  }
0x373: {  	v30 =	vadd.f32 v21, v18;
	vm0 =	vgt.f32 v24, v5;
	v19 =	vld [tilespmem:s6+$0x30]  }
0x374: {  	v21 =	vadd.f32 v1, v25;
	v31 =	vld [tilespmem:s5+$0x30]  }
0x375: {  	v22 =	vadd.f32 v27, v22;
	v5 =	vsel vm0, v24, v5;
	v4 =	vsel vm0, s3, v4;
	v25 =	vld [tilespmem:s5+$0x20]  }
0x376: {  	vm0 =	vgt.f32 v30, v6;
	v23 =	vadd.f32 v26, v23;
	v24 =	vadd.f32 v20, v28;
	v18 =	vld [tilespmem:s5+$0xFFFFFFF0];
	v1 =	vmovc v0  }
0x377: {  	v9 =	vsel vm0, s3, v9;
	vm2 =	vgt.f32 v21, v7;
	vm1 =	vgt.f32 v22, v8;
	v0 =	vld [tilespmem:s6+$0x20]  }
0x378: {  	v7 =	vsel vm2, v21, v7;
	v8 =	vsel vm1, v22, v8;
	vm3 =	vgt.f32 v23, v10;
	v26 =	vld [tilespmem:s6+$0xFFFFFFC0]  }
0x379: {  	v12 =	vsel vm2, s3, v12;
	v11 =	vsel vm1, s3, v11;
	vm1 =	vgt.f32 v24, v14;
	v21 =	vld [tilespmem:s6+$0xFFFFFFF0]  }
0x37a: {  	v6 =	vsel vm0, v30, v6;
	v13 =	vsel vm1, s3, v13;
	v19 =	vadd.f32 v19, v31;
	v20 =	vld [tilespmem:s6+$0x10]  }
0x37b: {  	v10 =	vsel vm3, v23, v10;
	v15 =	vsel vm3, s3, v15;
	v14 =	vsel vm1, v24, v14;
	s3 =	smov.u32 s7;
	v22 =	vld [tilespmem:s5+$0xFFFFFFD0]  }
.Ltmp19:
0x37c: {  	vm0 =	vgt.f32 v19, v16;
	v23 =	vld [tilespmem:s5+$0xFFFFFFE0];
	v24 =	vadd.f32 v0, v25;
	(pc) =	sbr.rel @p0 .LBB2_40-.Ltmp19, $4  }
0x37d: {  	v16 =	vsel vm0, v19, v16;
	v17 =	vsel vm0, s3, v17;
	v25 =	vld [tilespmem:s5+$0x0]  }
0x37e: {  	v19 =	vadd.f32 v26, v29;
	v27 =	vld [tilespmem:s6+$0xFFFFFFD0]  }
0x37f: {  	v26 =	vld [tilespmem:s6+$0xFFFFFFE0]  }
0x380: {  	s6 =	sadd.s32 $0x80, s6;
	v28 =	vld [tilespmem:s5+$0x10]  }
0x381: {  	_ =	swait.ge [sflag:s28], $0x1400  }
0x382: {  	[sflag:s28] =	ssyncset.done $0x0  }
0x383: {  	[sflag:s28] =	ssyncadd.s32 $0xFFFFEC00  }
0x384: {  	_ =	swait.ge [sflag:s29], $0x1400  }
0x385: {  	[sflag:s29] =	ssyncset.done $0x0  }
0x386: {  	[sflag:s29] =	ssyncadd.s32 $0xFFFFEC00  }
0x387: {  	[tilespmem:s30], [sflag:$0x1] =	stream.strided.gather [hbm4b:s12+s24], $0x1400, s25, s24, $0x38;
	[tilespmem:$0x5080] =	vst v63  }
0x388: {  	s6 =	simm.s32 $0x1440  }
0x389: {  	[tilespmem:s31], [sflag:$0x2] =	stream.strided.gather [hbm4b:s13+s24], $0x1400, s25, s24, $0x38;
	[tilespmem:$0x5080] =	vst v63  }
0x38a: {  	s5 =	simm.s32 $0x40;
	v0 =	vld [tilespmem:s6+$0x0]  }
0x38b: {  	v29 =	vld [tilespmem:s5+$0xFFFFFFC0]  }
0x38c: {  	v30 =	vld [tilespmem:s6+$0x30]  }
0x38d: {  	v31 =	vld [tilespmem:s5+$0x30]  }
0x38e: {  	vm0 =	vgt.f32 v19, v3;
	v32 =	vld [tilespmem:s5+$0x20]  }
0x38f: {  	v3 =	vsel vm0, v19, v3;
	v19 =	vld [tilespmem:s5+$0xFFFFFFF0]  }
0x390: {  	v18 =	vadd.f32 v21, v18;
	vm1 =	vgt.f32 v24, v5;
	v22 =	vadd.f32 v27, v22;
	v27 =	vld [tilespmem:s6+$0x20]  }
0x391: {  	v1 =	vadd.f32 v1, v25;
	v5 =	vsel vm1, v24, v5;
	v2 =	vsel vm0, s3, v2;
	v33 =	vld [tilespmem:s6+$0xFFFFFFC0]  }
0x392: {  	v4 =	vsel vm1, s3, v4;
	vm13 =	vgt.f32 v18, v6;
	v24 =	vadd.f32 v26, v23;
	v21 =	vld [tilespmem:s6+$0xFFFFFFF0]  }
0x393: {  	v9 =	vsel vm13, s3, v9;
	v25 =	vadd.f32 v20, v28;
	vm12 =	vgt.f32 v22, v8;
	v20 =	vld [tilespmem:s6+$0x10]  }
0x394: {  	vm2 =	vgt.f32 v1, v7;
	v6 =	vsel vm13, v18, v6;
	v8 =	vsel vm12, v22, v8;
	v22 =	vld [tilespmem:s5+$0xFFFFFFD0]  }
0x395: {  	v7 =	vsel vm2, v1, v7;
	v12 =	vsel vm2, s3, v12;
	vm3 =	vgt.f32 v25, v14;
	v23 =	vld [tilespmem:s5+$0xFFFFFFE0]  }
0x396: {  	vm14 =	vgt.f32 v24, v10;
	v14 =	vsel vm3, v25, v14;
	v25 =	vld [tilespmem:s5+$0x0];
	v18 =	vadd.f32 v30, v31  }
0x397: {  	v11 =	vsel vm12, s3, v11;
	v10 =	vsel vm14, v24, v10;
	v15 =	vsel vm14, s3, v15;
	v26 =	vld [tilespmem:s6+$0xFFFFFFE0]  }
0x398: {  	s4 =	simm.s32 $0x320;
	v13 =	vsel vm3, s3, v13;
	v28 =	vld [tilespmem:s5+$0x10];
	v24 =	vadd.f32 v27, v32;
	vm15 =	vgt.f32 v18, v16  }
0x399: {  	s3 =	simm.s32 $0x321;
	v27 =	vld [tilespmem:s6+$0xFFFFFFD0];
	s6 =	simm.s32 $0x14C0;
	v16 =	vsel vm15, v18, v16;
	v17 =	vsel vm15, s4, v17;
	v18 =	vadd.f32 v33, v29  }
.LBB2_42:
0x39a: {  	p0 =	sne.s32 s3, $0x347  }
0x39b: {  	v1 =	vld [tilespmem:s6+$0x0];
	vm0 =	vgt.f32 v18, v3;
	s5 =	sadd.s32 $0x80, s5;
	s7 =	smov.u32 s3;
	s3 =	sadd.s32 $0x1, s3  }
0x39c: {  	v29 =	vld [tilespmem:s5+$0xFFFFFFC0];
	v3 =	vsel vm0, v18, v3;
	v2 =	vsel vm0, s4, v2  }
0x39d: {  	v30 =	vadd.f32 v21, v19;
	vm0 =	vgt.f32 v24, v5;
	v18 =	vld [tilespmem:s6+$0x30]  }
0x39e: {  	v21 =	vadd.f32 v0, v25;
	v31 =	vld [tilespmem:s5+$0x30]  }
0x39f: {  	v22 =	vadd.f32 v27, v22;
	v5 =	vsel vm0, v24, v5;
	v4 =	vsel vm0, s4, v4;
	v25 =	vld [tilespmem:s5+$0x20]  }
0x3a0: {  	vm0 =	vgt.f32 v30, v6;
	v23 =	vadd.f32 v26, v23;
	v24 =	vadd.f32 v20, v28;
	v19 =	vld [tilespmem:s5+$0xFFFFFFF0];
	v0 =	vmovc v1  }
0x3a1: {  	v9 =	vsel vm0, s4, v9;
	vm2 =	vgt.f32 v21, v7;
	vm1 =	vgt.f32 v22, v8;
	v1 =	vld [tilespmem:s6+$0x20]  }
0x3a2: {  	v7 =	vsel vm2, v21, v7;
	v8 =	vsel vm1, v22, v8;
	vm3 =	vgt.f32 v23, v10;
	v26 =	vld [tilespmem:s6+$0xFFFFFFC0]  }
0x3a3: {  	v12 =	vsel vm2, s4, v12;
	v11 =	vsel vm1, s4, v11;
	vm1 =	vgt.f32 v24, v14;
	v21 =	vld [tilespmem:s6+$0xFFFFFFF0]  }
0x3a4: {  	v6 =	vsel vm0, v30, v6;
	v13 =	vsel vm1, s4, v13;
	v18 =	vadd.f32 v18, v31;
	v20 =	vld [tilespmem:s6+$0x10]  }
0x3a5: {  	v10 =	vsel vm3, v23, v10;
	v15 =	vsel vm3, s4, v15;
	v14 =	vsel vm1, v24, v14;
	s4 =	smov.u32 s7;
	v22 =	vld [tilespmem:s5+$0xFFFFFFD0]  }
.Ltmp20:
0x3a6: {  	vm0 =	vgt.f32 v18, v16;
	v23 =	vld [tilespmem:s5+$0xFFFFFFE0];
	v24 =	vadd.f32 v1, v25;
	(pc) =	sbr.rel @p0 .LBB2_42-.Ltmp20, $4  }
0x3a7: {  	v16 =	vsel vm0, v18, v16;
	v17 =	vsel vm0, s4, v17;
	v25 =	vld [tilespmem:s5+$0x0]  }
0x3a8: {  	v18 =	vadd.f32 v26, v29;
	v27 =	vld [tilespmem:s6+$0xFFFFFFD0]  }
0x3a9: {  	v26 =	vld [tilespmem:s6+$0xFFFFFFE0]  }
0x3aa: {  	s6 =	sadd.s32 $0x80, s6;
	v28 =	vld [tilespmem:s5+$0x10]  }
0x3ab: {  	_ =	swait.ge [sflag:s28], $0x1400  }
0x3ac: {  	[sflag:s28] =	ssyncset.done $0x0  }
0x3ad: {  	[sflag:s28] =	ssyncadd.s32 $0xFFFFEC00  }
0x3ae: {  	_ =	swait.ge [sflag:s29], $0x1400  }
0x3af: {  	[sflag:s29] =	ssyncset.done $0x0  }
0x3b0: {  	[sflag:s29] =	ssyncadd.s32 $0xFFFFEC00  }
0x3b1: {  	[tilespmem:s1], [sflag:$0x1] =	stream.strided.gather [hbm4b:s14+s24], $0x1400, s25, s24, $0x38;
	[tilespmem:$0x5080] =	vst v63  }
0x3b2: {  	s6 =	simm.s32 $0x3C40  }
0x3b3: {  	[tilespmem:s26], [sflag:$0x2] =	stream.strided.gather [hbm4b:s15+s24], $0x1400, s25, s24, $0x38;
	[tilespmem:$0x5080] =	vst v63  }
0x3b4: {  	s5 =	simm.s32 $0x2840;
	v1 =	vld [tilespmem:s6+$0x0]  }
0x3b5: {  	v29 =	vld [tilespmem:s5+$0xFFFFFFC0]  }
0x3b6: {  	v30 =	vld [tilespmem:s6+$0x30]  }
0x3b7: {  	v31 =	vld [tilespmem:s5+$0x30]  }
0x3b8: {  	vm0 =	vgt.f32 v18, v3;
	v32 =	vld [tilespmem:s5+$0x20]  }
0x3b9: {  	v3 =	vsel vm0, v18, v3;
	v18 =	vld [tilespmem:s5+$0xFFFFFFF0]  }
0x3ba: {  	v19 =	vadd.f32 v21, v19;
	vm1 =	vgt.f32 v24, v5;
	v22 =	vadd.f32 v27, v22;
	v27 =	vld [tilespmem:s6+$0x20]  }
0x3bb: {  	v0 =	vadd.f32 v0, v25;
	v5 =	vsel vm1, v24, v5;
	v2 =	vsel vm0, s4, v2;
	v33 =	vld [tilespmem:s6+$0xFFFFFFC0]  }
0x3bc: {  	v4 =	vsel vm1, s4, v4;
	vm13 =	vgt.f32 v19, v6;
	v24 =	vadd.f32 v26, v23;
	v21 =	vld [tilespmem:s6+$0xFFFFFFF0]  }
0x3bd: {  	v9 =	vsel vm13, s4, v9;
	v25 =	vadd.f32 v20, v28;
	vm12 =	vgt.f32 v22, v8;
	v20 =	vld [tilespmem:s6+$0x10]  }
0x3be: {  	vm2 =	vgt.f32 v0, v7;
	v6 =	vsel vm13, v19, v6;
	v8 =	vsel vm12, v22, v8;
	v22 =	vld [tilespmem:s5+$0xFFFFFFD0]  }
0x3bf: {  	v7 =	vsel vm2, v0, v7;
	v12 =	vsel vm2, s4, v12;
	vm3 =	vgt.f32 v25, v14;
	v23 =	vld [tilespmem:s5+$0xFFFFFFE0]  }
0x3c0: {  	vm14 =	vgt.f32 v24, v10;
	v14 =	vsel vm3, v25, v14;
	v25 =	vld [tilespmem:s5+$0x0];
	v19 =	vadd.f32 v30, v31  }
0x3c1: {  	v11 =	vsel vm12, s4, v11;
	v10 =	vsel vm14, v24, v10;
	v15 =	vsel vm14, s4, v15;
	v26 =	vld [tilespmem:s6+$0xFFFFFFE0]  }
0x3c2: {  	s3 =	simm.s32 $0x348;
	v13 =	vsel vm3, s4, v13;
	v28 =	vld [tilespmem:s5+$0x10];
	v24 =	vadd.f32 v27, v32;
	vm15 =	vgt.f32 v19, v16  }
0x3c3: {  	s4 =	simm.s32 $0x349;
	v27 =	vld [tilespmem:s6+$0xFFFFFFD0];
	s6 =	simm.s32 $0x3CC0;
	v16 =	vsel vm15, v19, v16;
	v17 =	vsel vm15, s3, v17;
	v19 =	vadd.f32 v33, v29  }
.LBB2_44:
0x3c4: {  	p0 =	sne.s32 s4, $0x36F  }
0x3c5: {  	v0 =	vld [tilespmem:s6+$0x0];
	vm0 =	vgt.f32 v19, v3;
	s5 =	sadd.s32 $0x80, s5;
	s7 =	smov.u32 s4;
	s4 =	sadd.s32 $0x1, s4  }
0x3c6: {  	v29 =	vld [tilespmem:s5+$0xFFFFFFC0];
	v3 =	vsel vm0, v19, v3;
	v2 =	vsel vm0, s3, v2  }
0x3c7: {  	v30 =	vadd.f32 v21, v18;
	vm0 =	vgt.f32 v24, v5;
	v19 =	vld [tilespmem:s6+$0x30]  }
0x3c8: {  	v21 =	vadd.f32 v1, v25;
	v31 =	vld [tilespmem:s5+$0x30]  }
0x3c9: {  	v22 =	vadd.f32 v27, v22;
	v5 =	vsel vm0, v24, v5;
	v4 =	vsel vm0, s3, v4;
	v25 =	vld [tilespmem:s5+$0x20]  }
0x3ca: {  	vm0 =	vgt.f32 v30, v6;
	v23 =	vadd.f32 v26, v23;
	v24 =	vadd.f32 v20, v28;
	v18 =	vld [tilespmem:s5+$0xFFFFFFF0];
	v1 =	vmovc v0  }
0x3cb: {  	v9 =	vsel vm0, s3, v9;
	vm2 =	vgt.f32 v21, v7;
	vm1 =	vgt.f32 v22, v8;
	v0 =	vld [tilespmem:s6+$0x20]  }
0x3cc: {  	v7 =	vsel vm2, v21, v7;
	v8 =	vsel vm1, v22, v8;
	vm3 =	vgt.f32 v23, v10;
	v26 =	vld [tilespmem:s6+$0xFFFFFFC0]  }
0x3cd: {  	v12 =	vsel vm2, s3, v12;
	v11 =	vsel vm1, s3, v11;
	vm1 =	vgt.f32 v24, v14;
	v21 =	vld [tilespmem:s6+$0xFFFFFFF0]  }
0x3ce: {  	v6 =	vsel vm0, v30, v6;
	v13 =	vsel vm1, s3, v13;
	v19 =	vadd.f32 v19, v31;
	v20 =	vld [tilespmem:s6+$0x10]  }
0x3cf: {  	v10 =	vsel vm3, v23, v10;
	v15 =	vsel vm3, s3, v15;
	v14 =	vsel vm1, v24, v14;
	s3 =	smov.u32 s7;
	v22 =	vld [tilespmem:s5+$0xFFFFFFD0]  }
.Ltmp21:
0x3d0: {  	vm0 =	vgt.f32 v19, v16;
	v23 =	vld [tilespmem:s5+$0xFFFFFFE0];
	v24 =	vadd.f32 v0, v25;
	(pc) =	sbr.rel @p0 .LBB2_44-.Ltmp21, $4  }
0x3d1: {  	v16 =	vsel vm0, v19, v16;
	v17 =	vsel vm0, s3, v17;
	v25 =	vld [tilespmem:s5+$0x0]  }
0x3d2: {  	v19 =	vadd.f32 v26, v29;
	v27 =	vld [tilespmem:s6+$0xFFFFFFD0]  }
0x3d3: {  	v26 =	vld [tilespmem:s6+$0xFFFFFFE0]  }
0x3d4: {  	s6 =	sadd.s32 $0x80, s6;
	v28 =	vld [tilespmem:s5+$0x10]  }
0x3d5: {  	_ =	swait.ge [sflag:s28], $0x1400  }
0x3d6: {  	[sflag:s28] =	ssyncset.done $0x0  }
0x3d7: {  	[sflag:s28] =	ssyncadd.s32 $0xFFFFEC00  }
0x3d8: {  	_ =	swait.ge [sflag:s29], $0x1400  }
0x3d9: {  	[sflag:s29] =	ssyncset.done $0x0  }
0x3da: {  	[sflag:s29] =	ssyncadd.s32 $0xFFFFEC00  }
0x3db: {  	[tilespmem:s30], [sflag:$0x1] =	stream.strided.gather [hbm4b:s18+s24], $0x1400, s25, s24, $0x38;
	[tilespmem:$0x5080] =	vst v63  }
0x3dc: {  	s6 =	simm.s32 $0x1440  }
0x3dd: {  	[tilespmem:s31], [sflag:$0x2] =	stream.strided.gather [hbm4b:s19+s24], $0x1400, s25, s24, $0x38;
	[tilespmem:$0x5080] =	vst v63  }
0x3de: {  	s5 =	simm.s32 $0x40;
	v0 =	vld [tilespmem:s6+$0x0]  }
0x3df: {  	v29 =	vld [tilespmem:s5+$0xFFFFFFC0]  }
0x3e0: {  	v30 =	vld [tilespmem:s6+$0x30]  }
0x3e1: {  	v31 =	vld [tilespmem:s5+$0x30]  }
0x3e2: {  	vm0 =	vgt.f32 v19, v3;
	v32 =	vld [tilespmem:s5+$0x20]  }
0x3e3: {  	v3 =	vsel vm0, v19, v3;
	v19 =	vld [tilespmem:s5+$0xFFFFFFF0]  }
0x3e4: {  	v18 =	vadd.f32 v21, v18;
	vm1 =	vgt.f32 v24, v5;
	v22 =	vadd.f32 v27, v22;
	v27 =	vld [tilespmem:s6+$0x20]  }
0x3e5: {  	v25 =	vadd.f32 v1, v25;
	v5 =	vsel vm1, v24, v5;
	v1 =	vsel vm0, s3, v2;
	v33 =	vld [tilespmem:s6+$0xFFFFFFC0]  }
0x3e6: {  	v2 =	vsel vm1, s3, v4;
	vm13 =	vgt.f32 v18, v6;
	v24 =	vadd.f32 v26, v23;
	v21 =	vld [tilespmem:s6+$0xFFFFFFF0]  }
0x3e7: {  	v9 =	vsel vm13, s3, v9;
	v26 =	vadd.f32 v20, v28;
	vm12 =	vgt.f32 v22, v8;
	v20 =	vld [tilespmem:s6+$0x10]  }
0x3e8: {  	vm2 =	vgt.f32 v25, v7;
	v4 =	vsel vm13, v18, v6;
	v8 =	vsel vm12, v22, v8;
	v22 =	vld [tilespmem:s5+$0xFFFFFFD0]  }
0x3e9: {  	v6 =	vsel vm2, v25, v7;
	vm14 =	vgt.f32 v24, v10;
	vm3 =	vgt.f32 v26, v14;
	v23 =	vld [tilespmem:s5+$0xFFFFFFE0]  }
0x3ea: {  	v7 =	vsel vm14, v24, v10;
	v10 =	vsel vm12, s3, v11;
	v25 =	vld [tilespmem:s5+$0x0];
	v18 =	vadd.f32 v30, v31  }
0x3eb: {  	v11 =	vsel vm2, s3, v12;
	v14 =	vsel vm3, v26, v14;
	v12 =	vsel vm3, s3, v13;
	v26 =	vld [tilespmem:s6+$0xFFFFFFE0]  }
0x3ec: {  	s4 =	simm.s32 $0x370;
	v13 =	vsel vm14, s3, v15;
	v28 =	vld [tilespmem:s5+$0x10];
	v24 =	vadd.f32 v27, v32;
	vm15 =	vgt.f32 v18, v16  }
0x3ed: {  	s3 =	simm.s32 $0x371;
	v27 =	vld [tilespmem:s6+$0xFFFFFFD0];
	s6 =	simm.s32 $0x14C0;
	v16 =	vsel vm15, v18, v16;
	v15 =	vsel vm15, s4, v17;
	v18 =	vadd.f32 v33, v29  }
.LBB2_46:
0x3ee: {  	p0 =	sne.s32 s3, $0x397  }
0x3ef: {  	v17 =	vld [tilespmem:s6+$0x0];
	vm0 =	vgt.f32 v18, v3;
	s5 =	sadd.s32 $0x80, s5;
	s7 =	smov.u32 s3;
	s3 =	sadd.s32 $0x1, s3  }
0x3f0: {  	v29 =	vld [tilespmem:s5+$0xFFFFFFC0];
	v3 =	vsel vm0, v18, v3;
	v1 =	vsel vm0, s4, v1  }
0x3f1: {  	v30 =	vadd.f32 v21, v19;
	vm0 =	vgt.f32 v24, v5;
	v18 =	vld [tilespmem:s6+$0x30]  }
0x3f2: {  	v21 =	vadd.f32 v0, v25;
	v31 =	vld [tilespmem:s5+$0x30]  }
0x3f3: {  	v22 =	vadd.f32 v27, v22;
	v5 =	vsel vm0, v24, v5;
	v2 =	vsel vm0, s4, v2;
	v25 =	vld [tilespmem:s5+$0x20]  }
0x3f4: {  	vm0 =	vgt.f32 v30, v4;
	v23 =	vadd.f32 v26, v23;
	v24 =	vadd.f32 v20, v28;
	v19 =	vld [tilespmem:s5+$0xFFFFFFF0];
	v0 =	vmovc v17  }
0x3f5: {  	v9 =	vsel vm0, s4, v9;
	vm2 =	vgt.f32 v21, v6;
	vm1 =	vgt.f32 v22, v8;
	v17 =	vld [tilespmem:s6+$0x20]  }
0x3f6: {  	v6 =	vsel vm2, v21, v6;
	v8 =	vsel vm1, v22, v8;
	vm3 =	vgt.f32 v23, v7;
	v26 =	vld [tilespmem:s6+$0xFFFFFFC0]  }
0x3f7: {  	v11 =	vsel vm2, s4, v11;
	v10 =	vsel vm1, s4, v10;
	vm1 =	vgt.f32 v24, v14;
	v21 =	vld [tilespmem:s6+$0xFFFFFFF0]  }
0x3f8: {  	v4 =	vsel vm0, v30, v4;
	v12 =	vsel vm1, s4, v12;
	v18 =	vadd.f32 v18, v31;
	v20 =	vld [tilespmem:s6+$0x10]  }
0x3f9: {  	v7 =	vsel vm3, v23, v7;
	v13 =	vsel vm3, s4, v13;
	v14 =	vsel vm1, v24, v14;
	s4 =	smov.u32 s7;
	v22 =	vld [tilespmem:s5+$0xFFFFFFD0]  }
.Ltmp22:
0x3fa: {  	vm0 =	vgt.f32 v18, v16;
	v23 =	vld [tilespmem:s5+$0xFFFFFFE0];
	v24 =	vadd.f32 v17, v25;
	(pc) =	sbr.rel @p0 .LBB2_46-.Ltmp22, $4  }
0x3fb: {  	v16 =	vsel vm0, v18, v16;
	v15 =	vsel vm0, s4, v15;
	v25 =	vld [tilespmem:s5+$0x0]  }
0x3fc: {  	v18 =	vadd.f32 v26, v29;
	v27 =	vld [tilespmem:s6+$0xFFFFFFD0]  }
0x3fd: {  	v26 =	vld [tilespmem:s6+$0xFFFFFFE0]  }
0x3fe: {  	s6 =	sadd.s32 $0x80, s6;
	v28 =	vld [tilespmem:s5+$0x10]  }
0x3ff: {  	_ =	swait.ge [sflag:s28], $0x1400  }
0x400: {  	[sflag:s28] =	ssyncset.done $0x0  }
0x401: {  	[sflag:s28] =	ssyncadd.s32 $0xFFFFEC00  }
0x402: {  	_ =	swait.ge [sflag:s29], $0x1400  }
0x403: {  	[sflag:s29] =	ssyncset.done $0x0  }
0x404: {  	[sflag:s29] =	ssyncadd.s32 $0xFFFFEC00  }
0x405: {  	[tilespmem:s1], [sflag:$0x1] =	stream.strided.gather [hbm4b:s20+s24], $0x1400, s25, s24, $0x38;
	[tilespmem:$0x5080] =	vst v63  }
0x406: {  	s6 =	simm.s32 $0x3C40  }
0x407: {  	[tilespmem:s26], [sflag:$0x2] =	stream.strided.gather [hbm4b:s21+s24], $0x1400, s25, s24, $0x38;
	[tilespmem:$0x5080] =	vst v63  }
0x408: {  	s5 =	simm.s32 $0x2840;
	v17 =	vld [tilespmem:s6+$0x0]  }
0x409: {  	v29 =	vld [tilespmem:s5+$0xFFFFFFC0]  }
0x40a: {  	v30 =	vld [tilespmem:s6+$0x30]  }
0x40b: {  	v31 =	vld [tilespmem:s5+$0x30]  }
0x40c: {  	vm0 =	vgt.f32 v18, v3;
	v32 =	vld [tilespmem:s5+$0x20]  }
0x40d: {  	v3 =	vsel vm0, v18, v3;
	v18 =	vld [tilespmem:s5+$0xFFFFFFF0]  }
0x40e: {  	v19 =	vadd.f32 v21, v19;
	vm1 =	vgt.f32 v24, v5;
	v21 =	vadd.f32 v27, v22;
	v27 =	vld [tilespmem:s6+$0x20]  }
0x40f: {  	v25 =	vadd.f32 v0, v25;
	v5 =	vsel vm1, v24, v5;
	v0 =	vsel vm0, s4, v1;
	v33 =	vld [tilespmem:s6+$0xFFFFFFC0]  }
0x410: {  	v1 =	vsel vm1, s4, v2;
	vm13 =	vgt.f32 v19, v4;
	vm12 =	vgt.f32 v21, v8;
	v22 =	vld [tilespmem:s6+$0xFFFFFFF0]  }
0x411: {  	v26 =	vadd.f32 v26, v23;
	v20 =	vadd.f32 v20, v28;
	v8 =	vsel vm12, v21, v8;
	v21 =	vld [tilespmem:s6+$0x10]  }
0x412: {  	v9 =	vsel vm13, s4, v9;
	vm2 =	vgt.f32 v25, v6;
	v2 =	vsel vm13, v19, v4;
	v23 =	vld [tilespmem:s5+$0xFFFFFFD0]  }
0x413: {  	v4 =	vsel vm2, v25, v6;
	vm14 =	vgt.f32 v26, v7;
	vm3 =	vgt.f32 v20, v14;
	v24 =	vld [tilespmem:s5+$0xFFFFFFE0]  }
0x414: {  	v6 =	vsel vm14, v26, v7;
	v7 =	vsel vm12, s4, v10;
	v26 =	vld [tilespmem:s5+$0x0];
	v19 =	vadd.f32 v30, v31  }
0x415: {  	v10 =	vsel vm2, s4, v11;
	v14 =	vsel vm3, v20, v14;
	v11 =	vsel vm3, s4, v12;
	v28 =	vld [tilespmem:s6+$0xFFFFFFD0]  }
0x416: {  	s3 =	simm.s32 $0x398;
	v12 =	vsel vm14, s4, v13;
	v25 =	vadd.f32 v27, v32;
	v27 =	vld [tilespmem:s6+$0xFFFFFFE0];
	vm15 =	vgt.f32 v19, v16  }
0x417: {  	s4 =	simm.s32 $0x399;
	s6 =	simm.s32 $0x3CC0;
	v16 =	vsel vm15, v19, v16;
	v13 =	vsel vm15, s3, v15;
	v19 =	vadd.f32 v33, v29;
	v29 =	vld [tilespmem:s5+$0x10]  }
.LBB2_48:
0x418: {  	p0 =	sne.s32 s4, $0x3BF  }
0x419: {  	v15 =	vld [tilespmem:s6+$0x0];
	vm0 =	vgt.f32 v19, v3;
	s5 =	sadd.s32 $0x80, s5;
	s7 =	smov.u32 s4;
	s4 =	sadd.s32 $0x1, s4  }
0x41a: {  	v20 =	vld [tilespmem:s5+$0xFFFFFFC0];
	v3 =	vsel vm0, v19, v3;
	v0 =	vsel vm0, s3, v0  }
0x41b: {  	v30 =	vadd.f32 v22, v18;
	vm0 =	vgt.f32 v25, v5;
	v19 =	vld [tilespmem:s6+$0x30]  }
0x41c: {  	v22 =	vadd.f32 v17, v26;
	v31 =	vld [tilespmem:s5+$0x30]  }
0x41d: {  	v23 =	vadd.f32 v28, v23;
	v5 =	vsel vm0, v25, v5;
	v1 =	vsel vm0, s3, v1;
	v26 =	vld [tilespmem:s5+$0x20]  }
0x41e: {  	vm0 =	vgt.f32 v30, v2;
	v24 =	vadd.f32 v27, v24;
	v25 =	vadd.f32 v21, v29;
	v18 =	vld [tilespmem:s5+$0xFFFFFFF0];
	v17 =	vmovc v15  }
0x41f: {  	v9 =	vsel vm0, s3, v9;
	vm2 =	vgt.f32 v22, v4;
	vm1 =	vgt.f32 v23, v8;
	v15 =	vld [tilespmem:s6+$0x20]  }
0x420: {  	v4 =	vsel vm2, v22, v4;
	v8 =	vsel vm1, v23, v8;
	vm3 =	vgt.f32 v24, v6;
	v27 =	vld [tilespmem:s6+$0xFFFFFFC0]  }
0x421: {  	v10 =	vsel vm2, s3, v10;
	v7 =	vsel vm1, s3, v7;
	vm1 =	vgt.f32 v25, v14;
	v22 =	vld [tilespmem:s6+$0xFFFFFFF0]  }
0x422: {  	v2 =	vsel vm0, v30, v2;
	v11 =	vsel vm1, s3, v11;
	v19 =	vadd.f32 v19, v31;
	v21 =	vld [tilespmem:s6+$0x10]  }
0x423: {  	v6 =	vsel vm3, v24, v6;
	v12 =	vsel vm3, s3, v12;
	v14 =	vsel vm1, v25, v14;
	s3 =	smov.u32 s7;
	v23 =	vld [tilespmem:s5+$0xFFFFFFD0]  }
.Ltmp23:
0x424: {  	vm0 =	vgt.f32 v19, v16;
	v24 =	vld [tilespmem:s5+$0xFFFFFFE0];
	v25 =	vadd.f32 v15, v26;
	(pc) =	sbr.rel @p0 .LBB2_48-.Ltmp23, $4  }
0x425: {  	v16 =	vsel vm0, v19, v16;
	v13 =	vsel vm0, s3, v13;
	v26 =	vld [tilespmem:s5+$0x0]  }
0x426: {  	v19 =	vadd.f32 v27, v20;
	v28 =	vld [tilespmem:s6+$0xFFFFFFD0]  }
0x427: {  	v27 =	vld [tilespmem:s6+$0xFFFFFFE0]  }
0x428: {  	s6 =	sadd.s32 $0x80, s6;
	v29 =	vld [tilespmem:s5+$0x10]  }
0x429: {  	_ =	swait.ge [sflag:s28], $0x1400  }
0x42a: {  	[sflag:s28] =	ssyncset.done $0x0  }
0x42b: {  	[sflag:s28] =	ssyncadd.s32 $0xFFFFEC00  }
0x42c: {  	_ =	swait.ge [sflag:s29], $0x1400  }
0x42d: {  	[sflag:s29] =	ssyncset.done $0x0  }
0x42e: {  	s6 =	simm.s32 $0x1440;
	[sflag:s29] =	ssyncadd.s32 $0xFFFFEC00  }
0x42f: {  	s4 =	simm.s32 $0x40;
	v15 =	vld [tilespmem:s6+$0x0]  }
0x430: {  	v30 =	vld [tilespmem:s4+$0xFFFFFFC0]  }
0x431: {  	v31 =	vld [tilespmem:s6+$0x30]  }
0x432: {  	v32 =	vld [tilespmem:s4+$0x30]  }
0x433: {  	v33 =	vld [tilespmem:s4+$0x20]  }
0x434: {  	vm0 =	vgt.f32 v19, v3;
	v22 =	vadd.f32 v22, v18;
	v20 =	vld [tilespmem:s4+$0xFFFFFFF0]  }
0x435: {  	vm1 =	vgt.f32 v25, v5;
	v19 =	vsel vm0, v19, v3;
	v18 =	vadd.f32 v28, v23;
	v28 =	vld [tilespmem:s6+$0x20]  }
0x436: {  	v17 =	vadd.f32 v17, v26;
	v3 =	vsel vm1, v25, v5;
	v5 =	vsel vm0, s3, v0;
	v34 =	vld [tilespmem:s6+$0xFFFFFFC0]  }
0x437: {  	v0 =	vsel vm1, s3, v1;
	v26 =	vadd.f32 v21, v29;
	vm12 =	vgt.f32 v18, v8;
	v21 =	vld [tilespmem:s6+$0xFFFFFFF0]  }
0x438: {  	vm13 =	vgt.f32 v22, v2;
	v25 =	vadd.f32 v27, v24;
	v8 =	vsel vm12, v18, v8;
	v18 =	vld [tilespmem:s6+$0x10]  }
0x439: {  	v1 =	vsel vm13, s3, v9;
	vm2 =	vgt.f32 v17, v4;
	v2 =	vsel vm13, v22, v2;
	v23 =	vld [tilespmem:s4+$0xFFFFFFD0]  }
0x43a: {  	v9 =	vsel vm2, v17, v4;
	v10 =	vsel vm2, s3, v10;
	vm14 =	vgt.f32 v25, v6;
	v24 =	vld [tilespmem:s4+$0xFFFFFFE0]  }
0x43b: {  	vm3 =	vgt.f32 v26, v14;
	v17 =	vsel vm14, v25, v6;
	v25 =	vld [tilespmem:s4+$0x0];
	v27 =	vadd.f32 v31, v32  }
0x43c: {  	v4 =	vsel vm3, v26, v14;
	v14 =	vsel vm12, s3, v7;
	v26 =	vld [tilespmem:s6+$0xFFFFFFD0];
	v6 =	vsel vm3, s3, v11  }
0x43d: {  	s5 =	simm.s32 $0x3C0;
	v11 =	vsel vm14, s3, v12;
	v12 =	vld [tilespmem:s4+$0x10];
	v22 =	vadd.f32 v28, v33;
	vm15 =	vgt.f32 v27, v16  }
0x43e: {  	s3 =	simm.s32 $0x3C1;
	v16 =	vsel vm15, v27, v16;
	v27 =	vld [tilespmem:s6+$0xFFFFFFE0];
	v7 =	vsel vm15, s5, v13;
	v13 =	vadd.f32 v34, v30;
	s6 =	simm.s32 $0x14C0  }
.LBB2_50:
0x43f: {  	p0 =	sne.s32 s3, $0x3E7  }
0x440: {  	v28 =	vld [tilespmem:s6+$0x0];
	vm0 =	vgt.f32 v13, v19;
	s4 =	sadd.s32 $0x80, s4;
	s7 =	smov.u32 s3;
	s3 =	sadd.s32 $0x1, s3  }
0x441: {  	v29 =	vld [tilespmem:s4+$0xFFFFFFC0];
	v19 =	vsel vm0, v13, v19;
	v5 =	vsel vm0, s5, v5  }
0x442: {  	v30 =	vadd.f32 v21, v20;
	vm0 =	vgt.f32 v22, v3;
	v13 =	vld [tilespmem:s6+$0x30]  }
0x443: {  	v21 =	vadd.f32 v15, v25;
	v31 =	vld [tilespmem:s4+$0x30]  }
0x444: {  	v23 =	vadd.f32 v26, v23;
	v3 =	vsel vm0, v22, v3;
	v0 =	vsel vm0, s5, v0;
	v25 =	vld [tilespmem:s4+$0x20]  }
0x445: {  	vm0 =	vgt.f32 v30, v2;
	v22 =	vadd.f32 v27, v24;
	v12 =	vadd.f32 v18, v12;
	v20 =	vld [tilespmem:s4+$0xFFFFFFF0];
	v15 =	vmovc v28  }
0x446: {  	v1 =	vsel vm0, s5, v1;
	vm2 =	vgt.f32 v21, v9;
	vm1 =	vgt.f32 v23, v8;
	v26 =	vld [tilespmem:s6+$0x20]  }
0x447: {  	v9 =	vsel vm2, v21, v9;
	v8 =	vsel vm1, v23, v8;
	vm3 =	vgt.f32 v22, v17;
	v27 =	vld [tilespmem:s6+$0xFFFFFFC0]  }
0x448: {  	v10 =	vsel vm2, s5, v10;
	v14 =	vsel vm1, s5, v14;
	vm1 =	vgt.f32 v12, v4;
	v21 =	vld [tilespmem:s6+$0xFFFFFFF0]  }
0x449: {  	v2 =	vsel vm0, v30, v2;
	v6 =	vsel vm1, s5, v6;
	v13 =	vadd.f32 v13, v31;
	v18 =	vld [tilespmem:s6+$0x10]  }
0x44a: {  	v17 =	vsel vm3, v22, v17;
	v11 =	vsel vm3, s5, v11;
	v4 =	vsel vm1, v12, v4;
	s5 =	smov.u32 s7;
	v23 =	vld [tilespmem:s4+$0xFFFFFFD0]  }
.Ltmp24:
0x44b: {  	vm0 =	vgt.f32 v13, v16;
	v24 =	vld [tilespmem:s4+$0xFFFFFFE0];
	v22 =	vadd.f32 v26, v25;
	(pc) =	sbr.rel @p0 .LBB2_50-.Ltmp24, $4  }
0x44c: {  	v16 =	vsel vm0, v13, v16;
	v7 =	vsel vm0, s5, v7;
	v25 =	vld [tilespmem:s4+$0x0]  }
0x44d: {  	v13 =	vadd.f32 v27, v29;
	v26 =	vld [tilespmem:s6+$0xFFFFFFD0]  }
0x44e: {  	v27 =	vld [tilespmem:s6+$0xFFFFFFE0]  }
0x44f: {  	s6 =	sadd.s32 $0x80, s6;
	v12 =	vld [tilespmem:s4+$0x10]  }
0x450: {  	vm0 =	vgt.f32 v13, v19;
	v57 =	vadd.f32 v21, v20  }
0x451: {  	vm15 =	vgt.f32 v22, v3;
	[tilespmem:$0x5070] =	vst v7;
	v5 =	vsel vm0, s5, v5;
	v58 =	vadd.f32 v15, v25  }
0x452: {  	v0 =	vsel vm15, s5, v0;
	v16 =	vadd.f32 v26, v23;
	[tilespmem:$0x5000] =	vst v5;
	vm12 =	vgt.f32 v57, v2  }
0x453: {  	[tilespmem:$0x5060] =	vst v0;
	v56 =	vadd.f32 v27, v24;
	v1 =	vsel vm12, s5, v1;
	vm13 =	vgt.f32 v58, v9  }
0x454: {  	vm11 =	vgt.f32 v16, v8;
	v60 =	vadd.f32 v18, v12;
	v62 =	vsel vm13, s5, v10;
	[tilespmem:$0x5030] =	vst v1  }
0x455: {  	vm1 =	vgt.f32 v56, v17;
	v59 =	vsel vm11, s5, v14;
	[tilespmem:$0x5040] =	vst v62  }
0x456: {  	s2 =	sadd.s32 $0x1, s2;
	v61 =	vsel vm1, s5, v11;
	[tilespmem:$0x5010] =	vst v59;
	vm14 =	vgt.f32 v60, v4  }
0x457: {  	p0 =	sne.s32 s2, s23;
	[tilespmem:$0x5020] =	vst v61;
	v63 =	vsel vm14, s5, v6  }
.Ltmp25:
0x458: {  	s3 =	simm.s32 $0x5000;
	[tilespmem:$0x5050] =	vst v63;
	(pc) =	sbr.rel @p0 .LBB2_1-.Ltmp25, $4  }
0x459: {  	[hbm4b:s22+s1] =	stream.linear.scatter [tilespmem:s3], [sflag:$0x3], $0x80, $0x38;
	[tilespmem:$0x5080] =	vst v63  }
0x45a: {  	_ =	swait.ge [sflag:s0], $0x80  }
0x45b: {  	[sflag:s0] =	ssyncset.done $0x0  }
0x45c: {  	[sflag:s0] =	ssyncadd.s32 $0xFFFFFF80  }
0x45d: {  	_ =	sfence.sel $0x180000  }
0x45e: {  	[bflag:$0x0] =	sbarrier.arrive $0xFFFF  }
0x45f: {  	_ =	strace $0x90000047  }
0x460: {  	s0 =	stileid.u32;
	[bflag:$0x2] =	sbarrier.arrive $0xFFFF  }
0x461: {  	p0 =	sne.s32 s0, $0x0;
	s0 =	rddreg [dreg:$0x3]  }
0x462: {  	s0 =	sadd.s32 @!p0 $0x100000, s0  }
0x463: {  	[sflag:s0] =	ssyncadd.tile.s32 @!p0 $0x1;
	_ =	shalt  }
.Lfunc_end2:
_tile_overlayer_lowered:
.L_overlay_start_2:
0x464: {  	(tag) =	ssettag $0x2  }
0x465: {  	s0 =	rddreg [dreg:$0x0];
	s2 =	stileid.u32  }
0x466: {  	s1 =	rddreg [dreg:$0x1];
	p0 =	sne.s32 s2, $0x0  }
0x467: {  	s3 =	rddreg [dreg:$0x2];
	[bflag:$0x3] =	sbarrier.arrive $0xFFFF;
	s2 =	simm.s32 @!p0 $0x1C03  }
0x468: {  	[timem:s3], [sflag:s2] =	dma.local @!p0 [hbm:s0], s1  }
0x469: {  	s0 =	simm.s32 @!p0 $0x3  }
0x46a: {  	_ =	swait.ge @!p0 [sflag:s0], s1  }
0x46b: {  	s1 =	ssub.s32 @!p0 $0x0, s1;
	[sflag:s0] =	ssyncset.done @!p0 $0x0  }
0x46c: {  	[sflag:s0] =	ssyncadd.s32 @!p0 s1  }
0x46d: {  	[bflag:$0x3] =	sbarrier.arrive $0xFFFF  }
0x46e: {  	_ =	shalt  }

</sc_bundles>
